<compile_context>
chip_gen: v7x
topology: tpu7x:2x2x1
jax: 0.10.2.dev20260603
libtpu: 0.0.44.dev20260713+nightly
codegen_flags: <defaults>
</compile_context>

<pallas_src>
import jax
import jax.numpy as jnp
from jax.experimental import pallas as pl
from jax.experimental.pallas import tpu as pltpu
from jax.experimental.pallas import tpu_sc as plsc
from jax.scipy.linalg import block_diag

N = 2048
D = 1024
H = 8
HD = D // H
E = 8
I = 2 * HD
TB = 1024
SCL = 16


def _head_router_block(x_ref, w_hpt_ref, b_hp_ref, embbd_ref, h_ref, lt_ref):
    x = x_ref[...].astype(jnp.bfloat16)
    h = jnp.dot(x, w_hpt_ref[...], preferred_element_type=jnp.float32)
    h = h + b_hp_ref[...]
    hb = h.astype(jnp.bfloat16)
    h_ref[...] = hb
    logits = jnp.dot(hb, embbd_ref[...],
                     preferred_element_type=jnp.float32)
    lt_ref[...] = logits.T


def _router_sc(logitsT):
    mesh = plsc.VectorSubcoreMesh(core_axis_name="core",
                                  subcore_axis_name="subcore")
    n_tok = logitsT.shape[1]

    @pl.kernel(out_type=jax.ShapeDtypeStruct((H * E, n_tok), jnp.float32),
               mesh=mesh,
               compiler_params=pltpu.CompilerParams(
                   use_tc_tiling_on_sc=False))
    def run(l_hbm, o_hbm):
        def body(l_vmem, o_vmem):
            for hh in range(H):
                vs = [l_vmem[hh * E + e] for e in range(E)]
                m = vs[0]
                for e in range(1, E):
                    m = jnp.maximum(m, vs[e])
                exs = [jnp.exp(v - m) for v in vs]
                z = exs[0]
                for e in range(1, E):
                    z = z + exs[e]
                inv = 1.0 / z
                b1 = exs[0]
                i1 = jnp.zeros((SCL,), jnp.int32)
                for e in range(1, E):
                    c = exs[e] > b1
                    b1 = jnp.where(c, exs[e], b1)
                    i1 = jnp.where(c, e, i1)
                b2 = jnp.full((SCL,), -1.0, jnp.float32)
                i2 = jnp.zeros((SCL,), jnp.int32)
                for e in range(E):
                    cand = jnp.where(i1 == e, -1.0, exs[e])
                    c = cand > b2
                    b2 = jnp.where(c, cand, b2)
                    i2 = jnp.where(c, e, i2)
                w1 = b1 * inv
                w2 = b2 * inv
                for e in range(E):
                    w_e = (jnp.where(i1 == e, w1, 0.0)
                           + jnp.where(i2 == e, w2, 0.0))
                    o_vmem[hh * E + e] = w_e

        pltpu.emit_pipeline(
            body,
            grid=(n_tok // SCL,),
            in_specs=[pl.BlockSpec((H * E, SCL), lambda i: (0, i))],
            out_specs=[pl.BlockSpec((H * E, SCL), lambda i: (0, i))],
            core_axis_name=("core", "subcore"),
            dimension_semantics=(pltpu.PARALLEL,),
        )(l_hbm, o_hbm)

    return run(logitsT)


def _expert_block(h_ref, wt_ref, w_up_ref, w_down_ref, w_opt_ref, b_op_ref,
                  y_ref):
    hb = h_ref[...]
    w = wt_ref[...].T.astype(jnp.bfloat16)
    dns = []
    for hh in range(H):
        hsb = hb[:, hh * HD:(hh + 1) * HD]
        up = jnp.dot(hsb, w_up_ref[...],
                     preferred_element_type=jnp.float32
                     ).astype(jnp.bfloat16)
        parts = []
        for e in range(E):
            ue = up[:, e * I:(e + 1) * I]
            ae = (jnp.square(jnp.maximum(ue, 0.0))
                  * w[:, hh * E + e:hh * E + e + 1])
            parts.append(ae)
        a = jnp.concatenate(parts, axis=1)
        dn = jnp.dot(a, w_down_ref[...],
                     preferred_element_type=jnp.float32)
        dns.append(dn.astype(jnp.bfloat16))
    dn_all = jnp.concatenate(dns, axis=1)
    y = jnp.dot(dn_all, w_opt_ref[...], preferred_element_type=jnp.float32)
    y_ref[...] = y + b_op_ref[...]


NH = N


def _full(xh, W_hpT, b_hp2, embbd, W_up_r, W_down_r, W_opT, b_op2):
    h_bf, logitsT = pl.pallas_call(
        _head_router_block,
        grid=(NH // TB,),
        in_specs=[
            pl.BlockSpec((TB, D), lambda i: (i, 0)),
            pl.BlockSpec((D, D), lambda i: (0, 0)),
            pl.BlockSpec((1, D), lambda i: (0, 0)),
            pl.BlockSpec((D, H * E), lambda i: (0, 0)),
        ],
        out_specs=[
            pl.BlockSpec((TB, D), lambda i: (i, 0)),
            pl.BlockSpec((H * E, TB), lambda i: (0, i)),
        ],
        out_shape=[
            jax.ShapeDtypeStruct((NH, D), jnp.bfloat16),
            jax.ShapeDtypeStruct((H * E, NH), jnp.float32),
        ],
        compiler_params=pltpu.CompilerParams(
            dimension_semantics=("parallel",)),
    )(xh, W_hpT, b_hp2, embbd)

    w64 = _router_sc(logitsT)

    return pl.pallas_call(
        _expert_block,
        grid=(NH // TB,),
        in_specs=[
            pl.BlockSpec((TB, D), lambda i: (i, 0)),
            pl.BlockSpec((H * E, TB), lambda i: (0, i)),
            pl.BlockSpec((HD, E * I), lambda i: (0, 0)),
            pl.BlockSpec((E * I, HD), lambda i: (0, 0)),
            pl.BlockSpec((D, D), lambda i: (0, 0)),
            pl.BlockSpec((1, D), lambda i: (0, 0)),
        ],
        out_specs=pl.BlockSpec((TB, D), lambda i: (i, 0)),
        out_shape=jax.ShapeDtypeStruct((NH, D), jnp.float32),
        compiler_params=pltpu.CompilerParams(
            dimension_semantics=("parallel",)),
    )(h_bf, w64, W_up_r, W_down_r, W_opT, b_op2)


@jax.jit
def kernel(x, W_hp, b_hp, expert_emb, W_up, W_down, W_op, b_op):
    W_hpT = W_hp.T.astype(jnp.bfloat16)
    embbd = block_diag(*([expert_emb.T] * H)
                       ).astype(jnp.bfloat16)
    W_up_r = W_up.transpose(1, 0, 2).reshape(HD, E * I).astype(jnp.bfloat16)
    W_down_r = W_down.reshape(E * I, HD).astype(jnp.bfloat16)
    W_opT = W_op.T.astype(jnp.bfloat16)
    b_hp2 = b_hp.reshape(1, D)
    b_op2 = b_op.reshape(1, D)

    ws = (W_hpT, b_hp2, embbd, W_up_r, W_down_r, W_opT, b_op2)
    return _full(x, *ws)

# --- scband reference (transcript-rebuilt; emitter-appended) ---
"""Pipeline reference for scband-mhmo-e-37177236914789 (READ-ONLY COPY).

The authoritative reference and input builder live on the scoring server;
editing this copy changes nothing except your own understanding.
"""

import jax, jax.numpy as jnp
import numpy as np

N = 2048      # tokens (bs*seq flattened)
D = 1024      # hidden_size
H = 8         # moe_num_heads
HD = D // H   # head_dim = 128
E = 8         # num_experts
K = 2         # topk
I = 2 * HD    # intermediate_dim via correction_fn(expansion_ratio=2, head_dim) = 256


def setup_inputs(seed: int = 0) -> dict:
    key = jax.random.key(seed)
    ks = jax.random.split(key, 8)
    x = jax.random.normal(ks[0], (N, D), dtype=jnp.float32)
    W_hp = jax.random.normal(ks[1], (D, D), dtype=jnp.float32) * (1.0 / D ** 0.5)
    b_hp = jnp.zeros((D,), dtype=jnp.float32)
    expert_emb = jax.random.normal(ks[2], (E, HD), dtype=jnp.float32) * (1.0 / HD ** 0.5)
    W_up = jax.random.normal(ks[3], (E, HD, I), dtype=jnp.float32) * (1.0 / HD ** 0.5)
    W_down = jax.random.normal(ks[4], (E, I, HD), dtype=jnp.float32) * (1.0 / HD ** 0.5)
    W_op = jax.random.normal(ks[5], (D, D), dtype=jnp.float32) * (1.0 / D ** 0.5)
    b_op = jnp.zeros((D,), dtype=jnp.float32)
    return {"x": x, "W_hp": W_hp, "b_hp": b_hp, "expert_emb": expert_emb,
            "W_up": W_up, "W_down": W_down, "W_op": W_op, "b_op": b_op}


def reference(x, W_hp, b_hp, expert_emb, W_up, W_down, W_op, b_op):
    bs = x.shape[0]
    # head_projection
    h = x @ W_hp.T + b_hp
    h = h.reshape(bs, H, HD)
    # VectorizedRouter: einsum('bsh,eh->bse') + softmax over experts
    logits = jnp.einsum('bsh,eh->bse', h, expert_emb)
    routing_weights = jax.nn.softmax(logits, axis=-1)  # [bs, H, E]
    # expert up projection: matmul([bs,1,H,HD], [E,HD,I]) -> [bs,E,H,I]
    up = jnp.einsum('bhd,edi->behi', h, W_up)
    act = jnp.square(jax.nn.relu(up))
    # expert down projection -> [bs, E, H, HD]
    down = jnp.einsum('behi,eid->behd', act, W_down)
    # top-k over experts, scatter back into dense sparse-weight tensor
    topk_vals, topk_idx = jax.lax.top_k(routing_weights, K)
    weights = jnp.sum(jax.nn.one_hot(topk_idx, E, dtype=routing_weights.dtype) * topk_vals[..., None], axis=-2)  # [bs, H, E]
    # permute expert output to [bs, H, E, HD] and combine
    xperm = jnp.transpose(down, (0, 2, 1, 3))
    weighted = jnp.sum(weights[..., None] * xperm, axis=2)  # [bs, H, HD]
    y = weighted.reshape(bs, D)
    y = y @ W_op.T + b_op
    return y

if __name__ == "__main__":
    import jax
    _d = setup_inputs()
    print(jax.jit(kernel)(*tuple(_d.values())))

</pallas_src>

<mosaic_0001>
#map = affine_map<(d0, d1) -> (0, 0)>
module attributes {stable_mosaic.version = 14 : i64} {
  func.func @run(%arg0: i32, %arg1: i32, %arg2: memref<64x2048xf32, #tpu.memory_space<hbm>>, %arg3: memref<64x2048xf32, #tpu.memory_space<hbm>>) attributes {dimension_semantics = [#tpu.dimension_semantics<core_parallel>, #tpu.dimension_semantics<subcore_parallel>], iteration_bounds = array<i64: 2, 16>, scalar_prefetch = 0 : i64, scratch_operands = 0 : i64, tpu.core_type = #tpu.core_type<sc_vector_subcore>, window_params = [{transform_indices = #map}, {transform_indices = #map}]} {
    %mul3A = arith.constant 1 : i32
    %mul3A_0 = arith.muli %arg1, %mul3A : i32
    %add3A = arith.constant 0 : i32
    %add3A_1 = arith.addi %add3A, %mul3A_0 : i32
    %mul3A_2 = arith.constant 16 : i32
    %mul3A_3 = arith.muli %arg0, %mul3A_2 : i32
    %add3A_4 = arith.addi %add3A_1, %mul3A_3 : i32
    %mul3A_5 = arith.constant 4 : i32
    %mul3A_6 = arith.muli %add3A_4, %mul3A_5 : i32
    "tpu.region"() ({
      %run_scoped3A = memref.alloca() : memref<2x64x16xf32, #tpu.memory_space<vmem>>
      %run_scoped3A_7 = tpu.sem_alloc : memref<2x!tpu.dma_semaphore, #tpu.memory_space<semaphore_mem>>
      %run_scoped3A_8 = memref.alloca() : memref<2x64x16xf32, #tpu.memory_space<vmem>>
      %run_scoped3A_9 = tpu.sem_alloc : memref<2x!tpu.dma_semaphore, #tpu.memory_space<semaphore_mem>>
      %add3A_10 = arith.constant 0 : i32
      %add3A_11 = arith.addi %add3A_10, %mul3A_6 : i32
      %select_n3A = arith.constant true
      %select_n3A_12 = arith.constant 0 : i32
      %select_n3A_13 = arith.constant -1 : i32
      %select_n3A_14 = arith.select %select_n3A, %select_n3A_13, %select_n3A_12 : i32
      %eq3A = arith.constant -1 : i32
      %eq3A_15 = arith.cmpi eq, %select_n3A_14, %eq3A : i32
      %select_n3A_16 = arith.constant 3 : i32
      %select_n3A_17 = arith.select %eq3A_15, %select_n3A_16, %select_n3A_14 : i32
      %add3A_18 = arith.addi %select_n3A_17, %mul3A_6 : i32
      %select_n3A_19 = arith.constant true
      %select_n3A_20 = arith.constant 0 : i32
      %select_n3A_21 = arith.constant 1 : i32
      %select_n3A_22 = arith.select %select_n3A_19, %select_n3A_21, %select_n3A_20 : i32
      %eq3A_23 = arith.constant 4 : i32
      %eq3A_24 = arith.cmpi eq, %select_n3A_22, %eq3A_23 : i32
      %select_n3A_25 = arith.constant 0 : i32
      %select_n3A_26 = arith.select %eq3A_24, %select_n3A_25, %select_n3A_22 : i32
      %add3A_27 = arith.addi %select_n3A_26, %mul3A_6 : i32
      %add3A_28 = arith.constant 1 : i32
      %add3A_29 = arith.addi %select_n3A_26, %add3A_28 : i32
      %select_n3A_30 = arith.constant true
      %select_n3A_31 = arith.select %select_n3A_30, %add3A_29, %select_n3A_26 : i32
      %eq3A_32 = arith.constant 4 : i32
      %eq3A_33 = arith.cmpi eq, %select_n3A_31, %eq3A_32 : i32
      %select_n3A_34 = arith.constant 0 : i32
      %select_n3A_35 = arith.select %eq3A_33, %select_n3A_34, %select_n3A_31 : i32
      %add3A_36 = arith.addi %select_n3A_35, %mul3A_6 : i32
      "tpu.trace_start"() <{level = 10 : i32, message = "ep_initialize_0"}> : () -> ()
      %rem3A = arith.constant 0 : i32
      %rem3A_37 = arith.constant 2 : i32
      %rem3A_38 = arith.remui %rem3A, %rem3A_37 : i32
      %mul3A_39 = arith.constant 16 : i32
      %mul3A_40 = arith.muli %mul3A_39, %add3A_11 : i32
      %dma_start3A = arith.constant 0 : i32
      %dma_start3A_41 = arith.constant 0 : i32
      %dma_start3A_42 = tpu.memref_slice %run_scoped3A[%rem3A_38, %dma_start3A, %dma_start3A_41] : memref<2x64x16xf32, #tpu.memory_space<vmem>> -> memref<1x64x16xf32, #tpu.memory_space<vmem>>
      %dma_start3A_43 = tpu.memref_squeeze %dma_start3A_42 : memref<1x64x16xf32, #tpu.memory_space<vmem>> -> memref<64x16xf32, #tpu.memory_space<vmem>>
      %dma_start3A_44 = arith.constant 0 : i32
      %dma_start3A_45 = tpu.memref_slice %arg2[%dma_start3A_44, %mul3A_40] : memref<64x2048xf32, #tpu.memory_space<hbm>> -> memref<64x16xf32, #tpu.memory_space<hbm>>
      %dma_start3A_46 = tpu.memref_slice %run_scoped3A_7[%rem3A_38] : memref<2x!tpu.dma_semaphore, #tpu.memory_space<semaphore_mem>> -> memref<1x!tpu.dma_semaphore, #tpu.memory_space<semaphore_mem>>
      %dma_start3A_47 = tpu.memref_squeeze %dma_start3A_46 : memref<1x!tpu.dma_semaphore, #tpu.memory_space<semaphore_mem>> -> memref<!tpu.dma_semaphore, #tpu.memory_space<semaphore_mem>>
      %dma_start3A_48 = arith.constant 0 : i32
      %dma_start3A_49 = arith.constant 0 : i32
      %dma_start3A_50 = tpu.memref_slice %run_scoped3A[%rem3A_38, %dma_start3A_48, %dma_start3A_49] : memref<2x64x16xf32, #tpu.memory_space<vmem>> -> memref<1x64x16xf32, #tpu.memory_space<vmem>>
      %dma_start3A_51 = tpu.memref_squeeze %dma_start3A_50 : memref<1x64x16xf32, #tpu.memory_space<vmem>> -> memref<64x16xf32, #tpu.memory_space<vmem>>
      %dma_start3A_52 = arith.constant 0 : i32
      %dma_start3A_53 = tpu.memref_slice %arg2[%dma_start3A_52, %mul3A_40] : memref<64x2048xf32, #tpu.memory_space<hbm>> -> memref<64x16xf32, #tpu.memory_space<hbm>>
      tpu.enqueue_dma source(%dma_start3A_53 : memref<64x16xf32, #tpu.memory_space<hbm>>) target(%dma_start3A_51 : memref<64x16xf32, #tpu.memory_space<vmem>>) target_semaphore(%dma_start3A_47 : memref<!tpu.dma_semaphore, #tpu.memory_space<semaphore_mem>>)
      %add3A_54 = arith.constant 0 : i32
      %add3A_55 = arith.constant 1 : i32
      %add3A_56 = arith.addi %add3A_54, %add3A_55 : i32
      %select_n3A_57 = arith.constant true
      %select_n3A_58 = arith.constant 0 : i32
      %select_n3A_59 = arith.select %select_n3A_57, %add3A_56, %select_n3A_58 : i32
      "tpu.trace_stop"() : () -> ()
      %scan3A = arith.constant 0 : i32
      %scan3A_60 = arith.constant 0 : i32
      %scan3A_61 = arith.constant 0 : i32
      %scan3A_62 = arith.constant 0 : i32
      %scan3A_63 = arith.constant 0 : i32
      %scan3A_64 = arith.constant 4 : i32
      %scan3A_65 = arith.addi %scan3A_63, %scan3A_64 : i32
      %scan3A_66 = arith.constant 1 : i32
      %scan3A_67:5 = scf.for %scan3A_121 = %scan3A_63 to %scan3A_65 step %scan3A_66 iter_args(%scan3A_122 = %select_n3A_59, %scan3A_123 = %scan3A, %scan3A_124 = %scan3A_60, %scan3A_125 = %scan3A_61, %scan3A_126 = %scan3A_62) -> (i32, i32, i32, i32, i32)  : i32 {
        %eq3A_127 = arith.constant 0 : i32
        %eq3A_128 = arith.cmpi eq, %scan3A_121, %eq3A_127 : i32
        %eq3A_129 = arith.constant 3 : i32
        %eq3A_130 = arith.cmpi eq, %scan3A_121, %eq3A_129 : i32
        %add3A_131 = arith.addi %scan3A_126, %mul3A_6 : i32
        %sub3A_132 = arith.constant 1 : i32
        %sub3A_133 = arith.subi %scan3A_126, %sub3A_132 : i32
        %select_n3A_134 = arith.constant true
        %select_n3A_135 = arith.select %select_n3A_134, %sub3A_133, %scan3A_126 : i32
        %eq3A_136 = arith.constant -1 : i32
        %eq3A_137 = arith.cmpi eq, %select_n3A_135, %eq3A_136 : i32
        %select_n3A_138 = arith.constant 3 : i32
        %select_n3A_139 = arith.select %eq3A_137, %select_n3A_138, %select_n3A_135 : i32
        %add3A_140 = arith.addi %select_n3A_139, %mul3A_6 : i32
        %add3A_141 = arith.constant 1 : i32
        %add3A_142 = arith.addi %scan3A_126, %add3A_141 : i32
        %select_n3A_143 = arith.constant true
        %select_n3A_144 = arith.select %select_n3A_143, %add3A_142, %scan3A_126 : i32
        %eq3A_145 = arith.constant 4 : i32
        %eq3A_146 = arith.cmpi eq, %select_n3A_144, %eq3A_145 : i32
        %select_n3A_147 = arith.constant 0 : i32
        %select_n3A_148 = arith.select %eq3A_146, %select_n3A_147, %select_n3A_144 : i32
        %add3A_149 = arith.addi %select_n3A_148, %mul3A_6 : i32
        %add3A_150 = arith.constant 1 : i32
        %add3A_151 = arith.addi %select_n3A_148, %add3A_150 : i32
        %select_n3A_152 = arith.constant true
        %select_n3A_153 = arith.select %select_n3A_152, %add3A_151, %select_n3A_148 : i32
        %eq3A_154 = arith.constant 4 : i32
        %eq3A_155 = arith.cmpi eq, %select_n3A_153, %eq3A_154 : i32
        %select_n3A_156 = arith.constant 0 : i32
        %select_n3A_157 = arith.select %eq3A_155, %select_n3A_156, %select_n3A_153 : i32
        %add3A_158 = arith.addi %select_n3A_157, %mul3A_6 : i32
        %ne3A = arith.cmpi ne, %add3A_131, %add3A_149 : i32
        %or3A = arith.constant false
        %or3A_159 = arith.ori %or3A, %ne3A : i1
        %ge3A = arith.constant 3 : i32
        %ge3A_160 = arith.cmpi sge, %scan3A_121, %ge3A : i32
        %not3A = arith.constant true
        %not3A_161 = arith.xori %ge3A_160, %not3A : i1
        %and3A = arith.andi %or3A_159, %not3A_161 : i1
        %convert_element_type3A = arith.extui %and3A : i1 to i32
        %cond3A = arith.constant 0 : i32
        %cond3A_162 = arith.cmpi ne, %convert_element_type3A, %cond3A : i32
        scf.if %cond3A_162 {
          "tpu.trace_start"() <{level = 10 : i32, message = "ep_copy_in"}> : () -> ()
          %rem3A_3607 = arith.constant 2 : i32
          %rem3A_3608 = arith.remui %scan3A_122, %rem3A_3607 : i32
          %mul3A_3609 = arith.constant 16 : i32
          %mul3A_3610 = arith.muli %mul3A_3609, %add3A_149 : i32
          %dma_start3A_3611 = arith.constant 0 : i32
          %dma_start3A_3612 = arith.constant 0 : i32
          %dma_start3A_3613 = tpu.memref_slice %run_scoped3A[%rem3A_3608, %dma_start3A_3611, %dma_start3A_3612] : memref<2x64x16xf32, #tpu.memory_space<vmem>> -> memref<1x64x16xf32, #tpu.memory_space<vmem>>
          %dma_start3A_3614 = tpu.memref_squeeze %dma_start3A_3613 : memref<1x64x16xf32, #tpu.memory_space<vmem>> -> memref<64x16xf32, #tpu.memory_space<vmem>>
          %dma_start3A_3615 = arith.constant 0 : i32
          %dma_start3A_3616 = tpu.memref_slice %arg2[%dma_start3A_3615, %mul3A_3610] : memref<64x2048xf32, #tpu.memory_space<hbm>> -> memref<64x16xf32, #tpu.memory_space<hbm>>
          %dma_start3A_3617 = tpu.memref_slice %run_scoped3A_7[%rem3A_3608] : memref<2x!tpu.dma_semaphore, #tpu.memory_space<semaphore_mem>> -> memref<1x!tpu.dma_semaphore, #tpu.memory_space<semaphore_mem>>
          %dma_start3A_3618 = tpu.memref_squeeze %dma_start3A_3617 : memref<1x!tpu.dma_semaphore, #tpu.memory_space<semaphore_mem>> -> memref<!tpu.dma_semaphore, #tpu.memory_space<semaphore_mem>>
          %dma_start3A_3619 = arith.constant 0 : i32
          %dma_start3A_3620 = arith.constant 0 : i32
          %dma_start3A_3621 = tpu.memref_slice %run_scoped3A[%rem3A_3608, %dma_start3A_3619, %dma_start3A_3620] : memref<2x64x16xf32, #tpu.memory_space<vmem>> -> memref<1x64x16xf32, #tpu.memory_space<vmem>>
          %dma_start3A_3622 = tpu.memref_squeeze %dma_start3A_3621 : memref<1x64x16xf32, #tpu.memory_space<vmem>> -> memref<64x16xf32, #tpu.memory_space<vmem>>
          %dma_start3A_3623 = arith.constant 0 : i32
          %dma_start3A_3624 = tpu.memref_slice %arg2[%dma_start3A_3623, %mul3A_3610] : memref<64x2048xf32, #tpu.memory_space<hbm>> -> memref<64x16xf32, #tpu.memory_space<hbm>>
          tpu.enqueue_dma source(%dma_start3A_3624 : memref<64x16xf32, #tpu.memory_space<hbm>>) target(%dma_start3A_3622 : memref<64x16xf32, #tpu.memory_space<vmem>>) target_semaphore(%dma_start3A_3618 : memref<!tpu.dma_semaphore, #tpu.memory_space<semaphore_mem>>)
          "tpu.trace_stop"() : () -> ()
        } else {
        }
        %and3A_163 = arith.constant true
        %and3A_164 = arith.andi %and3A, %and3A_163 : i1
        %add3A_165 = arith.constant 1 : i32
        %add3A_166 = arith.addi %scan3A_122, %add3A_165 : i32
        %select_n3A_167 = arith.select %and3A_164, %add3A_166, %scan3A_122 : i32
        %ne3A_168 = arith.cmpi ne, %add3A_131, %add3A_149 : i32
        %or3A_169 = arith.constant false
        %or3A_170 = arith.ori %or3A_169, %ne3A_168 : i1
        %ge3A_171 = arith.constant 3 : i32
        %ge3A_172 = arith.cmpi sge, %scan3A_121, %ge3A_171 : i32
        %not3A_173 = arith.constant true
        %not3A_174 = arith.xori %ge3A_172, %not3A_173 : i1
        %and3A_175 = arith.andi %or3A_170, %not3A_174 : i1
        %ne3A_176 = arith.cmpi ne, %add3A_131, %add3A_140 : i32
        %or3A_177 = arith.constant false
        %or3A_178 = arith.ori %or3A_177, %ne3A_176 : i1
        %or3A_179 = arith.ori %or3A_178, %eq3A_128 : i1
        %convert_element_type3A_180 = arith.extui %or3A_179 : i1 to i32
        %cond3A_181 = arith.constant 0 : i32
        %cond3A_182 = arith.cmpi ne, %convert_element_type3A_180, %cond3A_181 : i32
        scf.if %cond3A_182 {
          "tpu.trace_start"() <{level = 10 : i32, message = "ep_wait_in"}> : () -> ()
          %mul3A_3607 = arith.constant 16 : i32
          %mul3A_3608 = arith.muli %mul3A_3607, %add3A_131 : i32
          %rem3A_3609 = arith.constant 2 : i32
          %rem3A_3610 = arith.remui %scan3A_123, %rem3A_3609 : i32
          %dma_wait3A_3611 = arith.constant 0 : i32
          %dma_wait3A_3612 = arith.constant 0 : i32
          %dma_wait3A_3613 = tpu.memref_slice %run_scoped3A[%rem3A_3610, %dma_wait3A_3611, %dma_wait3A_3612] : memref<2x64x16xf32, #tpu.memory_space<vmem>> -> memref<1x64x16xf32, #tpu.memory_space<vmem>>
          %dma_wait3A_3614 = tpu.memref_squeeze %dma_wait3A_3613 : memref<1x64x16xf32, #tpu.memory_space<vmem>> -> memref<64x16xf32, #tpu.memory_space<vmem>>
          %dma_wait3A_3615 = arith.constant 0 : i32
          %dma_wait3A_3616 = tpu.memref_slice %arg2[%dma_wait3A_3615, %mul3A_3608] : memref<64x2048xf32, #tpu.memory_space<hbm>> -> memref<64x16xf32, #tpu.memory_space<hbm>>
          %dma_wait3A_3617 = tpu.memref_slice %run_scoped3A_7[%rem3A_3610] : memref<2x!tpu.dma_semaphore, #tpu.memory_space<semaphore_mem>> -> memref<1x!tpu.dma_semaphore, #tpu.memory_space<semaphore_mem>>
          %dma_wait3A_3618 = tpu.memref_squeeze %dma_wait3A_3617 : memref<1x!tpu.dma_semaphore, #tpu.memory_space<semaphore_mem>> -> memref<!tpu.dma_semaphore, #tpu.memory_space<semaphore_mem>>
          %dma_wait3A_3619 = arith.constant 0 : i32
          %dma_wait3A_3620 = arith.constant 0 : i32
          %dma_wait3A_3621 = tpu.memref_slice %run_scoped3A[%rem3A_3610, %dma_wait3A_3619, %dma_wait3A_3620] : memref<2x64x16xf32, #tpu.memory_space<vmem>> -> memref<1x64x16xf32, #tpu.memory_space<vmem>>
          %dma_wait3A_3622 = tpu.memref_squeeze %dma_wait3A_3621 : memref<1x64x16xf32, #tpu.memory_space<vmem>> -> memref<64x16xf32, #tpu.memory_space<vmem>>
          %dma_wait3A_3623 = arith.constant 0 : i32
          %dma_wait3A_3624 = tpu.memref_slice %arg2[%dma_wait3A_3623, %mul3A_3608] : memref<64x2048xf32, #tpu.memory_space<hbm>> -> memref<64x16xf32, #tpu.memory_space<hbm>>
          tpu.wait_dma2 semaphore(%dma_wait3A_3618 : memref<!tpu.dma_semaphore, #tpu.memory_space<semaphore_mem>>) src(%dma_wait3A_3624 : memref<64x16xf32, #tpu.memory_space<hbm>>) dst(%dma_wait3A_3622 : memref<64x16xf32, #tpu.memory_space<vmem>>)
          "tpu.trace_stop"() : () -> ()
        } else {
        }
        %ne3A_183 = arith.cmpi ne, %add3A_131, %add3A_140 : i32
        %or3A_184 = arith.constant false
        %or3A_185 = arith.ori %or3A_184, %ne3A_183 : i1
        %or3A_186 = arith.ori %or3A_185, %eq3A_128 : i1
        %convert_element_type3A_187 = arith.extui %or3A_186 : i1 to i32
        %cond3A_188 = arith.constant 0 : i32
        %cond3A_189 = arith.cmpi ne, %convert_element_type3A_187, %cond3A_188 : i32
        scf.if %cond3A_189 {
        } else {
        }
        %rem3A_190 = arith.constant 2 : i32
        %rem3A_191 = arith.remui %scan3A_123, %rem3A_190 : i32
        %rem3A_192 = arith.constant 2 : i32
        %rem3A_193 = arith.remui %scan3A_124, %rem3A_192 : i32
        %get3A = arith.constant 0 : i32
        "tpu.trace_start"() <{level = 10 : i32, message = "ep_run_kernel"}> : () -> ()
        %get3A_194 = arith.constant 0 : i32
        %get3A_195 = arith.constant 0 : i32
        %get3A_196 = tpu.memref_slice %run_scoped3A[%rem3A_191, %get3A_194, %get3A_195] : memref<2x64x16xf32, #tpu.memory_space<vmem>> -> memref<1x64x16xf32, #tpu.memory_space<vmem>>
        %get3A_197 = tpu.memref_squeeze %get3A_196 : memref<1x64x16xf32, #tpu.memory_space<vmem>> -> memref<64x16xf32, #tpu.memory_space<vmem>>
        %get3A_198 = arith.index_cast %get3A : i32 to index
        %get3A_199 = arith.constant 0 : index
        %get3A_200 = tpu.vector_load %get3A_197[%get3A_198, %get3A_199] {strides = array<i32>} : memref<64x16xf32, #tpu.memory_space<vmem>>, vector<1x16xf32>,
        %get3A_201 = vector.shape_cast %get3A_200 : vector<1x16xf32> to vector<16xf32>
        %get3A_202 = arith.constant 1 : i32
        %get3A_203 = arith.constant 0 : i32
        %get3A_204 = arith.constant 0 : i32
        %get3A_205 = tpu.memref_slice %run_scoped3A[%rem3A_191, %get3A_203, %get3A_204] : memref<2x64x16xf32, #tpu.memory_space<vmem>> -> memref<1x64x16xf32, #tpu.memory_space<vmem>>
        %get3A_206 = tpu.memref_squeeze %get3A_205 : memref<1x64x16xf32, #tpu.memory_space<vmem>> -> memref<64x16xf32, #tpu.memory_space<vmem>>
        %get3A_207 = arith.index_cast %get3A_202 : i32 to index
        %get3A_208 = arith.constant 0 : index
        %get3A_209 = tpu.vector_load %get3A_206[%get3A_207, %get3A_208] {strides = array<i32>} : memref<64x16xf32, #tpu.memory_space<vmem>>, vector<1x16xf32>,
        %get3A_210 = vector.shape_cast %get3A_209 : vector<1x16xf32> to vector<16xf32>
        %get3A_211 = arith.constant 2 : i32
        %get3A_212 = arith.constant 0 : i32
        %get3A_213 = arith.constant 0 : i32
        %get3A_214 = tpu.memref_slice %run_scoped3A[%rem3A_191, %get3A_212, %get3A_213] : memref<2x64x16xf32, #tpu.memory_space<vmem>> -> memref<1x64x16xf32, #tpu.memory_space<vmem>>
        %get3A_215 = tpu.memref_squeeze %get3A_214 : memref<1x64x16xf32, #tpu.memory_space<vmem>> -> memref<64x16xf32, #tpu.memory_space<vmem>>
        %get3A_216 = arith.index_cast %get3A_211 : i32 to index
        %get3A_217 = arith.constant 0 : index
        %get3A_218 = tpu.vector_load %get3A_215[%get3A_216, %get3A_217] {strides = array<i32>} : memref<64x16xf32, #tpu.memory_space<vmem>>, vector<1x16xf32>,
        %get3A_219 = vector.shape_cast %get3A_218 : vector<1x16xf32> to vector<16xf32>
        %get3A_220 = arith.constant 3 : i32
        %get3A_221 = arith.constant 0 : i32
        %get3A_222 = arith.constant 0 : i32
        %get3A_223 = tpu.memref_slice %run_scoped3A[%rem3A_191, %get3A_221, %get3A_222] : memref<2x64x16xf32, #tpu.memory_space<vmem>> -> memref<1x64x16xf32, #tpu.memory_space<vmem>>
        %get3A_224 = tpu.memref_squeeze %get3A_223 : memref<1x64x16xf32, #tpu.memory_space<vmem>> -> memref<64x16xf32, #tpu.memory_space<vmem>>
        %get3A_225 = arith.index_cast %get3A_220 : i32 to index
        %get3A_226 = arith.constant 0 : index
        %get3A_227 = tpu.vector_load %get3A_224[%get3A_225, %get3A_226] {strides = array<i32>} : memref<64x16xf32, #tpu.memory_space<vmem>>, vector<1x16xf32>,
        %get3A_228 = vector.shape_cast %get3A_227 : vector<1x16xf32> to vector<16xf32>
        %get3A_229 = arith.constant 4 : i32
        %get3A_230 = arith.constant 0 : i32
        %get3A_231 = arith.constant 0 : i32
        %get3A_232 = tpu.memref_slice %run_scoped3A[%rem3A_191, %get3A_230, %get3A_231] : memref<2x64x16xf32, #tpu.memory_space<vmem>> -> memref<1x64x16xf32, #tpu.memory_space<vmem>>
        %get3A_233 = tpu.memref_squeeze %get3A_232 : memref<1x64x16xf32, #tpu.memory_space<vmem>> -> memref<64x16xf32, #tpu.memory_space<vmem>>
        %get3A_234 = arith.index_cast %get3A_229 : i32 to index
        %get3A_235 = arith.constant 0 : index
        %get3A_236 = tpu.vector_load %get3A_233[%get3A_234, %get3A_235] {strides = array<i32>} : memref<64x16xf32, #tpu.memory_space<vmem>>, vector<1x16xf32>,
        %get3A_237 = vector.shape_cast %get3A_236 : vector<1x16xf32> to vector<16xf32>
        %get3A_238 = arith.constant 5 : i32
        %get3A_239 = arith.constant 0 : i32
        %get3A_240 = arith.constant 0 : i32
        %get3A_241 = tpu.memref_slice %run_scoped3A[%rem3A_191, %get3A_239, %get3A_240] : memref<2x64x16xf32, #tpu.memory_space<vmem>> -> memref<1x64x16xf32, #tpu.memory_space<vmem>>
        %get3A_242 = tpu.memref_squeeze %get3A_241 : memref<1x64x16xf32, #tpu.memory_space<vmem>> -> memref<64x16xf32, #tpu.memory_space<vmem>>
        %get3A_243 = arith.index_cast %get3A_238 : i32 to index
        %get3A_244 = arith.constant 0 : index
        %get3A_245 = tpu.vector_load %get3A_242[%get3A_243, %get3A_244] {strides = array<i32>} : memref<64x16xf32, #tpu.memory_space<vmem>>, vector<1x16xf32>,
        %get3A_246 = vector.shape_cast %get3A_245 : vector<1x16xf32> to vector<16xf32>
        %get3A_247 = arith.constant 6 : i32
        %get3A_248 = arith.constant 0 : i32
        %get3A_249 = arith.constant 0 : i32
        %get3A_250 = tpu.memref_slice %run_scoped3A[%rem3A_191, %get3A_248, %get3A_249] : memref<2x64x16xf32, #tpu.memory_space<vmem>> -> memref<1x64x16xf32, #tpu.memory_space<vmem>>
        %get3A_251 = tpu.memref_squeeze %get3A_250 : memref<1x64x16xf32, #tpu.memory_space<vmem>> -> memref<64x16xf32, #tpu.memory_space<vmem>>
        %get3A_252 = arith.index_cast %get3A_247 : i32 to index
        %get3A_253 = arith.constant 0 : index
        %get3A_254 = tpu.vector_load %get3A_251[%get3A_252, %get3A_253] {strides = array<i32>} : memref<64x16xf32, #tpu.memory_space<vmem>>, vector<1x16xf32>,
        %get3A_255 = vector.shape_cast %get3A_254 : vector<1x16xf32> to vector<16xf32>
        %get3A_256 = arith.constant 7 : i32
        %get3A_257 = arith.constant 0 : i32
        %get3A_258 = arith.constant 0 : i32
        %get3A_259 = tpu.memref_slice %run_scoped3A[%rem3A_191, %get3A_257, %get3A_258] : memref<2x64x16xf32, #tpu.memory_space<vmem>> -> memref<1x64x16xf32, #tpu.memory_space<vmem>>
        %get3A_260 = tpu.memref_squeeze %get3A_259 : memref<1x64x16xf32, #tpu.memory_space<vmem>> -> memref<64x16xf32, #tpu.memory_space<vmem>>
        %get3A_261 = arith.index_cast %get3A_256 : i32 to index
        %get3A_262 = arith.constant 0 : index
        %get3A_263 = tpu.vector_load %get3A_260[%get3A_261, %get3A_262] {strides = array<i32>} : memref<64x16xf32, #tpu.memory_space<vmem>>, vector<1x16xf32>,
        %get3A_264 = vector.shape_cast %get3A_263 : vector<1x16xf32> to vector<16xf32>
        %max3A = arith.maximumf %get3A_201, %get3A_210 : vector<16xf32>
        %max3A_265 = arith.maximumf %max3A, %get3A_219 : vector<16xf32>
        %max3A_266 = arith.maximumf %max3A_265, %get3A_228 : vector<16xf32>
        %max3A_267 = arith.maximumf %max3A_266, %get3A_237 : vector<16xf32>
        %max3A_268 = arith.maximumf %max3A_267, %get3A_246 : vector<16xf32>
        %max3A_269 = arith.maximumf %max3A_268, %get3A_255 : vector<16xf32>
        %max3A_270 = arith.maximumf %max3A_269, %get3A_264 : vector<16xf32>
        %sub3A_271 = arith.subf %get3A_201, %max3A_270 : vector<16xf32>
        %exp3A = math.exp %sub3A_271 : vector<16xf32>
        %sub3A_272 = arith.subf %get3A_210, %max3A_270 : vector<16xf32>
        %exp3A_273 = math.exp %sub3A_272 : vector<16xf32>
        %sub3A_274 = arith.subf %get3A_219, %max3A_270 : vector<16xf32>
        %exp3A_275 = math.exp %sub3A_274 : vector<16xf32>
        %sub3A_276 = arith.subf %get3A_228, %max3A_270 : vector<16xf32>
        %exp3A_277 = math.exp %sub3A_276 : vector<16xf32>
        %sub3A_278 = arith.subf %get3A_237, %max3A_270 : vector<16xf32>
        %exp3A_279 = math.exp %sub3A_278 : vector<16xf32>
        %sub3A_280 = arith.subf %get3A_246, %max3A_270 : vector<16xf32>
        %exp3A_281 = math.exp %sub3A_280 : vector<16xf32>
        %sub3A_282 = arith.subf %get3A_255, %max3A_270 : vector<16xf32>
        %exp3A_283 = math.exp %sub3A_282 : vector<16xf32>
        %sub3A_284 = arith.subf %get3A_264, %max3A_270 : vector<16xf32>
        %exp3A_285 = math.exp %sub3A_284 : vector<16xf32>
        %add3A_286 = arith.addf %exp3A, %exp3A_273 : vector<16xf32>
        %add3A_287 = arith.addf %add3A_286, %exp3A_275 : vector<16xf32>
        %add3A_288 = arith.addf %add3A_287, %exp3A_277 : vector<16xf32>
        %add3A_289 = arith.addf %add3A_288, %exp3A_279 : vector<16xf32>
        %add3A_290 = arith.addf %add3A_289, %exp3A_281 : vector<16xf32>
        %add3A_291 = arith.addf %add3A_290, %exp3A_283 : vector<16xf32>
        %add3A_292 = arith.addf %add3A_291, %exp3A_285 : vector<16xf32>
        %div3A = arith.constant 1.000000e+00 : f32
        %div3A_293 = vector.broadcast %div3A : f32 to vector<16xf32>
        %div3A_294 = arith.divf %div3A_293, %add3A_292 : vector<16xf32>
        %broadcast_in_dim3A = arith.constant 0 : i32
        %broadcast_in_dim3A_295 = vector.broadcast %broadcast_in_dim3A : i32 to vector<16xi32>
        %gt3A = arith.cmpf ogt, %exp3A_273, %exp3A : vector<16xf32>
        %select_n3A_296 = arith.select %gt3A, %exp3A_273, %exp3A : vector<16xi1>, vector<16xf32>
        %jit3A = arith.constant 1 : i32
        %broadcast_in_dim3A_297 = vector.broadcast %jit3A : i32 to vector<16xi32>
        %select_n3A_298 = arith.select %gt3A, %broadcast_in_dim3A_297, %broadcast_in_dim3A_295 : vector<16xi1>, vector<16xi32>
        %gt3A_299 = arith.cmpf ogt, %exp3A_275, %select_n3A_296 : vector<16xf32>
        %select_n3A_300 = arith.select %gt3A_299, %exp3A_275, %select_n3A_296 : vector<16xi1>, vector<16xf32>
        %jit3A_301 = arith.constant 2 : i32
        %broadcast_in_dim3A_302 = vector.broadcast %jit3A_301 : i32 to vector<16xi32>
        %select_n3A_303 = arith.select %gt3A_299, %broadcast_in_dim3A_302, %select_n3A_298 : vector<16xi1>, vector<16xi32>
        %gt3A_304 = arith.cmpf ogt, %exp3A_277, %select_n3A_300 : vector<16xf32>
        %select_n3A_305 = arith.select %gt3A_304, %exp3A_277, %select_n3A_300 : vector<16xi1>, vector<16xf32>
        %jit3A_306 = arith.constant 3 : i32
        %broadcast_in_dim3A_307 = vector.broadcast %jit3A_306 : i32 to vector<16xi32>
        %select_n3A_308 = arith.select %gt3A_304, %broadcast_in_dim3A_307, %select_n3A_303 : vector<16xi1>, vector<16xi32>
        %gt3A_309 = arith.cmpf ogt, %exp3A_279, %select_n3A_305 : vector<16xf32>
        %select_n3A_310 = arith.select %gt3A_309, %exp3A_279, %select_n3A_305 : vector<16xi1>, vector<16xf32>
        %jit3A_311 = arith.constant 4 : i32
        %broadcast_in_dim3A_312 = vector.broadcast %jit3A_311 : i32 to vector<16xi32>
        %select_n3A_313 = arith.select %gt3A_309, %broadcast_in_dim3A_312, %select_n3A_308 : vector<16xi1>, vector<16xi32>
        %gt3A_314 = arith.cmpf ogt, %exp3A_281, %select_n3A_310 : vector<16xf32>
        %select_n3A_315 = arith.select %gt3A_314, %exp3A_281, %select_n3A_310 : vector<16xi1>, vector<16xf32>
        %jit3A_316 = arith.constant 5 : i32
        %broadcast_in_dim3A_317 = vector.broadcast %jit3A_316 : i32 to vector<16xi32>
        %select_n3A_318 = arith.select %gt3A_314, %broadcast_in_dim3A_317, %select_n3A_313 : vector<16xi1>, vector<16xi32>
        %gt3A_319 = arith.cmpf ogt, %exp3A_283, %select_n3A_315 : vector<16xf32>
        %select_n3A_320 = arith.select %gt3A_319, %exp3A_283, %select_n3A_315 : vector<16xi1>, vector<16xf32>
        %jit3A_321 = arith.constant 6 : i32
        %broadcast_in_dim3A_322 = vector.broadcast %jit3A_321 : i32 to vector<16xi32>
        %select_n3A_323 = arith.select %gt3A_319, %broadcast_in_dim3A_322, %select_n3A_318 : vector<16xi1>, vector<16xi32>
        %gt3A_324 = arith.cmpf ogt, %exp3A_285, %select_n3A_320 : vector<16xf32>
        %select_n3A_325 = arith.select %gt3A_324, %exp3A_285, %select_n3A_320 : vector<16xi1>, vector<16xf32>
        %jit3A_326 = arith.constant 7 : i32
        %broadcast_in_dim3A_327 = vector.broadcast %jit3A_326 : i32 to vector<16xi32>
        %select_n3A_328 = arith.select %gt3A_324, %broadcast_in_dim3A_327, %select_n3A_323 : vector<16xi1>, vector<16xi32>
        %broadcast_in_dim3A_329 = arith.constant -1.000000e+00 : f32
        %broadcast_in_dim3A_330 = vector.broadcast %broadcast_in_dim3A_329 : f32 to vector<16xf32>
        %broadcast_in_dim3A_331 = arith.constant 0 : i32
        %broadcast_in_dim3A_332 = vector.broadcast %broadcast_in_dim3A_331 : i32 to vector<16xi32>
        %eq3A_333 = arith.constant 0 : i32
        %eq3A_334 = vector.broadcast %eq3A_333 : i32 to vector<16xi32>
        %eq3A_335 = arith.cmpi eq, %select_n3A_328, %eq3A_334 : vector<16xi32>
        %jit3A_336 = arith.constant -1.000000e+00 : f32
        %broadcast_in_dim3A_337 = vector.broadcast %jit3A_336 : f32 to vector<16xf32>
        %select_n3A_338 = arith.select %eq3A_335, %broadcast_in_dim3A_337, %exp3A : vector<16xi1>, vector<16xf32>
        %gt3A_339 = arith.cmpf ogt, %select_n3A_338, %broadcast_in_dim3A_330 : vector<16xf32>
        %select_n3A_340 = arith.select %gt3A_339, %select_n3A_338, %broadcast_in_dim3A_330 : vector<16xi1>, vector<16xf32>
        %jit3A_341 = arith.constant 0 : i32
        %broadcast_in_dim3A_342 = vector.broadcast %jit3A_341 : i32 to vector<16xi32>
        %select_n3A_343 = arith.select %gt3A_339, %broadcast_in_dim3A_342, %broadcast_in_dim3A_332 : vector<16xi1>, vector<16xi32>
        %eq3A_344 = arith.constant 1 : i32
        %eq3A_345 = vector.broadcast %eq3A_344 : i32 to vector<16xi32>
        %eq3A_346 = arith.cmpi eq, %select_n3A_328, %eq3A_345 : vector<16xi32>
        %jit3A_347 = arith.constant -1.000000e+00 : f32
        %broadcast_in_dim3A_348 = vector.broadcast %jit3A_347 : f32 to vector<16xf32>
        %select_n3A_349 = arith.select %eq3A_346, %broadcast_in_dim3A_348, %exp3A_273 : vector<16xi1>, vector<16xf32>
        %gt3A_350 = arith.cmpf ogt, %select_n3A_349, %select_n3A_340 : vector<16xf32>
        %select_n3A_351 = arith.select %gt3A_350, %select_n3A_349, %select_n3A_340 : vector<16xi1>, vector<16xf32>
        %jit3A_352 = arith.constant 1 : i32
        %broadcast_in_dim3A_353 = vector.broadcast %jit3A_352 : i32 to vector<16xi32>
        %select_n3A_354 = arith.select %gt3A_350, %broadcast_in_dim3A_353, %select_n3A_343 : vector<16xi1>, vector<16xi32>
        %eq3A_355 = arith.constant 2 : i32
        %eq3A_356 = vector.broadcast %eq3A_355 : i32 to vector<16xi32>
        %eq3A_357 = arith.cmpi eq, %select_n3A_328, %eq3A_356 : vector<16xi32>
        %jit3A_358 = arith.constant -1.000000e+00 : f32
        %broadcast_in_dim3A_359 = vector.broadcast %jit3A_358 : f32 to vector<16xf32>
        %select_n3A_360 = arith.select %eq3A_357, %broadcast_in_dim3A_359, %exp3A_275 : vector<16xi1>, vector<16xf32>
        %gt3A_361 = arith.cmpf ogt, %select_n3A_360, %select_n3A_351 : vector<16xf32>
        %select_n3A_362 = arith.select %gt3A_361, %select_n3A_360, %select_n3A_351 : vector<16xi1>, vector<16xf32>
        %jit3A_363 = arith.constant 2 : i32
        %broadcast_in_dim3A_364 = vector.broadcast %jit3A_363 : i32 to vector<16xi32>
        %select_n3A_365 = arith.select %gt3A_361, %broadcast_in_dim3A_364, %select_n3A_354 : vector<16xi1>, vector<16xi32>
        %eq3A_366 = arith.constant 3 : i32
        %eq3A_367 = vector.broadcast %eq3A_366 : i32 to vector<16xi32>
        %eq3A_368 = arith.cmpi eq, %select_n3A_328, %eq3A_367 : vector<16xi32>
        %jit3A_369 = arith.constant -1.000000e+00 : f32
        %broadcast_in_dim3A_370 = vector.broadcast %jit3A_369 : f32 to vector<16xf32>
        %select_n3A_371 = arith.select %eq3A_368, %broadcast_in_dim3A_370, %exp3A_277 : vector<16xi1>, vector<16xf32>
        %gt3A_372 = arith.cmpf ogt, %select_n3A_371, %select_n3A_362 : vector<16xf32>
        %select_n3A_373 = arith.select %gt3A_372, %select_n3A_371, %select_n3A_362 : vector<16xi1>, vector<16xf32>
        %jit3A_374 = arith.constant 3 : i32
        %broadcast_in_dim3A_375 = vector.broadcast %jit3A_374 : i32 to vector<16xi32>
        %select_n3A_376 = arith.select %gt3A_372, %broadcast_in_dim3A_375, %select_n3A_365 : vector<16xi1>, vector<16xi32>
        %eq3A_377 = arith.constant 4 : i32
        %eq3A_378 = vector.broadcast %eq3A_377 : i32 to vector<16xi32>
        %eq3A_379 = arith.cmpi eq, %select_n3A_328, %eq3A_378 : vector<16xi32>
        %jit3A_380 = arith.constant -1.000000e+00 : f32
        %broadcast_in_dim3A_381 = vector.broadcast %jit3A_380 : f32 to vector<16xf32>
        %select_n3A_382 = arith.select %eq3A_379, %broadcast_in_dim3A_381, %exp3A_279 : vector<16xi1>, vector<16xf32>
        %gt3A_383 = arith.cmpf ogt, %select_n3A_382, %select_n3A_373 : vector<16xf32>
        %select_n3A_384 = arith.select %gt3A_383, %select_n3A_382, %select_n3A_373 : vector<16xi1>, vector<16xf32>
        %jit3A_385 = arith.constant 4 : i32
        %broadcast_in_dim3A_386 = vector.broadcast %jit3A_385 : i32 to vector<16xi32>
        %select_n3A_387 = arith.select %gt3A_383, %broadcast_in_dim3A_386, %select_n3A_376 : vector<16xi1>, vector<16xi32>
        %eq3A_388 = arith.constant 5 : i32
        %eq3A_389 = vector.broadcast %eq3A_388 : i32 to vector<16xi32>
        %eq3A_390 = arith.cmpi eq, %select_n3A_328, %eq3A_389 : vector<16xi32>
        %jit3A_391 = arith.constant -1.000000e+00 : f32
        %broadcast_in_dim3A_392 = vector.broadcast %jit3A_391 : f32 to vector<16xf32>
        %select_n3A_393 = arith.select %eq3A_390, %broadcast_in_dim3A_392, %exp3A_281 : vector<16xi1>, vector<16xf32>
        %gt3A_394 = arith.cmpf ogt, %select_n3A_393, %select_n3A_384 : vector<16xf32>
        %select_n3A_395 = arith.select %gt3A_394, %select_n3A_393, %select_n3A_384 : vector<16xi1>, vector<16xf32>
        %jit3A_396 = arith.constant 5 : i32
        %broadcast_in_dim3A_397 = vector.broadcast %jit3A_396 : i32 to vector<16xi32>
        %select_n3A_398 = arith.select %gt3A_394, %broadcast_in_dim3A_397, %select_n3A_387 : vector<16xi1>, vector<16xi32>
        %eq3A_399 = arith.constant 6 : i32
        %eq3A_400 = vector.broadcast %eq3A_399 : i32 to vector<16xi32>
        %eq3A_401 = arith.cmpi eq, %select_n3A_328, %eq3A_400 : vector<16xi32>
        %jit3A_402 = arith.constant -1.000000e+00 : f32
        %broadcast_in_dim3A_403 = vector.broadcast %jit3A_402 : f32 to vector<16xf32>
        %select_n3A_404 = arith.select %eq3A_401, %broadcast_in_dim3A_403, %exp3A_283 : vector<16xi1>, vector<16xf32>
        %gt3A_405 = arith.cmpf ogt, %select_n3A_404, %select_n3A_395 : vector<16xf32>
        %select_n3A_406 = arith.select %gt3A_405, %select_n3A_404, %select_n3A_395 : vector<16xi1>, vector<16xf32>
        %jit3A_407 = arith.constant 6 : i32
        %broadcast_in_dim3A_408 = vector.broadcast %jit3A_407 : i32 to vector<16xi32>
        %select_n3A_409 = arith.select %gt3A_405, %broadcast_in_dim3A_408, %select_n3A_398 : vector<16xi1>, vector<16xi32>
        %eq3A_410 = arith.constant 7 : i32
        %eq3A_411 = vector.broadcast %eq3A_410 : i32 to vector<16xi32>
        %eq3A_412 = arith.cmpi eq, %select_n3A_328, %eq3A_411 : vector<16xi32>
        %jit3A_413 = arith.constant -1.000000e+00 : f32
        %broadcast_in_dim3A_414 = vector.broadcast %jit3A_413 : f32 to vector<16xf32>
        %select_n3A_415 = arith.select %eq3A_412, %broadcast_in_dim3A_414, %exp3A_285 : vector<16xi1>, vector<16xf32>
        %gt3A_416 = arith.cmpf ogt, %select_n3A_415, %select_n3A_406 : vector<16xf32>
        %select_n3A_417 = arith.select %gt3A_416, %select_n3A_415, %select_n3A_406 : vector<16xi1>, vector<16xf32>
        %jit3A_418 = arith.constant 7 : i32
        %broadcast_in_dim3A_419 = vector.broadcast %jit3A_418 : i32 to vector<16xi32>
        %select_n3A_420 = arith.select %gt3A_416, %broadcast_in_dim3A_419, %select_n3A_409 : vector<16xi1>, vector<16xi32>
        %mul3A_421 = arith.mulf %select_n3A_325, %div3A_294 : vector<16xf32>
        %mul3A_422 = arith.mulf %select_n3A_417, %div3A_294 : vector<16xf32>
        %eq3A_423 = arith.constant 0 : i32
        %eq3A_424 = vector.broadcast %eq3A_423 : i32 to vector<16xi32>
        %eq3A_425 = arith.cmpi eq, %select_n3A_328, %eq3A_424 : vector<16xi32>
        %jit3A_426 = arith.constant 0.000000e+00 : f32
        %broadcast_in_dim3A_427 = vector.broadcast %jit3A_426 : f32 to vector<16xf32>
        %select_n3A_428 = arith.select %eq3A_425, %mul3A_421, %broadcast_in_dim3A_427 : vector<16xi1>, vector<16xf32>
        %eq3A_429 = arith.constant 0 : i32
        %eq3A_430 = vector.broadcast %eq3A_429 : i32 to vector<16xi32>
        %eq3A_431 = arith.cmpi eq, %select_n3A_420, %eq3A_430 : vector<16xi32>
        %jit3A_432 = arith.constant 0.000000e+00 : f32
        %broadcast_in_dim3A_433 = vector.broadcast %jit3A_432 : f32 to vector<16xf32>
        %select_n3A_434 = arith.select %eq3A_431, %mul3A_422, %broadcast_in_dim3A_433 : vector<16xi1>, vector<16xf32>
        %add3A_435 = arith.addf %select_n3A_428, %select_n3A_434 : vector<16xf32>
        %swap3A = arith.constant 0 : i32
        %swap3A_436 = arith.constant 0 : i32
        %swap3A_437 = arith.constant 0 : i32
        %swap3A_438 = tpu.memref_slice %run_scoped3A_8[%rem3A_193, %swap3A_436, %swap3A_437] : memref<2x64x16xf32, #tpu.memory_space<vmem>> -> memref<1x64x16xf32, #tpu.memory_space<vmem>>
        %swap3A_439 = tpu.memref_squeeze %swap3A_438 : memref<1x64x16xf32, #tpu.memory_space<vmem>> -> memref<64x16xf32, #tpu.memory_space<vmem>>
        %swap3A_440 = arith.index_cast %swap3A : i32 to index
        %swap3A_441 = arith.constant 0 : index
        %swap3A_442 = tpu.vector_load %swap3A_439[%swap3A_440, %swap3A_441] {strides = array<i32>} : memref<64x16xf32, #tpu.memory_space<vmem>>, vector<1x16xf32>,
        %swap3A_443 = vector.shape_cast %swap3A_442 : vector<1x16xf32> to vector<16xf32>
        %swap3A_444 = vector.shape_cast %add3A_435 : vector<16xf32> to vector<1x16xf32>
        tpu.vector_store %swap3A_439[%swap3A_440, %swap3A_441], %swap3A_444 {strides = array<i32>} : memref<64x16xf32, #tpu.memory_space<vmem>>, vector<1x16xf32>,
        %eq3A_445 = arith.constant 1 : i32
        %eq3A_446 = vector.broadcast %eq3A_445 : i32 to vector<16xi32>
        %eq3A_447 = arith.cmpi eq, %select_n3A_328, %eq3A_446 : vector<16xi32>
        %jit3A_448 = arith.constant 0.000000e+00 : f32
        %broadcast_in_dim3A_449 = vector.broadcast %jit3A_448 : f32 to vector<16xf32>
        %select_n3A_450 = arith.select %eq3A_447, %mul3A_421, %broadcast_in_dim3A_449 : vector<16xi1>, vector<16xf32>
        %eq3A_451 = arith.constant 1 : i32
        %eq3A_452 = vector.broadcast %eq3A_451 : i32 to vector<16xi32>
        %eq3A_453 = arith.cmpi eq, %select_n3A_420, %eq3A_452 : vector<16xi32>
        %jit3A_454 = arith.constant 0.000000e+00 : f32
        %broadcast_in_dim3A_455 = vector.broadcast %jit3A_454 : f32 to vector<16xf32>
        %select_n3A_456 = arith.select %eq3A_453, %mul3A_422, %broadcast_in_dim3A_455 : vector<16xi1>, vector<16xf32>
        %add3A_457 = arith.addf %select_n3A_450, %select_n3A_456 : vector<16xf32>
        %swap3A_458 = arith.constant 1 : i32
        %swap3A_459 = arith.constant 0 : i32
        %swap3A_460 = arith.constant 0 : i32
        %swap3A_461 = tpu.memref_slice %run_scoped3A_8[%rem3A_193, %swap3A_459, %swap3A_460] : memref<2x64x16xf32, #tpu.memory_space<vmem>> -> memref<1x64x16xf32, #tpu.memory_space<vmem>>
        %swap3A_462 = tpu.memref_squeeze %swap3A_461 : memref<1x64x16xf32, #tpu.memory_space<vmem>> -> memref<64x16xf32, #tpu.memory_space<vmem>>
        %swap3A_463 = arith.index_cast %swap3A_458 : i32 to index
        %swap3A_464 = arith.constant 0 : index
        %swap3A_465 = tpu.vector_load %swap3A_462[%swap3A_463, %swap3A_464] {strides = array<i32>} : memref<64x16xf32, #tpu.memory_space<vmem>>, vector<1x16xf32>,
        %swap3A_466 = vector.shape_cast %swap3A_465 : vector<1x16xf32> to vector<16xf32>
        %swap3A_467 = vector.shape_cast %add3A_457 : vector<16xf32> to vector<1x16xf32>
        tpu.vector_store %swap3A_462[%swap3A_463, %swap3A_464], %swap3A_467 {strides = array<i32>} : memref<64x16xf32, #tpu.memory_space<vmem>>, vector<1x16xf32>,
        %eq3A_468 = arith.constant 2 : i32
        %eq3A_469 = vector.broadcast %eq3A_468 : i32 to vector<16xi32>
        %eq3A_470 = arith.cmpi eq, %select_n3A_328, %eq3A_469 : vector<16xi32>
        %jit3A_471 = arith.constant 0.000000e+00 : f32
        %broadcast_in_dim3A_472 = vector.broadcast %jit3A_471 : f32 to vector<16xf32>
        %select_n3A_473 = arith.select %eq3A_470, %mul3A_421, %broadcast_in_dim3A_472 : vector<16xi1>, vector<16xf32>
        %eq3A_474 = arith.constant 2 : i32
        %eq3A_475 = vector.broadcast %eq3A_474 : i32 to vector<16xi32>
        %eq3A_476 = arith.cmpi eq, %select_n3A_420, %eq3A_475 : vector<16xi32>
        %jit3A_477 = arith.constant 0.000000e+00 : f32
        %broadcast_in_dim3A_478 = vector.broadcast %jit3A_477 : f32 to vector<16xf32>
        %select_n3A_479 = arith.select %eq3A_476, %mul3A_422, %broadcast_in_dim3A_478 : vector<16xi1>, vector<16xf32>
        %add3A_480 = arith.addf %select_n3A_473, %select_n3A_479 : vector<16xf32>
        %swap3A_481 = arith.constant 2 : i32
        %swap3A_482 = arith.constant 0 : i32
        %swap3A_483 = arith.constant 0 : i32
        %swap3A_484 = tpu.memref_slice %run_scoped3A_8[%rem3A_193, %swap3A_482, %swap3A_483] : memref<2x64x16xf32, #tpu.memory_space<vmem>> -> memref<1x64x16xf32, #tpu.memory_space<vmem>>
        %swap3A_485 = tpu.memref_squeeze %swap3A_484 : memref<1x64x16xf32, #tpu.memory_space<vmem>> -> memref<64x16xf32, #tpu.memory_space<vmem>>
        %swap3A_486 = arith.index_cast %swap3A_481 : i32 to index
        %swap3A_487 = arith.constant 0 : index
        %swap3A_488 = tpu.vector_load %swap3A_485[%swap3A_486, %swap3A_487] {strides = array<i32>} : memref<64x16xf32, #tpu.memory_space<vmem>>, vector<1x16xf32>,
        %swap3A_489 = vector.shape_cast %swap3A_488 : vector<1x16xf32> to vector<16xf32>
        %swap3A_490 = vector.shape_cast %add3A_480 : vector<16xf32> to vector<1x16xf32>
        tpu.vector_store %swap3A_485[%swap3A_486, %swap3A_487], %swap3A_490 {strides = array<i32>} : memref<64x16xf32, #tpu.memory_space<vmem>>, vector<1x16xf32>,
        %eq3A_491 = arith.constant 3 : i32
        %eq3A_492 = vector.broadcast %eq3A_491 : i32 to vector<16xi32>
        %eq3A_493 = arith.cmpi eq, %select_n3A_328, %eq3A_492 : vector<16xi32>
        %jit3A_494 = arith.constant 0.000000e+00 : f32
        %broadcast_in_dim3A_495 = vector.broadcast %jit3A_494 : f32 to vector<16xf32>
        %select_n3A_496 = arith.select %eq3A_493, %mul3A_421, %broadcast_in_dim3A_495 : vector<16xi1>, vector<16xf32>
        %eq3A_497 = arith.constant 3 : i32
        %eq3A_498 = vector.broadcast %eq3A_497 : i32 to vector<16xi32>
        %eq3A_499 = arith.cmpi eq, %select_n3A_420, %eq3A_498 : vector<16xi32>
        %jit3A_500 = arith.constant 0.000000e+00 : f32
        %broadcast_in_dim3A_501 = vector.broadcast %jit3A_500 : f32 to vector<16xf32>
        %select_n3A_502 = arith.select %eq3A_499, %mul3A_422, %broadcast_in_dim3A_501 : vector<16xi1>, vector<16xf32>
        %add3A_503 = arith.addf %select_n3A_496, %select_n3A_502 : vector<16xf32>
        %swap3A_504 = arith.constant 3 : i32
        %swap3A_505 = arith.constant 0 : i32
        %swap3A_506 = arith.constant 0 : i32
        %swap3A_507 = tpu.memref_slice %run_scoped3A_8[%rem3A_193, %swap3A_505, %swap3A_506] : memref<2x64x16xf32, #tpu.memory_space<vmem>> -> memref<1x64x16xf32, #tpu.memory_space<vmem>>
        %swap3A_508 = tpu.memref_squeeze %swap3A_507 : memref<1x64x16xf32, #tpu.memory_space<vmem>> -> memref<64x16xf32, #tpu.memory_space<vmem>>
        %swap3A_509 = arith.index_cast %swap3A_504 : i32 to index
        %swap3A_510 = arith.constant 0 : index
        %swap3A_511 = tpu.vector_load %swap3A_508[%swap3A_509, %swap3A_510] {strides = array<i32>} : memref<64x16xf32, #tpu.memory_space<vmem>>, vector<1x16xf32>,
        %swap3A_512 = vector.shape_cast %swap3A_511 : vector<1x16xf32> to vector<16xf32>
        %swap3A_513 = vector.shape_cast %add3A_503 : vector<16xf32> to vector<1x16xf32>
        tpu.vector_store %swap3A_508[%swap3A_509, %swap3A_510], %swap3A_513 {strides = array<i32>} : memref<64x16xf32, #tpu.memory_space<vmem>>, vector<1x16xf32>,
        %eq3A_514 = arith.constant 4 : i32
        %eq3A_515 = vector.broadcast %eq3A_514 : i32 to vector<16xi32>
        %eq3A_516 = arith.cmpi eq, %select_n3A_328, %eq3A_515 : vector<16xi32>
        %jit3A_517 = arith.constant 0.000000e+00 : f32
        %broadcast_in_dim3A_518 = vector.broadcast %jit3A_517 : f32 to vector<16xf32>
        %select_n3A_519 = arith.select %eq3A_516, %mul3A_421, %broadcast_in_dim3A_518 : vector<16xi1>, vector<16xf32>
        %eq3A_520 = arith.constant 4 : i32
        %eq3A_521 = vector.broadcast %eq3A_520 : i32 to vector<16xi32>
        %eq3A_522 = arith.cmpi eq, %select_n3A_420, %eq3A_521 : vector<16xi32>
        %jit3A_523 = arith.constant 0.000000e+00 : f32
        %broadcast_in_dim3A_524 = vector.broadcast %jit3A_523 : f32 to vector<16xf32>
        %select_n3A_525 = arith.select %eq3A_522, %mul3A_422, %broadcast_in_dim3A_524 : vector<16xi1>, vector<16xf32>
        %add3A_526 = arith.addf %select_n3A_519, %select_n3A_525 : vector<16xf32>
        %swap3A_527 = arith.constant 4 : i32
        %swap3A_528 = arith.constant 0 : i32
        %swap3A_529 = arith.constant 0 : i32
        %swap3A_530 = tpu.memref_slice %run_scoped3A_8[%rem3A_193, %swap3A_528, %swap3A_529] : memref<2x64x16xf32, #tpu.memory_space<vmem>> -> memref<1x64x16xf32, #tpu.memory_space<vmem>>
        %swap3A_531 = tpu.memref_squeeze %swap3A_530 : memref<1x64x16xf32, #tpu.memory_space<vmem>> -> memref<64x16xf32, #tpu.memory_space<vmem>>
        %swap3A_532 = arith.index_cast %swap3A_527 : i32 to index
        %swap3A_533 = arith.constant 0 : index
        %swap3A_534 = tpu.vector_load %swap3A_531[%swap3A_532, %swap3A_533] {strides = array<i32>} : memref<64x16xf32, #tpu.memory_space<vmem>>, vector<1x16xf32>,
        %swap3A_535 = vector.shape_cast %swap3A_534 : vector<1x16xf32> to vector<16xf32>
        %swap3A_536 = vector.shape_cast %add3A_526 : vector<16xf32> to vector<1x16xf32>
        tpu.vector_store %swap3A_531[%swap3A_532, %swap3A_533], %swap3A_536 {strides = array<i32>} : memref<64x16xf32, #tpu.memory_space<vmem>>, vector<1x16xf32>,
        %eq3A_537 = arith.constant 5 : i32
        %eq3A_538 = vector.broadcast %eq3A_537 : i32 to vector<16xi32>
        %eq3A_539 = arith.cmpi eq, %select_n3A_328, %eq3A_538 : vector<16xi32>
        %jit3A_540 = arith.constant 0.000000e+00 : f32
        %broadcast_in_dim3A_541 = vector.broadcast %jit3A_540 : f32 to vector<16xf32>
        %select_n3A_542 = arith.select %eq3A_539, %mul3A_421, %broadcast_in_dim3A_541 : vector<16xi1>, vector<16xf32>
        %eq3A_543 = arith.constant 5 : i32
        %eq3A_544 = vector.broadcast %eq3A_543 : i32 to vector<16xi32>
        %eq3A_545 = arith.cmpi eq, %select_n3A_420, %eq3A_544 : vector<16xi32>
        %jit3A_546 = arith.constant 0.000000e+00 : f32
        %broadcast_in_dim3A_547 = vector.broadcast %jit3A_546 : f32 to vector<16xf32>
        %select_n3A_548 = arith.select %eq3A_545, %mul3A_422, %broadcast_in_dim3A_547 : vector<16xi1>, vector<16xf32>
        %add3A_549 = arith.addf %select_n3A_542, %select_n3A_548 : vector<16xf32>
        %swap3A_550 = arith.constant 5 : i32
        %swap3A_551 = arith.constant 0 : i32
        %swap3A_552 = arith.constant 0 : i32
        %swap3A_553 = tpu.memref_slice %run_scoped3A_8[%rem3A_193, %swap3A_551, %swap3A_552] : memref<2x64x16xf32, #tpu.memory_space<vmem>> -> memref<1x64x16xf32, #tpu.memory_space<vmem>>
        %swap3A_554 = tpu.memref_squeeze %swap3A_553 : memref<1x64x16xf32, #tpu.memory_space<vmem>> -> memref<64x16xf32, #tpu.memory_space<vmem>>
        %swap3A_555 = arith.index_cast %swap3A_550 : i32 to index
        %swap3A_556 = arith.constant 0 : index
        %swap3A_557 = tpu.vector_load %swap3A_554[%swap3A_555, %swap3A_556] {strides = array<i32>} : memref<64x16xf32, #tpu.memory_space<vmem>>, vector<1x16xf32>,
        %swap3A_558 = vector.shape_cast %swap3A_557 : vector<1x16xf32> to vector<16xf32>
        %swap3A_559 = vector.shape_cast %add3A_549 : vector<16xf32> to vector<1x16xf32>
        tpu.vector_store %swap3A_554[%swap3A_555, %swap3A_556], %swap3A_559 {strides = array<i32>} : memref<64x16xf32, #tpu.memory_space<vmem>>, vector<1x16xf32>,
        %eq3A_560 = arith.constant 6 : i32
        %eq3A_561 = vector.broadcast %eq3A_560 : i32 to vector<16xi32>
        %eq3A_562 = arith.cmpi eq, %select_n3A_328, %eq3A_561 : vector<16xi32>
        %jit3A_563 = arith.constant 0.000000e+00 : f32
        %broadcast_in_dim3A_564 = vector.broadcast %jit3A_563 : f32 to vector<16xf32>
        %select_n3A_565 = arith.select %eq3A_562, %mul3A_421, %broadcast_in_dim3A_564 : vector<16xi1>, vector<16xf32>
        %eq3A_566 = arith.constant 6 : i32
        %eq3A_567 = vector.broadcast %eq3A_566 : i32 to vector<16xi32>
        %eq3A_568 = arith.cmpi eq, %select_n3A_420, %eq3A_567 : vector<16xi32>
        %jit3A_569 = arith.constant 0.000000e+00 : f32
        %broadcast_in_dim3A_570 = vector.broadcast %jit3A_569 : f32 to vector<16xf32>
        %select_n3A_571 = arith.select %eq3A_568, %mul3A_422, %broadcast_in_dim3A_570 : vector<16xi1>, vector<16xf32>
        %add3A_572 = arith.addf %select_n3A_565, %select_n3A_571 : vector<16xf32>
        %swap3A_573 = arith.constant 6 : i32
        %swap3A_574 = arith.constant 0 : i32
        %swap3A_575 = arith.constant 0 : i32
        %swap3A_576 = tpu.memref_slice %run_scoped3A_8[%rem3A_193, %swap3A_574, %swap3A_575] : memref<2x64x16xf32, #tpu.memory_space<vmem>> -> memref<1x64x16xf32, #tpu.memory_space<vmem>>
        %swap3A_577 = tpu.memref_squeeze %swap3A_576 : memref<1x64x16xf32, #tpu.memory_space<vmem>> -> memref<64x16xf32, #tpu.memory_space<vmem>>
        %swap3A_578 = arith.index_cast %swap3A_573 : i32 to index
        %swap3A_579 = arith.constant 0 : index
        %swap3A_580 = tpu.vector_load %swap3A_577[%swap3A_578, %swap3A_579] {strides = array<i32>} : memref<64x16xf32, #tpu.memory_space<vmem>>, vector<1x16xf32>,
        %swap3A_581 = vector.shape_cast %swap3A_580 : vector<1x16xf32> to vector<16xf32>
        %swap3A_582 = vector.shape_cast %add3A_572 : vector<16xf32> to vector<1x16xf32>
        tpu.vector_store %swap3A_577[%swap3A_578, %swap3A_579], %swap3A_582 {strides = array<i32>} : memref<64x16xf32, #tpu.memory_space<vmem>>, vector<1x16xf32>,
        %eq3A_583 = arith.constant 7 : i32
        %eq3A_584 = vector.broadcast %eq3A_583 : i32 to vector<16xi32>
        %eq3A_585 = arith.cmpi eq, %select_n3A_328, %eq3A_584 : vector<16xi32>
        %jit3A_586 = arith.constant 0.000000e+00 : f32
        %broadcast_in_dim3A_587 = vector.broadcast %jit3A_586 : f32 to vector<16xf32>
        %select_n3A_588 = arith.select %eq3A_585, %mul3A_421, %broadcast_in_dim3A_587 : vector<16xi1>, vector<16xf32>
        %eq3A_589 = arith.constant 7 : i32
        %eq3A_590 = vector.broadcast %eq3A_589 : i32 to vector<16xi32>
        %eq3A_591 = arith.cmpi eq, %select_n3A_420, %eq3A_590 : vector<16xi32>
        %jit3A_592 = arith.constant 0.000000e+00 : f32
        %broadcast_in_dim3A_593 = vector.broadcast %jit3A_592 : f32 to vector<16xf32>
        %select_n3A_594 = arith.select %eq3A_591, %mul3A_422, %broadcast_in_dim3A_593 : vector<16xi1>, vector<16xf32>
        %add3A_595 = arith.addf %select_n3A_588, %select_n3A_594 : vector<16xf32>
        %swap3A_596 = arith.constant 7 : i32
        %swap3A_597 = arith.constant 0 : i32
        %swap3A_598 = arith.constant 0 : i32
        %swap3A_599 = tpu.memref_slice %run_scoped3A_8[%rem3A_193, %swap3A_597, %swap3A_598] : memref<2x64x16xf32, #tpu.memory_space<vmem>> -> memref<1x64x16xf32, #tpu.memory_space<vmem>>
        %swap3A_600 = tpu.memref_squeeze %swap3A_599 : memref<1x64x16xf32, #tpu.memory_space<vmem>> -> memref<64x16xf32, #tpu.memory_space<vmem>>
        %swap3A_601 = arith.index_cast %swap3A_596 : i32 to index
        %swap3A_602 = arith.constant 0 : index
        %swap3A_603 = tpu.vector_load %swap3A_600[%swap3A_601, %swap3A_602] {strides = array<i32>} : memref<64x16xf32, #tpu.memory_space<vmem>>, vector<1x16xf32>,
        %swap3A_604 = vector.shape_cast %swap3A_603 : vector<1x16xf32> to vector<16xf32>
        %swap3A_605 = vector.shape_cast %add3A_595 : vector<16xf32> to vector<1x16xf32>
        tpu.vector_store %swap3A_600[%swap3A_601, %swap3A_602], %swap3A_605 {strides = array<i32>} : memref<64x16xf32, #tpu.memory_space<vmem>>, vector<1x16xf32>,
        %get3A_606 = arith.constant 8 : i32
        %get3A_607 = arith.constant 0 : i32
        %get3A_608 = arith.constant 0 : i32
        %get3A_609 = tpu.memref_slice %run_scoped3A[%rem3A_191, %get3A_607, %get3A_608] : memref<2x64x16xf32, #tpu.memory_space<vmem>> -> memref<1x64x16xf32, #tpu.memory_space<vmem>>
        %get3A_610 = tpu.memref_squeeze %get3A_609 : memref<1x64x16xf32, #tpu.memory_space<vmem>> -> memref<64x16xf32, #tpu.memory_space<vmem>>
        %get3A_611 = arith.index_cast %get3A_606 : i32 to index
        %get3A_612 = arith.constant 0 : index
        %get3A_613 = tpu.vector_load %get3A_610[%get3A_611, %get3A_612] {strides = array<i32>} : memref<64x16xf32, #tpu.memory_space<vmem>>, vector<1x16xf32>,
        %get3A_614 = vector.shape_cast %get3A_613 : vector<1x16xf32> to vector<16xf32>
        %get3A_615 = arith.constant 9 : i32
        %get3A_616 = arith.constant 0 : i32
        %get3A_617 = arith.constant 0 : i32
        %get3A_618 = tpu.memref_slice %run_scoped3A[%rem3A_191, %get3A_616, %get3A_617] : memref<2x64x16xf32, #tpu.memory_space<vmem>> -> memref<1x64x16xf32, #tpu.memory_space<vmem>>
        %get3A_619 = tpu.memref_squeeze %get3A_618 : memref<1x64x16xf32, #tpu.memory_space<vmem>> -> memref<64x16xf32, #tpu.memory_space<vmem>>
        %get3A_620 = arith.index_cast %get3A_615 : i32 to index
        %get3A_621 = arith.constant 0 : index
        %get3A_622 = tpu.vector_load %get3A_619[%get3A_620, %get3A_621] {strides = array<i32>} : memref<64x16xf32, #tpu.memory_space<vmem>>, vector<1x16xf32>,
        %get3A_623 = vector.shape_cast %get3A_622 : vector<1x16xf32> to vector<16xf32>
        %get3A_624 = arith.constant 10 : i32
        %get3A_625 = arith.constant 0 : i32
        %get3A_626 = arith.constant 0 : i32
        %get3A_627 = tpu.memref_slice %run_scoped3A[%rem3A_191, %get3A_625, %get3A_626] : memref<2x64x16xf32, #tpu.memory_space<vmem>> -> memref<1x64x16xf32, #tpu.memory_space<vmem>>
        %get3A_628 = tpu.memref_squeeze %get3A_627 : memref<1x64x16xf32, #tpu.memory_space<vmem>> -> memref<64x16xf32, #tpu.memory_space<vmem>>
        %get3A_629 = arith.index_cast %get3A_624 : i32 to index
        %get3A_630 = arith.constant 0 : index
        %get3A_631 = tpu.vector_load %get3A_628[%get3A_629, %get3A_630] {strides = array<i32>} : memref<64x16xf32, #tpu.memory_space<vmem>>, vector<1x16xf32>,
        %get3A_632 = vector.shape_cast %get3A_631 : vector<1x16xf32> to vector<16xf32>
        %get3A_633 = arith.constant 11 : i32
        %get3A_634 = arith.constant 0 : i32
        %get3A_635 = arith.constant 0 : i32
        %get3A_636 = tpu.memref_slice %run_scoped3A[%rem3A_191, %get3A_634, %get3A_635] : memref<2x64x16xf32, #tpu.memory_space<vmem>> -> memref<1x64x16xf32, #tpu.memory_space<vmem>>
        %get3A_637 = tpu.memref_squeeze %get3A_636 : memref<1x64x16xf32, #tpu.memory_space<vmem>> -> memref<64x16xf32, #tpu.memory_space<vmem>>
        %get3A_638 = arith.index_cast %get3A_633 : i32 to index
        %get3A_639 = arith.constant 0 : index
        %get3A_640 = tpu.vector_load %get3A_637[%get3A_638, %get3A_639] {strides = array<i32>} : memref<64x16xf32, #tpu.memory_space<vmem>>, vector<1x16xf32>,
        %get3A_641 = vector.shape_cast %get3A_640 : vector<1x16xf32> to vector<16xf32>
        %get3A_642 = arith.constant 12 : i32
        %get3A_643 = arith.constant 0 : i32
        %get3A_644 = arith.constant 0 : i32
        %get3A_645 = tpu.memref_slice %run_scoped3A[%rem3A_191, %get3A_643, %get3A_644] : memref<2x64x16xf32, #tpu.memory_space<vmem>> -> memref<1x64x16xf32, #tpu.memory_space<vmem>>
        %get3A_646 = tpu.memref_squeeze %get3A_645 : memref<1x64x16xf32, #tpu.memory_space<vmem>> -> memref<64x16xf32, #tpu.memory_space<vmem>>
        %get3A_647 = arith.index_cast %get3A_642 : i32 to index
        %get3A_648 = arith.constant 0 : index
        %get3A_649 = tpu.vector_load %get3A_646[%get3A_647, %get3A_648] {strides = array<i32>} : memref<64x16xf32, #tpu.memory_space<vmem>>, vector<1x16xf32>,
        %get3A_650 = vector.shape_cast %get3A_649 : vector<1x16xf32> to vector<16xf32>
        %get3A_651 = arith.constant 13 : i32
        %get3A_652 = arith.constant 0 : i32
        %get3A_653 = arith.constant 0 : i32
        %get3A_654 = tpu.memref_slice %run_scoped3A[%rem3A_191, %get3A_652, %get3A_653] : memref<2x64x16xf32, #tpu.memory_space<vmem>> -> memref<1x64x16xf32, #tpu.memory_space<vmem>>
        %get3A_655 = tpu.memref_squeeze %get3A_654 : memref<1x64x16xf32, #tpu.memory_space<vmem>> -> memref<64x16xf32, #tpu.memory_space<vmem>>
        %get3A_656 = arith.index_cast %get3A_651 : i32 to index
        %get3A_657 = arith.constant 0 : index
        %get3A_658 = tpu.vector_load %get3A_655[%get3A_656, %get3A_657] {strides = array<i32>} : memref<64x16xf32, #tpu.memory_space<vmem>>, vector<1x16xf32>,
        %get3A_659 = vector.shape_cast %get3A_658 : vector<1x16xf32> to vector<16xf32>
        %get3A_660 = arith.constant 14 : i32
        %get3A_661 = arith.constant 0 : i32
        %get3A_662 = arith.constant 0 : i32
        %get3A_663 = tpu.memref_slice %run_scoped3A[%rem3A_191, %get3A_661, %get3A_662] : memref<2x64x16xf32, #tpu.memory_space<vmem>> -> memref<1x64x16xf32, #tpu.memory_space<vmem>>
        %get3A_664 = tpu.memref_squeeze %get3A_663 : memref<1x64x16xf32, #tpu.memory_space<vmem>> -> memref<64x16xf32, #tpu.memory_space<vmem>>
        %get3A_665 = arith.index_cast %get3A_660 : i32 to index
        %get3A_666 = arith.constant 0 : index
        %get3A_667 = tpu.vector_load %get3A_664[%get3A_665, %get3A_666] {strides = array<i32>} : memref<64x16xf32, #tpu.memory_space<vmem>>, vector<1x16xf32>,
        %get3A_668 = vector.shape_cast %get3A_667 : vector<1x16xf32> to vector<16xf32>
        %get3A_669 = arith.constant 15 : i32
        %get3A_670 = arith.constant 0 : i32
        %get3A_671 = arith.constant 0 : i32
        %get3A_672 = tpu.memref_slice %run_scoped3A[%rem3A_191, %get3A_670, %get3A_671] : memref<2x64x16xf32, #tpu.memory_space<vmem>> -> memref<1x64x16xf32, #tpu.memory_space<vmem>>
        %get3A_673 = tpu.memref_squeeze %get3A_672 : memref<1x64x16xf32, #tpu.memory_space<vmem>> -> memref<64x16xf32, #tpu.memory_space<vmem>>
        %get3A_674 = arith.index_cast %get3A_669 : i32 to index
        %get3A_675 = arith.constant 0 : index
        %get3A_676 = tpu.vector_load %get3A_673[%get3A_674, %get3A_675] {strides = array<i32>} : memref<64x16xf32, #tpu.memory_space<vmem>>, vector<1x16xf32>,
        %get3A_677 = vector.shape_cast %get3A_676 : vector<1x16xf32> to vector<16xf32>
        %max3A_678 = arith.maximumf %get3A_614, %get3A_623 : vector<16xf32>
        %max3A_679 = arith.maximumf %max3A_678, %get3A_632 : vector<16xf32>
        %max3A_680 = arith.maximumf %max3A_679, %get3A_641 : vector<16xf32>
        %max3A_681 = arith.maximumf %max3A_680, %get3A_650 : vector<16xf32>
        %max3A_682 = arith.maximumf %max3A_681, %get3A_659 : vector<16xf32>
        %max3A_683 = arith.maximumf %max3A_682, %get3A_668 : vector<16xf32>
        %max3A_684 = arith.maximumf %max3A_683, %get3A_677 : vector<16xf32>
        %sub3A_685 = arith.subf %get3A_614, %max3A_684 : vector<16xf32>
        %exp3A_686 = math.exp %sub3A_685 : vector<16xf32>
        %sub3A_687 = arith.subf %get3A_623, %max3A_684 : vector<16xf32>
        %exp3A_688 = math.exp %sub3A_687 : vector<16xf32>
        %sub3A_689 = arith.subf %get3A_632, %max3A_684 : vector<16xf32>
        %exp3A_690 = math.exp %sub3A_689 : vector<16xf32>
        %sub3A_691 = arith.subf %get3A_641, %max3A_684 : vector<16xf32>
        %exp3A_692 = math.exp %sub3A_691 : vector<16xf32>
        %sub3A_693 = arith.subf %get3A_650, %max3A_684 : vector<16xf32>
        %exp3A_694 = math.exp %sub3A_693 : vector<16xf32>
        %sub3A_695 = arith.subf %get3A_659, %max3A_684 : vector<16xf32>
        %exp3A_696 = math.exp %sub3A_695 : vector<16xf32>
        %sub3A_697 = arith.subf %get3A_668, %max3A_684 : vector<16xf32>
        %exp3A_698 = math.exp %sub3A_697 : vector<16xf32>
        %sub3A_699 = arith.subf %get3A_677, %max3A_684 : vector<16xf32>
        %exp3A_700 = math.exp %sub3A_699 : vector<16xf32>
        %add3A_701 = arith.addf %exp3A_686, %exp3A_688 : vector<16xf32>
        %add3A_702 = arith.addf %add3A_701, %exp3A_690 : vector<16xf32>
        %add3A_703 = arith.addf %add3A_702, %exp3A_692 : vector<16xf32>
        %add3A_704 = arith.addf %add3A_703, %exp3A_694 : vector<16xf32>
        %add3A_705 = arith.addf %add3A_704, %exp3A_696 : vector<16xf32>
        %add3A_706 = arith.addf %add3A_705, %exp3A_698 : vector<16xf32>
        %add3A_707 = arith.addf %add3A_706, %exp3A_700 : vector<16xf32>
        %div3A_708 = arith.constant 1.000000e+00 : f32
        %div3A_709 = vector.broadcast %div3A_708 : f32 to vector<16xf32>
        %div3A_710 = arith.divf %div3A_709, %add3A_707 : vector<16xf32>
        %broadcast_in_dim3A_711 = arith.constant 0 : i32
        %broadcast_in_dim3A_712 = vector.broadcast %broadcast_in_dim3A_711 : i32 to vector<16xi32>
        %gt3A_713 = arith.cmpf ogt, %exp3A_688, %exp3A_686 : vector<16xf32>
        %select_n3A_714 = arith.select %gt3A_713, %exp3A_688, %exp3A_686 : vector<16xi1>, vector<16xf32>
        %jit3A_715 = arith.constant 1 : i32
        %broadcast_in_dim3A_716 = vector.broadcast %jit3A_715 : i32 to vector<16xi32>
        %select_n3A_717 = arith.select %gt3A_713, %broadcast_in_dim3A_716, %broadcast_in_dim3A_712 : vector<16xi1>, vector<16xi32>
        %gt3A_718 = arith.cmpf ogt, %exp3A_690, %select_n3A_714 : vector<16xf32>
        %select_n3A_719 = arith.select %gt3A_718, %exp3A_690, %select_n3A_714 : vector<16xi1>, vector<16xf32>
        %jit3A_720 = arith.constant 2 : i32
        %broadcast_in_dim3A_721 = vector.broadcast %jit3A_720 : i32 to vector<16xi32>
        %select_n3A_722 = arith.select %gt3A_718, %broadcast_in_dim3A_721, %select_n3A_717 : vector<16xi1>, vector<16xi32>
        %gt3A_723 = arith.cmpf ogt, %exp3A_692, %select_n3A_719 : vector<16xf32>
        %select_n3A_724 = arith.select %gt3A_723, %exp3A_692, %select_n3A_719 : vector<16xi1>, vector<16xf32>
        %jit3A_725 = arith.constant 3 : i32
        %broadcast_in_dim3A_726 = vector.broadcast %jit3A_725 : i32 to vector<16xi32>
        %select_n3A_727 = arith.select %gt3A_723, %broadcast_in_dim3A_726, %select_n3A_722 : vector<16xi1>, vector<16xi32>
        %gt3A_728 = arith.cmpf ogt, %exp3A_694, %select_n3A_724 : vector<16xf32>
        %select_n3A_729 = arith.select %gt3A_728, %exp3A_694, %select_n3A_724 : vector<16xi1>, vector<16xf32>
        %jit3A_730 = arith.constant 4 : i32
        %broadcast_in_dim3A_731 = vector.broadcast %jit3A_730 : i32 to vector<16xi32>
        %select_n3A_732 = arith.select %gt3A_728, %broadcast_in_dim3A_731, %select_n3A_727 : vector<16xi1>, vector<16xi32>
        %gt3A_733 = arith.cmpf ogt, %exp3A_696, %select_n3A_729 : vector<16xf32>
        %select_n3A_734 = arith.select %gt3A_733, %exp3A_696, %select_n3A_729 : vector<16xi1>, vector<16xf32>
        %jit3A_735 = arith.constant 5 : i32
        %broadcast_in_dim3A_736 = vector.broadcast %jit3A_735 : i32 to vector<16xi32>
        %select_n3A_737 = arith.select %gt3A_733, %broadcast_in_dim3A_736, %select_n3A_732 : vector<16xi1>, vector<16xi32>
        %gt3A_738 = arith.cmpf ogt, %exp3A_698, %select_n3A_734 : vector<16xf32>
        %select_n3A_739 = arith.select %gt3A_738, %exp3A_698, %select_n3A_734 : vector<16xi1>, vector<16xf32>
        %jit3A_740 = arith.constant 6 : i32
        %broadcast_in_dim3A_741 = vector.broadcast %jit3A_740 : i32 to vector<16xi32>
        %select_n3A_742 = arith.select %gt3A_738, %broadcast_in_dim3A_741, %select_n3A_737 : vector<16xi1>, vector<16xi32>
        %gt3A_743 = arith.cmpf ogt, %exp3A_700, %select_n3A_739 : vector<16xf32>
        %select_n3A_744 = arith.select %gt3A_743, %exp3A_700, %select_n3A_739 : vector<16xi1>, vector<16xf32>
        %jit3A_745 = arith.constant 7 : i32
        %broadcast_in_dim3A_746 = vector.broadcast %jit3A_745 : i32 to vector<16xi32>
        %select_n3A_747 = arith.select %gt3A_743, %broadcast_in_dim3A_746, %select_n3A_742 : vector<16xi1>, vector<16xi32>
        %broadcast_in_dim3A_748 = arith.constant -1.000000e+00 : f32
        %broadcast_in_dim3A_749 = vector.broadcast %broadcast_in_dim3A_748 : f32 to vector<16xf32>
        %broadcast_in_dim3A_750 = arith.constant 0 : i32
        %broadcast_in_dim3A_751 = vector.broadcast %broadcast_in_dim3A_750 : i32 to vector<16xi32>
        %eq3A_752 = arith.constant 0 : i32
        %eq3A_753 = vector.broadcast %eq3A_752 : i32 to vector<16xi32>
        %eq3A_754 = arith.cmpi eq, %select_n3A_747, %eq3A_753 : vector<16xi32>
        %jit3A_755 = arith.constant -1.000000e+00 : f32
        %broadcast_in_dim3A_756 = vector.broadcast %jit3A_755 : f32 to vector<16xf32>
        %select_n3A_757 = arith.select %eq3A_754, %broadcast_in_dim3A_756, %exp3A_686 : vector<16xi1>, vector<16xf32>
        %gt3A_758 = arith.cmpf ogt, %select_n3A_757, %broadcast_in_dim3A_749 : vector<16xf32>
        %select_n3A_759 = arith.select %gt3A_758, %select_n3A_757, %broadcast_in_dim3A_749 : vector<16xi1>, vector<16xf32>
        %jit3A_760 = arith.constant 0 : i32
        %broadcast_in_dim3A_761 = vector.broadcast %jit3A_760 : i32 to vector<16xi32>
        %select_n3A_762 = arith.select %gt3A_758, %broadcast_in_dim3A_761, %broadcast_in_dim3A_751 : vector<16xi1>, vector<16xi32>
        %eq3A_763 = arith.constant 1 : i32
        %eq3A_764 = vector.broadcast %eq3A_763 : i32 to vector<16xi32>
        %eq3A_765 = arith.cmpi eq, %select_n3A_747, %eq3A_764 : vector<16xi32>
        %jit3A_766 = arith.constant -1.000000e+00 : f32
        %broadcast_in_dim3A_767 = vector.broadcast %jit3A_766 : f32 to vector<16xf32>
        %select_n3A_768 = arith.select %eq3A_765, %broadcast_in_dim3A_767, %exp3A_688 : vector<16xi1>, vector<16xf32>
        %gt3A_769 = arith.cmpf ogt, %select_n3A_768, %select_n3A_759 : vector<16xf32>
        %select_n3A_770 = arith.select %gt3A_769, %select_n3A_768, %select_n3A_759 : vector<16xi1>, vector<16xf32>
        %jit3A_771 = arith.constant 1 : i32
        %broadcast_in_dim3A_772 = vector.broadcast %jit3A_771 : i32 to vector<16xi32>
        %select_n3A_773 = arith.select %gt3A_769, %broadcast_in_dim3A_772, %select_n3A_762 : vector<16xi1>, vector<16xi32>
        %eq3A_774 = arith.constant 2 : i32
        %eq3A_775 = vector.broadcast %eq3A_774 : i32 to vector<16xi32>
        %eq3A_776 = arith.cmpi eq, %select_n3A_747, %eq3A_775 : vector<16xi32>
        %jit3A_777 = arith.constant -1.000000e+00 : f32
        %broadcast_in_dim3A_778 = vector.broadcast %jit3A_777 : f32 to vector<16xf32>
        %select_n3A_779 = arith.select %eq3A_776, %broadcast_in_dim3A_778, %exp3A_690 : vector<16xi1>, vector<16xf32>
        %gt3A_780 = arith.cmpf ogt, %select_n3A_779, %select_n3A_770 : vector<16xf32>
        %select_n3A_781 = arith.select %gt3A_780, %select_n3A_779, %select_n3A_770 : vector<16xi1>, vector<16xf32>
        %jit3A_782 = arith.constant 2 : i32
        %broadcast_in_dim3A_783 = vector.broadcast %jit3A_782 : i32 to vector<16xi32>
        %select_n3A_784 = arith.select %gt3A_780, %broadcast_in_dim3A_783, %select_n3A_773 : vector<16xi1>, vector<16xi32>
        %eq3A_785 = arith.constant 3 : i32
        %eq3A_786 = vector.broadcast %eq3A_785 : i32 to vector<16xi32>
        %eq3A_787 = arith.cmpi eq, %select_n3A_747, %eq3A_786 : vector<16xi32>
        %jit3A_788 = arith.constant -1.000000e+00 : f32
        %broadcast_in_dim3A_789 = vector.broadcast %jit3A_788 : f32 to vector<16xf32>
        %select_n3A_790 = arith.select %eq3A_787, %broadcast_in_dim3A_789, %exp3A_692 : vector<16xi1>, vector<16xf32>
        %gt3A_791 = arith.cmpf ogt, %select_n3A_790, %select_n3A_781 : vector<16xf32>
        %select_n3A_792 = arith.select %gt3A_791, %select_n3A_790, %select_n3A_781 : vector<16xi1>, vector<16xf32>
        %jit3A_793 = arith.constant 3 : i32
        %broadcast_in_dim3A_794 = vector.broadcast %jit3A_793 : i32 to vector<16xi32>
        %select_n3A_795 = arith.select %gt3A_791, %broadcast_in_dim3A_794, %select_n3A_784 : vector<16xi1>, vector<16xi32>
        %eq3A_796 = arith.constant 4 : i32
        %eq3A_797 = vector.broadcast %eq3A_796 : i32 to vector<16xi32>
        %eq3A_798 = arith.cmpi eq, %select_n3A_747, %eq3A_797 : vector<16xi32>
        %jit3A_799 = arith.constant -1.000000e+00 : f32
        %broadcast_in_dim3A_800 = vector.broadcast %jit3A_799 : f32 to vector<16xf32>
        %select_n3A_801 = arith.select %eq3A_798, %broadcast_in_dim3A_800, %exp3A_694 : vector<16xi1>, vector<16xf32>
        %gt3A_802 = arith.cmpf ogt, %select_n3A_801, %select_n3A_792 : vector<16xf32>
        %select_n3A_803 = arith.select %gt3A_802, %select_n3A_801, %select_n3A_792 : vector<16xi1>, vector<16xf32>
        %jit3A_804 = arith.constant 4 : i32
        %broadcast_in_dim3A_805 = vector.broadcast %jit3A_804 : i32 to vector<16xi32>
        %select_n3A_806 = arith.select %gt3A_802, %broadcast_in_dim3A_805, %select_n3A_795 : vector<16xi1>, vector<16xi32>
        %eq3A_807 = arith.constant 5 : i32
        %eq3A_808 = vector.broadcast %eq3A_807 : i32 to vector<16xi32>
        %eq3A_809 = arith.cmpi eq, %select_n3A_747, %eq3A_808 : vector<16xi32>
        %jit3A_810 = arith.constant -1.000000e+00 : f32
        %broadcast_in_dim3A_811 = vector.broadcast %jit3A_810 : f32 to vector<16xf32>
        %select_n3A_812 = arith.select %eq3A_809, %broadcast_in_dim3A_811, %exp3A_696 : vector<16xi1>, vector<16xf32>
        %gt3A_813 = arith.cmpf ogt, %select_n3A_812, %select_n3A_803 : vector<16xf32>
        %select_n3A_814 = arith.select %gt3A_813, %select_n3A_812, %select_n3A_803 : vector<16xi1>, vector<16xf32>
        %jit3A_815 = arith.constant 5 : i32
        %broadcast_in_dim3A_816 = vector.broadcast %jit3A_815 : i32 to vector<16xi32>
        %select_n3A_817 = arith.select %gt3A_813, %broadcast_in_dim3A_816, %select_n3A_806 : vector<16xi1>, vector<16xi32>
        %eq3A_818 = arith.constant 6 : i32
        %eq3A_819 = vector.broadcast %eq3A_818 : i32 to vector<16xi32>
        %eq3A_820 = arith.cmpi eq, %select_n3A_747, %eq3A_819 : vector<16xi32>
        %jit3A_821 = arith.constant -1.000000e+00 : f32
        %broadcast_in_dim3A_822 = vector.broadcast %jit3A_821 : f32 to vector<16xf32>
        %select_n3A_823 = arith.select %eq3A_820, %broadcast_in_dim3A_822, %exp3A_698 : vector<16xi1>, vector<16xf32>
        %gt3A_824 = arith.cmpf ogt, %select_n3A_823, %select_n3A_814 : vector<16xf32>
        %select_n3A_825 = arith.select %gt3A_824, %select_n3A_823, %select_n3A_814 : vector<16xi1>, vector<16xf32>
        %jit3A_826 = arith.constant 6 : i32
        %broadcast_in_dim3A_827 = vector.broadcast %jit3A_826 : i32 to vector<16xi32>
        %select_n3A_828 = arith.select %gt3A_824, %broadcast_in_dim3A_827, %select_n3A_817 : vector<16xi1>, vector<16xi32>
        %eq3A_829 = arith.constant 7 : i32
        %eq3A_830 = vector.broadcast %eq3A_829 : i32 to vector<16xi32>
        %eq3A_831 = arith.cmpi eq, %select_n3A_747, %eq3A_830 : vector<16xi32>
        %jit3A_832 = arith.constant -1.000000e+00 : f32
        %broadcast_in_dim3A_833 = vector.broadcast %jit3A_832 : f32 to vector<16xf32>
        %select_n3A_834 = arith.select %eq3A_831, %broadcast_in_dim3A_833, %exp3A_700 : vector<16xi1>, vector<16xf32>
        %gt3A_835 = arith.cmpf ogt, %select_n3A_834, %select_n3A_825 : vector<16xf32>
        %select_n3A_836 = arith.select %gt3A_835, %select_n3A_834, %select_n3A_825 : vector<16xi1>, vector<16xf32>
        %jit3A_837 = arith.constant 7 : i32
        %broadcast_in_dim3A_838 = vector.broadcast %jit3A_837 : i32 to vector<16xi32>
        %select_n3A_839 = arith.select %gt3A_835, %broadcast_in_dim3A_838, %select_n3A_828 : vector<16xi1>, vector<16xi32>
        %mul3A_840 = arith.mulf %select_n3A_744, %div3A_710 : vector<16xf32>
        %mul3A_841 = arith.mulf %select_n3A_836, %div3A_710 : vector<16xf32>
        %eq3A_842 = arith.constant 0 : i32
        %eq3A_843 = vector.broadcast %eq3A_842 : i32 to vector<16xi32>
        %eq3A_844 = arith.cmpi eq, %select_n3A_747, %eq3A_843 : vector<16xi32>
        %jit3A_845 = arith.constant 0.000000e+00 : f32
        %broadcast_in_dim3A_846 = vector.broadcast %jit3A_845 : f32 to vector<16xf32>
        %select_n3A_847 = arith.select %eq3A_844, %mul3A_840, %broadcast_in_dim3A_846 : vector<16xi1>, vector<16xf32>
        %eq3A_848 = arith.constant 0 : i32
        %eq3A_849 = vector.broadcast %eq3A_848 : i32 to vector<16xi32>
        %eq3A_850 = arith.cmpi eq, %select_n3A_839, %eq3A_849 : vector<16xi32>
        %jit3A_851 = arith.constant 0.000000e+00 : f32
        %broadcast_in_dim3A_852 = vector.broadcast %jit3A_851 : f32 to vector<16xf32>
        %select_n3A_853 = arith.select %eq3A_850, %mul3A_841, %broadcast_in_dim3A_852 : vector<16xi1>, vector<16xf32>
        %add3A_854 = arith.addf %select_n3A_847, %select_n3A_853 : vector<16xf32>
        %swap3A_855 = arith.constant 8 : i32
        %swap3A_856 = arith.constant 0 : i32
        %swap3A_857 = arith.constant 0 : i32
        %swap3A_858 = tpu.memref_slice %run_scoped3A_8[%rem3A_193, %swap3A_856, %swap3A_857] : memref<2x64x16xf32, #tpu.memory_space<vmem>> -> memref<1x64x16xf32, #tpu.memory_space<vmem>>
        %swap3A_859 = tpu.memref_squeeze %swap3A_858 : memref<1x64x16xf32, #tpu.memory_space<vmem>> -> memref<64x16xf32, #tpu.memory_space<vmem>>
        %swap3A_860 = arith.index_cast %swap3A_855 : i32 to index
        %swap3A_861 = arith.constant 0 : index
        %swap3A_862 = tpu.vector_load %swap3A_859[%swap3A_860, %swap3A_861] {strides = array<i32>} : memref<64x16xf32, #tpu.memory_space<vmem>>, vector<1x16xf32>,
        %swap3A_863 = vector.shape_cast %swap3A_862 : vector<1x16xf32> to vector<16xf32>
        %swap3A_864 = vector.shape_cast %add3A_854 : vector<16xf32> to vector<1x16xf32>
        tpu.vector_store %swap3A_859[%swap3A_860, %swap3A_861], %swap3A_864 {strides = array<i32>} : memref<64x16xf32, #tpu.memory_space<vmem>>, vector<1x16xf32>,
        %eq3A_865 = arith.constant 1 : i32
        %eq3A_866 = vector.broadcast %eq3A_865 : i32 to vector<16xi32>
        %eq3A_867 = arith.cmpi eq, %select_n3A_747, %eq3A_866 : vector<16xi32>
        %jit3A_868 = arith.constant 0.000000e+00 : f32
        %broadcast_in_dim3A_869 = vector.broadcast %jit3A_868 : f32 to vector<16xf32>
        %select_n3A_870 = arith.select %eq3A_867, %mul3A_840, %broadcast_in_dim3A_869 : vector<16xi1>, vector<16xf32>
        %eq3A_871 = arith.constant 1 : i32
        %eq3A_872 = vector.broadcast %eq3A_871 : i32 to vector<16xi32>
        %eq3A_873 = arith.cmpi eq, %select_n3A_839, %eq3A_872 : vector<16xi32>
        %jit3A_874 = arith.constant 0.000000e+00 : f32
        %broadcast_in_dim3A_875 = vector.broadcast %jit3A_874 : f32 to vector<16xf32>
        %select_n3A_876 = arith.select %eq3A_873, %mul3A_841, %broadcast_in_dim3A_875 : vector<16xi1>, vector<16xf32>
        %add3A_877 = arith.addf %select_n3A_870, %select_n3A_876 : vector<16xf32>
        %swap3A_878 = arith.constant 9 : i32
        %swap3A_879 = arith.constant 0 : i32
        %swap3A_880 = arith.constant 0 : i32
        %swap3A_881 = tpu.memref_slice %run_scoped3A_8[%rem3A_193, %swap3A_879, %swap3A_880] : memref<2x64x16xf32, #tpu.memory_space<vmem>> -> memref<1x64x16xf32, #tpu.memory_space<vmem>>
        %swap3A_882 = tpu.memref_squeeze %swap3A_881 : memref<1x64x16xf32, #tpu.memory_space<vmem>> -> memref<64x16xf32, #tpu.memory_space<vmem>>
        %swap3A_883 = arith.index_cast %swap3A_878 : i32 to index
        %swap3A_884 = arith.constant 0 : index
        %swap3A_885 = tpu.vector_load %swap3A_882[%swap3A_883, %swap3A_884] {strides = array<i32>} : memref<64x16xf32, #tpu.memory_space<vmem>>, vector<1x16xf32>,
        %swap3A_886 = vector.shape_cast %swap3A_885 : vector<1x16xf32> to vector<16xf32>
        %swap3A_887 = vector.shape_cast %add3A_877 : vector<16xf32> to vector<1x16xf32>
        tpu.vector_store %swap3A_882[%swap3A_883, %swap3A_884], %swap3A_887 {strides = array<i32>} : memref<64x16xf32, #tpu.memory_space<vmem>>, vector<1x16xf32>,
        %eq3A_888 = arith.constant 2 : i32
        %eq3A_889 = vector.broadcast %eq3A_888 : i32 to vector<16xi32>
        %eq3A_890 = arith.cmpi eq, %select_n3A_747, %eq3A_889 : vector<16xi32>
        %jit3A_891 = arith.constant 0.000000e+00 : f32
        %broadcast_in_dim3A_892 = vector.broadcast %jit3A_891 : f32 to vector<16xf32>
        %select_n3A_893 = arith.select %eq3A_890, %mul3A_840, %broadcast_in_dim3A_892 : vector<16xi1>, vector<16xf32>
        %eq3A_894 = arith.constant 2 : i32
        %eq3A_895 = vector.broadcast %eq3A_894 : i32 to vector<16xi32>
        %eq3A_896 = arith.cmpi eq, %select_n3A_839, %eq3A_895 : vector<16xi32>
        %jit3A_897 = arith.constant 0.000000e+00 : f32
        %broadcast_in_dim3A_898 = vector.broadcast %jit3A_897 : f32 to vector<16xf32>
        %select_n3A_899 = arith.select %eq3A_896, %mul3A_841, %broadcast_in_dim3A_898 : vector<16xi1>, vector<16xf32>
        %add3A_900 = arith.addf %select_n3A_893, %select_n3A_899 : vector<16xf32>
        %swap3A_901 = arith.constant 10 : i32
        %swap3A_902 = arith.constant 0 : i32
        %swap3A_903 = arith.constant 0 : i32
        %swap3A_904 = tpu.memref_slice %run_scoped3A_8[%rem3A_193, %swap3A_902, %swap3A_903] : memref<2x64x16xf32, #tpu.memory_space<vmem>> -> memref<1x64x16xf32, #tpu.memory_space<vmem>>
        %swap3A_905 = tpu.memref_squeeze %swap3A_904 : memref<1x64x16xf32, #tpu.memory_space<vmem>> -> memref<64x16xf32, #tpu.memory_space<vmem>>
        %swap3A_906 = arith.index_cast %swap3A_901 : i32 to index
        %swap3A_907 = arith.constant 0 : index
        %swap3A_908 = tpu.vector_load %swap3A_905[%swap3A_906, %swap3A_907] {strides = array<i32>} : memref<64x16xf32, #tpu.memory_space<vmem>>, vector<1x16xf32>,
        %swap3A_909 = vector.shape_cast %swap3A_908 : vector<1x16xf32> to vector<16xf32>
        %swap3A_910 = vector.shape_cast %add3A_900 : vector<16xf32> to vector<1x16xf32>
        tpu.vector_store %swap3A_905[%swap3A_906, %swap3A_907], %swap3A_910 {strides = array<i32>} : memref<64x16xf32, #tpu.memory_space<vmem>>, vector<1x16xf32>,
        %eq3A_911 = arith.constant 3 : i32
        %eq3A_912 = vector.broadcast %eq3A_911 : i32 to vector<16xi32>
        %eq3A_913 = arith.cmpi eq, %select_n3A_747, %eq3A_912 : vector<16xi32>
        %jit3A_914 = arith.constant 0.000000e+00 : f32
        %broadcast_in_dim3A_915 = vector.broadcast %jit3A_914 : f32 to vector<16xf32>
        %select_n3A_916 = arith.select %eq3A_913, %mul3A_840, %broadcast_in_dim3A_915 : vector<16xi1>, vector<16xf32>
        %eq3A_917 = arith.constant 3 : i32
        %eq3A_918 = vector.broadcast %eq3A_917 : i32 to vector<16xi32>
        %eq3A_919 = arith.cmpi eq, %select_n3A_839, %eq3A_918 : vector<16xi32>
        %jit3A_920 = arith.constant 0.000000e+00 : f32
        %broadcast_in_dim3A_921 = vector.broadcast %jit3A_920 : f32 to vector<16xf32>
        %select_n3A_922 = arith.select %eq3A_919, %mul3A_841, %broadcast_in_dim3A_921 : vector<16xi1>, vector<16xf32>
        %add3A_923 = arith.addf %select_n3A_916, %select_n3A_922 : vector<16xf32>
        %swap3A_924 = arith.constant 11 : i32
        %swap3A_925 = arith.constant 0 : i32
        %swap3A_926 = arith.constant 0 : i32
        %swap3A_927 = tpu.memref_slice %run_scoped3A_8[%rem3A_193, %swap3A_925, %swap3A_926] : memref<2x64x16xf32, #tpu.memory_space<vmem>> -> memref<1x64x16xf32, #tpu.memory_space<vmem>>
        %swap3A_928 = tpu.memref_squeeze %swap3A_927 : memref<1x64x16xf32, #tpu.memory_space<vmem>> -> memref<64x16xf32, #tpu.memory_space<vmem>>
        %swap3A_929 = arith.index_cast %swap3A_924 : i32 to index
        %swap3A_930 = arith.constant 0 : index
        %swap3A_931 = tpu.vector_load %swap3A_928[%swap3A_929, %swap3A_930] {strides = array<i32>} : memref<64x16xf32, #tpu.memory_space<vmem>>, vector<1x16xf32>,
        %swap3A_932 = vector.shape_cast %swap3A_931 : vector<1x16xf32> to vector<16xf32>
        %swap3A_933 = vector.shape_cast %add3A_923 : vector<16xf32> to vector<1x16xf32>
        tpu.vector_store %swap3A_928[%swap3A_929, %swap3A_930], %swap3A_933 {strides = array<i32>} : memref<64x16xf32, #tpu.memory_space<vmem>>, vector<1x16xf32>,
        %eq3A_934 = arith.constant 4 : i32
        %eq3A_935 = vector.broadcast %eq3A_934 : i32 to vector<16xi32>
        %eq3A_936 = arith.cmpi eq, %select_n3A_747, %eq3A_935 : vector<16xi32>
        %jit3A_937 = arith.constant 0.000000e+00 : f32
        %broadcast_in_dim3A_938 = vector.broadcast %jit3A_937 : f32 to vector<16xf32>
        %select_n3A_939 = arith.select %eq3A_936, %mul3A_840, %broadcast_in_dim3A_938 : vector<16xi1>, vector<16xf32>
        %eq3A_940 = arith.constant 4 : i32
        %eq3A_941 = vector.broadcast %eq3A_940 : i32 to vector<16xi32>
        %eq3A_942 = arith.cmpi eq, %select_n3A_839, %eq3A_941 : vector<16xi32>
        %jit3A_943 = arith.constant 0.000000e+00 : f32
        %broadcast_in_dim3A_944 = vector.broadcast %jit3A_943 : f32 to vector<16xf32>
        %select_n3A_945 = arith.select %eq3A_942, %mul3A_841, %broadcast_in_dim3A_944 : vector<16xi1>, vector<16xf32>
        %add3A_946 = arith.addf %select_n3A_939, %select_n3A_945 : vector<16xf32>
        %swap3A_947 = arith.constant 12 : i32
        %swap3A_948 = arith.constant 0 : i32
        %swap3A_949 = arith.constant 0 : i32
        %swap3A_950 = tpu.memref_slice %run_scoped3A_8[%rem3A_193, %swap3A_948, %swap3A_949] : memref<2x64x16xf32, #tpu.memory_space<vmem>> -> memref<1x64x16xf32, #tpu.memory_space<vmem>>
        %swap3A_951 = tpu.memref_squeeze %swap3A_950 : memref<1x64x16xf32, #tpu.memory_space<vmem>> -> memref<64x16xf32, #tpu.memory_space<vmem>>
        %swap3A_952 = arith.index_cast %swap3A_947 : i32 to index
        %swap3A_953 = arith.constant 0 : index
        %swap3A_954 = tpu.vector_load %swap3A_951[%swap3A_952, %swap3A_953] {strides = array<i32>} : memref<64x16xf32, #tpu.memory_space<vmem>>, vector<1x16xf32>,
        %swap3A_955 = vector.shape_cast %swap3A_954 : vector<1x16xf32> to vector<16xf32>
        %swap3A_956 = vector.shape_cast %add3A_946 : vector<16xf32> to vector<1x16xf32>
        tpu.vector_store %swap3A_951[%swap3A_952, %swap3A_953], %swap3A_956 {strides = array<i32>} : memref<64x16xf32, #tpu.memory_space<vmem>>, vector<1x16xf32>,
        %eq3A_957 = arith.constant 5 : i32
        %eq3A_958 = vector.broadcast %eq3A_957 : i32 to vector<16xi32>
        %eq3A_959 = arith.cmpi eq, %select_n3A_747, %eq3A_958 : vector<16xi32>
        %jit3A_960 = arith.constant 0.000000e+00 : f32
        %broadcast_in_dim3A_961 = vector.broadcast %jit3A_960 : f32 to vector<16xf32>
        %select_n3A_962 = arith.select %eq3A_959, %mul3A_840, %broadcast_in_dim3A_961 : vector<16xi1>, vector<16xf32>
        %eq3A_963 = arith.constant 5 : i32
        %eq3A_964 = vector.broadcast %eq3A_963 : i32 to vector<16xi32>
        %eq3A_965 = arith.cmpi eq, %select_n3A_839, %eq3A_964 : vector<16xi32>
        %jit3A_966 = arith.constant 0.000000e+00 : f32
        %broadcast_in_dim3A_967 = vector.broadcast %jit3A_966 : f32 to vector<16xf32>
        %select_n3A_968 = arith.select %eq3A_965, %mul3A_841, %broadcast_in_dim3A_967 : vector<16xi1>, vector<16xf32>
        %add3A_969 = arith.addf %select_n3A_962, %select_n3A_968 : vector<16xf32>
        %swap3A_970 = arith.constant 13 : i32
        %swap3A_971 = arith.constant 0 : i32
        %swap3A_972 = arith.constant 0 : i32
        %swap3A_973 = tpu.memref_slice %run_scoped3A_8[%rem3A_193, %swap3A_971, %swap3A_972] : memref<2x64x16xf32, #tpu.memory_space<vmem>> -> memref<1x64x16xf32, #tpu.memory_space<vmem>>
        %swap3A_974 = tpu.memref_squeeze %swap3A_973 : memref<1x64x16xf32, #tpu.memory_space<vmem>> -> memref<64x16xf32, #tpu.memory_space<vmem>>
        %swap3A_975 = arith.index_cast %swap3A_970 : i32 to index
        %swap3A_976 = arith.constant 0 : index
        %swap3A_977 = tpu.vector_load %swap3A_974[%swap3A_975, %swap3A_976] {strides = array<i32>} : memref<64x16xf32, #tpu.memory_space<vmem>>, vector<1x16xf32>,
        %swap3A_978 = vector.shape_cast %swap3A_977 : vector<1x16xf32> to vector<16xf32>
        %swap3A_979 = vector.shape_cast %add3A_969 : vector<16xf32> to vector<1x16xf32>
        tpu.vector_store %swap3A_974[%swap3A_975, %swap3A_976], %swap3A_979 {strides = array<i32>} : memref<64x16xf32, #tpu.memory_space<vmem>>, vector<1x16xf32>,
        %eq3A_980 = arith.constant 6 : i32
        %eq3A_981 = vector.broadcast %eq3A_980 : i32 to vector<16xi32>
        %eq3A_982 = arith.cmpi eq, %select_n3A_747, %eq3A_981 : vector<16xi32>
        %jit3A_983 = arith.constant 0.000000e+00 : f32
        %broadcast_in_dim3A_984 = vector.broadcast %jit3A_983 : f32 to vector<16xf32>
        %select_n3A_985 = arith.select %eq3A_982, %mul3A_840, %broadcast_in_dim3A_984 : vector<16xi1>, vector<16xf32>
        %eq3A_986 = arith.constant 6 : i32
        %eq3A_987 = vector.broadcast %eq3A_986 : i32 to vector<16xi32>
        %eq3A_988 = arith.cmpi eq, %select_n3A_839, %eq3A_987 : vector<16xi32>
        %jit3A_989 = arith.constant 0.000000e+00 : f32
        %broadcast_in_dim3A_990 = vector.broadcast %jit3A_989 : f32 to vector<16xf32>
        %select_n3A_991 = arith.select %eq3A_988, %mul3A_841, %broadcast_in_dim3A_990 : vector<16xi1>, vector<16xf32>
        %add3A_992 = arith.addf %select_n3A_985, %select_n3A_991 : vector<16xf32>
        %swap3A_993 = arith.constant 14 : i32
        %swap3A_994 = arith.constant 0 : i32
        %swap3A_995 = arith.constant 0 : i32
        %swap3A_996 = tpu.memref_slice %run_scoped3A_8[%rem3A_193, %swap3A_994, %swap3A_995] : memref<2x64x16xf32, #tpu.memory_space<vmem>> -> memref<1x64x16xf32, #tpu.memory_space<vmem>>
        %swap3A_997 = tpu.memref_squeeze %swap3A_996 : memref<1x64x16xf32, #tpu.memory_space<vmem>> -> memref<64x16xf32, #tpu.memory_space<vmem>>
        %swap3A_998 = arith.index_cast %swap3A_993 : i32 to index
        %swap3A_999 = arith.constant 0 : index
        %swap3A_1000 = tpu.vector_load %swap3A_997[%swap3A_998, %swap3A_999] {strides = array<i32>} : memref<64x16xf32, #tpu.memory_space<vmem>>, vector<1x16xf32>,
        %swap3A_1001 = vector.shape_cast %swap3A_1000 : vector<1x16xf32> to vector<16xf32>
        %swap3A_1002 = vector.shape_cast %add3A_992 : vector<16xf32> to vector<1x16xf32>
        tpu.vector_store %swap3A_997[%swap3A_998, %swap3A_999], %swap3A_1002 {strides = array<i32>} : memref<64x16xf32, #tpu.memory_space<vmem>>, vector<1x16xf32>,
        %eq3A_1003 = arith.constant 7 : i32
        %eq3A_1004 = vector.broadcast %eq3A_1003 : i32 to vector<16xi32>
        %eq3A_1005 = arith.cmpi eq, %select_n3A_747, %eq3A_1004 : vector<16xi32>
        %jit3A_1006 = arith.constant 0.000000e+00 : f32
        %broadcast_in_dim3A_1007 = vector.broadcast %jit3A_1006 : f32 to vector<16xf32>
        %select_n3A_1008 = arith.select %eq3A_1005, %mul3A_840, %broadcast_in_dim3A_1007 : vector<16xi1>, vector<16xf32>
        %eq3A_1009 = arith.constant 7 : i32
        %eq3A_1010 = vector.broadcast %eq3A_1009 : i32 to vector<16xi32>
        %eq3A_1011 = arith.cmpi eq, %select_n3A_839, %eq3A_1010 : vector<16xi32>
        %jit3A_1012 = arith.constant 0.000000e+00 : f32
        %broadcast_in_dim3A_1013 = vector.broadcast %jit3A_1012 : f32 to vector<16xf32>
        %select_n3A_1014 = arith.select %eq3A_1011, %mul3A_841, %broadcast_in_dim3A_1013 : vector<16xi1>, vector<16xf32>
        %add3A_1015 = arith.addf %select_n3A_1008, %select_n3A_1014 : vector<16xf32>
        %swap3A_1016 = arith.constant 15 : i32
        %swap3A_1017 = arith.constant 0 : i32
        %swap3A_1018 = arith.constant 0 : i32
        %swap3A_1019 = tpu.memref_slice %run_scoped3A_8[%rem3A_193, %swap3A_1017, %swap3A_1018] : memref<2x64x16xf32, #tpu.memory_space<vmem>> -> memref<1x64x16xf32, #tpu.memory_space<vmem>>
        %swap3A_1020 = tpu.memref_squeeze %swap3A_1019 : memref<1x64x16xf32, #tpu.memory_space<vmem>> -> memref<64x16xf32, #tpu.memory_space<vmem>>
        %swap3A_1021 = arith.index_cast %swap3A_1016 : i32 to index
        %swap3A_1022 = arith.constant 0 : index
        %swap3A_1023 = tpu.vector_load %swap3A_1020[%swap3A_1021, %swap3A_1022] {strides = array<i32>} : memref<64x16xf32, #tpu.memory_space<vmem>>, vector<1x16xf32>,
        %swap3A_1024 = vector.shape_cast %swap3A_1023 : vector<1x16xf32> to vector<16xf32>
        %swap3A_1025 = vector.shape_cast %add3A_1015 : vector<16xf32> to vector<1x16xf32>
        tpu.vector_store %swap3A_1020[%swap3A_1021, %swap3A_1022], %swap3A_1025 {strides = array<i32>} : memref<64x16xf32, #tpu.memory_space<vmem>>, vector<1x16xf32>,
        %get3A_1026 = arith.constant 16 : i32
        %get3A_1027 = arith.constant 0 : i32
        %get3A_1028 = arith.constant 0 : i32
        %get3A_1029 = tpu.memref_slice %run_scoped3A[%rem3A_191, %get3A_1027, %get3A_1028] : memref<2x64x16xf32, #tpu.memory_space<vmem>> -> memref<1x64x16xf32, #tpu.memory_space<vmem>>
        %get3A_1030 = tpu.memref_squeeze %get3A_1029 : memref<1x64x16xf32, #tpu.memory_space<vmem>> -> memref<64x16xf32, #tpu.memory_space<vmem>>
        %get3A_1031 = arith.index_cast %get3A_1026 : i32 to index
        %get3A_1032 = arith.constant 0 : index
        %get3A_1033 = tpu.vector_load %get3A_1030[%get3A_1031, %get3A_1032] {strides = array<i32>} : memref<64x16xf32, #tpu.memory_space<vmem>>, vector<1x16xf32>,
        %get3A_1034 = vector.shape_cast %get3A_1033 : vector<1x16xf32> to vector<16xf32>
        %get3A_1035 = arith.constant 17 : i32
        %get3A_1036 = arith.constant 0 : i32
        %get3A_1037 = arith.constant 0 : i32
        %get3A_1038 = tpu.memref_slice %run_scoped3A[%rem3A_191, %get3A_1036, %get3A_1037] : memref<2x64x16xf32, #tpu.memory_space<vmem>> -> memref<1x64x16xf32, #tpu.memory_space<vmem>>
        %get3A_1039 = tpu.memref_squeeze %get3A_1038 : memref<1x64x16xf32, #tpu.memory_space<vmem>> -> memref<64x16xf32, #tpu.memory_space<vmem>>
        %get3A_1040 = arith.index_cast %get3A_1035 : i32 to index
        %get3A_1041 = arith.constant 0 : index
        %get3A_1042 = tpu.vector_load %get3A_1039[%get3A_1040, %get3A_1041] {strides = array<i32>} : memref<64x16xf32, #tpu.memory_space<vmem>>, vector<1x16xf32>,
        %get3A_1043 = vector.shape_cast %get3A_1042 : vector<1x16xf32> to vector<16xf32>
        %get3A_1044 = arith.constant 18 : i32
        %get3A_1045 = arith.constant 0 : i32
        %get3A_1046 = arith.constant 0 : i32
        %get3A_1047 = tpu.memref_slice %run_scoped3A[%rem3A_191, %get3A_1045, %get3A_1046] : memref<2x64x16xf32, #tpu.memory_space<vmem>> -> memref<1x64x16xf32, #tpu.memory_space<vmem>>
        %get3A_1048 = tpu.memref_squeeze %get3A_1047 : memref<1x64x16xf32, #tpu.memory_space<vmem>> -> memref<64x16xf32, #tpu.memory_space<vmem>>
        %get3A_1049 = arith.index_cast %get3A_1044 : i32 to index
        %get3A_1050 = arith.constant 0 : index
        %get3A_1051 = tpu.vector_load %get3A_1048[%get3A_1049, %get3A_1050] {strides = array<i32>} : memref<64x16xf32, #tpu.memory_space<vmem>>, vector<1x16xf32>,
        %get3A_1052 = vector.shape_cast %get3A_1051 : vector<1x16xf32> to vector<16xf32>
        %get3A_1053 = arith.constant 19 : i32
        %get3A_1054 = arith.constant 0 : i32
        %get3A_1055 = arith.constant 0 : i32
        %get3A_1056 = tpu.memref_slice %run_scoped3A[%rem3A_191, %get3A_1054, %get3A_1055] : memref<2x64x16xf32, #tpu.memory_space<vmem>> -> memref<1x64x16xf32, #tpu.memory_space<vmem>>
        %get3A_1057 = tpu.memref_squeeze %get3A_1056 : memref<1x64x16xf32, #tpu.memory_space<vmem>> -> memref<64x16xf32, #tpu.memory_space<vmem>>
        %get3A_1058 = arith.index_cast %get3A_1053 : i32 to index
        %get3A_1059 = arith.constant 0 : index
        %get3A_1060 = tpu.vector_load %get3A_1057[%get3A_1058, %get3A_1059] {strides = array<i32>} : memref<64x16xf32, #tpu.memory_space<vmem>>, vector<1x16xf32>,
        %get3A_1061 = vector.shape_cast %get3A_1060 : vector<1x16xf32> to vector<16xf32>
        %get3A_1062 = arith.constant 20 : i32
        %get3A_1063 = arith.constant 0 : i32
        %get3A_1064 = arith.constant 0 : i32
        %get3A_1065 = tpu.memref_slice %run_scoped3A[%rem3A_191, %get3A_1063, %get3A_1064] : memref<2x64x16xf32, #tpu.memory_space<vmem>> -> memref<1x64x16xf32, #tpu.memory_space<vmem>>
        %get3A_1066 = tpu.memref_squeeze %get3A_1065 : memref<1x64x16xf32, #tpu.memory_space<vmem>> -> memref<64x16xf32, #tpu.memory_space<vmem>>
        %get3A_1067 = arith.index_cast %get3A_1062 : i32 to index
        %get3A_1068 = arith.constant 0 : index
        %get3A_1069 = tpu.vector_load %get3A_1066[%get3A_1067, %get3A_1068] {strides = array<i32>} : memref<64x16xf32, #tpu.memory_space<vmem>>, vector<1x16xf32>,
        %get3A_1070 = vector.shape_cast %get3A_1069 : vector<1x16xf32> to vector<16xf32>
        %get3A_1071 = arith.constant 21 : i32
        %get3A_1072 = arith.constant 0 : i32
        %get3A_1073 = arith.constant 0 : i32
        %get3A_1074 = tpu.memref_slice %run_scoped3A[%rem3A_191, %get3A_1072, %get3A_1073] : memref<2x64x16xf32, #tpu.memory_space<vmem>> -> memref<1x64x16xf32, #tpu.memory_space<vmem>>
        %get3A_1075 = tpu.memref_squeeze %get3A_1074 : memref<1x64x16xf32, #tpu.memory_space<vmem>> -> memref<64x16xf32, #tpu.memory_space<vmem>>
        %get3A_1076 = arith.index_cast %get3A_1071 : i32 to index
        %get3A_1077 = arith.constant 0 : index
        %get3A_1078 = tpu.vector_load %get3A_1075[%get3A_1076, %get3A_1077] {strides = array<i32>} : memref<64x16xf32, #tpu.memory_space<vmem>>, vector<1x16xf32>,
        %get3A_1079 = vector.shape_cast %get3A_1078 : vector<1x16xf32> to vector<16xf32>
        %get3A_1080 = arith.constant 22 : i32
        %get3A_1081 = arith.constant 0 : i32
        %get3A_1082 = arith.constant 0 : i32
        %get3A_1083 = tpu.memref_slice %run_scoped3A[%rem3A_191, %get3A_1081, %get3A_1082] : memref<2x64x16xf32, #tpu.memory_space<vmem>> -> memref<1x64x16xf32, #tpu.memory_space<vmem>>
        %get3A_1084 = tpu.memref_squeeze %get3A_1083 : memref<1x64x16xf32, #tpu.memory_space<vmem>> -> memref<64x16xf32, #tpu.memory_space<vmem>>
        %get3A_1085 = arith.index_cast %get3A_1080 : i32 to index
        %get3A_1086 = arith.constant 0 : index
        %get3A_1087 = tpu.vector_load %get3A_1084[%get3A_1085, %get3A_1086] {strides = array<i32>} : memref<64x16xf32, #tpu.memory_space<vmem>>, vector<1x16xf32>,
        %get3A_1088 = vector.shape_cast %get3A_1087 : vector<1x16xf32> to vector<16xf32>
        %get3A_1089 = arith.constant 23 : i32
        %get3A_1090 = arith.constant 0 : i32
        %get3A_1091 = arith.constant 0 : i32
        %get3A_1092 = tpu.memref_slice %run_scoped3A[%rem3A_191, %get3A_1090, %get3A_1091] : memref<2x64x16xf32, #tpu.memory_space<vmem>> -> memref<1x64x16xf32, #tpu.memory_space<vmem>>
        %get3A_1093 = tpu.memref_squeeze %get3A_1092 : memref<1x64x16xf32, #tpu.memory_space<vmem>> -> memref<64x16xf32, #tpu.memory_space<vmem>>
        %get3A_1094 = arith.index_cast %get3A_1089 : i32 to index
        %get3A_1095 = arith.constant 0 : index
        %get3A_1096 = tpu.vector_load %get3A_1093[%get3A_1094, %get3A_1095] {strides = array<i32>} : memref<64x16xf32, #tpu.memory_space<vmem>>, vector<1x16xf32>,
        %get3A_1097 = vector.shape_cast %get3A_1096 : vector<1x16xf32> to vector<16xf32>
        %max3A_1098 = arith.maximumf %get3A_1034, %get3A_1043 : vector<16xf32>
        %max3A_1099 = arith.maximumf %max3A_1098, %get3A_1052 : vector<16xf32>
        %max3A_1100 = arith.maximumf %max3A_1099, %get3A_1061 : vector<16xf32>
        %max3A_1101 = arith.maximumf %max3A_1100, %get3A_1070 : vector<16xf32>
        %max3A_1102 = arith.maximumf %max3A_1101, %get3A_1079 : vector<16xf32>
        %max3A_1103 = arith.maximumf %max3A_1102, %get3A_1088 : vector<16xf32>
        %max3A_1104 = arith.maximumf %max3A_1103, %get3A_1097 : vector<16xf32>
        %sub3A_1105 = arith.subf %get3A_1034, %max3A_1104 : vector<16xf32>
        %exp3A_1106 = math.exp %sub3A_1105 : vector<16xf32>
        %sub3A_1107 = arith.subf %get3A_1043, %max3A_1104 : vector<16xf32>
        %exp3A_1108 = math.exp %sub3A_1107 : vector<16xf32>
        %sub3A_1109 = arith.subf %get3A_1052, %max3A_1104 : vector<16xf32>
        %exp3A_1110 = math.exp %sub3A_1109 : vector<16xf32>
        %sub3A_1111 = arith.subf %get3A_1061, %max3A_1104 : vector<16xf32>
        %exp3A_1112 = math.exp %sub3A_1111 : vector<16xf32>
        %sub3A_1113 = arith.subf %get3A_1070, %max3A_1104 : vector<16xf32>
        %exp3A_1114 = math.exp %sub3A_1113 : vector<16xf32>
        %sub3A_1115 = arith.subf %get3A_1079, %max3A_1104 : vector<16xf32>
        %exp3A_1116 = math.exp %sub3A_1115 : vector<16xf32>
        %sub3A_1117 = arith.subf %get3A_1088, %max3A_1104 : vector<16xf32>
        %exp3A_1118 = math.exp %sub3A_1117 : vector<16xf32>
        %sub3A_1119 = arith.subf %get3A_1097, %max3A_1104 : vector<16xf32>
        %exp3A_1120 = math.exp %sub3A_1119 : vector<16xf32>
        %add3A_1121 = arith.addf %exp3A_1106, %exp3A_1108 : vector<16xf32>
        %add3A_1122 = arith.addf %add3A_1121, %exp3A_1110 : vector<16xf32>
        %add3A_1123 = arith.addf %add3A_1122, %exp3A_1112 : vector<16xf32>
        %add3A_1124 = arith.addf %add3A_1123, %exp3A_1114 : vector<16xf32>
        %add3A_1125 = arith.addf %add3A_1124, %exp3A_1116 : vector<16xf32>
        %add3A_1126 = arith.addf %add3A_1125, %exp3A_1118 : vector<16xf32>
        %add3A_1127 = arith.addf %add3A_1126, %exp3A_1120 : vector<16xf32>
        %div3A_1128 = arith.constant 1.000000e+00 : f32
        %div3A_1129 = vector.broadcast %div3A_1128 : f32 to vector<16xf32>
        %div3A_1130 = arith.divf %div3A_1129, %add3A_1127 : vector<16xf32>
        %broadcast_in_dim3A_1131 = arith.constant 0 : i32
        %broadcast_in_dim3A_1132 = vector.broadcast %broadcast_in_dim3A_1131 : i32 to vector<16xi32>
        %gt3A_1133 = arith.cmpf ogt, %exp3A_1108, %exp3A_1106 : vector<16xf32>
        %select_n3A_1134 = arith.select %gt3A_1133, %exp3A_1108, %exp3A_1106 : vector<16xi1>, vector<16xf32>
        %jit3A_1135 = arith.constant 1 : i32
        %broadcast_in_dim3A_1136 = vector.broadcast %jit3A_1135 : i32 to vector<16xi32>
        %select_n3A_1137 = arith.select %gt3A_1133, %broadcast_in_dim3A_1136, %broadcast_in_dim3A_1132 : vector<16xi1>, vector<16xi32>
        %gt3A_1138 = arith.cmpf ogt, %exp3A_1110, %select_n3A_1134 : vector<16xf32>
        %select_n3A_1139 = arith.select %gt3A_1138, %exp3A_1110, %select_n3A_1134 : vector<16xi1>, vector<16xf32>
        %jit3A_1140 = arith.constant 2 : i32
        %broadcast_in_dim3A_1141 = vector.broadcast %jit3A_1140 : i32 to vector<16xi32>
        %select_n3A_1142 = arith.select %gt3A_1138, %broadcast_in_dim3A_1141, %select_n3A_1137 : vector<16xi1>, vector<16xi32>
        %gt3A_1143 = arith.cmpf ogt, %exp3A_1112, %select_n3A_1139 : vector<16xf32>
        %select_n3A_1144 = arith.select %gt3A_1143, %exp3A_1112, %select_n3A_1139 : vector<16xi1>, vector<16xf32>
        %jit3A_1145 = arith.constant 3 : i32
        %broadcast_in_dim3A_1146 = vector.broadcast %jit3A_1145 : i32 to vector<16xi32>
        %select_n3A_1147 = arith.select %gt3A_1143, %broadcast_in_dim3A_1146, %select_n3A_1142 : vector<16xi1>, vector<16xi32>
        %gt3A_1148 = arith.cmpf ogt, %exp3A_1114, %select_n3A_1144 : vector<16xf32>
        %select_n3A_1149 = arith.select %gt3A_1148, %exp3A_1114, %select_n3A_1144 : vector<16xi1>, vector<16xf32>
        %jit3A_1150 = arith.constant 4 : i32
        %broadcast_in_dim3A_1151 = vector.broadcast %jit3A_1150 : i32 to vector<16xi32>
        %select_n3A_1152 = arith.select %gt3A_1148, %broadcast_in_dim3A_1151, %select_n3A_1147 : vector<16xi1>, vector<16xi32>
        %gt3A_1153 = arith.cmpf ogt, %exp3A_1116, %select_n3A_1149 : vector<16xf32>
        %select_n3A_1154 = arith.select %gt3A_1153, %exp3A_1116, %select_n3A_1149 : vector<16xi1>, vector<16xf32>
        %jit3A_1155 = arith.constant 5 : i32
        %broadcast_in_dim3A_1156 = vector.broadcast %jit3A_1155 : i32 to vector<16xi32>
        %select_n3A_1157 = arith.select %gt3A_1153, %broadcast_in_dim3A_1156, %select_n3A_1152 : vector<16xi1>, vector<16xi32>
        %gt3A_1158 = arith.cmpf ogt, %exp3A_1118, %select_n3A_1154 : vector<16xf32>
        %select_n3A_1159 = arith.select %gt3A_1158, %exp3A_1118, %select_n3A_1154 : vector<16xi1>, vector<16xf32>
        %jit3A_1160 = arith.constant 6 : i32
        %broadcast_in_dim3A_1161 = vector.broadcast %jit3A_1160 : i32 to vector<16xi32>
        %select_n3A_1162 = arith.select %gt3A_1158, %broadcast_in_dim3A_1161, %select_n3A_1157 : vector<16xi1>, vector<16xi32>
        %gt3A_1163 = arith.cmpf ogt, %exp3A_1120, %select_n3A_1159 : vector<16xf32>
        %select_n3A_1164 = arith.select %gt3A_1163, %exp3A_1120, %select_n3A_1159 : vector<16xi1>, vector<16xf32>
        %jit3A_1165 = arith.constant 7 : i32
        %broadcast_in_dim3A_1166 = vector.broadcast %jit3A_1165 : i32 to vector<16xi32>
        %select_n3A_1167 = arith.select %gt3A_1163, %broadcast_in_dim3A_1166, %select_n3A_1162 : vector<16xi1>, vector<16xi32>
        %broadcast_in_dim3A_1168 = arith.constant -1.000000e+00 : f32
        %broadcast_in_dim3A_1169 = vector.broadcast %broadcast_in_dim3A_1168 : f32 to vector<16xf32>
        %broadcast_in_dim3A_1170 = arith.constant 0 : i32
        %broadcast_in_dim3A_1171 = vector.broadcast %broadcast_in_dim3A_1170 : i32 to vector<16xi32>
        %eq3A_1172 = arith.constant 0 : i32
        %eq3A_1173 = vector.broadcast %eq3A_1172 : i32 to vector<16xi32>
        %eq3A_1174 = arith.cmpi eq, %select_n3A_1167, %eq3A_1173 : vector<16xi32>
        %jit3A_1175 = arith.constant -1.000000e+00 : f32
        %broadcast_in_dim3A_1176 = vector.broadcast %jit3A_1175 : f32 to vector<16xf32>
        %select_n3A_1177 = arith.select %eq3A_1174, %broadcast_in_dim3A_1176, %exp3A_1106 : vector<16xi1>, vector<16xf32>
        %gt3A_1178 = arith.cmpf ogt, %select_n3A_1177, %broadcast_in_dim3A_1169 : vector<16xf32>
        %select_n3A_1179 = arith.select %gt3A_1178, %select_n3A_1177, %broadcast_in_dim3A_1169 : vector<16xi1>, vector<16xf32>
        %jit3A_1180 = arith.constant 0 : i32
        %broadcast_in_dim3A_1181 = vector.broadcast %jit3A_1180 : i32 to vector<16xi32>
        %select_n3A_1182 = arith.select %gt3A_1178, %broadcast_in_dim3A_1181, %broadcast_in_dim3A_1171 : vector<16xi1>, vector<16xi32>
        %eq3A_1183 = arith.constant 1 : i32
        %eq3A_1184 = vector.broadcast %eq3A_1183 : i32 to vector<16xi32>
        %eq3A_1185 = arith.cmpi eq, %select_n3A_1167, %eq3A_1184 : vector<16xi32>
        %jit3A_1186 = arith.constant -1.000000e+00 : f32
        %broadcast_in_dim3A_1187 = vector.broadcast %jit3A_1186 : f32 to vector<16xf32>
        %select_n3A_1188 = arith.select %eq3A_1185, %broadcast_in_dim3A_1187, %exp3A_1108 : vector<16xi1>, vector<16xf32>
        %gt3A_1189 = arith.cmpf ogt, %select_n3A_1188, %select_n3A_1179 : vector<16xf32>
        %select_n3A_1190 = arith.select %gt3A_1189, %select_n3A_1188, %select_n3A_1179 : vector<16xi1>, vector<16xf32>
        %jit3A_1191 = arith.constant 1 : i32
        %broadcast_in_dim3A_1192 = vector.broadcast %jit3A_1191 : i32 to vector<16xi32>
        %select_n3A_1193 = arith.select %gt3A_1189, %broadcast_in_dim3A_1192, %select_n3A_1182 : vector<16xi1>, vector<16xi32>
        %eq3A_1194 = arith.constant 2 : i32
        %eq3A_1195 = vector.broadcast %eq3A_1194 : i32 to vector<16xi32>
        %eq3A_1196 = arith.cmpi eq, %select_n3A_1167, %eq3A_1195 : vector<16xi32>
        %jit3A_1197 = arith.constant -1.000000e+00 : f32
        %broadcast_in_dim3A_1198 = vector.broadcast %jit3A_1197 : f32 to vector<16xf32>
        %select_n3A_1199 = arith.select %eq3A_1196, %broadcast_in_dim3A_1198, %exp3A_1110 : vector<16xi1>, vector<16xf32>
        %gt3A_1200 = arith.cmpf ogt, %select_n3A_1199, %select_n3A_1190 : vector<16xf32>
        %select_n3A_1201 = arith.select %gt3A_1200, %select_n3A_1199, %select_n3A_1190 : vector<16xi1>, vector<16xf32>
        %jit3A_1202 = arith.constant 2 : i32
        %broadcast_in_dim3A_1203 = vector.broadcast %jit3A_1202 : i32 to vector<16xi32>
        %select_n3A_1204 = arith.select %gt3A_1200, %broadcast_in_dim3A_1203, %select_n3A_1193 : vector<16xi1>, vector<16xi32>
        %eq3A_1205 = arith.constant 3 : i32
        %eq3A_1206 = vector.broadcast %eq3A_1205 : i32 to vector<16xi32>
        %eq3A_1207 = arith.cmpi eq, %select_n3A_1167, %eq3A_1206 : vector<16xi32>
        %jit3A_1208 = arith.constant -1.000000e+00 : f32
        %broadcast_in_dim3A_1209 = vector.broadcast %jit3A_1208 : f32 to vector<16xf32>
        %select_n3A_1210 = arith.select %eq3A_1207, %broadcast_in_dim3A_1209, %exp3A_1112 : vector<16xi1>, vector<16xf32>
        %gt3A_1211 = arith.cmpf ogt, %select_n3A_1210, %select_n3A_1201 : vector<16xf32>
        %select_n3A_1212 = arith.select %gt3A_1211, %select_n3A_1210, %select_n3A_1201 : vector<16xi1>, vector<16xf32>
        %jit3A_1213 = arith.constant 3 : i32
        %broadcast_in_dim3A_1214 = vector.broadcast %jit3A_1213 : i32 to vector<16xi32>
        %select_n3A_1215 = arith.select %gt3A_1211, %broadcast_in_dim3A_1214, %select_n3A_1204 : vector<16xi1>, vector<16xi32>
        %eq3A_1216 = arith.constant 4 : i32
        %eq3A_1217 = vector.broadcast %eq3A_1216 : i32 to vector<16xi32>
        %eq3A_1218 = arith.cmpi eq, %select_n3A_1167, %eq3A_1217 : vector<16xi32>
        %jit3A_1219 = arith.constant -1.000000e+00 : f32
        %broadcast_in_dim3A_1220 = vector.broadcast %jit3A_1219 : f32 to vector<16xf32>
        %select_n3A_1221 = arith.select %eq3A_1218, %broadcast_in_dim3A_1220, %exp3A_1114 : vector<16xi1>, vector<16xf32>
        %gt3A_1222 = arith.cmpf ogt, %select_n3A_1221, %select_n3A_1212 : vector<16xf32>
        %select_n3A_1223 = arith.select %gt3A_1222, %select_n3A_1221, %select_n3A_1212 : vector<16xi1>, vector<16xf32>
        %jit3A_1224 = arith.constant 4 : i32
        %broadcast_in_dim3A_1225 = vector.broadcast %jit3A_1224 : i32 to vector<16xi32>
        %select_n3A_1226 = arith.select %gt3A_1222, %broadcast_in_dim3A_1225, %select_n3A_1215 : vector<16xi1>, vector<16xi32>
        %eq3A_1227 = arith.constant 5 : i32
        %eq3A_1228 = vector.broadcast %eq3A_1227 : i32 to vector<16xi32>
        %eq3A_1229 = arith.cmpi eq, %select_n3A_1167, %eq3A_1228 : vector<16xi32>
        %jit3A_1230 = arith.constant -1.000000e+00 : f32
        %broadcast_in_dim3A_1231 = vector.broadcast %jit3A_1230 : f32 to vector<16xf32>
        %select_n3A_1232 = arith.select %eq3A_1229, %broadcast_in_dim3A_1231, %exp3A_1116 : vector<16xi1>, vector<16xf32>
        %gt3A_1233 = arith.cmpf ogt, %select_n3A_1232, %select_n3A_1223 : vector<16xf32>
        %select_n3A_1234 = arith.select %gt3A_1233, %select_n3A_1232, %select_n3A_1223 : vector<16xi1>, vector<16xf32>
        %jit3A_1235 = arith.constant 5 : i32
        %broadcast_in_dim3A_1236 = vector.broadcast %jit3A_1235 : i32 to vector<16xi32>
        %select_n3A_1237 = arith.select %gt3A_1233, %broadcast_in_dim3A_1236, %select_n3A_1226 : vector<16xi1>, vector<16xi32>
        %eq3A_1238 = arith.constant 6 : i32
        %eq3A_1239 = vector.broadcast %eq3A_1238 : i32 to vector<16xi32>
        %eq3A_1240 = arith.cmpi eq, %select_n3A_1167, %eq3A_1239 : vector<16xi32>
        %jit3A_1241 = arith.constant -1.000000e+00 : f32
        %broadcast_in_dim3A_1242 = vector.broadcast %jit3A_1241 : f32 to vector<16xf32>
        %select_n3A_1243 = arith.select %eq3A_1240, %broadcast_in_dim3A_1242, %exp3A_1118 : vector<16xi1>, vector<16xf32>
        %gt3A_1244 = arith.cmpf ogt, %select_n3A_1243, %select_n3A_1234 : vector<16xf32>
        %select_n3A_1245 = arith.select %gt3A_1244, %select_n3A_1243, %select_n3A_1234 : vector<16xi1>, vector<16xf32>
        %jit3A_1246 = arith.constant 6 : i32
        %broadcast_in_dim3A_1247 = vector.broadcast %jit3A_1246 : i32 to vector<16xi32>
        %select_n3A_1248 = arith.select %gt3A_1244, %broadcast_in_dim3A_1247, %select_n3A_1237 : vector<16xi1>, vector<16xi32>
        %eq3A_1249 = arith.constant 7 : i32
        %eq3A_1250 = vector.broadcast %eq3A_1249 : i32 to vector<16xi32>
        %eq3A_1251 = arith.cmpi eq, %select_n3A_1167, %eq3A_1250 : vector<16xi32>
        %jit3A_1252 = arith.constant -1.000000e+00 : f32
        %broadcast_in_dim3A_1253 = vector.broadcast %jit3A_1252 : f32 to vector<16xf32>
        %select_n3A_1254 = arith.select %eq3A_1251, %broadcast_in_dim3A_1253, %exp3A_1120 : vector<16xi1>, vector<16xf32>
        %gt3A_1255 = arith.cmpf ogt, %select_n3A_1254, %select_n3A_1245 : vector<16xf32>
        %select_n3A_1256 = arith.select %gt3A_1255, %select_n3A_1254, %select_n3A_1245 : vector<16xi1>, vector<16xf32>
        %jit3A_1257 = arith.constant 7 : i32
        %broadcast_in_dim3A_1258 = vector.broadcast %jit3A_1257 : i32 to vector<16xi32>
        %select_n3A_1259 = arith.select %gt3A_1255, %broadcast_in_dim3A_1258, %select_n3A_1248 : vector<16xi1>, vector<16xi32>
        %mul3A_1260 = arith.mulf %select_n3A_1164, %div3A_1130 : vector<16xf32>
        %mul3A_1261 = arith.mulf %select_n3A_1256, %div3A_1130 : vector<16xf32>
        %eq3A_1262 = arith.constant 0 : i32
        %eq3A_1263 = vector.broadcast %eq3A_1262 : i32 to vector<16xi32>
        %eq3A_1264 = arith.cmpi eq, %select_n3A_1167, %eq3A_1263 : vector<16xi32>
        %jit3A_1265 = arith.constant 0.000000e+00 : f32
        %broadcast_in_dim3A_1266 = vector.broadcast %jit3A_1265 : f32 to vector<16xf32>
        %select_n3A_1267 = arith.select %eq3A_1264, %mul3A_1260, %broadcast_in_dim3A_1266 : vector<16xi1>, vector<16xf32>
        %eq3A_1268 = arith.constant 0 : i32
        %eq3A_1269 = vector.broadcast %eq3A_1268 : i32 to vector<16xi32>
        %eq3A_1270 = arith.cmpi eq, %select_n3A_1259, %eq3A_1269 : vector<16xi32>
        %jit3A_1271 = arith.constant 0.000000e+00 : f32
        %broadcast_in_dim3A_1272 = vector.broadcast %jit3A_1271 : f32 to vector<16xf32>
        %select_n3A_1273 = arith.select %eq3A_1270, %mul3A_1261, %broadcast_in_dim3A_1272 : vector<16xi1>, vector<16xf32>
        %add3A_1274 = arith.addf %select_n3A_1267, %select_n3A_1273 : vector<16xf32>
        %swap3A_1275 = arith.constant 16 : i32
        %swap3A_1276 = arith.constant 0 : i32
        %swap3A_1277 = arith.constant 0 : i32
        %swap3A_1278 = tpu.memref_slice %run_scoped3A_8[%rem3A_193, %swap3A_1276, %swap3A_1277] : memref<2x64x16xf32, #tpu.memory_space<vmem>> -> memref<1x64x16xf32, #tpu.memory_space<vmem>>
        %swap3A_1279 = tpu.memref_squeeze %swap3A_1278 : memref<1x64x16xf32, #tpu.memory_space<vmem>> -> memref<64x16xf32, #tpu.memory_space<vmem>>
        %swap3A_1280 = arith.index_cast %swap3A_1275 : i32 to index
        %swap3A_1281 = arith.constant 0 : index
        %swap3A_1282 = tpu.vector_load %swap3A_1279[%swap3A_1280, %swap3A_1281] {strides = array<i32>} : memref<64x16xf32, #tpu.memory_space<vmem>>, vector<1x16xf32>,
        %swap3A_1283 = vector.shape_cast %swap3A_1282 : vector<1x16xf32> to vector<16xf32>
        %swap3A_1284 = vector.shape_cast %add3A_1274 : vector<16xf32> to vector<1x16xf32>
        tpu.vector_store %swap3A_1279[%swap3A_1280, %swap3A_1281], %swap3A_1284 {strides = array<i32>} : memref<64x16xf32, #tpu.memory_space<vmem>>, vector<1x16xf32>,
        %eq3A_1285 = arith.constant 1 : i32
        %eq3A_1286 = vector.broadcast %eq3A_1285 : i32 to vector<16xi32>
        %eq3A_1287 = arith.cmpi eq, %select_n3A_1167, %eq3A_1286 : vector<16xi32>
        %jit3A_1288 = arith.constant 0.000000e+00 : f32
        %broadcast_in_dim3A_1289 = vector.broadcast %jit3A_1288 : f32 to vector<16xf32>
        %select_n3A_1290 = arith.select %eq3A_1287, %mul3A_1260, %broadcast_in_dim3A_1289 : vector<16xi1>, vector<16xf32>
        %eq3A_1291 = arith.constant 1 : i32
        %eq3A_1292 = vector.broadcast %eq3A_1291 : i32 to vector<16xi32>
        %eq3A_1293 = arith.cmpi eq, %select_n3A_1259, %eq3A_1292 : vector<16xi32>
        %jit3A_1294 = arith.constant 0.000000e+00 : f32
        %broadcast_in_dim3A_1295 = vector.broadcast %jit3A_1294 : f32 to vector<16xf32>
        %select_n3A_1296 = arith.select %eq3A_1293, %mul3A_1261, %broadcast_in_dim3A_1295 : vector<16xi1>, vector<16xf32>
        %add3A_1297 = arith.addf %select_n3A_1290, %select_n3A_1296 : vector<16xf32>
        %swap3A_1298 = arith.constant 17 : i32
        %swap3A_1299 = arith.constant 0 : i32
        %swap3A_1300 = arith.constant 0 : i32
        %swap3A_1301 = tpu.memref_slice %run_scoped3A_8[%rem3A_193, %swap3A_1299, %swap3A_1300] : memref<2x64x16xf32, #tpu.memory_space<vmem>> -> memref<1x64x16xf32, #tpu.memory_space<vmem>>
        %swap3A_1302 = tpu.memref_squeeze %swap3A_1301 : memref<1x64x16xf32, #tpu.memory_space<vmem>> -> memref<64x16xf32, #tpu.memory_space<vmem>>
        %swap3A_1303 = arith.index_cast %swap3A_1298 : i32 to index
        %swap3A_1304 = arith.constant 0 : index
        %swap3A_1305 = tpu.vector_load %swap3A_1302[%swap3A_1303, %swap3A_1304] {strides = array<i32>} : memref<64x16xf32, #tpu.memory_space<vmem>>, vector<1x16xf32>,
        %swap3A_1306 = vector.shape_cast %swap3A_1305 : vector<1x16xf32> to vector<16xf32>
        %swap3A_1307 = vector.shape_cast %add3A_1297 : vector<16xf32> to vector<1x16xf32>
        tpu.vector_store %swap3A_1302[%swap3A_1303, %swap3A_1304], %swap3A_1307 {strides = array<i32>} : memref<64x16xf32, #tpu.memory_space<vmem>>, vector<1x16xf32>,
        %eq3A_1308 = arith.constant 2 : i32
        %eq3A_1309 = vector.broadcast %eq3A_1308 : i32 to vector<16xi32>
        %eq3A_1310 = arith.cmpi eq, %select_n3A_1167, %eq3A_1309 : vector<16xi32>
        %jit3A_1311 = arith.constant 0.000000e+00 : f32
        %broadcast_in_dim3A_1312 = vector.broadcast %jit3A_1311 : f32 to vector<16xf32>
        %select_n3A_1313 = arith.select %eq3A_1310, %mul3A_1260, %broadcast_in_dim3A_1312 : vector<16xi1>, vector<16xf32>
        %eq3A_1314 = arith.constant 2 : i32
        %eq3A_1315 = vector.broadcast %eq3A_1314 : i32 to vector<16xi32>
        %eq3A_1316 = arith.cmpi eq, %select_n3A_1259, %eq3A_1315 : vector<16xi32>
        %jit3A_1317 = arith.constant 0.000000e+00 : f32
        %broadcast_in_dim3A_1318 = vector.broadcast %jit3A_1317 : f32 to vector<16xf32>
        %select_n3A_1319 = arith.select %eq3A_1316, %mul3A_1261, %broadcast_in_dim3A_1318 : vector<16xi1>, vector<16xf32>
        %add3A_1320 = arith.addf %select_n3A_1313, %select_n3A_1319 : vector<16xf32>
        %swap3A_1321 = arith.constant 18 : i32
        %swap3A_1322 = arith.constant 0 : i32
        %swap3A_1323 = arith.constant 0 : i32
        %swap3A_1324 = tpu.memref_slice %run_scoped3A_8[%rem3A_193, %swap3A_1322, %swap3A_1323] : memref<2x64x16xf32, #tpu.memory_space<vmem>> -> memref<1x64x16xf32, #tpu.memory_space<vmem>>
        %swap3A_1325 = tpu.memref_squeeze %swap3A_1324 : memref<1x64x16xf32, #tpu.memory_space<vmem>> -> memref<64x16xf32, #tpu.memory_space<vmem>>
        %swap3A_1326 = arith.index_cast %swap3A_1321 : i32 to index
        %swap3A_1327 = arith.constant 0 : index
        %swap3A_1328 = tpu.vector_load %swap3A_1325[%swap3A_1326, %swap3A_1327] {strides = array<i32>} : memref<64x16xf32, #tpu.memory_space<vmem>>, vector<1x16xf32>,
        %swap3A_1329 = vector.shape_cast %swap3A_1328 : vector<1x16xf32> to vector<16xf32>
        %swap3A_1330 = vector.shape_cast %add3A_1320 : vector<16xf32> to vector<1x16xf32>
        tpu.vector_store %swap3A_1325[%swap3A_1326, %swap3A_1327], %swap3A_1330 {strides = array<i32>} : memref<64x16xf32, #tpu.memory_space<vmem>>, vector<1x16xf32>,
        %eq3A_1331 = arith.constant 3 : i32
        %eq3A_1332 = vector.broadcast %eq3A_1331 : i32 to vector<16xi32>
        %eq3A_1333 = arith.cmpi eq, %select_n3A_1167, %eq3A_1332 : vector<16xi32>
        %jit3A_1334 = arith.constant 0.000000e+00 : f32
        %broadcast_in_dim3A_1335 = vector.broadcast %jit3A_1334 : f32 to vector<16xf32>
        %select_n3A_1336 = arith.select %eq3A_1333, %mul3A_1260, %broadcast_in_dim3A_1335 : vector<16xi1>, vector<16xf32>
        %eq3A_1337 = arith.constant 3 : i32
        %eq3A_1338 = vector.broadcast %eq3A_1337 : i32 to vector<16xi32>
        %eq3A_1339 = arith.cmpi eq, %select_n3A_1259, %eq3A_1338 : vector<16xi32>
        %jit3A_1340 = arith.constant 0.000000e+00 : f32
        %broadcast_in_dim3A_1341 = vector.broadcast %jit3A_1340 : f32 to vector<16xf32>
        %select_n3A_1342 = arith.select %eq3A_1339, %mul3A_1261, %broadcast_in_dim3A_1341 : vector<16xi1>, vector<16xf32>
        %add3A_1343 = arith.addf %select_n3A_1336, %select_n3A_1342 : vector<16xf32>
        %swap3A_1344 = arith.constant 19 : i32
        %swap3A_1345 = arith.constant 0 : i32
        %swap3A_1346 = arith.constant 0 : i32
        %swap3A_1347 = tpu.memref_slice %run_scoped3A_8[%rem3A_193, %swap3A_1345, %swap3A_1346] : memref<2x64x16xf32, #tpu.memory_space<vmem>> -> memref<1x64x16xf32, #tpu.memory_space<vmem>>
        %swap3A_1348 = tpu.memref_squeeze %swap3A_1347 : memref<1x64x16xf32, #tpu.memory_space<vmem>> -> memref<64x16xf32, #tpu.memory_space<vmem>>
        %swap3A_1349 = arith.index_cast %swap3A_1344 : i32 to index
        %swap3A_1350 = arith.constant 0 : index
        %swap3A_1351 = tpu.vector_load %swap3A_1348[%swap3A_1349, %swap3A_1350] {strides = array<i32>} : memref<64x16xf32, #tpu.memory_space<vmem>>, vector<1x16xf32>,
        %swap3A_1352 = vector.shape_cast %swap3A_1351 : vector<1x16xf32> to vector<16xf32>
        %swap3A_1353 = vector.shape_cast %add3A_1343 : vector<16xf32> to vector<1x16xf32>
        tpu.vector_store %swap3A_1348[%swap3A_1349, %swap3A_1350], %swap3A_1353 {strides = array<i32>} : memref<64x16xf32, #tpu.memory_space<vmem>>, vector<1x16xf32>,
        %eq3A_1354 = arith.constant 4 : i32
        %eq3A_1355 = vector.broadcast %eq3A_1354 : i32 to vector<16xi32>
        %eq3A_1356 = arith.cmpi eq, %select_n3A_1167, %eq3A_1355 : vector<16xi32>
        %jit3A_1357 = arith.constant 0.000000e+00 : f32
        %broadcast_in_dim3A_1358 = vector.broadcast %jit3A_1357 : f32 to vector<16xf32>
        %select_n3A_1359 = arith.select %eq3A_1356, %mul3A_1260, %broadcast_in_dim3A_1358 : vector<16xi1>, vector<16xf32>
        %eq3A_1360 = arith.constant 4 : i32
        %eq3A_1361 = vector.broadcast %eq3A_1360 : i32 to vector<16xi32>
        %eq3A_1362 = arith.cmpi eq, %select_n3A_1259, %eq3A_1361 : vector<16xi32>
        %jit3A_1363 = arith.constant 0.000000e+00 : f32
        %broadcast_in_dim3A_1364 = vector.broadcast %jit3A_1363 : f32 to vector<16xf32>
        %select_n3A_1365 = arith.select %eq3A_1362, %mul3A_1261, %broadcast_in_dim3A_1364 : vector<16xi1>, vector<16xf32>
        %add3A_1366 = arith.addf %select_n3A_1359, %select_n3A_1365 : vector<16xf32>
        %swap3A_1367 = arith.constant 20 : i32
        %swap3A_1368 = arith.constant 0 : i32
        %swap3A_1369 = arith.constant 0 : i32
        %swap3A_1370 = tpu.memref_slice %run_scoped3A_8[%rem3A_193, %swap3A_1368, %swap3A_1369] : memref<2x64x16xf32, #tpu.memory_space<vmem>> -> memref<1x64x16xf32, #tpu.memory_space<vmem>>
        %swap3A_1371 = tpu.memref_squeeze %swap3A_1370 : memref<1x64x16xf32, #tpu.memory_space<vmem>> -> memref<64x16xf32, #tpu.memory_space<vmem>>
        %swap3A_1372 = arith.index_cast %swap3A_1367 : i32 to index
        %swap3A_1373 = arith.constant 0 : index
        %swap3A_1374 = tpu.vector_load %swap3A_1371[%swap3A_1372, %swap3A_1373] {strides = array<i32>} : memref<64x16xf32, #tpu.memory_space<vmem>>, vector<1x16xf32>,
        %swap3A_1375 = vector.shape_cast %swap3A_1374 : vector<1x16xf32> to vector<16xf32>
        %swap3A_1376 = vector.shape_cast %add3A_1366 : vector<16xf32> to vector<1x16xf32>
        tpu.vector_store %swap3A_1371[%swap3A_1372, %swap3A_1373], %swap3A_1376 {strides = array<i32>} : memref<64x16xf32, #tpu.memory_space<vmem>>, vector<1x16xf32>,
        %eq3A_1377 = arith.constant 5 : i32
        %eq3A_1378 = vector.broadcast %eq3A_1377 : i32 to vector<16xi32>
        %eq3A_1379 = arith.cmpi eq, %select_n3A_1167, %eq3A_1378 : vector<16xi32>
        %jit3A_1380 = arith.constant 0.000000e+00 : f32
        %broadcast_in_dim3A_1381 = vector.broadcast %jit3A_1380 : f32 to vector<16xf32>
        %select_n3A_1382 = arith.select %eq3A_1379, %mul3A_1260, %broadcast_in_dim3A_1381 : vector<16xi1>, vector<16xf32>
        %eq3A_1383 = arith.constant 5 : i32
        %eq3A_1384 = vector.broadcast %eq3A_1383 : i32 to vector<16xi32>
        %eq3A_1385 = arith.cmpi eq, %select_n3A_1259, %eq3A_1384 : vector<16xi32>
        %jit3A_1386 = arith.constant 0.000000e+00 : f32
        %broadcast_in_dim3A_1387 = vector.broadcast %jit3A_1386 : f32 to vector<16xf32>
        %select_n3A_1388 = arith.select %eq3A_1385, %mul3A_1261, %broadcast_in_dim3A_1387 : vector<16xi1>, vector<16xf32>
        %add3A_1389 = arith.addf %select_n3A_1382, %select_n3A_1388 : vector<16xf32>
        %swap3A_1390 = arith.constant 21 : i32
        %swap3A_1391 = arith.constant 0 : i32
        %swap3A_1392 = arith.constant 0 : i32
        %swap3A_1393 = tpu.memref_slice %run_scoped3A_8[%rem3A_193, %swap3A_1391, %swap3A_1392] : memref<2x64x16xf32, #tpu.memory_space<vmem>> -> memref<1x64x16xf32, #tpu.memory_space<vmem>>
        %swap3A_1394 = tpu.memref_squeeze %swap3A_1393 : memref<1x64x16xf32, #tpu.memory_space<vmem>> -> memref<64x16xf32, #tpu.memory_space<vmem>>
        %swap3A_1395 = arith.index_cast %swap3A_1390 : i32 to index
        %swap3A_1396 = arith.constant 0 : index
        %swap3A_1397 = tpu.vector_load %swap3A_1394[%swap3A_1395, %swap3A_1396] {strides = array<i32>} : memref<64x16xf32, #tpu.memory_space<vmem>>, vector<1x16xf32>,
        %swap3A_1398 = vector.shape_cast %swap3A_1397 : vector<1x16xf32> to vector<16xf32>
        %swap3A_1399 = vector.shape_cast %add3A_1389 : vector<16xf32> to vector<1x16xf32>
        tpu.vector_store %swap3A_1394[%swap3A_1395, %swap3A_1396], %swap3A_1399 {strides = array<i32>} : memref<64x16xf32, #tpu.memory_space<vmem>>, vector<1x16xf32>,
        %eq3A_1400 = arith.constant 6 : i32
        %eq3A_1401 = vector.broadcast %eq3A_1400 : i32 to vector<16xi32>
        %eq3A_1402 = arith.cmpi eq, %select_n3A_1167, %eq3A_1401 : vector<16xi32>
        %jit3A_1403 = arith.constant 0.000000e+00 : f32
        %broadcast_in_dim3A_1404 = vector.broadcast %jit3A_1403 : f32 to vector<16xf32>
        %select_n3A_1405 = arith.select %eq3A_1402, %mul3A_1260, %broadcast_in_dim3A_1404 : vector<16xi1>, vector<16xf32>
        %eq3A_1406 = arith.constant 6 : i32
        %eq3A_1407 = vector.broadcast %eq3A_1406 : i32 to vector<16xi32>
        %eq3A_1408 = arith.cmpi eq, %select_n3A_1259, %eq3A_1407 : vector<16xi32>
        %jit3A_1409 = arith.constant 0.000000e+00 : f32
        %broadcast_in_dim3A_1410 = vector.broadcast %jit3A_1409 : f32 to vector<16xf32>
        %select_n3A_1411 = arith.select %eq3A_1408, %mul3A_1261, %broadcast_in_dim3A_1410 : vector<16xi1>, vector<16xf32>
        %add3A_1412 = arith.addf %select_n3A_1405, %select_n3A_1411 : vector<16xf32>
        %swap3A_1413 = arith.constant 22 : i32
        %swap3A_1414 = arith.constant 0 : i32
        %swap3A_1415 = arith.constant 0 : i32
        %swap3A_1416 = tpu.memref_slice %run_scoped3A_8[%rem3A_193, %swap3A_1414, %swap3A_1415] : memref<2x64x16xf32, #tpu.memory_space<vmem>> -> memref<1x64x16xf32, #tpu.memory_space<vmem>>
        %swap3A_1417 = tpu.memref_squeeze %swap3A_1416 : memref<1x64x16xf32, #tpu.memory_space<vmem>> -> memref<64x16xf32, #tpu.memory_space<vmem>>
        %swap3A_1418 = arith.index_cast %swap3A_1413 : i32 to index
        %swap3A_1419 = arith.constant 0 : index
        %swap3A_1420 = tpu.vector_load %swap3A_1417[%swap3A_1418, %swap3A_1419] {strides = array<i32>} : memref<64x16xf32, #tpu.memory_space<vmem>>, vector<1x16xf32>,
        %swap3A_1421 = vector.shape_cast %swap3A_1420 : vector<1x16xf32> to vector<16xf32>
        %swap3A_1422 = vector.shape_cast %add3A_1412 : vector<16xf32> to vector<1x16xf32>
        tpu.vector_store %swap3A_1417[%swap3A_1418, %swap3A_1419], %swap3A_1422 {strides = array<i32>} : memref<64x16xf32, #tpu.memory_space<vmem>>, vector<1x16xf32>,
        %eq3A_1423 = arith.constant 7 : i32
        %eq3A_1424 = vector.broadcast %eq3A_1423 : i32 to vector<16xi32>
        %eq3A_1425 = arith.cmpi eq, %select_n3A_1167, %eq3A_1424 : vector<16xi32>
        %jit3A_1426 = arith.constant 0.000000e+00 : f32
        %broadcast_in_dim3A_1427 = vector.broadcast %jit3A_1426 : f32 to vector<16xf32>
        %select_n3A_1428 = arith.select %eq3A_1425, %mul3A_1260, %broadcast_in_dim3A_1427 : vector<16xi1>, vector<16xf32>
        %eq3A_1429 = arith.constant 7 : i32
        %eq3A_1430 = vector.broadcast %eq3A_1429 : i32 to vector<16xi32>
        %eq3A_1431 = arith.cmpi eq, %select_n3A_1259, %eq3A_1430 : vector<16xi32>
        %jit3A_1432 = arith.constant 0.000000e+00 : f32
        %broadcast_in_dim3A_1433 = vector.broadcast %jit3A_1432 : f32 to vector<16xf32>
        %select_n3A_1434 = arith.select %eq3A_1431, %mul3A_1261, %broadcast_in_dim3A_1433 : vector<16xi1>, vector<16xf32>
        %add3A_1435 = arith.addf %select_n3A_1428, %select_n3A_1434 : vector<16xf32>
        %swap3A_1436 = arith.constant 23 : i32
        %swap3A_1437 = arith.constant 0 : i32
        %swap3A_1438 = arith.constant 0 : i32
        %swap3A_1439 = tpu.memref_slice %run_scoped3A_8[%rem3A_193, %swap3A_1437, %swap3A_1438] : memref<2x64x16xf32, #tpu.memory_space<vmem>> -> memref<1x64x16xf32, #tpu.memory_space<vmem>>
        %swap3A_1440 = tpu.memref_squeeze %swap3A_1439 : memref<1x64x16xf32, #tpu.memory_space<vmem>> -> memref<64x16xf32, #tpu.memory_space<vmem>>
        %swap3A_1441 = arith.index_cast %swap3A_1436 : i32 to index
        %swap3A_1442 = arith.constant 0 : index
        %swap3A_1443 = tpu.vector_load %swap3A_1440[%swap3A_1441, %swap3A_1442] {strides = array<i32>} : memref<64x16xf32, #tpu.memory_space<vmem>>, vector<1x16xf32>,
        %swap3A_1444 = vector.shape_cast %swap3A_1443 : vector<1x16xf32> to vector<16xf32>
        %swap3A_1445 = vector.shape_cast %add3A_1435 : vector<16xf32> to vector<1x16xf32>
        tpu.vector_store %swap3A_1440[%swap3A_1441, %swap3A_1442], %swap3A_1445 {strides = array<i32>} : memref<64x16xf32, #tpu.memory_space<vmem>>, vector<1x16xf32>,
        %get3A_1446 = arith.constant 24 : i32
        %get3A_1447 = arith.constant 0 : i32
        %get3A_1448 = arith.constant 0 : i32
        %get3A_1449 = tpu.memref_slice %run_scoped3A[%rem3A_191, %get3A_1447, %get3A_1448] : memref<2x64x16xf32, #tpu.memory_space<vmem>> -> memref<1x64x16xf32, #tpu.memory_space<vmem>>
        %get3A_1450 = tpu.memref_squeeze %get3A_1449 : memref<1x64x16xf32, #tpu.memory_space<vmem>> -> memref<64x16xf32, #tpu.memory_space<vmem>>
        %get3A_1451 = arith.index_cast %get3A_1446 : i32 to index
        %get3A_1452 = arith.constant 0 : index
        %get3A_1453 = tpu.vector_load %get3A_1450[%get3A_1451, %get3A_1452] {strides = array<i32>} : memref<64x16xf32, #tpu.memory_space<vmem>>, vector<1x16xf32>,
        %get3A_1454 = vector.shape_cast %get3A_1453 : vector<1x16xf32> to vector<16xf32>
        %get3A_1455 = arith.constant 25 : i32
        %get3A_1456 = arith.constant 0 : i32
        %get3A_1457 = arith.constant 0 : i32
        %get3A_1458 = tpu.memref_slice %run_scoped3A[%rem3A_191, %get3A_1456, %get3A_1457] : memref<2x64x16xf32, #tpu.memory_space<vmem>> -> memref<1x64x16xf32, #tpu.memory_space<vmem>>
        %get3A_1459 = tpu.memref_squeeze %get3A_1458 : memref<1x64x16xf32, #tpu.memory_space<vmem>> -> memref<64x16xf32, #tpu.memory_space<vmem>>
        %get3A_1460 = arith.index_cast %get3A_1455 : i32 to index
        %get3A_1461 = arith.constant 0 : index
        %get3A_1462 = tpu.vector_load %get3A_1459[%get3A_1460, %get3A_1461] {strides = array<i32>} : memref<64x16xf32, #tpu.memory_space<vmem>>, vector<1x16xf32>,
        %get3A_1463 = vector.shape_cast %get3A_1462 : vector<1x16xf32> to vector<16xf32>
        %get3A_1464 = arith.constant 26 : i32
        %get3A_1465 = arith.constant 0 : i32
        %get3A_1466 = arith.constant 0 : i32
        %get3A_1467 = tpu.memref_slice %run_scoped3A[%rem3A_191, %get3A_1465, %get3A_1466] : memref<2x64x16xf32, #tpu.memory_space<vmem>> -> memref<1x64x16xf32, #tpu.memory_space<vmem>>
        %get3A_1468 = tpu.memref_squeeze %get3A_1467 : memref<1x64x16xf32, #tpu.memory_space<vmem>> -> memref<64x16xf32, #tpu.memory_space<vmem>>
        %get3A_1469 = arith.index_cast %get3A_1464 : i32 to index
        %get3A_1470 = arith.constant 0 : index
        %get3A_1471 = tpu.vector_load %get3A_1468[%get3A_1469, %get3A_1470] {strides = array<i32>} : memref<64x16xf32, #tpu.memory_space<vmem>>, vector<1x16xf32>,
        %get3A_1472 = vector.shape_cast %get3A_1471 : vector<1x16xf32> to vector<16xf32>
        %get3A_1473 = arith.constant 27 : i32
        %get3A_1474 = arith.constant 0 : i32
        %get3A_1475 = arith.constant 0 : i32
        %get3A_1476 = tpu.memref_slice %run_scoped3A[%rem3A_191, %get3A_1474, %get3A_1475] : memref<2x64x16xf32, #tpu.memory_space<vmem>> -> memref<1x64x16xf32, #tpu.memory_space<vmem>>
        %get3A_1477 = tpu.memref_squeeze %get3A_1476 : memref<1x64x16xf32, #tpu.memory_space<vmem>> -> memref<64x16xf32, #tpu.memory_space<vmem>>
        %get3A_1478 = arith.index_cast %get3A_1473 : i32 to index
        %get3A_1479 = arith.constant 0 : index
        %get3A_1480 = tpu.vector_load %get3A_1477[%get3A_1478, %get3A_1479] {strides = array<i32>} : memref<64x16xf32, #tpu.memory_space<vmem>>, vector<1x16xf32>,
        %get3A_1481 = vector.shape_cast %get3A_1480 : vector<1x16xf32> to vector<16xf32>
        %get3A_1482 = arith.constant 28 : i32
        %get3A_1483 = arith.constant 0 : i32
        %get3A_1484 = arith.constant 0 : i32
        %get3A_1485 = tpu.memref_slice %run_scoped3A[%rem3A_191, %get3A_1483, %get3A_1484] : memref<2x64x16xf32, #tpu.memory_space<vmem>> -> memref<1x64x16xf32, #tpu.memory_space<vmem>>
        %get3A_1486 = tpu.memref_squeeze %get3A_1485 : memref<1x64x16xf32, #tpu.memory_space<vmem>> -> memref<64x16xf32, #tpu.memory_space<vmem>>
        %get3A_1487 = arith.index_cast %get3A_1482 : i32 to index
        %get3A_1488 = arith.constant 0 : index
        %get3A_1489 = tpu.vector_load %get3A_1486[%get3A_1487, %get3A_1488] {strides = array<i32>} : memref<64x16xf32, #tpu.memory_space<vmem>>, vector<1x16xf32>,
        %get3A_1490 = vector.shape_cast %get3A_1489 : vector<1x16xf32> to vector<16xf32>
        %get3A_1491 = arith.constant 29 : i32
        %get3A_1492 = arith.constant 0 : i32
        %get3A_1493 = arith.constant 0 : i32
        %get3A_1494 = tpu.memref_slice %run_scoped3A[%rem3A_191, %get3A_1492, %get3A_1493] : memref<2x64x16xf32, #tpu.memory_space<vmem>> -> memref<1x64x16xf32, #tpu.memory_space<vmem>>
        %get3A_1495 = tpu.memref_squeeze %get3A_1494 : memref<1x64x16xf32, #tpu.memory_space<vmem>> -> memref<64x16xf32, #tpu.memory_space<vmem>>
        %get3A_1496 = arith.index_cast %get3A_1491 : i32 to index
        %get3A_1497 = arith.constant 0 : index
        %get3A_1498 = tpu.vector_load %get3A_1495[%get3A_1496, %get3A_1497] {strides = array<i32>} : memref<64x16xf32, #tpu.memory_space<vmem>>, vector<1x16xf32>,
        %get3A_1499 = vector.shape_cast %get3A_1498 : vector<1x16xf32> to vector<16xf32>
        %get3A_1500 = arith.constant 30 : i32
        %get3A_1501 = arith.constant 0 : i32
        %get3A_1502 = arith.constant 0 : i32
        %get3A_1503 = tpu.memref_slice %run_scoped3A[%rem3A_191, %get3A_1501, %get3A_1502] : memref<2x64x16xf32, #tpu.memory_space<vmem>> -> memref<1x64x16xf32, #tpu.memory_space<vmem>>
        %get3A_1504 = tpu.memref_squeeze %get3A_1503 : memref<1x64x16xf32, #tpu.memory_space<vmem>> -> memref<64x16xf32, #tpu.memory_space<vmem>>
        %get3A_1505 = arith.index_cast %get3A_1500 : i32 to index
        %get3A_1506 = arith.constant 0 : index
        %get3A_1507 = tpu.vector_load %get3A_1504[%get3A_1505, %get3A_1506] {strides = array<i32>} : memref<64x16xf32, #tpu.memory_space<vmem>>, vector<1x16xf32>,
        %get3A_1508 = vector.shape_cast %get3A_1507 : vector<1x16xf32> to vector<16xf32>
        %get3A_1509 = arith.constant 31 : i32
        %get3A_1510 = arith.constant 0 : i32
        %get3A_1511 = arith.constant 0 : i32
        %get3A_1512 = tpu.memref_slice %run_scoped3A[%rem3A_191, %get3A_1510, %get3A_1511] : memref<2x64x16xf32, #tpu.memory_space<vmem>> -> memref<1x64x16xf32, #tpu.memory_space<vmem>>
        %get3A_1513 = tpu.memref_squeeze %get3A_1512 : memref<1x64x16xf32, #tpu.memory_space<vmem>> -> memref<64x16xf32, #tpu.memory_space<vmem>>
        %get3A_1514 = arith.index_cast %get3A_1509 : i32 to index
        %get3A_1515 = arith.constant 0 : index
        %get3A_1516 = tpu.vector_load %get3A_1513[%get3A_1514, %get3A_1515] {strides = array<i32>} : memref<64x16xf32, #tpu.memory_space<vmem>>, vector<1x16xf32>,
        %get3A_1517 = vector.shape_cast %get3A_1516 : vector<1x16xf32> to vector<16xf32>
        %max3A_1518 = arith.maximumf %get3A_1454, %get3A_1463 : vector<16xf32>
        %max3A_1519 = arith.maximumf %max3A_1518, %get3A_1472 : vector<16xf32>
        %max3A_1520 = arith.maximumf %max3A_1519, %get3A_1481 : vector<16xf32>
        %max3A_1521 = arith.maximumf %max3A_1520, %get3A_1490 : vector<16xf32>
        %max3A_1522 = arith.maximumf %max3A_1521, %get3A_1499 : vector<16xf32>
        %max3A_1523 = arith.maximumf %max3A_1522, %get3A_1508 : vector<16xf32>
        %max3A_1524 = arith.maximumf %max3A_1523, %get3A_1517 : vector<16xf32>
        %sub3A_1525 = arith.subf %get3A_1454, %max3A_1524 : vector<16xf32>
        %exp3A_1526 = math.exp %sub3A_1525 : vector<16xf32>
        %sub3A_1527 = arith.subf %get3A_1463, %max3A_1524 : vector<16xf32>
        %exp3A_1528 = math.exp %sub3A_1527 : vector<16xf32>
        %sub3A_1529 = arith.subf %get3A_1472, %max3A_1524 : vector<16xf32>
        %exp3A_1530 = math.exp %sub3A_1529 : vector<16xf32>
        %sub3A_1531 = arith.subf %get3A_1481, %max3A_1524 : vector<16xf32>
        %exp3A_1532 = math.exp %sub3A_1531 : vector<16xf32>
        %sub3A_1533 = arith.subf %get3A_1490, %max3A_1524 : vector<16xf32>
        %exp3A_1534 = math.exp %sub3A_1533 : vector<16xf32>
        %sub3A_1535 = arith.subf %get3A_1499, %max3A_1524 : vector<16xf32>
        %exp3A_1536 = math.exp %sub3A_1535 : vector<16xf32>
        %sub3A_1537 = arith.subf %get3A_1508, %max3A_1524 : vector<16xf32>
        %exp3A_1538 = math.exp %sub3A_1537 : vector<16xf32>
        %sub3A_1539 = arith.subf %get3A_1517, %max3A_1524 : vector<16xf32>
        %exp3A_1540 = math.exp %sub3A_1539 : vector<16xf32>
        %add3A_1541 = arith.addf %exp3A_1526, %exp3A_1528 : vector<16xf32>
        %add3A_1542 = arith.addf %add3A_1541, %exp3A_1530 : vector<16xf32>
        %add3A_1543 = arith.addf %add3A_1542, %exp3A_1532 : vector<16xf32>
        %add3A_1544 = arith.addf %add3A_1543, %exp3A_1534 : vector<16xf32>
        %add3A_1545 = arith.addf %add3A_1544, %exp3A_1536 : vector<16xf32>
        %add3A_1546 = arith.addf %add3A_1545, %exp3A_1538 : vector<16xf32>
        %add3A_1547 = arith.addf %add3A_1546, %exp3A_1540 : vector<16xf32>
        %div3A_1548 = arith.constant 1.000000e+00 : f32
        %div3A_1549 = vector.broadcast %div3A_1548 : f32 to vector<16xf32>
        %div3A_1550 = arith.divf %div3A_1549, %add3A_1547 : vector<16xf32>
        %broadcast_in_dim3A_1551 = arith.constant 0 : i32
        %broadcast_in_dim3A_1552 = vector.broadcast %broadcast_in_dim3A_1551 : i32 to vector<16xi32>
        %gt3A_1553 = arith.cmpf ogt, %exp3A_1528, %exp3A_1526 : vector<16xf32>
        %select_n3A_1554 = arith.select %gt3A_1553, %exp3A_1528, %exp3A_1526 : vector<16xi1>, vector<16xf32>
        %jit3A_1555 = arith.constant 1 : i32
        %broadcast_in_dim3A_1556 = vector.broadcast %jit3A_1555 : i32 to vector<16xi32>
        %select_n3A_1557 = arith.select %gt3A_1553, %broadcast_in_dim3A_1556, %broadcast_in_dim3A_1552 : vector<16xi1>, vector<16xi32>
        %gt3A_1558 = arith.cmpf ogt, %exp3A_1530, %select_n3A_1554 : vector<16xf32>
        %select_n3A_1559 = arith.select %gt3A_1558, %exp3A_1530, %select_n3A_1554 : vector<16xi1>, vector<16xf32>
        %jit3A_1560 = arith.constant 2 : i32
        %broadcast_in_dim3A_1561 = vector.broadcast %jit3A_1560 : i32 to vector<16xi32>
        %select_n3A_1562 = arith.select %gt3A_1558, %broadcast_in_dim3A_1561, %select_n3A_1557 : vector<16xi1>, vector<16xi32>
        %gt3A_1563 = arith.cmpf ogt, %exp3A_1532, %select_n3A_1559 : vector<16xf32>
        %select_n3A_1564 = arith.select %gt3A_1563, %exp3A_1532, %select_n3A_1559 : vector<16xi1>, vector<16xf32>
        %jit3A_1565 = arith.constant 3 : i32
        %broadcast_in_dim3A_1566 = vector.broadcast %jit3A_1565 : i32 to vector<16xi32>
        %select_n3A_1567 = arith.select %gt3A_1563, %broadcast_in_dim3A_1566, %select_n3A_1562 : vector<16xi1>, vector<16xi32>
        %gt3A_1568 = arith.cmpf ogt, %exp3A_1534, %select_n3A_1564 : vector<16xf32>
        %select_n3A_1569 = arith.select %gt3A_1568, %exp3A_1534, %select_n3A_1564 : vector<16xi1>, vector<16xf32>
        %jit3A_1570 = arith.constant 4 : i32
        %broadcast_in_dim3A_1571 = vector.broadcast %jit3A_1570 : i32 to vector<16xi32>
        %select_n3A_1572 = arith.select %gt3A_1568, %broadcast_in_dim3A_1571, %select_n3A_1567 : vector<16xi1>, vector<16xi32>
        %gt3A_1573 = arith.cmpf ogt, %exp3A_1536, %select_n3A_1569 : vector<16xf32>
        %select_n3A_1574 = arith.select %gt3A_1573, %exp3A_1536, %select_n3A_1569 : vector<16xi1>, vector<16xf32>
        %jit3A_1575 = arith.constant 5 : i32
        %broadcast_in_dim3A_1576 = vector.broadcast %jit3A_1575 : i32 to vector<16xi32>
        %select_n3A_1577 = arith.select %gt3A_1573, %broadcast_in_dim3A_1576, %select_n3A_1572 : vector<16xi1>, vector<16xi32>
        %gt3A_1578 = arith.cmpf ogt, %exp3A_1538, %select_n3A_1574 : vector<16xf32>
        %select_n3A_1579 = arith.select %gt3A_1578, %exp3A_1538, %select_n3A_1574 : vector<16xi1>, vector<16xf32>
        %jit3A_1580 = arith.constant 6 : i32
        %broadcast_in_dim3A_1581 = vector.broadcast %jit3A_1580 : i32 to vector<16xi32>
        %select_n3A_1582 = arith.select %gt3A_1578, %broadcast_in_dim3A_1581, %select_n3A_1577 : vector<16xi1>, vector<16xi32>
        %gt3A_1583 = arith.cmpf ogt, %exp3A_1540, %select_n3A_1579 : vector<16xf32>
        %select_n3A_1584 = arith.select %gt3A_1583, %exp3A_1540, %select_n3A_1579 : vector<16xi1>, vector<16xf32>
        %jit3A_1585 = arith.constant 7 : i32
        %broadcast_in_dim3A_1586 = vector.broadcast %jit3A_1585 : i32 to vector<16xi32>
        %select_n3A_1587 = arith.select %gt3A_1583, %broadcast_in_dim3A_1586, %select_n3A_1582 : vector<16xi1>, vector<16xi32>
        %broadcast_in_dim3A_1588 = arith.constant -1.000000e+00 : f32
        %broadcast_in_dim3A_1589 = vector.broadcast %broadcast_in_dim3A_1588 : f32 to vector<16xf32>
        %broadcast_in_dim3A_1590 = arith.constant 0 : i32
        %broadcast_in_dim3A_1591 = vector.broadcast %broadcast_in_dim3A_1590 : i32 to vector<16xi32>
        %eq3A_1592 = arith.constant 0 : i32
        %eq3A_1593 = vector.broadcast %eq3A_1592 : i32 to vector<16xi32>
        %eq3A_1594 = arith.cmpi eq, %select_n3A_1587, %eq3A_1593 : vector<16xi32>
        %jit3A_1595 = arith.constant -1.000000e+00 : f32
        %broadcast_in_dim3A_1596 = vector.broadcast %jit3A_1595 : f32 to vector<16xf32>
        %select_n3A_1597 = arith.select %eq3A_1594, %broadcast_in_dim3A_1596, %exp3A_1526 : vector<16xi1>, vector<16xf32>
        %gt3A_1598 = arith.cmpf ogt, %select_n3A_1597, %broadcast_in_dim3A_1589 : vector<16xf32>
        %select_n3A_1599 = arith.select %gt3A_1598, %select_n3A_1597, %broadcast_in_dim3A_1589 : vector<16xi1>, vector<16xf32>
        %jit3A_1600 = arith.constant 0 : i32
        %broadcast_in_dim3A_1601 = vector.broadcast %jit3A_1600 : i32 to vector<16xi32>
        %select_n3A_1602 = arith.select %gt3A_1598, %broadcast_in_dim3A_1601, %broadcast_in_dim3A_1591 : vector<16xi1>, vector<16xi32>
        %eq3A_1603 = arith.constant 1 : i32
        %eq3A_1604 = vector.broadcast %eq3A_1603 : i32 to vector<16xi32>
        %eq3A_1605 = arith.cmpi eq, %select_n3A_1587, %eq3A_1604 : vector<16xi32>
        %jit3A_1606 = arith.constant -1.000000e+00 : f32
        %broadcast_in_dim3A_1607 = vector.broadcast %jit3A_1606 : f32 to vector<16xf32>
        %select_n3A_1608 = arith.select %eq3A_1605, %broadcast_in_dim3A_1607, %exp3A_1528 : vector<16xi1>, vector<16xf32>
        %gt3A_1609 = arith.cmpf ogt, %select_n3A_1608, %select_n3A_1599 : vector<16xf32>
        %select_n3A_1610 = arith.select %gt3A_1609, %select_n3A_1608, %select_n3A_1599 : vector<16xi1>, vector<16xf32>
        %jit3A_1611 = arith.constant 1 : i32
        %broadcast_in_dim3A_1612 = vector.broadcast %jit3A_1611 : i32 to vector<16xi32>
        %select_n3A_1613 = arith.select %gt3A_1609, %broadcast_in_dim3A_1612, %select_n3A_1602 : vector<16xi1>, vector<16xi32>
        %eq3A_1614 = arith.constant 2 : i32
        %eq3A_1615 = vector.broadcast %eq3A_1614 : i32 to vector<16xi32>
        %eq3A_1616 = arith.cmpi eq, %select_n3A_1587, %eq3A_1615 : vector<16xi32>
        %jit3A_1617 = arith.constant -1.000000e+00 : f32
        %broadcast_in_dim3A_1618 = vector.broadcast %jit3A_1617 : f32 to vector<16xf32>
        %select_n3A_1619 = arith.select %eq3A_1616, %broadcast_in_dim3A_1618, %exp3A_1530 : vector<16xi1>, vector<16xf32>
        %gt3A_1620 = arith.cmpf ogt, %select_n3A_1619, %select_n3A_1610 : vector<16xf32>
        %select_n3A_1621 = arith.select %gt3A_1620, %select_n3A_1619, %select_n3A_1610 : vector<16xi1>, vector<16xf32>
        %jit3A_1622 = arith.constant 2 : i32
        %broadcast_in_dim3A_1623 = vector.broadcast %jit3A_1622 : i32 to vector<16xi32>
        %select_n3A_1624 = arith.select %gt3A_1620, %broadcast_in_dim3A_1623, %select_n3A_1613 : vector<16xi1>, vector<16xi32>
        %eq3A_1625 = arith.constant 3 : i32
        %eq3A_1626 = vector.broadcast %eq3A_1625 : i32 to vector<16xi32>
        %eq3A_1627 = arith.cmpi eq, %select_n3A_1587, %eq3A_1626 : vector<16xi32>
        %jit3A_1628 = arith.constant -1.000000e+00 : f32
        %broadcast_in_dim3A_1629 = vector.broadcast %jit3A_1628 : f32 to vector<16xf32>
        %select_n3A_1630 = arith.select %eq3A_1627, %broadcast_in_dim3A_1629, %exp3A_1532 : vector<16xi1>, vector<16xf32>
        %gt3A_1631 = arith.cmpf ogt, %select_n3A_1630, %select_n3A_1621 : vector<16xf32>
        %select_n3A_1632 = arith.select %gt3A_1631, %select_n3A_1630, %select_n3A_1621 : vector<16xi1>, vector<16xf32>
        %jit3A_1633 = arith.constant 3 : i32
        %broadcast_in_dim3A_1634 = vector.broadcast %jit3A_1633 : i32 to vector<16xi32>
        %select_n3A_1635 = arith.select %gt3A_1631, %broadcast_in_dim3A_1634, %select_n3A_1624 : vector<16xi1>, vector<16xi32>
        %eq3A_1636 = arith.constant 4 : i32
        %eq3A_1637 = vector.broadcast %eq3A_1636 : i32 to vector<16xi32>
        %eq3A_1638 = arith.cmpi eq, %select_n3A_1587, %eq3A_1637 : vector<16xi32>
        %jit3A_1639 = arith.constant -1.000000e+00 : f32
        %broadcast_in_dim3A_1640 = vector.broadcast %jit3A_1639 : f32 to vector<16xf32>
        %select_n3A_1641 = arith.select %eq3A_1638, %broadcast_in_dim3A_1640, %exp3A_1534 : vector<16xi1>, vector<16xf32>
        %gt3A_1642 = arith.cmpf ogt, %select_n3A_1641, %select_n3A_1632 : vector<16xf32>
        %select_n3A_1643 = arith.select %gt3A_1642, %select_n3A_1641, %select_n3A_1632 : vector<16xi1>, vector<16xf32>
        %jit3A_1644 = arith.constant 4 : i32
        %broadcast_in_dim3A_1645 = vector.broadcast %jit3A_1644 : i32 to vector<16xi32>
        %select_n3A_1646 = arith.select %gt3A_1642, %broadcast_in_dim3A_1645, %select_n3A_1635 : vector<16xi1>, vector<16xi32>
        %eq3A_1647 = arith.constant 5 : i32
        %eq3A_1648 = vector.broadcast %eq3A_1647 : i32 to vector<16xi32>
        %eq3A_1649 = arith.cmpi eq, %select_n3A_1587, %eq3A_1648 : vector<16xi32>
        %jit3A_1650 = arith.constant -1.000000e+00 : f32
        %broadcast_in_dim3A_1651 = vector.broadcast %jit3A_1650 : f32 to vector<16xf32>
        %select_n3A_1652 = arith.select %eq3A_1649, %broadcast_in_dim3A_1651, %exp3A_1536 : vector<16xi1>, vector<16xf32>
        %gt3A_1653 = arith.cmpf ogt, %select_n3A_1652, %select_n3A_1643 : vector<16xf32>
        %select_n3A_1654 = arith.select %gt3A_1653, %select_n3A_1652, %select_n3A_1643 : vector<16xi1>, vector<16xf32>
        %jit3A_1655 = arith.constant 5 : i32
        %broadcast_in_dim3A_1656 = vector.broadcast %jit3A_1655 : i32 to vector<16xi32>
        %select_n3A_1657 = arith.select %gt3A_1653, %broadcast_in_dim3A_1656, %select_n3A_1646 : vector<16xi1>, vector<16xi32>
        %eq3A_1658 = arith.constant 6 : i32
        %eq3A_1659 = vector.broadcast %eq3A_1658 : i32 to vector<16xi32>
        %eq3A_1660 = arith.cmpi eq, %select_n3A_1587, %eq3A_1659 : vector<16xi32>
        %jit3A_1661 = arith.constant -1.000000e+00 : f32
        %broadcast_in_dim3A_1662 = vector.broadcast %jit3A_1661 : f32 to vector<16xf32>
        %select_n3A_1663 = arith.select %eq3A_1660, %broadcast_in_dim3A_1662, %exp3A_1538 : vector<16xi1>, vector<16xf32>
        %gt3A_1664 = arith.cmpf ogt, %select_n3A_1663, %select_n3A_1654 : vector<16xf32>
        %select_n3A_1665 = arith.select %gt3A_1664, %select_n3A_1663, %select_n3A_1654 : vector<16xi1>, vector<16xf32>
        %jit3A_1666 = arith.constant 6 : i32
        %broadcast_in_dim3A_1667 = vector.broadcast %jit3A_1666 : i32 to vector<16xi32>
        %select_n3A_1668 = arith.select %gt3A_1664, %broadcast_in_dim3A_1667, %select_n3A_1657 : vector<16xi1>, vector<16xi32>
        %eq3A_1669 = arith.constant 7 : i32
        %eq3A_1670 = vector.broadcast %eq3A_1669 : i32 to vector<16xi32>
        %eq3A_1671 = arith.cmpi eq, %select_n3A_1587, %eq3A_1670 : vector<16xi32>
        %jit3A_1672 = arith.constant -1.000000e+00 : f32
        %broadcast_in_dim3A_1673 = vector.broadcast %jit3A_1672 : f32 to vector<16xf32>
        %select_n3A_1674 = arith.select %eq3A_1671, %broadcast_in_dim3A_1673, %exp3A_1540 : vector<16xi1>, vector<16xf32>
        %gt3A_1675 = arith.cmpf ogt, %select_n3A_1674, %select_n3A_1665 : vector<16xf32>
        %select_n3A_1676 = arith.select %gt3A_1675, %select_n3A_1674, %select_n3A_1665 : vector<16xi1>, vector<16xf32>
        %jit3A_1677 = arith.constant 7 : i32
        %broadcast_in_dim3A_1678 = vector.broadcast %jit3A_1677 : i32 to vector<16xi32>
        %select_n3A_1679 = arith.select %gt3A_1675, %broadcast_in_dim3A_1678, %select_n3A_1668 : vector<16xi1>, vector<16xi32>
        %mul3A_1680 = arith.mulf %select_n3A_1584, %div3A_1550 : vector<16xf32>
        %mul3A_1681 = arith.mulf %select_n3A_1676, %div3A_1550 : vector<16xf32>
        %eq3A_1682 = arith.constant 0 : i32
        %eq3A_1683 = vector.broadcast %eq3A_1682 : i32 to vector<16xi32>
        %eq3A_1684 = arith.cmpi eq, %select_n3A_1587, %eq3A_1683 : vector<16xi32>
        %jit3A_1685 = arith.constant 0.000000e+00 : f32
        %broadcast_in_dim3A_1686 = vector.broadcast %jit3A_1685 : f32 to vector<16xf32>
        %select_n3A_1687 = arith.select %eq3A_1684, %mul3A_1680, %broadcast_in_dim3A_1686 : vector<16xi1>, vector<16xf32>
        %eq3A_1688 = arith.constant 0 : i32
        %eq3A_1689 = vector.broadcast %eq3A_1688 : i32 to vector<16xi32>
        %eq3A_1690 = arith.cmpi eq, %select_n3A_1679, %eq3A_1689 : vector<16xi32>
        %jit3A_1691 = arith.constant 0.000000e+00 : f32
        %broadcast_in_dim3A_1692 = vector.broadcast %jit3A_1691 : f32 to vector<16xf32>
        %select_n3A_1693 = arith.select %eq3A_1690, %mul3A_1681, %broadcast_in_dim3A_1692 : vector<16xi1>, vector<16xf32>
        %add3A_1694 = arith.addf %select_n3A_1687, %select_n3A_1693 : vector<16xf32>
        %swap3A_1695 = arith.constant 24 : i32
        %swap3A_1696 = arith.constant 0 : i32
        %swap3A_1697 = arith.constant 0 : i32
        %swap3A_1698 = tpu.memref_slice %run_scoped3A_8[%rem3A_193, %swap3A_1696, %swap3A_1697] : memref<2x64x16xf32, #tpu.memory_space<vmem>> -> memref<1x64x16xf32, #tpu.memory_space<vmem>>
        %swap3A_1699 = tpu.memref_squeeze %swap3A_1698 : memref<1x64x16xf32, #tpu.memory_space<vmem>> -> memref<64x16xf32, #tpu.memory_space<vmem>>
        %swap3A_1700 = arith.index_cast %swap3A_1695 : i32 to index
        %swap3A_1701 = arith.constant 0 : index
        %swap3A_1702 = tpu.vector_load %swap3A_1699[%swap3A_1700, %swap3A_1701] {strides = array<i32>} : memref<64x16xf32, #tpu.memory_space<vmem>>, vector<1x16xf32>,
        %swap3A_1703 = vector.shape_cast %swap3A_1702 : vector<1x16xf32> to vector<16xf32>
        %swap3A_1704 = vector.shape_cast %add3A_1694 : vector<16xf32> to vector<1x16xf32>
        tpu.vector_store %swap3A_1699[%swap3A_1700, %swap3A_1701], %swap3A_1704 {strides = array<i32>} : memref<64x16xf32, #tpu.memory_space<vmem>>, vector<1x16xf32>,
        %eq3A_1705 = arith.constant 1 : i32
        %eq3A_1706 = vector.broadcast %eq3A_1705 : i32 to vector<16xi32>
        %eq3A_1707 = arith.cmpi eq, %select_n3A_1587, %eq3A_1706 : vector<16xi32>
        %jit3A_1708 = arith.constant 0.000000e+00 : f32
        %broadcast_in_dim3A_1709 = vector.broadcast %jit3A_1708 : f32 to vector<16xf32>
        %select_n3A_1710 = arith.select %eq3A_1707, %mul3A_1680, %broadcast_in_dim3A_1709 : vector<16xi1>, vector<16xf32>
        %eq3A_1711 = arith.constant 1 : i32
        %eq3A_1712 = vector.broadcast %eq3A_1711 : i32 to vector<16xi32>
        %eq3A_1713 = arith.cmpi eq, %select_n3A_1679, %eq3A_1712 : vector<16xi32>
        %jit3A_1714 = arith.constant 0.000000e+00 : f32
        %broadcast_in_dim3A_1715 = vector.broadcast %jit3A_1714 : f32 to vector<16xf32>
        %select_n3A_1716 = arith.select %eq3A_1713, %mul3A_1681, %broadcast_in_dim3A_1715 : vector<16xi1>, vector<16xf32>
        %add3A_1717 = arith.addf %select_n3A_1710, %select_n3A_1716 : vector<16xf32>
        %swap3A_1718 = arith.constant 25 : i32
        %swap3A_1719 = arith.constant 0 : i32
        %swap3A_1720 = arith.constant 0 : i32
        %swap3A_1721 = tpu.memref_slice %run_scoped3A_8[%rem3A_193, %swap3A_1719, %swap3A_1720] : memref<2x64x16xf32, #tpu.memory_space<vmem>> -> memref<1x64x16xf32, #tpu.memory_space<vmem>>
        %swap3A_1722 = tpu.memref_squeeze %swap3A_1721 : memref<1x64x16xf32, #tpu.memory_space<vmem>> -> memref<64x16xf32, #tpu.memory_space<vmem>>
        %swap3A_1723 = arith.index_cast %swap3A_1718 : i32 to index
        %swap3A_1724 = arith.constant 0 : index
        %swap3A_1725 = tpu.vector_load %swap3A_1722[%swap3A_1723, %swap3A_1724] {strides = array<i32>} : memref<64x16xf32, #tpu.memory_space<vmem>>, vector<1x16xf32>,
        %swap3A_1726 = vector.shape_cast %swap3A_1725 : vector<1x16xf32> to vector<16xf32>
        %swap3A_1727 = vector.shape_cast %add3A_1717 : vector<16xf32> to vector<1x16xf32>
        tpu.vector_store %swap3A_1722[%swap3A_1723, %swap3A_1724], %swap3A_1727 {strides = array<i32>} : memref<64x16xf32, #tpu.memory_space<vmem>>, vector<1x16xf32>,
        %eq3A_1728 = arith.constant 2 : i32
        %eq3A_1729 = vector.broadcast %eq3A_1728 : i32 to vector<16xi32>
        %eq3A_1730 = arith.cmpi eq, %select_n3A_1587, %eq3A_1729 : vector<16xi32>
        %jit3A_1731 = arith.constant 0.000000e+00 : f32
        %broadcast_in_dim3A_1732 = vector.broadcast %jit3A_1731 : f32 to vector<16xf32>
        %select_n3A_1733 = arith.select %eq3A_1730, %mul3A_1680, %broadcast_in_dim3A_1732 : vector<16xi1>, vector<16xf32>
        %eq3A_1734 = arith.constant 2 : i32
        %eq3A_1735 = vector.broadcast %eq3A_1734 : i32 to vector<16xi32>
        %eq3A_1736 = arith.cmpi eq, %select_n3A_1679, %eq3A_1735 : vector<16xi32>
        %jit3A_1737 = arith.constant 0.000000e+00 : f32
        %broadcast_in_dim3A_1738 = vector.broadcast %jit3A_1737 : f32 to vector<16xf32>
        %select_n3A_1739 = arith.select %eq3A_1736, %mul3A_1681, %broadcast_in_dim3A_1738 : vector<16xi1>, vector<16xf32>
        %add3A_1740 = arith.addf %select_n3A_1733, %select_n3A_1739 : vector<16xf32>
        %swap3A_1741 = arith.constant 26 : i32
        %swap3A_1742 = arith.constant 0 : i32
        %swap3A_1743 = arith.constant 0 : i32
        %swap3A_1744 = tpu.memref_slice %run_scoped3A_8[%rem3A_193, %swap3A_1742, %swap3A_1743] : memref<2x64x16xf32, #tpu.memory_space<vmem>> -> memref<1x64x16xf32, #tpu.memory_space<vmem>>
        %swap3A_1745 = tpu.memref_squeeze %swap3A_1744 : memref<1x64x16xf32, #tpu.memory_space<vmem>> -> memref<64x16xf32, #tpu.memory_space<vmem>>
        %swap3A_1746 = arith.index_cast %swap3A_1741 : i32 to index
        %swap3A_1747 = arith.constant 0 : index
        %swap3A_1748 = tpu.vector_load %swap3A_1745[%swap3A_1746, %swap3A_1747] {strides = array<i32>} : memref<64x16xf32, #tpu.memory_space<vmem>>, vector<1x16xf32>,
        %swap3A_1749 = vector.shape_cast %swap3A_1748 : vector<1x16xf32> to vector<16xf32>
        %swap3A_1750 = vector.shape_cast %add3A_1740 : vector<16xf32> to vector<1x16xf32>
        tpu.vector_store %swap3A_1745[%swap3A_1746, %swap3A_1747], %swap3A_1750 {strides = array<i32>} : memref<64x16xf32, #tpu.memory_space<vmem>>, vector<1x16xf32>,
        %eq3A_1751 = arith.constant 3 : i32
        %eq3A_1752 = vector.broadcast %eq3A_1751 : i32 to vector<16xi32>
        %eq3A_1753 = arith.cmpi eq, %select_n3A_1587, %eq3A_1752 : vector<16xi32>
        %jit3A_1754 = arith.constant 0.000000e+00 : f32
        %broadcast_in_dim3A_1755 = vector.broadcast %jit3A_1754 : f32 to vector<16xf32>
        %select_n3A_1756 = arith.select %eq3A_1753, %mul3A_1680, %broadcast_in_dim3A_1755 : vector<16xi1>, vector<16xf32>
        %eq3A_1757 = arith.constant 3 : i32
        %eq3A_1758 = vector.broadcast %eq3A_1757 : i32 to vector<16xi32>
        %eq3A_1759 = arith.cmpi eq, %select_n3A_1679, %eq3A_1758 : vector<16xi32>
        %jit3A_1760 = arith.constant 0.000000e+00 : f32
        %broadcast_in_dim3A_1761 = vector.broadcast %jit3A_1760 : f32 to vector<16xf32>
        %select_n3A_1762 = arith.select %eq3A_1759, %mul3A_1681, %broadcast_in_dim3A_1761 : vector<16xi1>, vector<16xf32>
        %add3A_1763 = arith.addf %select_n3A_1756, %select_n3A_1762 : vector<16xf32>
        %swap3A_1764 = arith.constant 27 : i32
        %swap3A_1765 = arith.constant 0 : i32
        %swap3A_1766 = arith.constant 0 : i32
        %swap3A_1767 = tpu.memref_slice %run_scoped3A_8[%rem3A_193, %swap3A_1765, %swap3A_1766] : memref<2x64x16xf32, #tpu.memory_space<vmem>> -> memref<1x64x16xf32, #tpu.memory_space<vmem>>
        %swap3A_1768 = tpu.memref_squeeze %swap3A_1767 : memref<1x64x16xf32, #tpu.memory_space<vmem>> -> memref<64x16xf32, #tpu.memory_space<vmem>>
        %swap3A_1769 = arith.index_cast %swap3A_1764 : i32 to index
        %swap3A_1770 = arith.constant 0 : index
        %swap3A_1771 = tpu.vector_load %swap3A_1768[%swap3A_1769, %swap3A_1770] {strides = array<i32>} : memref<64x16xf32, #tpu.memory_space<vmem>>, vector<1x16xf32>,
        %swap3A_1772 = vector.shape_cast %swap3A_1771 : vector<1x16xf32> to vector<16xf32>
        %swap3A_1773 = vector.shape_cast %add3A_1763 : vector<16xf32> to vector<1x16xf32>
        tpu.vector_store %swap3A_1768[%swap3A_1769, %swap3A_1770], %swap3A_1773 {strides = array<i32>} : memref<64x16xf32, #tpu.memory_space<vmem>>, vector<1x16xf32>,
        %eq3A_1774 = arith.constant 4 : i32
        %eq3A_1775 = vector.broadcast %eq3A_1774 : i32 to vector<16xi32>
        %eq3A_1776 = arith.cmpi eq, %select_n3A_1587, %eq3A_1775 : vector<16xi32>
        %jit3A_1777 = arith.constant 0.000000e+00 : f32
        %broadcast_in_dim3A_1778 = vector.broadcast %jit3A_1777 : f32 to vector<16xf32>
        %select_n3A_1779 = arith.select %eq3A_1776, %mul3A_1680, %broadcast_in_dim3A_1778 : vector<16xi1>, vector<16xf32>
        %eq3A_1780 = arith.constant 4 : i32
        %eq3A_1781 = vector.broadcast %eq3A_1780 : i32 to vector<16xi32>
        %eq3A_1782 = arith.cmpi eq, %select_n3A_1679, %eq3A_1781 : vector<16xi32>
        %jit3A_1783 = arith.constant 0.000000e+00 : f32
        %broadcast_in_dim3A_1784 = vector.broadcast %jit3A_1783 : f32 to vector<16xf32>
        %select_n3A_1785 = arith.select %eq3A_1782, %mul3A_1681, %broadcast_in_dim3A_1784 : vector<16xi1>, vector<16xf32>
        %add3A_1786 = arith.addf %select_n3A_1779, %select_n3A_1785 : vector<16xf32>
        %swap3A_1787 = arith.constant 28 : i32
        %swap3A_1788 = arith.constant 0 : i32
        %swap3A_1789 = arith.constant 0 : i32
        %swap3A_1790 = tpu.memref_slice %run_scoped3A_8[%rem3A_193, %swap3A_1788, %swap3A_1789] : memref<2x64x16xf32, #tpu.memory_space<vmem>> -> memref<1x64x16xf32, #tpu.memory_space<vmem>>
        %swap3A_1791 = tpu.memref_squeeze %swap3A_1790 : memref<1x64x16xf32, #tpu.memory_space<vmem>> -> memref<64x16xf32, #tpu.memory_space<vmem>>
        %swap3A_1792 = arith.index_cast %swap3A_1787 : i32 to index
        %swap3A_1793 = arith.constant 0 : index
        %swap3A_1794 = tpu.vector_load %swap3A_1791[%swap3A_1792, %swap3A_1793] {strides = array<i32>} : memref<64x16xf32, #tpu.memory_space<vmem>>, vector<1x16xf32>,
        %swap3A_1795 = vector.shape_cast %swap3A_1794 : vector<1x16xf32> to vector<16xf32>
        %swap3A_1796 = vector.shape_cast %add3A_1786 : vector<16xf32> to vector<1x16xf32>
        tpu.vector_store %swap3A_1791[%swap3A_1792, %swap3A_1793], %swap3A_1796 {strides = array<i32>} : memref<64x16xf32, #tpu.memory_space<vmem>>, vector<1x16xf32>,
        %eq3A_1797 = arith.constant 5 : i32
        %eq3A_1798 = vector.broadcast %eq3A_1797 : i32 to vector<16xi32>
        %eq3A_1799 = arith.cmpi eq, %select_n3A_1587, %eq3A_1798 : vector<16xi32>
        %jit3A_1800 = arith.constant 0.000000e+00 : f32
        %broadcast_in_dim3A_1801 = vector.broadcast %jit3A_1800 : f32 to vector<16xf32>
        %select_n3A_1802 = arith.select %eq3A_1799, %mul3A_1680, %broadcast_in_dim3A_1801 : vector<16xi1>, vector<16xf32>
        %eq3A_1803 = arith.constant 5 : i32
        %eq3A_1804 = vector.broadcast %eq3A_1803 : i32 to vector<16xi32>
        %eq3A_1805 = arith.cmpi eq, %select_n3A_1679, %eq3A_1804 : vector<16xi32>
        %jit3A_1806 = arith.constant 0.000000e+00 : f32
        %broadcast_in_dim3A_1807 = vector.broadcast %jit3A_1806 : f32 to vector<16xf32>
        %select_n3A_1808 = arith.select %eq3A_1805, %mul3A_1681, %broadcast_in_dim3A_1807 : vector<16xi1>, vector<16xf32>
        %add3A_1809 = arith.addf %select_n3A_1802, %select_n3A_1808 : vector<16xf32>
        %swap3A_1810 = arith.constant 29 : i32
        %swap3A_1811 = arith.constant 0 : i32
        %swap3A_1812 = arith.constant 0 : i32
        %swap3A_1813 = tpu.memref_slice %run_scoped3A_8[%rem3A_193, %swap3A_1811, %swap3A_1812] : memref<2x64x16xf32, #tpu.memory_space<vmem>> -> memref<1x64x16xf32, #tpu.memory_space<vmem>>
        %swap3A_1814 = tpu.memref_squeeze %swap3A_1813 : memref<1x64x16xf32, #tpu.memory_space<vmem>> -> memref<64x16xf32, #tpu.memory_space<vmem>>
        %swap3A_1815 = arith.index_cast %swap3A_1810 : i32 to index
        %swap3A_1816 = arith.constant 0 : index
        %swap3A_1817 = tpu.vector_load %swap3A_1814[%swap3A_1815, %swap3A_1816] {strides = array<i32>} : memref<64x16xf32, #tpu.memory_space<vmem>>, vector<1x16xf32>,
        %swap3A_1818 = vector.shape_cast %swap3A_1817 : vector<1x16xf32> to vector<16xf32>
        %swap3A_1819 = vector.shape_cast %add3A_1809 : vector<16xf32> to vector<1x16xf32>
        tpu.vector_store %swap3A_1814[%swap3A_1815, %swap3A_1816], %swap3A_1819 {strides = array<i32>} : memref<64x16xf32, #tpu.memory_space<vmem>>, vector<1x16xf32>,
        %eq3A_1820 = arith.constant 6 : i32
        %eq3A_1821 = vector.broadcast %eq3A_1820 : i32 to vector<16xi32>
        %eq3A_1822 = arith.cmpi eq, %select_n3A_1587, %eq3A_1821 : vector<16xi32>
        %jit3A_1823 = arith.constant 0.000000e+00 : f32
        %broadcast_in_dim3A_1824 = vector.broadcast %jit3A_1823 : f32 to vector<16xf32>
        %select_n3A_1825 = arith.select %eq3A_1822, %mul3A_1680, %broadcast_in_dim3A_1824 : vector<16xi1>, vector<16xf32>
        %eq3A_1826 = arith.constant 6 : i32
        %eq3A_1827 = vector.broadcast %eq3A_1826 : i32 to vector<16xi32>
        %eq3A_1828 = arith.cmpi eq, %select_n3A_1679, %eq3A_1827 : vector<16xi32>
        %jit3A_1829 = arith.constant 0.000000e+00 : f32
        %broadcast_in_dim3A_1830 = vector.broadcast %jit3A_1829 : f32 to vector<16xf32>
        %select_n3A_1831 = arith.select %eq3A_1828, %mul3A_1681, %broadcast_in_dim3A_1830 : vector<16xi1>, vector<16xf32>
        %add3A_1832 = arith.addf %select_n3A_1825, %select_n3A_1831 : vector<16xf32>
        %swap3A_1833 = arith.constant 30 : i32
        %swap3A_1834 = arith.constant 0 : i32
        %swap3A_1835 = arith.constant 0 : i32
        %swap3A_1836 = tpu.memref_slice %run_scoped3A_8[%rem3A_193, %swap3A_1834, %swap3A_1835] : memref<2x64x16xf32, #tpu.memory_space<vmem>> -> memref<1x64x16xf32, #tpu.memory_space<vmem>>
        %swap3A_1837 = tpu.memref_squeeze %swap3A_1836 : memref<1x64x16xf32, #tpu.memory_space<vmem>> -> memref<64x16xf32, #tpu.memory_space<vmem>>
        %swap3A_1838 = arith.index_cast %swap3A_1833 : i32 to index
        %swap3A_1839 = arith.constant 0 : index
        %swap3A_1840 = tpu.vector_load %swap3A_1837[%swap3A_1838, %swap3A_1839] {strides = array<i32>} : memref<64x16xf32, #tpu.memory_space<vmem>>, vector<1x16xf32>,
        %swap3A_1841 = vector.shape_cast %swap3A_1840 : vector<1x16xf32> to vector<16xf32>
        %swap3A_1842 = vector.shape_cast %add3A_1832 : vector<16xf32> to vector<1x16xf32>
        tpu.vector_store %swap3A_1837[%swap3A_1838, %swap3A_1839], %swap3A_1842 {strides = array<i32>} : memref<64x16xf32, #tpu.memory_space<vmem>>, vector<1x16xf32>,
        %eq3A_1843 = arith.constant 7 : i32
        %eq3A_1844 = vector.broadcast %eq3A_1843 : i32 to vector<16xi32>
        %eq3A_1845 = arith.cmpi eq, %select_n3A_1587, %eq3A_1844 : vector<16xi32>
        %jit3A_1846 = arith.constant 0.000000e+00 : f32
        %broadcast_in_dim3A_1847 = vector.broadcast %jit3A_1846 : f32 to vector<16xf32>
        %select_n3A_1848 = arith.select %eq3A_1845, %mul3A_1680, %broadcast_in_dim3A_1847 : vector<16xi1>, vector<16xf32>
        %eq3A_1849 = arith.constant 7 : i32
        %eq3A_1850 = vector.broadcast %eq3A_1849 : i32 to vector<16xi32>
        %eq3A_1851 = arith.cmpi eq, %select_n3A_1679, %eq3A_1850 : vector<16xi32>
        %jit3A_1852 = arith.constant 0.000000e+00 : f32
        %broadcast_in_dim3A_1853 = vector.broadcast %jit3A_1852 : f32 to vector<16xf32>
        %select_n3A_1854 = arith.select %eq3A_1851, %mul3A_1681, %broadcast_in_dim3A_1853 : vector<16xi1>, vector<16xf32>
        %add3A_1855 = arith.addf %select_n3A_1848, %select_n3A_1854 : vector<16xf32>
        %swap3A_1856 = arith.constant 31 : i32
        %swap3A_1857 = arith.constant 0 : i32
        %swap3A_1858 = arith.constant 0 : i32
        %swap3A_1859 = tpu.memref_slice %run_scoped3A_8[%rem3A_193, %swap3A_1857, %swap3A_1858] : memref<2x64x16xf32, #tpu.memory_space<vmem>> -> memref<1x64x16xf32, #tpu.memory_space<vmem>>
        %swap3A_1860 = tpu.memref_squeeze %swap3A_1859 : memref<1x64x16xf32, #tpu.memory_space<vmem>> -> memref<64x16xf32, #tpu.memory_space<vmem>>
        %swap3A_1861 = arith.index_cast %swap3A_1856 : i32 to index
        %swap3A_1862 = arith.constant 0 : index
        %swap3A_1863 = tpu.vector_load %swap3A_1860[%swap3A_1861, %swap3A_1862] {strides = array<i32>} : memref<64x16xf32, #tpu.memory_space<vmem>>, vector<1x16xf32>,
        %swap3A_1864 = vector.shape_cast %swap3A_1863 : vector<1x16xf32> to vector<16xf32>
        %swap3A_1865 = vector.shape_cast %add3A_1855 : vector<16xf32> to vector<1x16xf32>
        tpu.vector_store %swap3A_1860[%swap3A_1861, %swap3A_1862], %swap3A_1865 {strides = array<i32>} : memref<64x16xf32, #tpu.memory_space<vmem>>, vector<1x16xf32>,
        %get3A_1866 = arith.constant 32 : i32
        %get3A_1867 = arith.constant 0 : i32
        %get3A_1868 = arith.constant 0 : i32
        %get3A_1869 = tpu.memref_slice %run_scoped3A[%rem3A_191, %get3A_1867, %get3A_1868] : memref<2x64x16xf32, #tpu.memory_space<vmem>> -> memref<1x64x16xf32, #tpu.memory_space<vmem>>
        %get3A_1870 = tpu.memref_squeeze %get3A_1869 : memref<1x64x16xf32, #tpu.memory_space<vmem>> -> memref<64x16xf32, #tpu.memory_space<vmem>>
        %get3A_1871 = arith.index_cast %get3A_1866 : i32 to index
        %get3A_1872 = arith.constant 0 : index
        %get3A_1873 = tpu.vector_load %get3A_1870[%get3A_1871, %get3A_1872] {strides = array<i32>} : memref<64x16xf32, #tpu.memory_space<vmem>>, vector<1x16xf32>,
        %get3A_1874 = vector.shape_cast %get3A_1873 : vector<1x16xf32> to vector<16xf32>
        %get3A_1875 = arith.constant 33 : i32
        %get3A_1876 = arith.constant 0 : i32
        %get3A_1877 = arith.constant 0 : i32
        %get3A_1878 = tpu.memref_slice %run_scoped3A[%rem3A_191, %get3A_1876, %get3A_1877] : memref<2x64x16xf32, #tpu.memory_space<vmem>> -> memref<1x64x16xf32, #tpu.memory_space<vmem>>
        %get3A_1879 = tpu.memref_squeeze %get3A_1878 : memref<1x64x16xf32, #tpu.memory_space<vmem>> -> memref<64x16xf32, #tpu.memory_space<vmem>>
        %get3A_1880 = arith.index_cast %get3A_1875 : i32 to index
        %get3A_1881 = arith.constant 0 : index
        %get3A_1882 = tpu.vector_load %get3A_1879[%get3A_1880, %get3A_1881] {strides = array<i32>} : memref<64x16xf32, #tpu.memory_space<vmem>>, vector<1x16xf32>,
        %get3A_1883 = vector.shape_cast %get3A_1882 : vector<1x16xf32> to vector<16xf32>
        %get3A_1884 = arith.constant 34 : i32
        %get3A_1885 = arith.constant 0 : i32
        %get3A_1886 = arith.constant 0 : i32
        %get3A_1887 = tpu.memref_slice %run_scoped3A[%rem3A_191, %get3A_1885, %get3A_1886] : memref<2x64x16xf32, #tpu.memory_space<vmem>> -> memref<1x64x16xf32, #tpu.memory_space<vmem>>
        %get3A_1888 = tpu.memref_squeeze %get3A_1887 : memref<1x64x16xf32, #tpu.memory_space<vmem>> -> memref<64x16xf32, #tpu.memory_space<vmem>>
        %get3A_1889 = arith.index_cast %get3A_1884 : i32 to index
        %get3A_1890 = arith.constant 0 : index
        %get3A_1891 = tpu.vector_load %get3A_1888[%get3A_1889, %get3A_1890] {strides = array<i32>} : memref<64x16xf32, #tpu.memory_space<vmem>>, vector<1x16xf32>,
        %get3A_1892 = vector.shape_cast %get3A_1891 : vector<1x16xf32> to vector<16xf32>
        %get3A_1893 = arith.constant 35 : i32
        %get3A_1894 = arith.constant 0 : i32
        %get3A_1895 = arith.constant 0 : i32
        %get3A_1896 = tpu.memref_slice %run_scoped3A[%rem3A_191, %get3A_1894, %get3A_1895] : memref<2x64x16xf32, #tpu.memory_space<vmem>> -> memref<1x64x16xf32, #tpu.memory_space<vmem>>
        %get3A_1897 = tpu.memref_squeeze %get3A_1896 : memref<1x64x16xf32, #tpu.memory_space<vmem>> -> memref<64x16xf32, #tpu.memory_space<vmem>>
        %get3A_1898 = arith.index_cast %get3A_1893 : i32 to index
        %get3A_1899 = arith.constant 0 : index
        %get3A_1900 = tpu.vector_load %get3A_1897[%get3A_1898, %get3A_1899] {strides = array<i32>} : memref<64x16xf32, #tpu.memory_space<vmem>>, vector<1x16xf32>,
        %get3A_1901 = vector.shape_cast %get3A_1900 : vector<1x16xf32> to vector<16xf32>
        %get3A_1902 = arith.constant 36 : i32
        %get3A_1903 = arith.constant 0 : i32
        %get3A_1904 = arith.constant 0 : i32
        %get3A_1905 = tpu.memref_slice %run_scoped3A[%rem3A_191, %get3A_1903, %get3A_1904] : memref<2x64x16xf32, #tpu.memory_space<vmem>> -> memref<1x64x16xf32, #tpu.memory_space<vmem>>
        %get3A_1906 = tpu.memref_squeeze %get3A_1905 : memref<1x64x16xf32, #tpu.memory_space<vmem>> -> memref<64x16xf32, #tpu.memory_space<vmem>>
        %get3A_1907 = arith.index_cast %get3A_1902 : i32 to index
        %get3A_1908 = arith.constant 0 : index
        %get3A_1909 = tpu.vector_load %get3A_1906[%get3A_1907, %get3A_1908] {strides = array<i32>} : memref<64x16xf32, #tpu.memory_space<vmem>>, vector<1x16xf32>,
        %get3A_1910 = vector.shape_cast %get3A_1909 : vector<1x16xf32> to vector<16xf32>
        %get3A_1911 = arith.constant 37 : i32
        %get3A_1912 = arith.constant 0 : i32
        %get3A_1913 = arith.constant 0 : i32
        %get3A_1914 = tpu.memref_slice %run_scoped3A[%rem3A_191, %get3A_1912, %get3A_1913] : memref<2x64x16xf32, #tpu.memory_space<vmem>> -> memref<1x64x16xf32, #tpu.memory_space<vmem>>
        %get3A_1915 = tpu.memref_squeeze %get3A_1914 : memref<1x64x16xf32, #tpu.memory_space<vmem>> -> memref<64x16xf32, #tpu.memory_space<vmem>>
        %get3A_1916 = arith.index_cast %get3A_1911 : i32 to index
        %get3A_1917 = arith.constant 0 : index
        %get3A_1918 = tpu.vector_load %get3A_1915[%get3A_1916, %get3A_1917] {strides = array<i32>} : memref<64x16xf32, #tpu.memory_space<vmem>>, vector<1x16xf32>,
        %get3A_1919 = vector.shape_cast %get3A_1918 : vector<1x16xf32> to vector<16xf32>
        %get3A_1920 = arith.constant 38 : i32
        %get3A_1921 = arith.constant 0 : i32
        %get3A_1922 = arith.constant 0 : i32
        %get3A_1923 = tpu.memref_slice %run_scoped3A[%rem3A_191, %get3A_1921, %get3A_1922] : memref<2x64x16xf32, #tpu.memory_space<vmem>> -> memref<1x64x16xf32, #tpu.memory_space<vmem>>
        %get3A_1924 = tpu.memref_squeeze %get3A_1923 : memref<1x64x16xf32, #tpu.memory_space<vmem>> -> memref<64x16xf32, #tpu.memory_space<vmem>>
        %get3A_1925 = arith.index_cast %get3A_1920 : i32 to index
        %get3A_1926 = arith.constant 0 : index
        %get3A_1927 = tpu.vector_load %get3A_1924[%get3A_1925, %get3A_1926] {strides = array<i32>} : memref<64x16xf32, #tpu.memory_space<vmem>>, vector<1x16xf32>,
        %get3A_1928 = vector.shape_cast %get3A_1927 : vector<1x16xf32> to vector<16xf32>
        %get3A_1929 = arith.constant 39 : i32
        %get3A_1930 = arith.constant 0 : i32
        %get3A_1931 = arith.constant 0 : i32
        %get3A_1932 = tpu.memref_slice %run_scoped3A[%rem3A_191, %get3A_1930, %get3A_1931] : memref<2x64x16xf32, #tpu.memory_space<vmem>> -> memref<1x64x16xf32, #tpu.memory_space<vmem>>
        %get3A_1933 = tpu.memref_squeeze %get3A_1932 : memref<1x64x16xf32, #tpu.memory_space<vmem>> -> memref<64x16xf32, #tpu.memory_space<vmem>>
        %get3A_1934 = arith.index_cast %get3A_1929 : i32 to index
        %get3A_1935 = arith.constant 0 : index
        %get3A_1936 = tpu.vector_load %get3A_1933[%get3A_1934, %get3A_1935] {strides = array<i32>} : memref<64x16xf32, #tpu.memory_space<vmem>>, vector<1x16xf32>,
        %get3A_1937 = vector.shape_cast %get3A_1936 : vector<1x16xf32> to vector<16xf32>
        %max3A_1938 = arith.maximumf %get3A_1874, %get3A_1883 : vector<16xf32>
        %max3A_1939 = arith.maximumf %max3A_1938, %get3A_1892 : vector<16xf32>
        %max3A_1940 = arith.maximumf %max3A_1939, %get3A_1901 : vector<16xf32>
        %max3A_1941 = arith.maximumf %max3A_1940, %get3A_1910 : vector<16xf32>
        %max3A_1942 = arith.maximumf %max3A_1941, %get3A_1919 : vector<16xf32>
        %max3A_1943 = arith.maximumf %max3A_1942, %get3A_1928 : vector<16xf32>
        %max3A_1944 = arith.maximumf %max3A_1943, %get3A_1937 : vector<16xf32>
        %sub3A_1945 = arith.subf %get3A_1874, %max3A_1944 : vector<16xf32>
        %exp3A_1946 = math.exp %sub3A_1945 : vector<16xf32>
        %sub3A_1947 = arith.subf %get3A_1883, %max3A_1944 : vector<16xf32>
        %exp3A_1948 = math.exp %sub3A_1947 : vector<16xf32>
        %sub3A_1949 = arith.subf %get3A_1892, %max3A_1944 : vector<16xf32>
        %exp3A_1950 = math.exp %sub3A_1949 : vector<16xf32>
        %sub3A_1951 = arith.subf %get3A_1901, %max3A_1944 : vector<16xf32>
        %exp3A_1952 = math.exp %sub3A_1951 : vector<16xf32>
        %sub3A_1953 = arith.subf %get3A_1910, %max3A_1944 : vector<16xf32>
        %exp3A_1954 = math.exp %sub3A_1953 : vector<16xf32>
        %sub3A_1955 = arith.subf %get3A_1919, %max3A_1944 : vector<16xf32>
        %exp3A_1956 = math.exp %sub3A_1955 : vector<16xf32>
        %sub3A_1957 = arith.subf %get3A_1928, %max3A_1944 : vector<16xf32>
        %exp3A_1958 = math.exp %sub3A_1957 : vector<16xf32>
        %sub3A_1959 = arith.subf %get3A_1937, %max3A_1944 : vector<16xf32>
        %exp3A_1960 = math.exp %sub3A_1959 : vector<16xf32>
        %add3A_1961 = arith.addf %exp3A_1946, %exp3A_1948 : vector<16xf32>
        %add3A_1962 = arith.addf %add3A_1961, %exp3A_1950 : vector<16xf32>
        %add3A_1963 = arith.addf %add3A_1962, %exp3A_1952 : vector<16xf32>
        %add3A_1964 = arith.addf %add3A_1963, %exp3A_1954 : vector<16xf32>
        %add3A_1965 = arith.addf %add3A_1964, %exp3A_1956 : vector<16xf32>
        %add3A_1966 = arith.addf %add3A_1965, %exp3A_1958 : vector<16xf32>
        %add3A_1967 = arith.addf %add3A_1966, %exp3A_1960 : vector<16xf32>
        %div3A_1968 = arith.constant 1.000000e+00 : f32
        %div3A_1969 = vector.broadcast %div3A_1968 : f32 to vector<16xf32>
        %div3A_1970 = arith.divf %div3A_1969, %add3A_1967 : vector<16xf32>
        %broadcast_in_dim3A_1971 = arith.constant 0 : i32
        %broadcast_in_dim3A_1972 = vector.broadcast %broadcast_in_dim3A_1971 : i32 to vector<16xi32>
        %gt3A_1973 = arith.cmpf ogt, %exp3A_1948, %exp3A_1946 : vector<16xf32>
        %select_n3A_1974 = arith.select %gt3A_1973, %exp3A_1948, %exp3A_1946 : vector<16xi1>, vector<16xf32>
        %jit3A_1975 = arith.constant 1 : i32
        %broadcast_in_dim3A_1976 = vector.broadcast %jit3A_1975 : i32 to vector<16xi32>
        %select_n3A_1977 = arith.select %gt3A_1973, %broadcast_in_dim3A_1976, %broadcast_in_dim3A_1972 : vector<16xi1>, vector<16xi32>
        %gt3A_1978 = arith.cmpf ogt, %exp3A_1950, %select_n3A_1974 : vector<16xf32>
        %select_n3A_1979 = arith.select %gt3A_1978, %exp3A_1950, %select_n3A_1974 : vector<16xi1>, vector<16xf32>
        %jit3A_1980 = arith.constant 2 : i32
        %broadcast_in_dim3A_1981 = vector.broadcast %jit3A_1980 : i32 to vector<16xi32>
        %select_n3A_1982 = arith.select %gt3A_1978, %broadcast_in_dim3A_1981, %select_n3A_1977 : vector<16xi1>, vector<16xi32>
        %gt3A_1983 = arith.cmpf ogt, %exp3A_1952, %select_n3A_1979 : vector<16xf32>
        %select_n3A_1984 = arith.select %gt3A_1983, %exp3A_1952, %select_n3A_1979 : vector<16xi1>, vector<16xf32>
        %jit3A_1985 = arith.constant 3 : i32
        %broadcast_in_dim3A_1986 = vector.broadcast %jit3A_1985 : i32 to vector<16xi32>
        %select_n3A_1987 = arith.select %gt3A_1983, %broadcast_in_dim3A_1986, %select_n3A_1982 : vector<16xi1>, vector<16xi32>
        %gt3A_1988 = arith.cmpf ogt, %exp3A_1954, %select_n3A_1984 : vector<16xf32>
        %select_n3A_1989 = arith.select %gt3A_1988, %exp3A_1954, %select_n3A_1984 : vector<16xi1>, vector<16xf32>
        %jit3A_1990 = arith.constant 4 : i32
        %broadcast_in_dim3A_1991 = vector.broadcast %jit3A_1990 : i32 to vector<16xi32>
        %select_n3A_1992 = arith.select %gt3A_1988, %broadcast_in_dim3A_1991, %select_n3A_1987 : vector<16xi1>, vector<16xi32>
        %gt3A_1993 = arith.cmpf ogt, %exp3A_1956, %select_n3A_1989 : vector<16xf32>
        %select_n3A_1994 = arith.select %gt3A_1993, %exp3A_1956, %select_n3A_1989 : vector<16xi1>, vector<16xf32>
        %jit3A_1995 = arith.constant 5 : i32
        %broadcast_in_dim3A_1996 = vector.broadcast %jit3A_1995 : i32 to vector<16xi32>
        %select_n3A_1997 = arith.select %gt3A_1993, %broadcast_in_dim3A_1996, %select_n3A_1992 : vector<16xi1>, vector<16xi32>
        %gt3A_1998 = arith.cmpf ogt, %exp3A_1958, %select_n3A_1994 : vector<16xf32>
        %select_n3A_1999 = arith.select %gt3A_1998, %exp3A_1958, %select_n3A_1994 : vector<16xi1>, vector<16xf32>
        %jit3A_2000 = arith.constant 6 : i32
        %broadcast_in_dim3A_2001 = vector.broadcast %jit3A_2000 : i32 to vector<16xi32>
        %select_n3A_2002 = arith.select %gt3A_1998, %broadcast_in_dim3A_2001, %select_n3A_1997 : vector<16xi1>, vector<16xi32>
        %gt3A_2003 = arith.cmpf ogt, %exp3A_1960, %select_n3A_1999 : vector<16xf32>
        %select_n3A_2004 = arith.select %gt3A_2003, %exp3A_1960, %select_n3A_1999 : vector<16xi1>, vector<16xf32>
        %jit3A_2005 = arith.constant 7 : i32
        %broadcast_in_dim3A_2006 = vector.broadcast %jit3A_2005 : i32 to vector<16xi32>
        %select_n3A_2007 = arith.select %gt3A_2003, %broadcast_in_dim3A_2006, %select_n3A_2002 : vector<16xi1>, vector<16xi32>
        %broadcast_in_dim3A_2008 = arith.constant -1.000000e+00 : f32
        %broadcast_in_dim3A_2009 = vector.broadcast %broadcast_in_dim3A_2008 : f32 to vector<16xf32>
        %broadcast_in_dim3A_2010 = arith.constant 0 : i32
        %broadcast_in_dim3A_2011 = vector.broadcast %broadcast_in_dim3A_2010 : i32 to vector<16xi32>
        %eq3A_2012 = arith.constant 0 : i32
        %eq3A_2013 = vector.broadcast %eq3A_2012 : i32 to vector<16xi32>
        %eq3A_2014 = arith.cmpi eq, %select_n3A_2007, %eq3A_2013 : vector<16xi32>
        %jit3A_2015 = arith.constant -1.000000e+00 : f32
        %broadcast_in_dim3A_2016 = vector.broadcast %jit3A_2015 : f32 to vector<16xf32>
        %select_n3A_2017 = arith.select %eq3A_2014, %broadcast_in_dim3A_2016, %exp3A_1946 : vector<16xi1>, vector<16xf32>
        %gt3A_2018 = arith.cmpf ogt, %select_n3A_2017, %broadcast_in_dim3A_2009 : vector<16xf32>
        %select_n3A_2019 = arith.select %gt3A_2018, %select_n3A_2017, %broadcast_in_dim3A_2009 : vector<16xi1>, vector<16xf32>
        %jit3A_2020 = arith.constant 0 : i32
        %broadcast_in_dim3A_2021 = vector.broadcast %jit3A_2020 : i32 to vector<16xi32>
        %select_n3A_2022 = arith.select %gt3A_2018, %broadcast_in_dim3A_2021, %broadcast_in_dim3A_2011 : vector<16xi1>, vector<16xi32>
        %eq3A_2023 = arith.constant 1 : i32
        %eq3A_2024 = vector.broadcast %eq3A_2023 : i32 to vector<16xi32>
        %eq3A_2025 = arith.cmpi eq, %select_n3A_2007, %eq3A_2024 : vector<16xi32>
        %jit3A_2026 = arith.constant -1.000000e+00 : f32
        %broadcast_in_dim3A_2027 = vector.broadcast %jit3A_2026 : f32 to vector<16xf32>
        %select_n3A_2028 = arith.select %eq3A_2025, %broadcast_in_dim3A_2027, %exp3A_1948 : vector<16xi1>, vector<16xf32>
        %gt3A_2029 = arith.cmpf ogt, %select_n3A_2028, %select_n3A_2019 : vector<16xf32>
        %select_n3A_2030 = arith.select %gt3A_2029, %select_n3A_2028, %select_n3A_2019 : vector<16xi1>, vector<16xf32>
        %jit3A_2031 = arith.constant 1 : i32
        %broadcast_in_dim3A_2032 = vector.broadcast %jit3A_2031 : i32 to vector<16xi32>
        %select_n3A_2033 = arith.select %gt3A_2029, %broadcast_in_dim3A_2032, %select_n3A_2022 : vector<16xi1>, vector<16xi32>
        %eq3A_2034 = arith.constant 2 : i32
        %eq3A_2035 = vector.broadcast %eq3A_2034 : i32 to vector<16xi32>
        %eq3A_2036 = arith.cmpi eq, %select_n3A_2007, %eq3A_2035 : vector<16xi32>
        %jit3A_2037 = arith.constant -1.000000e+00 : f32
        %broadcast_in_dim3A_2038 = vector.broadcast %jit3A_2037 : f32 to vector<16xf32>
        %select_n3A_2039 = arith.select %eq3A_2036, %broadcast_in_dim3A_2038, %exp3A_1950 : vector<16xi1>, vector<16xf32>
        %gt3A_2040 = arith.cmpf ogt, %select_n3A_2039, %select_n3A_2030 : vector<16xf32>
        %select_n3A_2041 = arith.select %gt3A_2040, %select_n3A_2039, %select_n3A_2030 : vector<16xi1>, vector<16xf32>
        %jit3A_2042 = arith.constant 2 : i32
        %broadcast_in_dim3A_2043 = vector.broadcast %jit3A_2042 : i32 to vector<16xi32>
        %select_n3A_2044 = arith.select %gt3A_2040, %broadcast_in_dim3A_2043, %select_n3A_2033 : vector<16xi1>, vector<16xi32>
        %eq3A_2045 = arith.constant 3 : i32
        %eq3A_2046 = vector.broadcast %eq3A_2045 : i32 to vector<16xi32>
        %eq3A_2047 = arith.cmpi eq, %select_n3A_2007, %eq3A_2046 : vector<16xi32>
        %jit3A_2048 = arith.constant -1.000000e+00 : f32
        %broadcast_in_dim3A_2049 = vector.broadcast %jit3A_2048 : f32 to vector<16xf32>
        %select_n3A_2050 = arith.select %eq3A_2047, %broadcast_in_dim3A_2049, %exp3A_1952 : vector<16xi1>, vector<16xf32>
        %gt3A_2051 = arith.cmpf ogt, %select_n3A_2050, %select_n3A_2041 : vector<16xf32>
        %select_n3A_2052 = arith.select %gt3A_2051, %select_n3A_2050, %select_n3A_2041 : vector<16xi1>, vector<16xf32>
        %jit3A_2053 = arith.constant 3 : i32
        %broadcast_in_dim3A_2054 = vector.broadcast %jit3A_2053 : i32 to vector<16xi32>
        %select_n3A_2055 = arith.select %gt3A_2051, %broadcast_in_dim3A_2054, %select_n3A_2044 : vector<16xi1>, vector<16xi32>
        %eq3A_2056 = arith.constant 4 : i32
        %eq3A_2057 = vector.broadcast %eq3A_2056 : i32 to vector<16xi32>
        %eq3A_2058 = arith.cmpi eq, %select_n3A_2007, %eq3A_2057 : vector<16xi32>
        %jit3A_2059 = arith.constant -1.000000e+00 : f32
        %broadcast_in_dim3A_2060 = vector.broadcast %jit3A_2059 : f32 to vector<16xf32>
        %select_n3A_2061 = arith.select %eq3A_2058, %broadcast_in_dim3A_2060, %exp3A_1954 : vector<16xi1>, vector<16xf32>
        %gt3A_2062 = arith.cmpf ogt, %select_n3A_2061, %select_n3A_2052 : vector<16xf32>
        %select_n3A_2063 = arith.select %gt3A_2062, %select_n3A_2061, %select_n3A_2052 : vector<16xi1>, vector<16xf32>
        %jit3A_2064 = arith.constant 4 : i32
        %broadcast_in_dim3A_2065 = vector.broadcast %jit3A_2064 : i32 to vector<16xi32>
        %select_n3A_2066 = arith.select %gt3A_2062, %broadcast_in_dim3A_2065, %select_n3A_2055 : vector<16xi1>, vector<16xi32>
        %eq3A_2067 = arith.constant 5 : i32
        %eq3A_2068 = vector.broadcast %eq3A_2067 : i32 to vector<16xi32>
        %eq3A_2069 = arith.cmpi eq, %select_n3A_2007, %eq3A_2068 : vector<16xi32>
        %jit3A_2070 = arith.constant -1.000000e+00 : f32
        %broadcast_in_dim3A_2071 = vector.broadcast %jit3A_2070 : f32 to vector<16xf32>
        %select_n3A_2072 = arith.select %eq3A_2069, %broadcast_in_dim3A_2071, %exp3A_1956 : vector<16xi1>, vector<16xf32>
        %gt3A_2073 = arith.cmpf ogt, %select_n3A_2072, %select_n3A_2063 : vector<16xf32>
        %select_n3A_2074 = arith.select %gt3A_2073, %select_n3A_2072, %select_n3A_2063 : vector<16xi1>, vector<16xf32>
        %jit3A_2075 = arith.constant 5 : i32
        %broadcast_in_dim3A_2076 = vector.broadcast %jit3A_2075 : i32 to vector<16xi32>
        %select_n3A_2077 = arith.select %gt3A_2073, %broadcast_in_dim3A_2076, %select_n3A_2066 : vector<16xi1>, vector<16xi32>
        %eq3A_2078 = arith.constant 6 : i32
        %eq3A_2079 = vector.broadcast %eq3A_2078 : i32 to vector<16xi32>
        %eq3A_2080 = arith.cmpi eq, %select_n3A_2007, %eq3A_2079 : vector<16xi32>
        %jit3A_2081 = arith.constant -1.000000e+00 : f32
        %broadcast_in_dim3A_2082 = vector.broadcast %jit3A_2081 : f32 to vector<16xf32>
        %select_n3A_2083 = arith.select %eq3A_2080, %broadcast_in_dim3A_2082, %exp3A_1958 : vector<16xi1>, vector<16xf32>
        %gt3A_2084 = arith.cmpf ogt, %select_n3A_2083, %select_n3A_2074 : vector<16xf32>
        %select_n3A_2085 = arith.select %gt3A_2084, %select_n3A_2083, %select_n3A_2074 : vector<16xi1>, vector<16xf32>
        %jit3A_2086 = arith.constant 6 : i32
        %broadcast_in_dim3A_2087 = vector.broadcast %jit3A_2086 : i32 to vector<16xi32>
        %select_n3A_2088 = arith.select %gt3A_2084, %broadcast_in_dim3A_2087, %select_n3A_2077 : vector<16xi1>, vector<16xi32>
        %eq3A_2089 = arith.constant 7 : i32
        %eq3A_2090 = vector.broadcast %eq3A_2089 : i32 to vector<16xi32>
        %eq3A_2091 = arith.cmpi eq, %select_n3A_2007, %eq3A_2090 : vector<16xi32>
        %jit3A_2092 = arith.constant -1.000000e+00 : f32
        %broadcast_in_dim3A_2093 = vector.broadcast %jit3A_2092 : f32 to vector<16xf32>
        %select_n3A_2094 = arith.select %eq3A_2091, %broadcast_in_dim3A_2093, %exp3A_1960 : vector<16xi1>, vector<16xf32>
        %gt3A_2095 = arith.cmpf ogt, %select_n3A_2094, %select_n3A_2085 : vector<16xf32>
        %select_n3A_2096 = arith.select %gt3A_2095, %select_n3A_2094, %select_n3A_2085 : vector<16xi1>, vector<16xf32>
        %jit3A_2097 = arith.constant 7 : i32
        %broadcast_in_dim3A_2098 = vector.broadcast %jit3A_2097 : i32 to vector<16xi32>
        %select_n3A_2099 = arith.select %gt3A_2095, %broadcast_in_dim3A_2098, %select_n3A_2088 : vector<16xi1>, vector<16xi32>
        %mul3A_2100 = arith.mulf %select_n3A_2004, %div3A_1970 : vector<16xf32>
        %mul3A_2101 = arith.mulf %select_n3A_2096, %div3A_1970 : vector<16xf32>
        %eq3A_2102 = arith.constant 0 : i32
        %eq3A_2103 = vector.broadcast %eq3A_2102 : i32 to vector<16xi32>
        %eq3A_2104 = arith.cmpi eq, %select_n3A_2007, %eq3A_2103 : vector<16xi32>
        %jit3A_2105 = arith.constant 0.000000e+00 : f32
        %broadcast_in_dim3A_2106 = vector.broadcast %jit3A_2105 : f32 to vector<16xf32>
        %select_n3A_2107 = arith.select %eq3A_2104, %mul3A_2100, %broadcast_in_dim3A_2106 : vector<16xi1>, vector<16xf32>
        %eq3A_2108 = arith.constant 0 : i32
        %eq3A_2109 = vector.broadcast %eq3A_2108 : i32 to vector<16xi32>
        %eq3A_2110 = arith.cmpi eq, %select_n3A_2099, %eq3A_2109 : vector<16xi32>
        %jit3A_2111 = arith.constant 0.000000e+00 : f32
        %broadcast_in_dim3A_2112 = vector.broadcast %jit3A_2111 : f32 to vector<16xf32>
        %select_n3A_2113 = arith.select %eq3A_2110, %mul3A_2101, %broadcast_in_dim3A_2112 : vector<16xi1>, vector<16xf32>
        %add3A_2114 = arith.addf %select_n3A_2107, %select_n3A_2113 : vector<16xf32>
        %swap3A_2115 = arith.constant 32 : i32
        %swap3A_2116 = arith.constant 0 : i32
        %swap3A_2117 = arith.constant 0 : i32
        %swap3A_2118 = tpu.memref_slice %run_scoped3A_8[%rem3A_193, %swap3A_2116, %swap3A_2117] : memref<2x64x16xf32, #tpu.memory_space<vmem>> -> memref<1x64x16xf32, #tpu.memory_space<vmem>>
        %swap3A_2119 = tpu.memref_squeeze %swap3A_2118 : memref<1x64x16xf32, #tpu.memory_space<vmem>> -> memref<64x16xf32, #tpu.memory_space<vmem>>
        %swap3A_2120 = arith.index_cast %swap3A_2115 : i32 to index
        %swap3A_2121 = arith.constant 0 : index
        %swap3A_2122 = tpu.vector_load %swap3A_2119[%swap3A_2120, %swap3A_2121] {strides = array<i32>} : memref<64x16xf32, #tpu.memory_space<vmem>>, vector<1x16xf32>,
        %swap3A_2123 = vector.shape_cast %swap3A_2122 : vector<1x16xf32> to vector<16xf32>
        %swap3A_2124 = vector.shape_cast %add3A_2114 : vector<16xf32> to vector<1x16xf32>
        tpu.vector_store %swap3A_2119[%swap3A_2120, %swap3A_2121], %swap3A_2124 {strides = array<i32>} : memref<64x16xf32, #tpu.memory_space<vmem>>, vector<1x16xf32>,
        %eq3A_2125 = arith.constant 1 : i32
        %eq3A_2126 = vector.broadcast %eq3A_2125 : i32 to vector<16xi32>
        %eq3A_2127 = arith.cmpi eq, %select_n3A_2007, %eq3A_2126 : vector<16xi32>
        %jit3A_2128 = arith.constant 0.000000e+00 : f32
        %broadcast_in_dim3A_2129 = vector.broadcast %jit3A_2128 : f32 to vector<16xf32>
        %select_n3A_2130 = arith.select %eq3A_2127, %mul3A_2100, %broadcast_in_dim3A_2129 : vector<16xi1>, vector<16xf32>
        %eq3A_2131 = arith.constant 1 : i32
        %eq3A_2132 = vector.broadcast %eq3A_2131 : i32 to vector<16xi32>
        %eq3A_2133 = arith.cmpi eq, %select_n3A_2099, %eq3A_2132 : vector<16xi32>
        %jit3A_2134 = arith.constant 0.000000e+00 : f32
        %broadcast_in_dim3A_2135 = vector.broadcast %jit3A_2134 : f32 to vector<16xf32>
        %select_n3A_2136 = arith.select %eq3A_2133, %mul3A_2101, %broadcast_in_dim3A_2135 : vector<16xi1>, vector<16xf32>
        %add3A_2137 = arith.addf %select_n3A_2130, %select_n3A_2136 : vector<16xf32>
        %swap3A_2138 = arith.constant 33 : i32
        %swap3A_2139 = arith.constant 0 : i32
        %swap3A_2140 = arith.constant 0 : i32
        %swap3A_2141 = tpu.memref_slice %run_scoped3A_8[%rem3A_193, %swap3A_2139, %swap3A_2140] : memref<2x64x16xf32, #tpu.memory_space<vmem>> -> memref<1x64x16xf32, #tpu.memory_space<vmem>>
        %swap3A_2142 = tpu.memref_squeeze %swap3A_2141 : memref<1x64x16xf32, #tpu.memory_space<vmem>> -> memref<64x16xf32, #tpu.memory_space<vmem>>
        %swap3A_2143 = arith.index_cast %swap3A_2138 : i32 to index
        %swap3A_2144 = arith.constant 0 : index
        %swap3A_2145 = tpu.vector_load %swap3A_2142[%swap3A_2143, %swap3A_2144] {strides = array<i32>} : memref<64x16xf32, #tpu.memory_space<vmem>>, vector<1x16xf32>,
        %swap3A_2146 = vector.shape_cast %swap3A_2145 : vector<1x16xf32> to vector<16xf32>
        %swap3A_2147 = vector.shape_cast %add3A_2137 : vector<16xf32> to vector<1x16xf32>
        tpu.vector_store %swap3A_2142[%swap3A_2143, %swap3A_2144], %swap3A_2147 {strides = array<i32>} : memref<64x16xf32, #tpu.memory_space<vmem>>, vector<1x16xf32>,
        %eq3A_2148 = arith.constant 2 : i32
        %eq3A_2149 = vector.broadcast %eq3A_2148 : i32 to vector<16xi32>
        %eq3A_2150 = arith.cmpi eq, %select_n3A_2007, %eq3A_2149 : vector<16xi32>
        %jit3A_2151 = arith.constant 0.000000e+00 : f32
        %broadcast_in_dim3A_2152 = vector.broadcast %jit3A_2151 : f32 to vector<16xf32>
        %select_n3A_2153 = arith.select %eq3A_2150, %mul3A_2100, %broadcast_in_dim3A_2152 : vector<16xi1>, vector<16xf32>
        %eq3A_2154 = arith.constant 2 : i32
        %eq3A_2155 = vector.broadcast %eq3A_2154 : i32 to vector<16xi32>
        %eq3A_2156 = arith.cmpi eq, %select_n3A_2099, %eq3A_2155 : vector<16xi32>
        %jit3A_2157 = arith.constant 0.000000e+00 : f32
        %broadcast_in_dim3A_2158 = vector.broadcast %jit3A_2157 : f32 to vector<16xf32>
        %select_n3A_2159 = arith.select %eq3A_2156, %mul3A_2101, %broadcast_in_dim3A_2158 : vector<16xi1>, vector<16xf32>
        %add3A_2160 = arith.addf %select_n3A_2153, %select_n3A_2159 : vector<16xf32>
        %swap3A_2161 = arith.constant 34 : i32
        %swap3A_2162 = arith.constant 0 : i32
        %swap3A_2163 = arith.constant 0 : i32
        %swap3A_2164 = tpu.memref_slice %run_scoped3A_8[%rem3A_193, %swap3A_2162, %swap3A_2163] : memref<2x64x16xf32, #tpu.memory_space<vmem>> -> memref<1x64x16xf32, #tpu.memory_space<vmem>>
        %swap3A_2165 = tpu.memref_squeeze %swap3A_2164 : memref<1x64x16xf32, #tpu.memory_space<vmem>> -> memref<64x16xf32, #tpu.memory_space<vmem>>
        %swap3A_2166 = arith.index_cast %swap3A_2161 : i32 to index
        %swap3A_2167 = arith.constant 0 : index
        %swap3A_2168 = tpu.vector_load %swap3A_2165[%swap3A_2166, %swap3A_2167] {strides = array<i32>} : memref<64x16xf32, #tpu.memory_space<vmem>>, vector<1x16xf32>,
        %swap3A_2169 = vector.shape_cast %swap3A_2168 : vector<1x16xf32> to vector<16xf32>
        %swap3A_2170 = vector.shape_cast %add3A_2160 : vector<16xf32> to vector<1x16xf32>
        tpu.vector_store %swap3A_2165[%swap3A_2166, %swap3A_2167], %swap3A_2170 {strides = array<i32>} : memref<64x16xf32, #tpu.memory_space<vmem>>, vector<1x16xf32>,
        %eq3A_2171 = arith.constant 3 : i32
        %eq3A_2172 = vector.broadcast %eq3A_2171 : i32 to vector<16xi32>
        %eq3A_2173 = arith.cmpi eq, %select_n3A_2007, %eq3A_2172 : vector<16xi32>
        %jit3A_2174 = arith.constant 0.000000e+00 : f32
        %broadcast_in_dim3A_2175 = vector.broadcast %jit3A_2174 : f32 to vector<16xf32>
        %select_n3A_2176 = arith.select %eq3A_2173, %mul3A_2100, %broadcast_in_dim3A_2175 : vector<16xi1>, vector<16xf32>
        %eq3A_2177 = arith.constant 3 : i32
        %eq3A_2178 = vector.broadcast %eq3A_2177 : i32 to vector<16xi32>
        %eq3A_2179 = arith.cmpi eq, %select_n3A_2099, %eq3A_2178 : vector<16xi32>
        %jit3A_2180 = arith.constant 0.000000e+00 : f32
        %broadcast_in_dim3A_2181 = vector.broadcast %jit3A_2180 : f32 to vector<16xf32>
        %select_n3A_2182 = arith.select %eq3A_2179, %mul3A_2101, %broadcast_in_dim3A_2181 : vector<16xi1>, vector<16xf32>
        %add3A_2183 = arith.addf %select_n3A_2176, %select_n3A_2182 : vector<16xf32>
        %swap3A_2184 = arith.constant 35 : i32
        %swap3A_2185 = arith.constant 0 : i32
        %swap3A_2186 = arith.constant 0 : i32
        %swap3A_2187 = tpu.memref_slice %run_scoped3A_8[%rem3A_193, %swap3A_2185, %swap3A_2186] : memref<2x64x16xf32, #tpu.memory_space<vmem>> -> memref<1x64x16xf32, #tpu.memory_space<vmem>>
        %swap3A_2188 = tpu.memref_squeeze %swap3A_2187 : memref<1x64x16xf32, #tpu.memory_space<vmem>> -> memref<64x16xf32, #tpu.memory_space<vmem>>
        %swap3A_2189 = arith.index_cast %swap3A_2184 : i32 to index
        %swap3A_2190 = arith.constant 0 : index
        %swap3A_2191 = tpu.vector_load %swap3A_2188[%swap3A_2189, %swap3A_2190] {strides = array<i32>} : memref<64x16xf32, #tpu.memory_space<vmem>>, vector<1x16xf32>,
        %swap3A_2192 = vector.shape_cast %swap3A_2191 : vector<1x16xf32> to vector<16xf32>
        %swap3A_2193 = vector.shape_cast %add3A_2183 : vector<16xf32> to vector<1x16xf32>
        tpu.vector_store %swap3A_2188[%swap3A_2189, %swap3A_2190], %swap3A_2193 {strides = array<i32>} : memref<64x16xf32, #tpu.memory_space<vmem>>, vector<1x16xf32>,
        %eq3A_2194 = arith.constant 4 : i32
        %eq3A_2195 = vector.broadcast %eq3A_2194 : i32 to vector<16xi32>
        %eq3A_2196 = arith.cmpi eq, %select_n3A_2007, %eq3A_2195 : vector<16xi32>
        %jit3A_2197 = arith.constant 0.000000e+00 : f32
        %broadcast_in_dim3A_2198 = vector.broadcast %jit3A_2197 : f32 to vector<16xf32>
        %select_n3A_2199 = arith.select %eq3A_2196, %mul3A_2100, %broadcast_in_dim3A_2198 : vector<16xi1>, vector<16xf32>
        %eq3A_2200 = arith.constant 4 : i32
        %eq3A_2201 = vector.broadcast %eq3A_2200 : i32 to vector<16xi32>
        %eq3A_2202 = arith.cmpi eq, %select_n3A_2099, %eq3A_2201 : vector<16xi32>
        %jit3A_2203 = arith.constant 0.000000e+00 : f32
        %broadcast_in_dim3A_2204 = vector.broadcast %jit3A_2203 : f32 to vector<16xf32>
        %select_n3A_2205 = arith.select %eq3A_2202, %mul3A_2101, %broadcast_in_dim3A_2204 : vector<16xi1>, vector<16xf32>
        %add3A_2206 = arith.addf %select_n3A_2199, %select_n3A_2205 : vector<16xf32>
        %swap3A_2207 = arith.constant 36 : i32
        %swap3A_2208 = arith.constant 0 : i32
        %swap3A_2209 = arith.constant 0 : i32
        %swap3A_2210 = tpu.memref_slice %run_scoped3A_8[%rem3A_193, %swap3A_2208, %swap3A_2209] : memref<2x64x16xf32, #tpu.memory_space<vmem>> -> memref<1x64x16xf32, #tpu.memory_space<vmem>>
        %swap3A_2211 = tpu.memref_squeeze %swap3A_2210 : memref<1x64x16xf32, #tpu.memory_space<vmem>> -> memref<64x16xf32, #tpu.memory_space<vmem>>
        %swap3A_2212 = arith.index_cast %swap3A_2207 : i32 to index
        %swap3A_2213 = arith.constant 0 : index
        %swap3A_2214 = tpu.vector_load %swap3A_2211[%swap3A_2212, %swap3A_2213] {strides = array<i32>} : memref<64x16xf32, #tpu.memory_space<vmem>>, vector<1x16xf32>,
        %swap3A_2215 = vector.shape_cast %swap3A_2214 : vector<1x16xf32> to vector<16xf32>
        %swap3A_2216 = vector.shape_cast %add3A_2206 : vector<16xf32> to vector<1x16xf32>
        tpu.vector_store %swap3A_2211[%swap3A_2212, %swap3A_2213], %swap3A_2216 {strides = array<i32>} : memref<64x16xf32, #tpu.memory_space<vmem>>, vector<1x16xf32>,
        %eq3A_2217 = arith.constant 5 : i32
        %eq3A_2218 = vector.broadcast %eq3A_2217 : i32 to vector<16xi32>
        %eq3A_2219 = arith.cmpi eq, %select_n3A_2007, %eq3A_2218 : vector<16xi32>
        %jit3A_2220 = arith.constant 0.000000e+00 : f32
        %broadcast_in_dim3A_2221 = vector.broadcast %jit3A_2220 : f32 to vector<16xf32>
        %select_n3A_2222 = arith.select %eq3A_2219, %mul3A_2100, %broadcast_in_dim3A_2221 : vector<16xi1>, vector<16xf32>
        %eq3A_2223 = arith.constant 5 : i32
        %eq3A_2224 = vector.broadcast %eq3A_2223 : i32 to vector<16xi32>
        %eq3A_2225 = arith.cmpi eq, %select_n3A_2099, %eq3A_2224 : vector<16xi32>
        %jit3A_2226 = arith.constant 0.000000e+00 : f32
        %broadcast_in_dim3A_2227 = vector.broadcast %jit3A_2226 : f32 to vector<16xf32>
        %select_n3A_2228 = arith.select %eq3A_2225, %mul3A_2101, %broadcast_in_dim3A_2227 : vector<16xi1>, vector<16xf32>
        %add3A_2229 = arith.addf %select_n3A_2222, %select_n3A_2228 : vector<16xf32>
        %swap3A_2230 = arith.constant 37 : i32
        %swap3A_2231 = arith.constant 0 : i32
        %swap3A_2232 = arith.constant 0 : i32
        %swap3A_2233 = tpu.memref_slice %run_scoped3A_8[%rem3A_193, %swap3A_2231, %swap3A_2232] : memref<2x64x16xf32, #tpu.memory_space<vmem>> -> memref<1x64x16xf32, #tpu.memory_space<vmem>>
        %swap3A_2234 = tpu.memref_squeeze %swap3A_2233 : memref<1x64x16xf32, #tpu.memory_space<vmem>> -> memref<64x16xf32, #tpu.memory_space<vmem>>
        %swap3A_2235 = arith.index_cast %swap3A_2230 : i32 to index
        %swap3A_2236 = arith.constant 0 : index
        %swap3A_2237 = tpu.vector_load %swap3A_2234[%swap3A_2235, %swap3A_2236] {strides = array<i32>} : memref<64x16xf32, #tpu.memory_space<vmem>>, vector<1x16xf32>,
        %swap3A_2238 = vector.shape_cast %swap3A_2237 : vector<1x16xf32> to vector<16xf32>
        %swap3A_2239 = vector.shape_cast %add3A_2229 : vector<16xf32> to vector<1x16xf32>
        tpu.vector_store %swap3A_2234[%swap3A_2235, %swap3A_2236], %swap3A_2239 {strides = array<i32>} : memref<64x16xf32, #tpu.memory_space<vmem>>, vector<1x16xf32>,
        %eq3A_2240 = arith.constant 6 : i32
        %eq3A_2241 = vector.broadcast %eq3A_2240 : i32 to vector<16xi32>
        %eq3A_2242 = arith.cmpi eq, %select_n3A_2007, %eq3A_2241 : vector<16xi32>
        %jit3A_2243 = arith.constant 0.000000e+00 : f32
        %broadcast_in_dim3A_2244 = vector.broadcast %jit3A_2243 : f32 to vector<16xf32>
        %select_n3A_2245 = arith.select %eq3A_2242, %mul3A_2100, %broadcast_in_dim3A_2244 : vector<16xi1>, vector<16xf32>
        %eq3A_2246 = arith.constant 6 : i32
        %eq3A_2247 = vector.broadcast %eq3A_2246 : i32 to vector<16xi32>
        %eq3A_2248 = arith.cmpi eq, %select_n3A_2099, %eq3A_2247 : vector<16xi32>
        %jit3A_2249 = arith.constant 0.000000e+00 : f32
        %broadcast_in_dim3A_2250 = vector.broadcast %jit3A_2249 : f32 to vector<16xf32>
        %select_n3A_2251 = arith.select %eq3A_2248, %mul3A_2101, %broadcast_in_dim3A_2250 : vector<16xi1>, vector<16xf32>
        %add3A_2252 = arith.addf %select_n3A_2245, %select_n3A_2251 : vector<16xf32>
        %swap3A_2253 = arith.constant 38 : i32
        %swap3A_2254 = arith.constant 0 : i32
        %swap3A_2255 = arith.constant 0 : i32
        %swap3A_2256 = tpu.memref_slice %run_scoped3A_8[%rem3A_193, %swap3A_2254, %swap3A_2255] : memref<2x64x16xf32, #tpu.memory_space<vmem>> -> memref<1x64x16xf32, #tpu.memory_space<vmem>>
        %swap3A_2257 = tpu.memref_squeeze %swap3A_2256 : memref<1x64x16xf32, #tpu.memory_space<vmem>> -> memref<64x16xf32, #tpu.memory_space<vmem>>
        %swap3A_2258 = arith.index_cast %swap3A_2253 : i32 to index
        %swap3A_2259 = arith.constant 0 : index
        %swap3A_2260 = tpu.vector_load %swap3A_2257[%swap3A_2258, %swap3A_2259] {strides = array<i32>} : memref<64x16xf32, #tpu.memory_space<vmem>>, vector<1x16xf32>,
        %swap3A_2261 = vector.shape_cast %swap3A_2260 : vector<1x16xf32> to vector<16xf32>
        %swap3A_2262 = vector.shape_cast %add3A_2252 : vector<16xf32> to vector<1x16xf32>
        tpu.vector_store %swap3A_2257[%swap3A_2258, %swap3A_2259], %swap3A_2262 {strides = array<i32>} : memref<64x16xf32, #tpu.memory_space<vmem>>, vector<1x16xf32>,
        %eq3A_2263 = arith.constant 7 : i32
        %eq3A_2264 = vector.broadcast %eq3A_2263 : i32 to vector<16xi32>
        %eq3A_2265 = arith.cmpi eq, %select_n3A_2007, %eq3A_2264 : vector<16xi32>
        %jit3A_2266 = arith.constant 0.000000e+00 : f32
        %broadcast_in_dim3A_2267 = vector.broadcast %jit3A_2266 : f32 to vector<16xf32>
        %select_n3A_2268 = arith.select %eq3A_2265, %mul3A_2100, %broadcast_in_dim3A_2267 : vector<16xi1>, vector<16xf32>
        %eq3A_2269 = arith.constant 7 : i32
        %eq3A_2270 = vector.broadcast %eq3A_2269 : i32 to vector<16xi32>
        %eq3A_2271 = arith.cmpi eq, %select_n3A_2099, %eq3A_2270 : vector<16xi32>
        %jit3A_2272 = arith.constant 0.000000e+00 : f32
        %broadcast_in_dim3A_2273 = vector.broadcast %jit3A_2272 : f32 to vector<16xf32>
        %select_n3A_2274 = arith.select %eq3A_2271, %mul3A_2101, %broadcast_in_dim3A_2273 : vector<16xi1>, vector<16xf32>
        %add3A_2275 = arith.addf %select_n3A_2268, %select_n3A_2274 : vector<16xf32>
        %swap3A_2276 = arith.constant 39 : i32
        %swap3A_2277 = arith.constant 0 : i32
        %swap3A_2278 = arith.constant 0 : i32
        %swap3A_2279 = tpu.memref_slice %run_scoped3A_8[%rem3A_193, %swap3A_2277, %swap3A_2278] : memref<2x64x16xf32, #tpu.memory_space<vmem>> -> memref<1x64x16xf32, #tpu.memory_space<vmem>>
        %swap3A_2280 = tpu.memref_squeeze %swap3A_2279 : memref<1x64x16xf32, #tpu.memory_space<vmem>> -> memref<64x16xf32, #tpu.memory_space<vmem>>
        %swap3A_2281 = arith.index_cast %swap3A_2276 : i32 to index
        %swap3A_2282 = arith.constant 0 : index
        %swap3A_2283 = tpu.vector_load %swap3A_2280[%swap3A_2281, %swap3A_2282] {strides = array<i32>} : memref<64x16xf32, #tpu.memory_space<vmem>>, vector<1x16xf32>,
        %swap3A_2284 = vector.shape_cast %swap3A_2283 : vector<1x16xf32> to vector<16xf32>
        %swap3A_2285 = vector.shape_cast %add3A_2275 : vector<16xf32> to vector<1x16xf32>
        tpu.vector_store %swap3A_2280[%swap3A_2281, %swap3A_2282], %swap3A_2285 {strides = array<i32>} : memref<64x16xf32, #tpu.memory_space<vmem>>, vector<1x16xf32>,
        %get3A_2286 = arith.constant 40 : i32
        %get3A_2287 = arith.constant 0 : i32
        %get3A_2288 = arith.constant 0 : i32
        %get3A_2289 = tpu.memref_slice %run_scoped3A[%rem3A_191, %get3A_2287, %get3A_2288] : memref<2x64x16xf32, #tpu.memory_space<vmem>> -> memref<1x64x16xf32, #tpu.memory_space<vmem>>
        %get3A_2290 = tpu.memref_squeeze %get3A_2289 : memref<1x64x16xf32, #tpu.memory_space<vmem>> -> memref<64x16xf32, #tpu.memory_space<vmem>>
        %get3A_2291 = arith.index_cast %get3A_2286 : i32 to index
        %get3A_2292 = arith.constant 0 : index
        %get3A_2293 = tpu.vector_load %get3A_2290[%get3A_2291, %get3A_2292] {strides = array<i32>} : memref<64x16xf32, #tpu.memory_space<vmem>>, vector<1x16xf32>,
        %get3A_2294 = vector.shape_cast %get3A_2293 : vector<1x16xf32> to vector<16xf32>
        %get3A_2295 = arith.constant 41 : i32
        %get3A_2296 = arith.constant 0 : i32
        %get3A_2297 = arith.constant 0 : i32
        %get3A_2298 = tpu.memref_slice %run_scoped3A[%rem3A_191, %get3A_2296, %get3A_2297] : memref<2x64x16xf32, #tpu.memory_space<vmem>> -> memref<1x64x16xf32, #tpu.memory_space<vmem>>
        %get3A_2299 = tpu.memref_squeeze %get3A_2298 : memref<1x64x16xf32, #tpu.memory_space<vmem>> -> memref<64x16xf32, #tpu.memory_space<vmem>>
        %get3A_2300 = arith.index_cast %get3A_2295 : i32 to index
        %get3A_2301 = arith.constant 0 : index
        %get3A_2302 = tpu.vector_load %get3A_2299[%get3A_2300, %get3A_2301] {strides = array<i32>} : memref<64x16xf32, #tpu.memory_space<vmem>>, vector<1x16xf32>,
        %get3A_2303 = vector.shape_cast %get3A_2302 : vector<1x16xf32> to vector<16xf32>
        %get3A_2304 = arith.constant 42 : i32
        %get3A_2305 = arith.constant 0 : i32
        %get3A_2306 = arith.constant 0 : i32
        %get3A_2307 = tpu.memref_slice %run_scoped3A[%rem3A_191, %get3A_2305, %get3A_2306] : memref<2x64x16xf32, #tpu.memory_space<vmem>> -> memref<1x64x16xf32, #tpu.memory_space<vmem>>
        %get3A_2308 = tpu.memref_squeeze %get3A_2307 : memref<1x64x16xf32, #tpu.memory_space<vmem>> -> memref<64x16xf32, #tpu.memory_space<vmem>>
        %get3A_2309 = arith.index_cast %get3A_2304 : i32 to index
        %get3A_2310 = arith.constant 0 : index
        %get3A_2311 = tpu.vector_load %get3A_2308[%get3A_2309, %get3A_2310] {strides = array<i32>} : memref<64x16xf32, #tpu.memory_space<vmem>>, vector<1x16xf32>,
        %get3A_2312 = vector.shape_cast %get3A_2311 : vector<1x16xf32> to vector<16xf32>
        %get3A_2313 = arith.constant 43 : i32
        %get3A_2314 = arith.constant 0 : i32
        %get3A_2315 = arith.constant 0 : i32
        %get3A_2316 = tpu.memref_slice %run_scoped3A[%rem3A_191, %get3A_2314, %get3A_2315] : memref<2x64x16xf32, #tpu.memory_space<vmem>> -> memref<1x64x16xf32, #tpu.memory_space<vmem>>
        %get3A_2317 = tpu.memref_squeeze %get3A_2316 : memref<1x64x16xf32, #tpu.memory_space<vmem>> -> memref<64x16xf32, #tpu.memory_space<vmem>>
        %get3A_2318 = arith.index_cast %get3A_2313 : i32 to index
        %get3A_2319 = arith.constant 0 : index
        %get3A_2320 = tpu.vector_load %get3A_2317[%get3A_2318, %get3A_2319] {strides = array<i32>} : memref<64x16xf32, #tpu.memory_space<vmem>>, vector<1x16xf32>,
        %get3A_2321 = vector.shape_cast %get3A_2320 : vector<1x16xf32> to vector<16xf32>
        %get3A_2322 = arith.constant 44 : i32
        %get3A_2323 = arith.constant 0 : i32
        %get3A_2324 = arith.constant 0 : i32
        %get3A_2325 = tpu.memref_slice %run_scoped3A[%rem3A_191, %get3A_2323, %get3A_2324] : memref<2x64x16xf32, #tpu.memory_space<vmem>> -> memref<1x64x16xf32, #tpu.memory_space<vmem>>
        %get3A_2326 = tpu.memref_squeeze %get3A_2325 : memref<1x64x16xf32, #tpu.memory_space<vmem>> -> memref<64x16xf32, #tpu.memory_space<vmem>>
        %get3A_2327 = arith.index_cast %get3A_2322 : i32 to index
        %get3A_2328 = arith.constant 0 : index
        %get3A_2329 = tpu.vector_load %get3A_2326[%get3A_2327, %get3A_2328] {strides = array<i32>} : memref<64x16xf32, #tpu.memory_space<vmem>>, vector<1x16xf32>,
        %get3A_2330 = vector.shape_cast %get3A_2329 : vector<1x16xf32> to vector<16xf32>
        %get3A_2331 = arith.constant 45 : i32
        %get3A_2332 = arith.constant 0 : i32
        %get3A_2333 = arith.constant 0 : i32
        %get3A_2334 = tpu.memref_slice %run_scoped3A[%rem3A_191, %get3A_2332, %get3A_2333] : memref<2x64x16xf32, #tpu.memory_space<vmem>> -> memref<1x64x16xf32, #tpu.memory_space<vmem>>
        %get3A_2335 = tpu.memref_squeeze %get3A_2334 : memref<1x64x16xf32, #tpu.memory_space<vmem>> -> memref<64x16xf32, #tpu.memory_space<vmem>>
        %get3A_2336 = arith.index_cast %get3A_2331 : i32 to index
        %get3A_2337 = arith.constant 0 : index
        %get3A_2338 = tpu.vector_load %get3A_2335[%get3A_2336, %get3A_2337] {strides = array<i32>} : memref<64x16xf32, #tpu.memory_space<vmem>>, vector<1x16xf32>,
        %get3A_2339 = vector.shape_cast %get3A_2338 : vector<1x16xf32> to vector<16xf32>
        %get3A_2340 = arith.constant 46 : i32
        %get3A_2341 = arith.constant 0 : i32
        %get3A_2342 = arith.constant 0 : i32
        %get3A_2343 = tpu.memref_slice %run_scoped3A[%rem3A_191, %get3A_2341, %get3A_2342] : memref<2x64x16xf32, #tpu.memory_space<vmem>> -> memref<1x64x16xf32, #tpu.memory_space<vmem>>
        %get3A_2344 = tpu.memref_squeeze %get3A_2343 : memref<1x64x16xf32, #tpu.memory_space<vmem>> -> memref<64x16xf32, #tpu.memory_space<vmem>>
        %get3A_2345 = arith.index_cast %get3A_2340 : i32 to index
        %get3A_2346 = arith.constant 0 : index
        %get3A_2347 = tpu.vector_load %get3A_2344[%get3A_2345, %get3A_2346] {strides = array<i32>} : memref<64x16xf32, #tpu.memory_space<vmem>>, vector<1x16xf32>,
        %get3A_2348 = vector.shape_cast %get3A_2347 : vector<1x16xf32> to vector<16xf32>
        %get3A_2349 = arith.constant 47 : i32
        %get3A_2350 = arith.constant 0 : i32
        %get3A_2351 = arith.constant 0 : i32
        %get3A_2352 = tpu.memref_slice %run_scoped3A[%rem3A_191, %get3A_2350, %get3A_2351] : memref<2x64x16xf32, #tpu.memory_space<vmem>> -> memref<1x64x16xf32, #tpu.memory_space<vmem>>
        %get3A_2353 = tpu.memref_squeeze %get3A_2352 : memref<1x64x16xf32, #tpu.memory_space<vmem>> -> memref<64x16xf32, #tpu.memory_space<vmem>>
        %get3A_2354 = arith.index_cast %get3A_2349 : i32 to index
        %get3A_2355 = arith.constant 0 : index
        %get3A_2356 = tpu.vector_load %get3A_2353[%get3A_2354, %get3A_2355] {strides = array<i32>} : memref<64x16xf32, #tpu.memory_space<vmem>>, vector<1x16xf32>,
        %get3A_2357 = vector.shape_cast %get3A_2356 : vector<1x16xf32> to vector<16xf32>
        %max3A_2358 = arith.maximumf %get3A_2294, %get3A_2303 : vector<16xf32>
        %max3A_2359 = arith.maximumf %max3A_2358, %get3A_2312 : vector<16xf32>
        %max3A_2360 = arith.maximumf %max3A_2359, %get3A_2321 : vector<16xf32>
        %max3A_2361 = arith.maximumf %max3A_2360, %get3A_2330 : vector<16xf32>
        %max3A_2362 = arith.maximumf %max3A_2361, %get3A_2339 : vector<16xf32>
        %max3A_2363 = arith.maximumf %max3A_2362, %get3A_2348 : vector<16xf32>
        %max3A_2364 = arith.maximumf %max3A_2363, %get3A_2357 : vector<16xf32>
        %sub3A_2365 = arith.subf %get3A_2294, %max3A_2364 : vector<16xf32>
        %exp3A_2366 = math.exp %sub3A_2365 : vector<16xf32>
        %sub3A_2367 = arith.subf %get3A_2303, %max3A_2364 : vector<16xf32>
        %exp3A_2368 = math.exp %sub3A_2367 : vector<16xf32>
        %sub3A_2369 = arith.subf %get3A_2312, %max3A_2364 : vector<16xf32>
        %exp3A_2370 = math.exp %sub3A_2369 : vector<16xf32>
        %sub3A_2371 = arith.subf %get3A_2321, %max3A_2364 : vector<16xf32>
        %exp3A_2372 = math.exp %sub3A_2371 : vector<16xf32>
        %sub3A_2373 = arith.subf %get3A_2330, %max3A_2364 : vector<16xf32>
        %exp3A_2374 = math.exp %sub3A_2373 : vector<16xf32>
        %sub3A_2375 = arith.subf %get3A_2339, %max3A_2364 : vector<16xf32>
        %exp3A_2376 = math.exp %sub3A_2375 : vector<16xf32>
        %sub3A_2377 = arith.subf %get3A_2348, %max3A_2364 : vector<16xf32>
        %exp3A_2378 = math.exp %sub3A_2377 : vector<16xf32>
        %sub3A_2379 = arith.subf %get3A_2357, %max3A_2364 : vector<16xf32>
        %exp3A_2380 = math.exp %sub3A_2379 : vector<16xf32>
        %add3A_2381 = arith.addf %exp3A_2366, %exp3A_2368 : vector<16xf32>
        %add3A_2382 = arith.addf %add3A_2381, %exp3A_2370 : vector<16xf32>
        %add3A_2383 = arith.addf %add3A_2382, %exp3A_2372 : vector<16xf32>
        %add3A_2384 = arith.addf %add3A_2383, %exp3A_2374 : vector<16xf32>
        %add3A_2385 = arith.addf %add3A_2384, %exp3A_2376 : vector<16xf32>
        %add3A_2386 = arith.addf %add3A_2385, %exp3A_2378 : vector<16xf32>
        %add3A_2387 = arith.addf %add3A_2386, %exp3A_2380 : vector<16xf32>
        %div3A_2388 = arith.constant 1.000000e+00 : f32
        %div3A_2389 = vector.broadcast %div3A_2388 : f32 to vector<16xf32>
        %div3A_2390 = arith.divf %div3A_2389, %add3A_2387 : vector<16xf32>
        %broadcast_in_dim3A_2391 = arith.constant 0 : i32
        %broadcast_in_dim3A_2392 = vector.broadcast %broadcast_in_dim3A_2391 : i32 to vector<16xi32>
        %gt3A_2393 = arith.cmpf ogt, %exp3A_2368, %exp3A_2366 : vector<16xf32>
        %select_n3A_2394 = arith.select %gt3A_2393, %exp3A_2368, %exp3A_2366 : vector<16xi1>, vector<16xf32>
        %jit3A_2395 = arith.constant 1 : i32
        %broadcast_in_dim3A_2396 = vector.broadcast %jit3A_2395 : i32 to vector<16xi32>
        %select_n3A_2397 = arith.select %gt3A_2393, %broadcast_in_dim3A_2396, %broadcast_in_dim3A_2392 : vector<16xi1>, vector<16xi32>
        %gt3A_2398 = arith.cmpf ogt, %exp3A_2370, %select_n3A_2394 : vector<16xf32>
        %select_n3A_2399 = arith.select %gt3A_2398, %exp3A_2370, %select_n3A_2394 : vector<16xi1>, vector<16xf32>
        %jit3A_2400 = arith.constant 2 : i32
        %broadcast_in_dim3A_2401 = vector.broadcast %jit3A_2400 : i32 to vector<16xi32>
        %select_n3A_2402 = arith.select %gt3A_2398, %broadcast_in_dim3A_2401, %select_n3A_2397 : vector<16xi1>, vector<16xi32>
        %gt3A_2403 = arith.cmpf ogt, %exp3A_2372, %select_n3A_2399 : vector<16xf32>
        %select_n3A_2404 = arith.select %gt3A_2403, %exp3A_2372, %select_n3A_2399 : vector<16xi1>, vector<16xf32>
        %jit3A_2405 = arith.constant 3 : i32
        %broadcast_in_dim3A_2406 = vector.broadcast %jit3A_2405 : i32 to vector<16xi32>
        %select_n3A_2407 = arith.select %gt3A_2403, %broadcast_in_dim3A_2406, %select_n3A_2402 : vector<16xi1>, vector<16xi32>
        %gt3A_2408 = arith.cmpf ogt, %exp3A_2374, %select_n3A_2404 : vector<16xf32>
        %select_n3A_2409 = arith.select %gt3A_2408, %exp3A_2374, %select_n3A_2404 : vector<16xi1>, vector<16xf32>
        %jit3A_2410 = arith.constant 4 : i32
        %broadcast_in_dim3A_2411 = vector.broadcast %jit3A_2410 : i32 to vector<16xi32>
        %select_n3A_2412 = arith.select %gt3A_2408, %broadcast_in_dim3A_2411, %select_n3A_2407 : vector<16xi1>, vector<16xi32>
        %gt3A_2413 = arith.cmpf ogt, %exp3A_2376, %select_n3A_2409 : vector<16xf32>
        %select_n3A_2414 = arith.select %gt3A_2413, %exp3A_2376, %select_n3A_2409 : vector<16xi1>, vector<16xf32>
        %jit3A_2415 = arith.constant 5 : i32
        %broadcast_in_dim3A_2416 = vector.broadcast %jit3A_2415 : i32 to vector<16xi32>
        %select_n3A_2417 = arith.select %gt3A_2413, %broadcast_in_dim3A_2416, %select_n3A_2412 : vector<16xi1>, vector<16xi32>
        %gt3A_2418 = arith.cmpf ogt, %exp3A_2378, %select_n3A_2414 : vector<16xf32>
        %select_n3A_2419 = arith.select %gt3A_2418, %exp3A_2378, %select_n3A_2414 : vector<16xi1>, vector<16xf32>
        %jit3A_2420 = arith.constant 6 : i32
        %broadcast_in_dim3A_2421 = vector.broadcast %jit3A_2420 : i32 to vector<16xi32>
        %select_n3A_2422 = arith.select %gt3A_2418, %broadcast_in_dim3A_2421, %select_n3A_2417 : vector<16xi1>, vector<16xi32>
        %gt3A_2423 = arith.cmpf ogt, %exp3A_2380, %select_n3A_2419 : vector<16xf32>
        %select_n3A_2424 = arith.select %gt3A_2423, %exp3A_2380, %select_n3A_2419 : vector<16xi1>, vector<16xf32>
        %jit3A_2425 = arith.constant 7 : i32
        %broadcast_in_dim3A_2426 = vector.broadcast %jit3A_2425 : i32 to vector<16xi32>
        %select_n3A_2427 = arith.select %gt3A_2423, %broadcast_in_dim3A_2426, %select_n3A_2422 : vector<16xi1>, vector<16xi32>
        %broadcast_in_dim3A_2428 = arith.constant -1.000000e+00 : f32
        %broadcast_in_dim3A_2429 = vector.broadcast %broadcast_in_dim3A_2428 : f32 to vector<16xf32>
        %broadcast_in_dim3A_2430 = arith.constant 0 : i32
        %broadcast_in_dim3A_2431 = vector.broadcast %broadcast_in_dim3A_2430 : i32 to vector<16xi32>
        %eq3A_2432 = arith.constant 0 : i32
        %eq3A_2433 = vector.broadcast %eq3A_2432 : i32 to vector<16xi32>
        %eq3A_2434 = arith.cmpi eq, %select_n3A_2427, %eq3A_2433 : vector<16xi32>
        %jit3A_2435 = arith.constant -1.000000e+00 : f32
        %broadcast_in_dim3A_2436 = vector.broadcast %jit3A_2435 : f32 to vector<16xf32>
        %select_n3A_2437 = arith.select %eq3A_2434, %broadcast_in_dim3A_2436, %exp3A_2366 : vector<16xi1>, vector<16xf32>
        %gt3A_2438 = arith.cmpf ogt, %select_n3A_2437, %broadcast_in_dim3A_2429 : vector<16xf32>
        %select_n3A_2439 = arith.select %gt3A_2438, %select_n3A_2437, %broadcast_in_dim3A_2429 : vector<16xi1>, vector<16xf32>
        %jit3A_2440 = arith.constant 0 : i32
        %broadcast_in_dim3A_2441 = vector.broadcast %jit3A_2440 : i32 to vector<16xi32>
        %select_n3A_2442 = arith.select %gt3A_2438, %broadcast_in_dim3A_2441, %broadcast_in_dim3A_2431 : vector<16xi1>, vector<16xi32>
        %eq3A_2443 = arith.constant 1 : i32
        %eq3A_2444 = vector.broadcast %eq3A_2443 : i32 to vector<16xi32>
        %eq3A_2445 = arith.cmpi eq, %select_n3A_2427, %eq3A_2444 : vector<16xi32>
        %jit3A_2446 = arith.constant -1.000000e+00 : f32
        %broadcast_in_dim3A_2447 = vector.broadcast %jit3A_2446 : f32 to vector<16xf32>
        %select_n3A_2448 = arith.select %eq3A_2445, %broadcast_in_dim3A_2447, %exp3A_2368 : vector<16xi1>, vector<16xf32>
        %gt3A_2449 = arith.cmpf ogt, %select_n3A_2448, %select_n3A_2439 : vector<16xf32>
        %select_n3A_2450 = arith.select %gt3A_2449, %select_n3A_2448, %select_n3A_2439 : vector<16xi1>, vector<16xf32>
        %jit3A_2451 = arith.constant 1 : i32
        %broadcast_in_dim3A_2452 = vector.broadcast %jit3A_2451 : i32 to vector<16xi32>
        %select_n3A_2453 = arith.select %gt3A_2449, %broadcast_in_dim3A_2452, %select_n3A_2442 : vector<16xi1>, vector<16xi32>
        %eq3A_2454 = arith.constant 2 : i32
        %eq3A_2455 = vector.broadcast %eq3A_2454 : i32 to vector<16xi32>
        %eq3A_2456 = arith.cmpi eq, %select_n3A_2427, %eq3A_2455 : vector<16xi32>
        %jit3A_2457 = arith.constant -1.000000e+00 : f32
        %broadcast_in_dim3A_2458 = vector.broadcast %jit3A_2457 : f32 to vector<16xf32>
        %select_n3A_2459 = arith.select %eq3A_2456, %broadcast_in_dim3A_2458, %exp3A_2370 : vector<16xi1>, vector<16xf32>
        %gt3A_2460 = arith.cmpf ogt, %select_n3A_2459, %select_n3A_2450 : vector<16xf32>
        %select_n3A_2461 = arith.select %gt3A_2460, %select_n3A_2459, %select_n3A_2450 : vector<16xi1>, vector<16xf32>
        %jit3A_2462 = arith.constant 2 : i32
        %broadcast_in_dim3A_2463 = vector.broadcast %jit3A_2462 : i32 to vector<16xi32>
        %select_n3A_2464 = arith.select %gt3A_2460, %broadcast_in_dim3A_2463, %select_n3A_2453 : vector<16xi1>, vector<16xi32>
        %eq3A_2465 = arith.constant 3 : i32
        %eq3A_2466 = vector.broadcast %eq3A_2465 : i32 to vector<16xi32>
        %eq3A_2467 = arith.cmpi eq, %select_n3A_2427, %eq3A_2466 : vector<16xi32>
        %jit3A_2468 = arith.constant -1.000000e+00 : f32
        %broadcast_in_dim3A_2469 = vector.broadcast %jit3A_2468 : f32 to vector<16xf32>
        %select_n3A_2470 = arith.select %eq3A_2467, %broadcast_in_dim3A_2469, %exp3A_2372 : vector<16xi1>, vector<16xf32>
        %gt3A_2471 = arith.cmpf ogt, %select_n3A_2470, %select_n3A_2461 : vector<16xf32>
        %select_n3A_2472 = arith.select %gt3A_2471, %select_n3A_2470, %select_n3A_2461 : vector<16xi1>, vector<16xf32>
        %jit3A_2473 = arith.constant 3 : i32
        %broadcast_in_dim3A_2474 = vector.broadcast %jit3A_2473 : i32 to vector<16xi32>
        %select_n3A_2475 = arith.select %gt3A_2471, %broadcast_in_dim3A_2474, %select_n3A_2464 : vector<16xi1>, vector<16xi32>
        %eq3A_2476 = arith.constant 4 : i32
        %eq3A_2477 = vector.broadcast %eq3A_2476 : i32 to vector<16xi32>
        %eq3A_2478 = arith.cmpi eq, %select_n3A_2427, %eq3A_2477 : vector<16xi32>
        %jit3A_2479 = arith.constant -1.000000e+00 : f32
        %broadcast_in_dim3A_2480 = vector.broadcast %jit3A_2479 : f32 to vector<16xf32>
        %select_n3A_2481 = arith.select %eq3A_2478, %broadcast_in_dim3A_2480, %exp3A_2374 : vector<16xi1>, vector<16xf32>
        %gt3A_2482 = arith.cmpf ogt, %select_n3A_2481, %select_n3A_2472 : vector<16xf32>
        %select_n3A_2483 = arith.select %gt3A_2482, %select_n3A_2481, %select_n3A_2472 : vector<16xi1>, vector<16xf32>
        %jit3A_2484 = arith.constant 4 : i32
        %broadcast_in_dim3A_2485 = vector.broadcast %jit3A_2484 : i32 to vector<16xi32>
        %select_n3A_2486 = arith.select %gt3A_2482, %broadcast_in_dim3A_2485, %select_n3A_2475 : vector<16xi1>, vector<16xi32>
        %eq3A_2487 = arith.constant 5 : i32
        %eq3A_2488 = vector.broadcast %eq3A_2487 : i32 to vector<16xi32>
        %eq3A_2489 = arith.cmpi eq, %select_n3A_2427, %eq3A_2488 : vector<16xi32>
        %jit3A_2490 = arith.constant -1.000000e+00 : f32
        %broadcast_in_dim3A_2491 = vector.broadcast %jit3A_2490 : f32 to vector<16xf32>
        %select_n3A_2492 = arith.select %eq3A_2489, %broadcast_in_dim3A_2491, %exp3A_2376 : vector<16xi1>, vector<16xf32>
        %gt3A_2493 = arith.cmpf ogt, %select_n3A_2492, %select_n3A_2483 : vector<16xf32>
        %select_n3A_2494 = arith.select %gt3A_2493, %select_n3A_2492, %select_n3A_2483 : vector<16xi1>, vector<16xf32>
        %jit3A_2495 = arith.constant 5 : i32
        %broadcast_in_dim3A_2496 = vector.broadcast %jit3A_2495 : i32 to vector<16xi32>
        %select_n3A_2497 = arith.select %gt3A_2493, %broadcast_in_dim3A_2496, %select_n3A_2486 : vector<16xi1>, vector<16xi32>
        %eq3A_2498 = arith.constant 6 : i32
        %eq3A_2499 = vector.broadcast %eq3A_2498 : i32 to vector<16xi32>
        %eq3A_2500 = arith.cmpi eq, %select_n3A_2427, %eq3A_2499 : vector<16xi32>
        %jit3A_2501 = arith.constant -1.000000e+00 : f32
        %broadcast_in_dim3A_2502 = vector.broadcast %jit3A_2501 : f32 to vector<16xf32>
        %select_n3A_2503 = arith.select %eq3A_2500, %broadcast_in_dim3A_2502, %exp3A_2378 : vector<16xi1>, vector<16xf32>
        %gt3A_2504 = arith.cmpf ogt, %select_n3A_2503, %select_n3A_2494 : vector<16xf32>
        %select_n3A_2505 = arith.select %gt3A_2504, %select_n3A_2503, %select_n3A_2494 : vector<16xi1>, vector<16xf32>
        %jit3A_2506 = arith.constant 6 : i32
        %broadcast_in_dim3A_2507 = vector.broadcast %jit3A_2506 : i32 to vector<16xi32>
        %select_n3A_2508 = arith.select %gt3A_2504, %broadcast_in_dim3A_2507, %select_n3A_2497 : vector<16xi1>, vector<16xi32>
        %eq3A_2509 = arith.constant 7 : i32
        %eq3A_2510 = vector.broadcast %eq3A_2509 : i32 to vector<16xi32>
        %eq3A_2511 = arith.cmpi eq, %select_n3A_2427, %eq3A_2510 : vector<16xi32>
        %jit3A_2512 = arith.constant -1.000000e+00 : f32
        %broadcast_in_dim3A_2513 = vector.broadcast %jit3A_2512 : f32 to vector<16xf32>
        %select_n3A_2514 = arith.select %eq3A_2511, %broadcast_in_dim3A_2513, %exp3A_2380 : vector<16xi1>, vector<16xf32>
        %gt3A_2515 = arith.cmpf ogt, %select_n3A_2514, %select_n3A_2505 : vector<16xf32>
        %select_n3A_2516 = arith.select %gt3A_2515, %select_n3A_2514, %select_n3A_2505 : vector<16xi1>, vector<16xf32>
        %jit3A_2517 = arith.constant 7 : i32
        %broadcast_in_dim3A_2518 = vector.broadcast %jit3A_2517 : i32 to vector<16xi32>
        %select_n3A_2519 = arith.select %gt3A_2515, %broadcast_in_dim3A_2518, %select_n3A_2508 : vector<16xi1>, vector<16xi32>
        %mul3A_2520 = arith.mulf %select_n3A_2424, %div3A_2390 : vector<16xf32>
        %mul3A_2521 = arith.mulf %select_n3A_2516, %div3A_2390 : vector<16xf32>
        %eq3A_2522 = arith.constant 0 : i32
        %eq3A_2523 = vector.broadcast %eq3A_2522 : i32 to vector<16xi32>
        %eq3A_2524 = arith.cmpi eq, %select_n3A_2427, %eq3A_2523 : vector<16xi32>
        %jit3A_2525 = arith.constant 0.000000e+00 : f32
        %broadcast_in_dim3A_2526 = vector.broadcast %jit3A_2525 : f32 to vector<16xf32>
        %select_n3A_2527 = arith.select %eq3A_2524, %mul3A_2520, %broadcast_in_dim3A_2526 : vector<16xi1>, vector<16xf32>
        %eq3A_2528 = arith.constant 0 : i32
        %eq3A_2529 = vector.broadcast %eq3A_2528 : i32 to vector<16xi32>
        %eq3A_2530 = arith.cmpi eq, %select_n3A_2519, %eq3A_2529 : vector<16xi32>
        %jit3A_2531 = arith.constant 0.000000e+00 : f32
        %broadcast_in_dim3A_2532 = vector.broadcast %jit3A_2531 : f32 to vector<16xf32>
        %select_n3A_2533 = arith.select %eq3A_2530, %mul3A_2521, %broadcast_in_dim3A_2532 : vector<16xi1>, vector<16xf32>
        %add3A_2534 = arith.addf %select_n3A_2527, %select_n3A_2533 : vector<16xf32>
        %swap3A_2535 = arith.constant 40 : i32
        %swap3A_2536 = arith.constant 0 : i32
        %swap3A_2537 = arith.constant 0 : i32
        %swap3A_2538 = tpu.memref_slice %run_scoped3A_8[%rem3A_193, %swap3A_2536, %swap3A_2537] : memref<2x64x16xf32, #tpu.memory_space<vmem>> -> memref<1x64x16xf32, #tpu.memory_space<vmem>>
        %swap3A_2539 = tpu.memref_squeeze %swap3A_2538 : memref<1x64x16xf32, #tpu.memory_space<vmem>> -> memref<64x16xf32, #tpu.memory_space<vmem>>
        %swap3A_2540 = arith.index_cast %swap3A_2535 : i32 to index
        %swap3A_2541 = arith.constant 0 : index
        %swap3A_2542 = tpu.vector_load %swap3A_2539[%swap3A_2540, %swap3A_2541] {strides = array<i32>} : memref<64x16xf32, #tpu.memory_space<vmem>>, vector<1x16xf32>,
        %swap3A_2543 = vector.shape_cast %swap3A_2542 : vector<1x16xf32> to vector<16xf32>
        %swap3A_2544 = vector.shape_cast %add3A_2534 : vector<16xf32> to vector<1x16xf32>
        tpu.vector_store %swap3A_2539[%swap3A_2540, %swap3A_2541], %swap3A_2544 {strides = array<i32>} : memref<64x16xf32, #tpu.memory_space<vmem>>, vector<1x16xf32>,
        %eq3A_2545 = arith.constant 1 : i32
        %eq3A_2546 = vector.broadcast %eq3A_2545 : i32 to vector<16xi32>
        %eq3A_2547 = arith.cmpi eq, %select_n3A_2427, %eq3A_2546 : vector<16xi32>
        %jit3A_2548 = arith.constant 0.000000e+00 : f32
        %broadcast_in_dim3A_2549 = vector.broadcast %jit3A_2548 : f32 to vector<16xf32>
        %select_n3A_2550 = arith.select %eq3A_2547, %mul3A_2520, %broadcast_in_dim3A_2549 : vector<16xi1>, vector<16xf32>
        %eq3A_2551 = arith.constant 1 : i32
        %eq3A_2552 = vector.broadcast %eq3A_2551 : i32 to vector<16xi32>
        %eq3A_2553 = arith.cmpi eq, %select_n3A_2519, %eq3A_2552 : vector<16xi32>
        %jit3A_2554 = arith.constant 0.000000e+00 : f32
        %broadcast_in_dim3A_2555 = vector.broadcast %jit3A_2554 : f32 to vector<16xf32>
        %select_n3A_2556 = arith.select %eq3A_2553, %mul3A_2521, %broadcast_in_dim3A_2555 : vector<16xi1>, vector<16xf32>
        %add3A_2557 = arith.addf %select_n3A_2550, %select_n3A_2556 : vector<16xf32>
        %swap3A_2558 = arith.constant 41 : i32
        %swap3A_2559 = arith.constant 0 : i32
        %swap3A_2560 = arith.constant 0 : i32
        %swap3A_2561 = tpu.memref_slice %run_scoped3A_8[%rem3A_193, %swap3A_2559, %swap3A_2560] : memref<2x64x16xf32, #tpu.memory_space<vmem>> -> memref<1x64x16xf32, #tpu.memory_space<vmem>>
        %swap3A_2562 = tpu.memref_squeeze %swap3A_2561 : memref<1x64x16xf32, #tpu.memory_space<vmem>> -> memref<64x16xf32, #tpu.memory_space<vmem>>
        %swap3A_2563 = arith.index_cast %swap3A_2558 : i32 to index
        %swap3A_2564 = arith.constant 0 : index
        %swap3A_2565 = tpu.vector_load %swap3A_2562[%swap3A_2563, %swap3A_2564] {strides = array<i32>} : memref<64x16xf32, #tpu.memory_space<vmem>>, vector<1x16xf32>,
        %swap3A_2566 = vector.shape_cast %swap3A_2565 : vector<1x16xf32> to vector<16xf32>
        %swap3A_2567 = vector.shape_cast %add3A_2557 : vector<16xf32> to vector<1x16xf32>
        tpu.vector_store %swap3A_2562[%swap3A_2563, %swap3A_2564], %swap3A_2567 {strides = array<i32>} : memref<64x16xf32, #tpu.memory_space<vmem>>, vector<1x16xf32>,
        %eq3A_2568 = arith.constant 2 : i32
        %eq3A_2569 = vector.broadcast %eq3A_2568 : i32 to vector<16xi32>
        %eq3A_2570 = arith.cmpi eq, %select_n3A_2427, %eq3A_2569 : vector<16xi32>
        %jit3A_2571 = arith.constant 0.000000e+00 : f32
        %broadcast_in_dim3A_2572 = vector.broadcast %jit3A_2571 : f32 to vector<16xf32>
        %select_n3A_2573 = arith.select %eq3A_2570, %mul3A_2520, %broadcast_in_dim3A_2572 : vector<16xi1>, vector<16xf32>
        %eq3A_2574 = arith.constant 2 : i32
        %eq3A_2575 = vector.broadcast %eq3A_2574 : i32 to vector<16xi32>
        %eq3A_2576 = arith.cmpi eq, %select_n3A_2519, %eq3A_2575 : vector<16xi32>
        %jit3A_2577 = arith.constant 0.000000e+00 : f32
        %broadcast_in_dim3A_2578 = vector.broadcast %jit3A_2577 : f32 to vector<16xf32>
        %select_n3A_2579 = arith.select %eq3A_2576, %mul3A_2521, %broadcast_in_dim3A_2578 : vector<16xi1>, vector<16xf32>
        %add3A_2580 = arith.addf %select_n3A_2573, %select_n3A_2579 : vector<16xf32>
        %swap3A_2581 = arith.constant 42 : i32
        %swap3A_2582 = arith.constant 0 : i32
        %swap3A_2583 = arith.constant 0 : i32
        %swap3A_2584 = tpu.memref_slice %run_scoped3A_8[%rem3A_193, %swap3A_2582, %swap3A_2583] : memref<2x64x16xf32, #tpu.memory_space<vmem>> -> memref<1x64x16xf32, #tpu.memory_space<vmem>>
        %swap3A_2585 = tpu.memref_squeeze %swap3A_2584 : memref<1x64x16xf32, #tpu.memory_space<vmem>> -> memref<64x16xf32, #tpu.memory_space<vmem>>
        %swap3A_2586 = arith.index_cast %swap3A_2581 : i32 to index
        %swap3A_2587 = arith.constant 0 : index
        %swap3A_2588 = tpu.vector_load %swap3A_2585[%swap3A_2586, %swap3A_2587] {strides = array<i32>} : memref<64x16xf32, #tpu.memory_space<vmem>>, vector<1x16xf32>,
        %swap3A_2589 = vector.shape_cast %swap3A_2588 : vector<1x16xf32> to vector<16xf32>
        %swap3A_2590 = vector.shape_cast %add3A_2580 : vector<16xf32> to vector<1x16xf32>
        tpu.vector_store %swap3A_2585[%swap3A_2586, %swap3A_2587], %swap3A_2590 {strides = array<i32>} : memref<64x16xf32, #tpu.memory_space<vmem>>, vector<1x16xf32>,
        %eq3A_2591 = arith.constant 3 : i32
        %eq3A_2592 = vector.broadcast %eq3A_2591 : i32 to vector<16xi32>
        %eq3A_2593 = arith.cmpi eq, %select_n3A_2427, %eq3A_2592 : vector<16xi32>
        %jit3A_2594 = arith.constant 0.000000e+00 : f32
        %broadcast_in_dim3A_2595 = vector.broadcast %jit3A_2594 : f32 to vector<16xf32>
        %select_n3A_2596 = arith.select %eq3A_2593, %mul3A_2520, %broadcast_in_dim3A_2595 : vector<16xi1>, vector<16xf32>
        %eq3A_2597 = arith.constant 3 : i32
        %eq3A_2598 = vector.broadcast %eq3A_2597 : i32 to vector<16xi32>
        %eq3A_2599 = arith.cmpi eq, %select_n3A_2519, %eq3A_2598 : vector<16xi32>
        %jit3A_2600 = arith.constant 0.000000e+00 : f32
        %broadcast_in_dim3A_2601 = vector.broadcast %jit3A_2600 : f32 to vector<16xf32>
        %select_n3A_2602 = arith.select %eq3A_2599, %mul3A_2521, %broadcast_in_dim3A_2601 : vector<16xi1>, vector<16xf32>
        %add3A_2603 = arith.addf %select_n3A_2596, %select_n3A_2602 : vector<16xf32>
        %swap3A_2604 = arith.constant 43 : i32
        %swap3A_2605 = arith.constant 0 : i32
        %swap3A_2606 = arith.constant 0 : i32
        %swap3A_2607 = tpu.memref_slice %run_scoped3A_8[%rem3A_193, %swap3A_2605, %swap3A_2606] : memref<2x64x16xf32, #tpu.memory_space<vmem>> -> memref<1x64x16xf32, #tpu.memory_space<vmem>>
        %swap3A_2608 = tpu.memref_squeeze %swap3A_2607 : memref<1x64x16xf32, #tpu.memory_space<vmem>> -> memref<64x16xf32, #tpu.memory_space<vmem>>
        %swap3A_2609 = arith.index_cast %swap3A_2604 : i32 to index
        %swap3A_2610 = arith.constant 0 : index
        %swap3A_2611 = tpu.vector_load %swap3A_2608[%swap3A_2609, %swap3A_2610] {strides = array<i32>} : memref<64x16xf32, #tpu.memory_space<vmem>>, vector<1x16xf32>,
        %swap3A_2612 = vector.shape_cast %swap3A_2611 : vector<1x16xf32> to vector<16xf32>
        %swap3A_2613 = vector.shape_cast %add3A_2603 : vector<16xf32> to vector<1x16xf32>
        tpu.vector_store %swap3A_2608[%swap3A_2609, %swap3A_2610], %swap3A_2613 {strides = array<i32>} : memref<64x16xf32, #tpu.memory_space<vmem>>, vector<1x16xf32>,
        %eq3A_2614 = arith.constant 4 : i32
        %eq3A_2615 = vector.broadcast %eq3A_2614 : i32 to vector<16xi32>
        %eq3A_2616 = arith.cmpi eq, %select_n3A_2427, %eq3A_2615 : vector<16xi32>
        %jit3A_2617 = arith.constant 0.000000e+00 : f32
        %broadcast_in_dim3A_2618 = vector.broadcast %jit3A_2617 : f32 to vector<16xf32>
        %select_n3A_2619 = arith.select %eq3A_2616, %mul3A_2520, %broadcast_in_dim3A_2618 : vector<16xi1>, vector<16xf32>
        %eq3A_2620 = arith.constant 4 : i32
        %eq3A_2621 = vector.broadcast %eq3A_2620 : i32 to vector<16xi32>
        %eq3A_2622 = arith.cmpi eq, %select_n3A_2519, %eq3A_2621 : vector<16xi32>
        %jit3A_2623 = arith.constant 0.000000e+00 : f32
        %broadcast_in_dim3A_2624 = vector.broadcast %jit3A_2623 : f32 to vector<16xf32>
        %select_n3A_2625 = arith.select %eq3A_2622, %mul3A_2521, %broadcast_in_dim3A_2624 : vector<16xi1>, vector<16xf32>
        %add3A_2626 = arith.addf %select_n3A_2619, %select_n3A_2625 : vector<16xf32>
        %swap3A_2627 = arith.constant 44 : i32
        %swap3A_2628 = arith.constant 0 : i32
        %swap3A_2629 = arith.constant 0 : i32
        %swap3A_2630 = tpu.memref_slice %run_scoped3A_8[%rem3A_193, %swap3A_2628, %swap3A_2629] : memref<2x64x16xf32, #tpu.memory_space<vmem>> -> memref<1x64x16xf32, #tpu.memory_space<vmem>>
        %swap3A_2631 = tpu.memref_squeeze %swap3A_2630 : memref<1x64x16xf32, #tpu.memory_space<vmem>> -> memref<64x16xf32, #tpu.memory_space<vmem>>
        %swap3A_2632 = arith.index_cast %swap3A_2627 : i32 to index
        %swap3A_2633 = arith.constant 0 : index
        %swap3A_2634 = tpu.vector_load %swap3A_2631[%swap3A_2632, %swap3A_2633] {strides = array<i32>} : memref<64x16xf32, #tpu.memory_space<vmem>>, vector<1x16xf32>,
        %swap3A_2635 = vector.shape_cast %swap3A_2634 : vector<1x16xf32> to vector<16xf32>
        %swap3A_2636 = vector.shape_cast %add3A_2626 : vector<16xf32> to vector<1x16xf32>
        tpu.vector_store %swap3A_2631[%swap3A_2632, %swap3A_2633], %swap3A_2636 {strides = array<i32>} : memref<64x16xf32, #tpu.memory_space<vmem>>, vector<1x16xf32>,
        %eq3A_2637 = arith.constant 5 : i32
        %eq3A_2638 = vector.broadcast %eq3A_2637 : i32 to vector<16xi32>
        %eq3A_2639 = arith.cmpi eq, %select_n3A_2427, %eq3A_2638 : vector<16xi32>
        %jit3A_2640 = arith.constant 0.000000e+00 : f32
        %broadcast_in_dim3A_2641 = vector.broadcast %jit3A_2640 : f32 to vector<16xf32>
        %select_n3A_2642 = arith.select %eq3A_2639, %mul3A_2520, %broadcast_in_dim3A_2641 : vector<16xi1>, vector<16xf32>
        %eq3A_2643 = arith.constant 5 : i32
        %eq3A_2644 = vector.broadcast %eq3A_2643 : i32 to vector<16xi32>
        %eq3A_2645 = arith.cmpi eq, %select_n3A_2519, %eq3A_2644 : vector<16xi32>
        %jit3A_2646 = arith.constant 0.000000e+00 : f32
        %broadcast_in_dim3A_2647 = vector.broadcast %jit3A_2646 : f32 to vector<16xf32>
        %select_n3A_2648 = arith.select %eq3A_2645, %mul3A_2521, %broadcast_in_dim3A_2647 : vector<16xi1>, vector<16xf32>
        %add3A_2649 = arith.addf %select_n3A_2642, %select_n3A_2648 : vector<16xf32>
        %swap3A_2650 = arith.constant 45 : i32
        %swap3A_2651 = arith.constant 0 : i32
        %swap3A_2652 = arith.constant 0 : i32
        %swap3A_2653 = tpu.memref_slice %run_scoped3A_8[%rem3A_193, %swap3A_2651, %swap3A_2652] : memref<2x64x16xf32, #tpu.memory_space<vmem>> -> memref<1x64x16xf32, #tpu.memory_space<vmem>>
        %swap3A_2654 = tpu.memref_squeeze %swap3A_2653 : memref<1x64x16xf32, #tpu.memory_space<vmem>> -> memref<64x16xf32, #tpu.memory_space<vmem>>
        %swap3A_2655 = arith.index_cast %swap3A_2650 : i32 to index
        %swap3A_2656 = arith.constant 0 : index
        %swap3A_2657 = tpu.vector_load %swap3A_2654[%swap3A_2655, %swap3A_2656] {strides = array<i32>} : memref<64x16xf32, #tpu.memory_space<vmem>>, vector<1x16xf32>,
        %swap3A_2658 = vector.shape_cast %swap3A_2657 : vector<1x16xf32> to vector<16xf32>
        %swap3A_2659 = vector.shape_cast %add3A_2649 : vector<16xf32> to vector<1x16xf32>
        tpu.vector_store %swap3A_2654[%swap3A_2655, %swap3A_2656], %swap3A_2659 {strides = array<i32>} : memref<64x16xf32, #tpu.memory_space<vmem>>, vector<1x16xf32>,
        %eq3A_2660 = arith.constant 6 : i32
        %eq3A_2661 = vector.broadcast %eq3A_2660 : i32 to vector<16xi32>
        %eq3A_2662 = arith.cmpi eq, %select_n3A_2427, %eq3A_2661 : vector<16xi32>
        %jit3A_2663 = arith.constant 0.000000e+00 : f32
        %broadcast_in_dim3A_2664 = vector.broadcast %jit3A_2663 : f32 to vector<16xf32>
        %select_n3A_2665 = arith.select %eq3A_2662, %mul3A_2520, %broadcast_in_dim3A_2664 : vector<16xi1>, vector<16xf32>
        %eq3A_2666 = arith.constant 6 : i32
        %eq3A_2667 = vector.broadcast %eq3A_2666 : i32 to vector<16xi32>
        %eq3A_2668 = arith.cmpi eq, %select_n3A_2519, %eq3A_2667 : vector<16xi32>
        %jit3A_2669 = arith.constant 0.000000e+00 : f32
        %broadcast_in_dim3A_2670 = vector.broadcast %jit3A_2669 : f32 to vector<16xf32>
        %select_n3A_2671 = arith.select %eq3A_2668, %mul3A_2521, %broadcast_in_dim3A_2670 : vector<16xi1>, vector<16xf32>
        %add3A_2672 = arith.addf %select_n3A_2665, %select_n3A_2671 : vector<16xf32>
        %swap3A_2673 = arith.constant 46 : i32
        %swap3A_2674 = arith.constant 0 : i32
        %swap3A_2675 = arith.constant 0 : i32
        %swap3A_2676 = tpu.memref_slice %run_scoped3A_8[%rem3A_193, %swap3A_2674, %swap3A_2675] : memref<2x64x16xf32, #tpu.memory_space<vmem>> -> memref<1x64x16xf32, #tpu.memory_space<vmem>>
        %swap3A_2677 = tpu.memref_squeeze %swap3A_2676 : memref<1x64x16xf32, #tpu.memory_space<vmem>> -> memref<64x16xf32, #tpu.memory_space<vmem>>
        %swap3A_2678 = arith.index_cast %swap3A_2673 : i32 to index
        %swap3A_2679 = arith.constant 0 : index
        %swap3A_2680 = tpu.vector_load %swap3A_2677[%swap3A_2678, %swap3A_2679] {strides = array<i32>} : memref<64x16xf32, #tpu.memory_space<vmem>>, vector<1x16xf32>,
        %swap3A_2681 = vector.shape_cast %swap3A_2680 : vector<1x16xf32> to vector<16xf32>
        %swap3A_2682 = vector.shape_cast %add3A_2672 : vector<16xf32> to vector<1x16xf32>
        tpu.vector_store %swap3A_2677[%swap3A_2678, %swap3A_2679], %swap3A_2682 {strides = array<i32>} : memref<64x16xf32, #tpu.memory_space<vmem>>, vector<1x16xf32>,
        %eq3A_2683 = arith.constant 7 : i32
        %eq3A_2684 = vector.broadcast %eq3A_2683 : i32 to vector<16xi32>
        %eq3A_2685 = arith.cmpi eq, %select_n3A_2427, %eq3A_2684 : vector<16xi32>
        %jit3A_2686 = arith.constant 0.000000e+00 : f32
        %broadcast_in_dim3A_2687 = vector.broadcast %jit3A_2686 : f32 to vector<16xf32>
        %select_n3A_2688 = arith.select %eq3A_2685, %mul3A_2520, %broadcast_in_dim3A_2687 : vector<16xi1>, vector<16xf32>
        %eq3A_2689 = arith.constant 7 : i32
        %eq3A_2690 = vector.broadcast %eq3A_2689 : i32 to vector<16xi32>
        %eq3A_2691 = arith.cmpi eq, %select_n3A_2519, %eq3A_2690 : vector<16xi32>
        %jit3A_2692 = arith.constant 0.000000e+00 : f32
        %broadcast_in_dim3A_2693 = vector.broadcast %jit3A_2692 : f32 to vector<16xf32>
        %select_n3A_2694 = arith.select %eq3A_2691, %mul3A_2521, %broadcast_in_dim3A_2693 : vector<16xi1>, vector<16xf32>
        %add3A_2695 = arith.addf %select_n3A_2688, %select_n3A_2694 : vector<16xf32>
        %swap3A_2696 = arith.constant 47 : i32
        %swap3A_2697 = arith.constant 0 : i32
        %swap3A_2698 = arith.constant 0 : i32
        %swap3A_2699 = tpu.memref_slice %run_scoped3A_8[%rem3A_193, %swap3A_2697, %swap3A_2698] : memref<2x64x16xf32, #tpu.memory_space<vmem>> -> memref<1x64x16xf32, #tpu.memory_space<vmem>>
        %swap3A_2700 = tpu.memref_squeeze %swap3A_2699 : memref<1x64x16xf32, #tpu.memory_space<vmem>> -> memref<64x16xf32, #tpu.memory_space<vmem>>
        %swap3A_2701 = arith.index_cast %swap3A_2696 : i32 to index
        %swap3A_2702 = arith.constant 0 : index
        %swap3A_2703 = tpu.vector_load %swap3A_2700[%swap3A_2701, %swap3A_2702] {strides = array<i32>} : memref<64x16xf32, #tpu.memory_space<vmem>>, vector<1x16xf32>,
        %swap3A_2704 = vector.shape_cast %swap3A_2703 : vector<1x16xf32> to vector<16xf32>
        %swap3A_2705 = vector.shape_cast %add3A_2695 : vector<16xf32> to vector<1x16xf32>
        tpu.vector_store %swap3A_2700[%swap3A_2701, %swap3A_2702], %swap3A_2705 {strides = array<i32>} : memref<64x16xf32, #tpu.memory_space<vmem>>, vector<1x16xf32>,
        %get3A_2706 = arith.constant 48 : i32
        %get3A_2707 = arith.constant 0 : i32
        %get3A_2708 = arith.constant 0 : i32
        %get3A_2709 = tpu.memref_slice %run_scoped3A[%rem3A_191, %get3A_2707, %get3A_2708] : memref<2x64x16xf32, #tpu.memory_space<vmem>> -> memref<1x64x16xf32, #tpu.memory_space<vmem>>
        %get3A_2710 = tpu.memref_squeeze %get3A_2709 : memref<1x64x16xf32, #tpu.memory_space<vmem>> -> memref<64x16xf32, #tpu.memory_space<vmem>>
        %get3A_2711 = arith.index_cast %get3A_2706 : i32 to index
        %get3A_2712 = arith.constant 0 : index
        %get3A_2713 = tpu.vector_load %get3A_2710[%get3A_2711, %get3A_2712] {strides = array<i32>} : memref<64x16xf32, #tpu.memory_space<vmem>>, vector<1x16xf32>,
        %get3A_2714 = vector.shape_cast %get3A_2713 : vector<1x16xf32> to vector<16xf32>
        %get3A_2715 = arith.constant 49 : i32
        %get3A_2716 = arith.constant 0 : i32
        %get3A_2717 = arith.constant 0 : i32
        %get3A_2718 = tpu.memref_slice %run_scoped3A[%rem3A_191, %get3A_2716, %get3A_2717] : memref<2x64x16xf32, #tpu.memory_space<vmem>> -> memref<1x64x16xf32, #tpu.memory_space<vmem>>
        %get3A_2719 = tpu.memref_squeeze %get3A_2718 : memref<1x64x16xf32, #tpu.memory_space<vmem>> -> memref<64x16xf32, #tpu.memory_space<vmem>>
        %get3A_2720 = arith.index_cast %get3A_2715 : i32 to index
        %get3A_2721 = arith.constant 0 : index
        %get3A_2722 = tpu.vector_load %get3A_2719[%get3A_2720, %get3A_2721] {strides = array<i32>} : memref<64x16xf32, #tpu.memory_space<vmem>>, vector<1x16xf32>,
        %get3A_2723 = vector.shape_cast %get3A_2722 : vector<1x16xf32> to vector<16xf32>
        %get3A_2724 = arith.constant 50 : i32
        %get3A_2725 = arith.constant 0 : i32
        %get3A_2726 = arith.constant 0 : i32
        %get3A_2727 = tpu.memref_slice %run_scoped3A[%rem3A_191, %get3A_2725, %get3A_2726] : memref<2x64x16xf32, #tpu.memory_space<vmem>> -> memref<1x64x16xf32, #tpu.memory_space<vmem>>
        %get3A_2728 = tpu.memref_squeeze %get3A_2727 : memref<1x64x16xf32, #tpu.memory_space<vmem>> -> memref<64x16xf32, #tpu.memory_space<vmem>>
        %get3A_2729 = arith.index_cast %get3A_2724 : i32 to index
        %get3A_2730 = arith.constant 0 : index
        %get3A_2731 = tpu.vector_load %get3A_2728[%get3A_2729, %get3A_2730] {strides = array<i32>} : memref<64x16xf32, #tpu.memory_space<vmem>>, vector<1x16xf32>,
        %get3A_2732 = vector.shape_cast %get3A_2731 : vector<1x16xf32> to vector<16xf32>
        %get3A_2733 = arith.constant 51 : i32
        %get3A_2734 = arith.constant 0 : i32
        %get3A_2735 = arith.constant 0 : i32
        %get3A_2736 = tpu.memref_slice %run_scoped3A[%rem3A_191, %get3A_2734, %get3A_2735] : memref<2x64x16xf32, #tpu.memory_space<vmem>> -> memref<1x64x16xf32, #tpu.memory_space<vmem>>
        %get3A_2737 = tpu.memref_squeeze %get3A_2736 : memref<1x64x16xf32, #tpu.memory_space<vmem>> -> memref<64x16xf32, #tpu.memory_space<vmem>>
        %get3A_2738 = arith.index_cast %get3A_2733 : i32 to index
        %get3A_2739 = arith.constant 0 : index
        %get3A_2740 = tpu.vector_load %get3A_2737[%get3A_2738, %get3A_2739] {strides = array<i32>} : memref<64x16xf32, #tpu.memory_space<vmem>>, vector<1x16xf32>,
        %get3A_2741 = vector.shape_cast %get3A_2740 : vector<1x16xf32> to vector<16xf32>
        %get3A_2742 = arith.constant 52 : i32
        %get3A_2743 = arith.constant 0 : i32
        %get3A_2744 = arith.constant 0 : i32
        %get3A_2745 = tpu.memref_slice %run_scoped3A[%rem3A_191, %get3A_2743, %get3A_2744] : memref<2x64x16xf32, #tpu.memory_space<vmem>> -> memref<1x64x16xf32, #tpu.memory_space<vmem>>
        %get3A_2746 = tpu.memref_squeeze %get3A_2745 : memref<1x64x16xf32, #tpu.memory_space<vmem>> -> memref<64x16xf32, #tpu.memory_space<vmem>>
        %get3A_2747 = arith.index_cast %get3A_2742 : i32 to index
        %get3A_2748 = arith.constant 0 : index
        %get3A_2749 = tpu.vector_load %get3A_2746[%get3A_2747, %get3A_2748] {strides = array<i32>} : memref<64x16xf32, #tpu.memory_space<vmem>>, vector<1x16xf32>,
        %get3A_2750 = vector.shape_cast %get3A_2749 : vector<1x16xf32> to vector<16xf32>
        %get3A_2751 = arith.constant 53 : i32
        %get3A_2752 = arith.constant 0 : i32
        %get3A_2753 = arith.constant 0 : i32
        %get3A_2754 = tpu.memref_slice %run_scoped3A[%rem3A_191, %get3A_2752, %get3A_2753] : memref<2x64x16xf32, #tpu.memory_space<vmem>> -> memref<1x64x16xf32, #tpu.memory_space<vmem>>
        %get3A_2755 = tpu.memref_squeeze %get3A_2754 : memref<1x64x16xf32, #tpu.memory_space<vmem>> -> memref<64x16xf32, #tpu.memory_space<vmem>>
        %get3A_2756 = arith.index_cast %get3A_2751 : i32 to index
        %get3A_2757 = arith.constant 0 : index
        %get3A_2758 = tpu.vector_load %get3A_2755[%get3A_2756, %get3A_2757] {strides = array<i32>} : memref<64x16xf32, #tpu.memory_space<vmem>>, vector<1x16xf32>,
        %get3A_2759 = vector.shape_cast %get3A_2758 : vector<1x16xf32> to vector<16xf32>
        %get3A_2760 = arith.constant 54 : i32
        %get3A_2761 = arith.constant 0 : i32
        %get3A_2762 = arith.constant 0 : i32
        %get3A_2763 = tpu.memref_slice %run_scoped3A[%rem3A_191, %get3A_2761, %get3A_2762] : memref<2x64x16xf32, #tpu.memory_space<vmem>> -> memref<1x64x16xf32, #tpu.memory_space<vmem>>
        %get3A_2764 = tpu.memref_squeeze %get3A_2763 : memref<1x64x16xf32, #tpu.memory_space<vmem>> -> memref<64x16xf32, #tpu.memory_space<vmem>>
        %get3A_2765 = arith.index_cast %get3A_2760 : i32 to index
        %get3A_2766 = arith.constant 0 : index
        %get3A_2767 = tpu.vector_load %get3A_2764[%get3A_2765, %get3A_2766] {strides = array<i32>} : memref<64x16xf32, #tpu.memory_space<vmem>>, vector<1x16xf32>,
        %get3A_2768 = vector.shape_cast %get3A_2767 : vector<1x16xf32> to vector<16xf32>
        %get3A_2769 = arith.constant 55 : i32
        %get3A_2770 = arith.constant 0 : i32
        %get3A_2771 = arith.constant 0 : i32
        %get3A_2772 = tpu.memref_slice %run_scoped3A[%rem3A_191, %get3A_2770, %get3A_2771] : memref<2x64x16xf32, #tpu.memory_space<vmem>> -> memref<1x64x16xf32, #tpu.memory_space<vmem>>
        %get3A_2773 = tpu.memref_squeeze %get3A_2772 : memref<1x64x16xf32, #tpu.memory_space<vmem>> -> memref<64x16xf32, #tpu.memory_space<vmem>>
        %get3A_2774 = arith.index_cast %get3A_2769 : i32 to index
        %get3A_2775 = arith.constant 0 : index
        %get3A_2776 = tpu.vector_load %get3A_2773[%get3A_2774, %get3A_2775] {strides = array<i32>} : memref<64x16xf32, #tpu.memory_space<vmem>>, vector<1x16xf32>,
        %get3A_2777 = vector.shape_cast %get3A_2776 : vector<1x16xf32> to vector<16xf32>
        %max3A_2778 = arith.maximumf %get3A_2714, %get3A_2723 : vector<16xf32>
        %max3A_2779 = arith.maximumf %max3A_2778, %get3A_2732 : vector<16xf32>
        %max3A_2780 = arith.maximumf %max3A_2779, %get3A_2741 : vector<16xf32>
        %max3A_2781 = arith.maximumf %max3A_2780, %get3A_2750 : vector<16xf32>
        %max3A_2782 = arith.maximumf %max3A_2781, %get3A_2759 : vector<16xf32>
        %max3A_2783 = arith.maximumf %max3A_2782, %get3A_2768 : vector<16xf32>
        %max3A_2784 = arith.maximumf %max3A_2783, %get3A_2777 : vector<16xf32>
        %sub3A_2785 = arith.subf %get3A_2714, %max3A_2784 : vector<16xf32>
        %exp3A_2786 = math.exp %sub3A_2785 : vector<16xf32>
        %sub3A_2787 = arith.subf %get3A_2723, %max3A_2784 : vector<16xf32>
        %exp3A_2788 = math.exp %sub3A_2787 : vector<16xf32>
        %sub3A_2789 = arith.subf %get3A_2732, %max3A_2784 : vector<16xf32>
        %exp3A_2790 = math.exp %sub3A_2789 : vector<16xf32>
        %sub3A_2791 = arith.subf %get3A_2741, %max3A_2784 : vector<16xf32>
        %exp3A_2792 = math.exp %sub3A_2791 : vector<16xf32>
        %sub3A_2793 = arith.subf %get3A_2750, %max3A_2784 : vector<16xf32>
        %exp3A_2794 = math.exp %sub3A_2793 : vector<16xf32>
        %sub3A_2795 = arith.subf %get3A_2759, %max3A_2784 : vector<16xf32>
        %exp3A_2796 = math.exp %sub3A_2795 : vector<16xf32>
        %sub3A_2797 = arith.subf %get3A_2768, %max3A_2784 : vector<16xf32>
        %exp3A_2798 = math.exp %sub3A_2797 : vector<16xf32>
        %sub3A_2799 = arith.subf %get3A_2777, %max3A_2784 : vector<16xf32>
        %exp3A_2800 = math.exp %sub3A_2799 : vector<16xf32>
        %add3A_2801 = arith.addf %exp3A_2786, %exp3A_2788 : vector<16xf32>
        %add3A_2802 = arith.addf %add3A_2801, %exp3A_2790 : vector<16xf32>
        %add3A_2803 = arith.addf %add3A_2802, %exp3A_2792 : vector<16xf32>
        %add3A_2804 = arith.addf %add3A_2803, %exp3A_2794 : vector<16xf32>
        %add3A_2805 = arith.addf %add3A_2804, %exp3A_2796 : vector<16xf32>
        %add3A_2806 = arith.addf %add3A_2805, %exp3A_2798 : vector<16xf32>
        %add3A_2807 = arith.addf %add3A_2806, %exp3A_2800 : vector<16xf32>
        %div3A_2808 = arith.constant 1.000000e+00 : f32
        %div3A_2809 = vector.broadcast %div3A_2808 : f32 to vector<16xf32>
        %div3A_2810 = arith.divf %div3A_2809, %add3A_2807 : vector<16xf32>
        %broadcast_in_dim3A_2811 = arith.constant 0 : i32
        %broadcast_in_dim3A_2812 = vector.broadcast %broadcast_in_dim3A_2811 : i32 to vector<16xi32>
        %gt3A_2813 = arith.cmpf ogt, %exp3A_2788, %exp3A_2786 : vector<16xf32>
        %select_n3A_2814 = arith.select %gt3A_2813, %exp3A_2788, %exp3A_2786 : vector<16xi1>, vector<16xf32>
        %jit3A_2815 = arith.constant 1 : i32
        %broadcast_in_dim3A_2816 = vector.broadcast %jit3A_2815 : i32 to vector<16xi32>
        %select_n3A_2817 = arith.select %gt3A_2813, %broadcast_in_dim3A_2816, %broadcast_in_dim3A_2812 : vector<16xi1>, vector<16xi32>
        %gt3A_2818 = arith.cmpf ogt, %exp3A_2790, %select_n3A_2814 : vector<16xf32>
        %select_n3A_2819 = arith.select %gt3A_2818, %exp3A_2790, %select_n3A_2814 : vector<16xi1>, vector<16xf32>
        %jit3A_2820 = arith.constant 2 : i32
        %broadcast_in_dim3A_2821 = vector.broadcast %jit3A_2820 : i32 to vector<16xi32>
        %select_n3A_2822 = arith.select %gt3A_2818, %broadcast_in_dim3A_2821, %select_n3A_2817 : vector<16xi1>, vector<16xi32>
        %gt3A_2823 = arith.cmpf ogt, %exp3A_2792, %select_n3A_2819 : vector<16xf32>
        %select_n3A_2824 = arith.select %gt3A_2823, %exp3A_2792, %select_n3A_2819 : vector<16xi1>, vector<16xf32>
        %jit3A_2825 = arith.constant 3 : i32
        %broadcast_in_dim3A_2826 = vector.broadcast %jit3A_2825 : i32 to vector<16xi32>
        %select_n3A_2827 = arith.select %gt3A_2823, %broadcast_in_dim3A_2826, %select_n3A_2822 : vector<16xi1>, vector<16xi32>
        %gt3A_2828 = arith.cmpf ogt, %exp3A_2794, %select_n3A_2824 : vector<16xf32>
        %select_n3A_2829 = arith.select %gt3A_2828, %exp3A_2794, %select_n3A_2824 : vector<16xi1>, vector<16xf32>
        %jit3A_2830 = arith.constant 4 : i32
        %broadcast_in_dim3A_2831 = vector.broadcast %jit3A_2830 : i32 to vector<16xi32>
        %select_n3A_2832 = arith.select %gt3A_2828, %broadcast_in_dim3A_2831, %select_n3A_2827 : vector<16xi1>, vector<16xi32>
        %gt3A_2833 = arith.cmpf ogt, %exp3A_2796, %select_n3A_2829 : vector<16xf32>
        %select_n3A_2834 = arith.select %gt3A_2833, %exp3A_2796, %select_n3A_2829 : vector<16xi1>, vector<16xf32>
        %jit3A_2835 = arith.constant 5 : i32
        %broadcast_in_dim3A_2836 = vector.broadcast %jit3A_2835 : i32 to vector<16xi32>
        %select_n3A_2837 = arith.select %gt3A_2833, %broadcast_in_dim3A_2836, %select_n3A_2832 : vector<16xi1>, vector<16xi32>
        %gt3A_2838 = arith.cmpf ogt, %exp3A_2798, %select_n3A_2834 : vector<16xf32>
        %select_n3A_2839 = arith.select %gt3A_2838, %exp3A_2798, %select_n3A_2834 : vector<16xi1>, vector<16xf32>
        %jit3A_2840 = arith.constant 6 : i32
        %broadcast_in_dim3A_2841 = vector.broadcast %jit3A_2840 : i32 to vector<16xi32>
        %select_n3A_2842 = arith.select %gt3A_2838, %broadcast_in_dim3A_2841, %select_n3A_2837 : vector<16xi1>, vector<16xi32>
        %gt3A_2843 = arith.cmpf ogt, %exp3A_2800, %select_n3A_2839 : vector<16xf32>
        %select_n3A_2844 = arith.select %gt3A_2843, %exp3A_2800, %select_n3A_2839 : vector<16xi1>, vector<16xf32>
        %jit3A_2845 = arith.constant 7 : i32
        %broadcast_in_dim3A_2846 = vector.broadcast %jit3A_2845 : i32 to vector<16xi32>
        %select_n3A_2847 = arith.select %gt3A_2843, %broadcast_in_dim3A_2846, %select_n3A_2842 : vector<16xi1>, vector<16xi32>
        %broadcast_in_dim3A_2848 = arith.constant -1.000000e+00 : f32
        %broadcast_in_dim3A_2849 = vector.broadcast %broadcast_in_dim3A_2848 : f32 to vector<16xf32>
        %broadcast_in_dim3A_2850 = arith.constant 0 : i32
        %broadcast_in_dim3A_2851 = vector.broadcast %broadcast_in_dim3A_2850 : i32 to vector<16xi32>
        %eq3A_2852 = arith.constant 0 : i32
        %eq3A_2853 = vector.broadcast %eq3A_2852 : i32 to vector<16xi32>
        %eq3A_2854 = arith.cmpi eq, %select_n3A_2847, %eq3A_2853 : vector<16xi32>
        %jit3A_2855 = arith.constant -1.000000e+00 : f32
        %broadcast_in_dim3A_2856 = vector.broadcast %jit3A_2855 : f32 to vector<16xf32>
        %select_n3A_2857 = arith.select %eq3A_2854, %broadcast_in_dim3A_2856, %exp3A_2786 : vector<16xi1>, vector<16xf32>
        %gt3A_2858 = arith.cmpf ogt, %select_n3A_2857, %broadcast_in_dim3A_2849 : vector<16xf32>
        %select_n3A_2859 = arith.select %gt3A_2858, %select_n3A_2857, %broadcast_in_dim3A_2849 : vector<16xi1>, vector<16xf32>
        %jit3A_2860 = arith.constant 0 : i32
        %broadcast_in_dim3A_2861 = vector.broadcast %jit3A_2860 : i32 to vector<16xi32>
        %select_n3A_2862 = arith.select %gt3A_2858, %broadcast_in_dim3A_2861, %broadcast_in_dim3A_2851 : vector<16xi1>, vector<16xi32>
        %eq3A_2863 = arith.constant 1 : i32
        %eq3A_2864 = vector.broadcast %eq3A_2863 : i32 to vector<16xi32>
        %eq3A_2865 = arith.cmpi eq, %select_n3A_2847, %eq3A_2864 : vector<16xi32>
        %jit3A_2866 = arith.constant -1.000000e+00 : f32
        %broadcast_in_dim3A_2867 = vector.broadcast %jit3A_2866 : f32 to vector<16xf32>
        %select_n3A_2868 = arith.select %eq3A_2865, %broadcast_in_dim3A_2867, %exp3A_2788 : vector<16xi1>, vector<16xf32>
        %gt3A_2869 = arith.cmpf ogt, %select_n3A_2868, %select_n3A_2859 : vector<16xf32>
        %select_n3A_2870 = arith.select %gt3A_2869, %select_n3A_2868, %select_n3A_2859 : vector<16xi1>, vector<16xf32>
        %jit3A_2871 = arith.constant 1 : i32
        %broadcast_in_dim3A_2872 = vector.broadcast %jit3A_2871 : i32 to vector<16xi32>
        %select_n3A_2873 = arith.select %gt3A_2869, %broadcast_in_dim3A_2872, %select_n3A_2862 : vector<16xi1>, vector<16xi32>
        %eq3A_2874 = arith.constant 2 : i32
        %eq3A_2875 = vector.broadcast %eq3A_2874 : i32 to vector<16xi32>
        %eq3A_2876 = arith.cmpi eq, %select_n3A_2847, %eq3A_2875 : vector<16xi32>
        %jit3A_2877 = arith.constant -1.000000e+00 : f32
        %broadcast_in_dim3A_2878 = vector.broadcast %jit3A_2877 : f32 to vector<16xf32>
        %select_n3A_2879 = arith.select %eq3A_2876, %broadcast_in_dim3A_2878, %exp3A_2790 : vector<16xi1>, vector<16xf32>
        %gt3A_2880 = arith.cmpf ogt, %select_n3A_2879, %select_n3A_2870 : vector<16xf32>
        %select_n3A_2881 = arith.select %gt3A_2880, %select_n3A_2879, %select_n3A_2870 : vector<16xi1>, vector<16xf32>
        %jit3A_2882 = arith.constant 2 : i32
        %broadcast_in_dim3A_2883 = vector.broadcast %jit3A_2882 : i32 to vector<16xi32>
        %select_n3A_2884 = arith.select %gt3A_2880, %broadcast_in_dim3A_2883, %select_n3A_2873 : vector<16xi1>, vector<16xi32>
        %eq3A_2885 = arith.constant 3 : i32
        %eq3A_2886 = vector.broadcast %eq3A_2885 : i32 to vector<16xi32>
        %eq3A_2887 = arith.cmpi eq, %select_n3A_2847, %eq3A_2886 : vector<16xi32>
        %jit3A_2888 = arith.constant -1.000000e+00 : f32
        %broadcast_in_dim3A_2889 = vector.broadcast %jit3A_2888 : f32 to vector<16xf32>
        %select_n3A_2890 = arith.select %eq3A_2887, %broadcast_in_dim3A_2889, %exp3A_2792 : vector<16xi1>, vector<16xf32>
        %gt3A_2891 = arith.cmpf ogt, %select_n3A_2890, %select_n3A_2881 : vector<16xf32>
        %select_n3A_2892 = arith.select %gt3A_2891, %select_n3A_2890, %select_n3A_2881 : vector<16xi1>, vector<16xf32>
        %jit3A_2893 = arith.constant 3 : i32
        %broadcast_in_dim3A_2894 = vector.broadcast %jit3A_2893 : i32 to vector<16xi32>
        %select_n3A_2895 = arith.select %gt3A_2891, %broadcast_in_dim3A_2894, %select_n3A_2884 : vector<16xi1>, vector<16xi32>
        %eq3A_2896 = arith.constant 4 : i32
        %eq3A_2897 = vector.broadcast %eq3A_2896 : i32 to vector<16xi32>
        %eq3A_2898 = arith.cmpi eq, %select_n3A_2847, %eq3A_2897 : vector<16xi32>
        %jit3A_2899 = arith.constant -1.000000e+00 : f32
        %broadcast_in_dim3A_2900 = vector.broadcast %jit3A_2899 : f32 to vector<16xf32>
        %select_n3A_2901 = arith.select %eq3A_2898, %broadcast_in_dim3A_2900, %exp3A_2794 : vector<16xi1>, vector<16xf32>
        %gt3A_2902 = arith.cmpf ogt, %select_n3A_2901, %select_n3A_2892 : vector<16xf32>
        %select_n3A_2903 = arith.select %gt3A_2902, %select_n3A_2901, %select_n3A_2892 : vector<16xi1>, vector<16xf32>
        %jit3A_2904 = arith.constant 4 : i32
        %broadcast_in_dim3A_2905 = vector.broadcast %jit3A_2904 : i32 to vector<16xi32>
        %select_n3A_2906 = arith.select %gt3A_2902, %broadcast_in_dim3A_2905, %select_n3A_2895 : vector<16xi1>, vector<16xi32>
        %eq3A_2907 = arith.constant 5 : i32
        %eq3A_2908 = vector.broadcast %eq3A_2907 : i32 to vector<16xi32>
        %eq3A_2909 = arith.cmpi eq, %select_n3A_2847, %eq3A_2908 : vector<16xi32>
        %jit3A_2910 = arith.constant -1.000000e+00 : f32
        %broadcast_in_dim3A_2911 = vector.broadcast %jit3A_2910 : f32 to vector<16xf32>
        %select_n3A_2912 = arith.select %eq3A_2909, %broadcast_in_dim3A_2911, %exp3A_2796 : vector<16xi1>, vector<16xf32>
        %gt3A_2913 = arith.cmpf ogt, %select_n3A_2912, %select_n3A_2903 : vector<16xf32>
        %select_n3A_2914 = arith.select %gt3A_2913, %select_n3A_2912, %select_n3A_2903 : vector<16xi1>, vector<16xf32>
        %jit3A_2915 = arith.constant 5 : i32
        %broadcast_in_dim3A_2916 = vector.broadcast %jit3A_2915 : i32 to vector<16xi32>
        %select_n3A_2917 = arith.select %gt3A_2913, %broadcast_in_dim3A_2916, %select_n3A_2906 : vector<16xi1>, vector<16xi32>
        %eq3A_2918 = arith.constant 6 : i32
        %eq3A_2919 = vector.broadcast %eq3A_2918 : i32 to vector<16xi32>
        %eq3A_2920 = arith.cmpi eq, %select_n3A_2847, %eq3A_2919 : vector<16xi32>
        %jit3A_2921 = arith.constant -1.000000e+00 : f32
        %broadcast_in_dim3A_2922 = vector.broadcast %jit3A_2921 : f32 to vector<16xf32>
        %select_n3A_2923 = arith.select %eq3A_2920, %broadcast_in_dim3A_2922, %exp3A_2798 : vector<16xi1>, vector<16xf32>
        %gt3A_2924 = arith.cmpf ogt, %select_n3A_2923, %select_n3A_2914 : vector<16xf32>
        %select_n3A_2925 = arith.select %gt3A_2924, %select_n3A_2923, %select_n3A_2914 : vector<16xi1>, vector<16xf32>
        %jit3A_2926 = arith.constant 6 : i32
        %broadcast_in_dim3A_2927 = vector.broadcast %jit3A_2926 : i32 to vector<16xi32>
        %select_n3A_2928 = arith.select %gt3A_2924, %broadcast_in_dim3A_2927, %select_n3A_2917 : vector<16xi1>, vector<16xi32>
        %eq3A_2929 = arith.constant 7 : i32
        %eq3A_2930 = vector.broadcast %eq3A_2929 : i32 to vector<16xi32>
        %eq3A_2931 = arith.cmpi eq, %select_n3A_2847, %eq3A_2930 : vector<16xi32>
        %jit3A_2932 = arith.constant -1.000000e+00 : f32
        %broadcast_in_dim3A_2933 = vector.broadcast %jit3A_2932 : f32 to vector<16xf32>
        %select_n3A_2934 = arith.select %eq3A_2931, %broadcast_in_dim3A_2933, %exp3A_2800 : vector<16xi1>, vector<16xf32>
        %gt3A_2935 = arith.cmpf ogt, %select_n3A_2934, %select_n3A_2925 : vector<16xf32>
        %select_n3A_2936 = arith.select %gt3A_2935, %select_n3A_2934, %select_n3A_2925 : vector<16xi1>, vector<16xf32>
        %jit3A_2937 = arith.constant 7 : i32
        %broadcast_in_dim3A_2938 = vector.broadcast %jit3A_2937 : i32 to vector<16xi32>
        %select_n3A_2939 = arith.select %gt3A_2935, %broadcast_in_dim3A_2938, %select_n3A_2928 : vector<16xi1>, vector<16xi32>
        %mul3A_2940 = arith.mulf %select_n3A_2844, %div3A_2810 : vector<16xf32>
        %mul3A_2941 = arith.mulf %select_n3A_2936, %div3A_2810 : vector<16xf32>
        %eq3A_2942 = arith.constant 0 : i32
        %eq3A_2943 = vector.broadcast %eq3A_2942 : i32 to vector<16xi32>
        %eq3A_2944 = arith.cmpi eq, %select_n3A_2847, %eq3A_2943 : vector<16xi32>
        %jit3A_2945 = arith.constant 0.000000e+00 : f32
        %broadcast_in_dim3A_2946 = vector.broadcast %jit3A_2945 : f32 to vector<16xf32>
        %select_n3A_2947 = arith.select %eq3A_2944, %mul3A_2940, %broadcast_in_dim3A_2946 : vector<16xi1>, vector<16xf32>
        %eq3A_2948 = arith.constant 0 : i32
        %eq3A_2949 = vector.broadcast %eq3A_2948 : i32 to vector<16xi32>
        %eq3A_2950 = arith.cmpi eq, %select_n3A_2939, %eq3A_2949 : vector<16xi32>
        %jit3A_2951 = arith.constant 0.000000e+00 : f32
        %broadcast_in_dim3A_2952 = vector.broadcast %jit3A_2951 : f32 to vector<16xf32>
        %select_n3A_2953 = arith.select %eq3A_2950, %mul3A_2941, %broadcast_in_dim3A_2952 : vector<16xi1>, vector<16xf32>
        %add3A_2954 = arith.addf %select_n3A_2947, %select_n3A_2953 : vector<16xf32>
        %swap3A_2955 = arith.constant 48 : i32
        %swap3A_2956 = arith.constant 0 : i32
        %swap3A_2957 = arith.constant 0 : i32
        %swap3A_2958 = tpu.memref_slice %run_scoped3A_8[%rem3A_193, %swap3A_2956, %swap3A_2957] : memref<2x64x16xf32, #tpu.memory_space<vmem>> -> memref<1x64x16xf32, #tpu.memory_space<vmem>>
        %swap3A_2959 = tpu.memref_squeeze %swap3A_2958 : memref<1x64x16xf32, #tpu.memory_space<vmem>> -> memref<64x16xf32, #tpu.memory_space<vmem>>
        %swap3A_2960 = arith.index_cast %swap3A_2955 : i32 to index
        %swap3A_2961 = arith.constant 0 : index
        %swap3A_2962 = tpu.vector_load %swap3A_2959[%swap3A_2960, %swap3A_2961] {strides = array<i32>} : memref<64x16xf32, #tpu.memory_space<vmem>>, vector<1x16xf32>,
        %swap3A_2963 = vector.shape_cast %swap3A_2962 : vector<1x16xf32> to vector<16xf32>
        %swap3A_2964 = vector.shape_cast %add3A_2954 : vector<16xf32> to vector<1x16xf32>
        tpu.vector_store %swap3A_2959[%swap3A_2960, %swap3A_2961], %swap3A_2964 {strides = array<i32>} : memref<64x16xf32, #tpu.memory_space<vmem>>, vector<1x16xf32>,
        %eq3A_2965 = arith.constant 1 : i32
        %eq3A_2966 = vector.broadcast %eq3A_2965 : i32 to vector<16xi32>
        %eq3A_2967 = arith.cmpi eq, %select_n3A_2847, %eq3A_2966 : vector<16xi32>
        %jit3A_2968 = arith.constant 0.000000e+00 : f32
        %broadcast_in_dim3A_2969 = vector.broadcast %jit3A_2968 : f32 to vector<16xf32>
        %select_n3A_2970 = arith.select %eq3A_2967, %mul3A_2940, %broadcast_in_dim3A_2969 : vector<16xi1>, vector<16xf32>
        %eq3A_2971 = arith.constant 1 : i32
        %eq3A_2972 = vector.broadcast %eq3A_2971 : i32 to vector<16xi32>
        %eq3A_2973 = arith.cmpi eq, %select_n3A_2939, %eq3A_2972 : vector<16xi32>
        %jit3A_2974 = arith.constant 0.000000e+00 : f32
        %broadcast_in_dim3A_2975 = vector.broadcast %jit3A_2974 : f32 to vector<16xf32>
        %select_n3A_2976 = arith.select %eq3A_2973, %mul3A_2941, %broadcast_in_dim3A_2975 : vector<16xi1>, vector<16xf32>
        %add3A_2977 = arith.addf %select_n3A_2970, %select_n3A_2976 : vector<16xf32>
        %swap3A_2978 = arith.constant 49 : i32
        %swap3A_2979 = arith.constant 0 : i32
        %swap3A_2980 = arith.constant 0 : i32
        %swap3A_2981 = tpu.memref_slice %run_scoped3A_8[%rem3A_193, %swap3A_2979, %swap3A_2980] : memref<2x64x16xf32, #tpu.memory_space<vmem>> -> memref<1x64x16xf32, #tpu.memory_space<vmem>>
        %swap3A_2982 = tpu.memref_squeeze %swap3A_2981 : memref<1x64x16xf32, #tpu.memory_space<vmem>> -> memref<64x16xf32, #tpu.memory_space<vmem>>
        %swap3A_2983 = arith.index_cast %swap3A_2978 : i32 to index
        %swap3A_2984 = arith.constant 0 : index
        %swap3A_2985 = tpu.vector_load %swap3A_2982[%swap3A_2983, %swap3A_2984] {strides = array<i32>} : memref<64x16xf32, #tpu.memory_space<vmem>>, vector<1x16xf32>,
        %swap3A_2986 = vector.shape_cast %swap3A_2985 : vector<1x16xf32> to vector<16xf32>
        %swap3A_2987 = vector.shape_cast %add3A_2977 : vector<16xf32> to vector<1x16xf32>
        tpu.vector_store %swap3A_2982[%swap3A_2983, %swap3A_2984], %swap3A_2987 {strides = array<i32>} : memref<64x16xf32, #tpu.memory_space<vmem>>, vector<1x16xf32>,
        %eq3A_2988 = arith.constant 2 : i32
        %eq3A_2989 = vector.broadcast %eq3A_2988 : i32 to vector<16xi32>
        %eq3A_2990 = arith.cmpi eq, %select_n3A_2847, %eq3A_2989 : vector<16xi32>
        %jit3A_2991 = arith.constant 0.000000e+00 : f32
        %broadcast_in_dim3A_2992 = vector.broadcast %jit3A_2991 : f32 to vector<16xf32>
        %select_n3A_2993 = arith.select %eq3A_2990, %mul3A_2940, %broadcast_in_dim3A_2992 : vector<16xi1>, vector<16xf32>
        %eq3A_2994 = arith.constant 2 : i32
        %eq3A_2995 = vector.broadcast %eq3A_2994 : i32 to vector<16xi32>
        %eq3A_2996 = arith.cmpi eq, %select_n3A_2939, %eq3A_2995 : vector<16xi32>
        %jit3A_2997 = arith.constant 0.000000e+00 : f32
        %broadcast_in_dim3A_2998 = vector.broadcast %jit3A_2997 : f32 to vector<16xf32>
        %select_n3A_2999 = arith.select %eq3A_2996, %mul3A_2941, %broadcast_in_dim3A_2998 : vector<16xi1>, vector<16xf32>
        %add3A_3000 = arith.addf %select_n3A_2993, %select_n3A_2999 : vector<16xf32>
        %swap3A_3001 = arith.constant 50 : i32
        %swap3A_3002 = arith.constant 0 : i32
        %swap3A_3003 = arith.constant 0 : i32
        %swap3A_3004 = tpu.memref_slice %run_scoped3A_8[%rem3A_193, %swap3A_3002, %swap3A_3003] : memref<2x64x16xf32, #tpu.memory_space<vmem>> -> memref<1x64x16xf32, #tpu.memory_space<vmem>>
        %swap3A_3005 = tpu.memref_squeeze %swap3A_3004 : memref<1x64x16xf32, #tpu.memory_space<vmem>> -> memref<64x16xf32, #tpu.memory_space<vmem>>
        %swap3A_3006 = arith.index_cast %swap3A_3001 : i32 to index
        %swap3A_3007 = arith.constant 0 : index
        %swap3A_3008 = tpu.vector_load %swap3A_3005[%swap3A_3006, %swap3A_3007] {strides = array<i32>} : memref<64x16xf32, #tpu.memory_space<vmem>>, vector<1x16xf32>,
        %swap3A_3009 = vector.shape_cast %swap3A_3008 : vector<1x16xf32> to vector<16xf32>
        %swap3A_3010 = vector.shape_cast %add3A_3000 : vector<16xf32> to vector<1x16xf32>
        tpu.vector_store %swap3A_3005[%swap3A_3006, %swap3A_3007], %swap3A_3010 {strides = array<i32>} : memref<64x16xf32, #tpu.memory_space<vmem>>, vector<1x16xf32>,
        %eq3A_3011 = arith.constant 3 : i32
        %eq3A_3012 = vector.broadcast %eq3A_3011 : i32 to vector<16xi32>
        %eq3A_3013 = arith.cmpi eq, %select_n3A_2847, %eq3A_3012 : vector<16xi32>
        %jit3A_3014 = arith.constant 0.000000e+00 : f32
        %broadcast_in_dim3A_3015 = vector.broadcast %jit3A_3014 : f32 to vector<16xf32>
        %select_n3A_3016 = arith.select %eq3A_3013, %mul3A_2940, %broadcast_in_dim3A_3015 : vector<16xi1>, vector<16xf32>
        %eq3A_3017 = arith.constant 3 : i32
        %eq3A_3018 = vector.broadcast %eq3A_3017 : i32 to vector<16xi32>
        %eq3A_3019 = arith.cmpi eq, %select_n3A_2939, %eq3A_3018 : vector<16xi32>
        %jit3A_3020 = arith.constant 0.000000e+00 : f32
        %broadcast_in_dim3A_3021 = vector.broadcast %jit3A_3020 : f32 to vector<16xf32>
        %select_n3A_3022 = arith.select %eq3A_3019, %mul3A_2941, %broadcast_in_dim3A_3021 : vector<16xi1>, vector<16xf32>
        %add3A_3023 = arith.addf %select_n3A_3016, %select_n3A_3022 : vector<16xf32>
        %swap3A_3024 = arith.constant 51 : i32
        %swap3A_3025 = arith.constant 0 : i32
        %swap3A_3026 = arith.constant 0 : i32
        %swap3A_3027 = tpu.memref_slice %run_scoped3A_8[%rem3A_193, %swap3A_3025, %swap3A_3026] : memref<2x64x16xf32, #tpu.memory_space<vmem>> -> memref<1x64x16xf32, #tpu.memory_space<vmem>>
        %swap3A_3028 = tpu.memref_squeeze %swap3A_3027 : memref<1x64x16xf32, #tpu.memory_space<vmem>> -> memref<64x16xf32, #tpu.memory_space<vmem>>
        %swap3A_3029 = arith.index_cast %swap3A_3024 : i32 to index
        %swap3A_3030 = arith.constant 0 : index
        %swap3A_3031 = tpu.vector_load %swap3A_3028[%swap3A_3029, %swap3A_3030] {strides = array<i32>} : memref<64x16xf32, #tpu.memory_space<vmem>>, vector<1x16xf32>,
        %swap3A_3032 = vector.shape_cast %swap3A_3031 : vector<1x16xf32> to vector<16xf32>
        %swap3A_3033 = vector.shape_cast %add3A_3023 : vector<16xf32> to vector<1x16xf32>
        tpu.vector_store %swap3A_3028[%swap3A_3029, %swap3A_3030], %swap3A_3033 {strides = array<i32>} : memref<64x16xf32, #tpu.memory_space<vmem>>, vector<1x16xf32>,
        %eq3A_3034 = arith.constant 4 : i32
        %eq3A_3035 = vector.broadcast %eq3A_3034 : i32 to vector<16xi32>
        %eq3A_3036 = arith.cmpi eq, %select_n3A_2847, %eq3A_3035 : vector<16xi32>
        %jit3A_3037 = arith.constant 0.000000e+00 : f32
        %broadcast_in_dim3A_3038 = vector.broadcast %jit3A_3037 : f32 to vector<16xf32>
        %select_n3A_3039 = arith.select %eq3A_3036, %mul3A_2940, %broadcast_in_dim3A_3038 : vector<16xi1>, vector<16xf32>
        %eq3A_3040 = arith.constant 4 : i32
        %eq3A_3041 = vector.broadcast %eq3A_3040 : i32 to vector<16xi32>
        %eq3A_3042 = arith.cmpi eq, %select_n3A_2939, %eq3A_3041 : vector<16xi32>
        %jit3A_3043 = arith.constant 0.000000e+00 : f32
        %broadcast_in_dim3A_3044 = vector.broadcast %jit3A_3043 : f32 to vector<16xf32>
        %select_n3A_3045 = arith.select %eq3A_3042, %mul3A_2941, %broadcast_in_dim3A_3044 : vector<16xi1>, vector<16xf32>
        %add3A_3046 = arith.addf %select_n3A_3039, %select_n3A_3045 : vector<16xf32>
        %swap3A_3047 = arith.constant 52 : i32
        %swap3A_3048 = arith.constant 0 : i32
        %swap3A_3049 = arith.constant 0 : i32
        %swap3A_3050 = tpu.memref_slice %run_scoped3A_8[%rem3A_193, %swap3A_3048, %swap3A_3049] : memref<2x64x16xf32, #tpu.memory_space<vmem>> -> memref<1x64x16xf32, #tpu.memory_space<vmem>>
        %swap3A_3051 = tpu.memref_squeeze %swap3A_3050 : memref<1x64x16xf32, #tpu.memory_space<vmem>> -> memref<64x16xf32, #tpu.memory_space<vmem>>
        %swap3A_3052 = arith.index_cast %swap3A_3047 : i32 to index
        %swap3A_3053 = arith.constant 0 : index
        %swap3A_3054 = tpu.vector_load %swap3A_3051[%swap3A_3052, %swap3A_3053] {strides = array<i32>} : memref<64x16xf32, #tpu.memory_space<vmem>>, vector<1x16xf32>,
        %swap3A_3055 = vector.shape_cast %swap3A_3054 : vector<1x16xf32> to vector<16xf32>
        %swap3A_3056 = vector.shape_cast %add3A_3046 : vector<16xf32> to vector<1x16xf32>
        tpu.vector_store %swap3A_3051[%swap3A_3052, %swap3A_3053], %swap3A_3056 {strides = array<i32>} : memref<64x16xf32, #tpu.memory_space<vmem>>, vector<1x16xf32>,
        %eq3A_3057 = arith.constant 5 : i32
        %eq3A_3058 = vector.broadcast %eq3A_3057 : i32 to vector<16xi32>
        %eq3A_3059 = arith.cmpi eq, %select_n3A_2847, %eq3A_3058 : vector<16xi32>
        %jit3A_3060 = arith.constant 0.000000e+00 : f32
        %broadcast_in_dim3A_3061 = vector.broadcast %jit3A_3060 : f32 to vector<16xf32>
        %select_n3A_3062 = arith.select %eq3A_3059, %mul3A_2940, %broadcast_in_dim3A_3061 : vector<16xi1>, vector<16xf32>
        %eq3A_3063 = arith.constant 5 : i32
        %eq3A_3064 = vector.broadcast %eq3A_3063 : i32 to vector<16xi32>
        %eq3A_3065 = arith.cmpi eq, %select_n3A_2939, %eq3A_3064 : vector<16xi32>
        %jit3A_3066 = arith.constant 0.000000e+00 : f32
        %broadcast_in_dim3A_3067 = vector.broadcast %jit3A_3066 : f32 to vector<16xf32>
        %select_n3A_3068 = arith.select %eq3A_3065, %mul3A_2941, %broadcast_in_dim3A_3067 : vector<16xi1>, vector<16xf32>
        %add3A_3069 = arith.addf %select_n3A_3062, %select_n3A_3068 : vector<16xf32>
        %swap3A_3070 = arith.constant 53 : i32
        %swap3A_3071 = arith.constant 0 : i32
        %swap3A_3072 = arith.constant 0 : i32
        %swap3A_3073 = tpu.memref_slice %run_scoped3A_8[%rem3A_193, %swap3A_3071, %swap3A_3072] : memref<2x64x16xf32, #tpu.memory_space<vmem>> -> memref<1x64x16xf32, #tpu.memory_space<vmem>>
        %swap3A_3074 = tpu.memref_squeeze %swap3A_3073 : memref<1x64x16xf32, #tpu.memory_space<vmem>> -> memref<64x16xf32, #tpu.memory_space<vmem>>
        %swap3A_3075 = arith.index_cast %swap3A_3070 : i32 to index
        %swap3A_3076 = arith.constant 0 : index
        %swap3A_3077 = tpu.vector_load %swap3A_3074[%swap3A_3075, %swap3A_3076] {strides = array<i32>} : memref<64x16xf32, #tpu.memory_space<vmem>>, vector<1x16xf32>,
        %swap3A_3078 = vector.shape_cast %swap3A_3077 : vector<1x16xf32> to vector<16xf32>
        %swap3A_3079 = vector.shape_cast %add3A_3069 : vector<16xf32> to vector<1x16xf32>
        tpu.vector_store %swap3A_3074[%swap3A_3075, %swap3A_3076], %swap3A_3079 {strides = array<i32>} : memref<64x16xf32, #tpu.memory_space<vmem>>, vector<1x16xf32>,
        %eq3A_3080 = arith.constant 6 : i32
        %eq3A_3081 = vector.broadcast %eq3A_3080 : i32 to vector<16xi32>
        %eq3A_3082 = arith.cmpi eq, %select_n3A_2847, %eq3A_3081 : vector<16xi32>
        %jit3A_3083 = arith.constant 0.000000e+00 : f32
        %broadcast_in_dim3A_3084 = vector.broadcast %jit3A_3083 : f32 to vector<16xf32>
        %select_n3A_3085 = arith.select %eq3A_3082, %mul3A_2940, %broadcast_in_dim3A_3084 : vector<16xi1>, vector<16xf32>
        %eq3A_3086 = arith.constant 6 : i32
        %eq3A_3087 = vector.broadcast %eq3A_3086 : i32 to vector<16xi32>
        %eq3A_3088 = arith.cmpi eq, %select_n3A_2939, %eq3A_3087 : vector<16xi32>
        %jit3A_3089 = arith.constant 0.000000e+00 : f32
        %broadcast_in_dim3A_3090 = vector.broadcast %jit3A_3089 : f32 to vector<16xf32>
        %select_n3A_3091 = arith.select %eq3A_3088, %mul3A_2941, %broadcast_in_dim3A_3090 : vector<16xi1>, vector<16xf32>
        %add3A_3092 = arith.addf %select_n3A_3085, %select_n3A_3091 : vector<16xf32>
        %swap3A_3093 = arith.constant 54 : i32
        %swap3A_3094 = arith.constant 0 : i32
        %swap3A_3095 = arith.constant 0 : i32
        %swap3A_3096 = tpu.memref_slice %run_scoped3A_8[%rem3A_193, %swap3A_3094, %swap3A_3095] : memref<2x64x16xf32, #tpu.memory_space<vmem>> -> memref<1x64x16xf32, #tpu.memory_space<vmem>>
        %swap3A_3097 = tpu.memref_squeeze %swap3A_3096 : memref<1x64x16xf32, #tpu.memory_space<vmem>> -> memref<64x16xf32, #tpu.memory_space<vmem>>
        %swap3A_3098 = arith.index_cast %swap3A_3093 : i32 to index
        %swap3A_3099 = arith.constant 0 : index
        %swap3A_3100 = tpu.vector_load %swap3A_3097[%swap3A_3098, %swap3A_3099] {strides = array<i32>} : memref<64x16xf32, #tpu.memory_space<vmem>>, vector<1x16xf32>,
        %swap3A_3101 = vector.shape_cast %swap3A_3100 : vector<1x16xf32> to vector<16xf32>
        %swap3A_3102 = vector.shape_cast %add3A_3092 : vector<16xf32> to vector<1x16xf32>
        tpu.vector_store %swap3A_3097[%swap3A_3098, %swap3A_3099], %swap3A_3102 {strides = array<i32>} : memref<64x16xf32, #tpu.memory_space<vmem>>, vector<1x16xf32>,
        %eq3A_3103 = arith.constant 7 : i32
        %eq3A_3104 = vector.broadcast %eq3A_3103 : i32 to vector<16xi32>
        %eq3A_3105 = arith.cmpi eq, %select_n3A_2847, %eq3A_3104 : vector<16xi32>
        %jit3A_3106 = arith.constant 0.000000e+00 : f32
        %broadcast_in_dim3A_3107 = vector.broadcast %jit3A_3106 : f32 to vector<16xf32>
        %select_n3A_3108 = arith.select %eq3A_3105, %mul3A_2940, %broadcast_in_dim3A_3107 : vector<16xi1>, vector<16xf32>
        %eq3A_3109 = arith.constant 7 : i32
        %eq3A_3110 = vector.broadcast %eq3A_3109 : i32 to vector<16xi32>
        %eq3A_3111 = arith.cmpi eq, %select_n3A_2939, %eq3A_3110 : vector<16xi32>
        %jit3A_3112 = arith.constant 0.000000e+00 : f32
        %broadcast_in_dim3A_3113 = vector.broadcast %jit3A_3112 : f32 to vector<16xf32>
        %select_n3A_3114 = arith.select %eq3A_3111, %mul3A_2941, %broadcast_in_dim3A_3113 : vector<16xi1>, vector<16xf32>
        %add3A_3115 = arith.addf %select_n3A_3108, %select_n3A_3114 : vector<16xf32>
        %swap3A_3116 = arith.constant 55 : i32
        %swap3A_3117 = arith.constant 0 : i32
        %swap3A_3118 = arith.constant 0 : i32
        %swap3A_3119 = tpu.memref_slice %run_scoped3A_8[%rem3A_193, %swap3A_3117, %swap3A_3118] : memref<2x64x16xf32, #tpu.memory_space<vmem>> -> memref<1x64x16xf32, #tpu.memory_space<vmem>>
        %swap3A_3120 = tpu.memref_squeeze %swap3A_3119 : memref<1x64x16xf32, #tpu.memory_space<vmem>> -> memref<64x16xf32, #tpu.memory_space<vmem>>
        %swap3A_3121 = arith.index_cast %swap3A_3116 : i32 to index
        %swap3A_3122 = arith.constant 0 : index
        %swap3A_3123 = tpu.vector_load %swap3A_3120[%swap3A_3121, %swap3A_3122] {strides = array<i32>} : memref<64x16xf32, #tpu.memory_space<vmem>>, vector<1x16xf32>,
        %swap3A_3124 = vector.shape_cast %swap3A_3123 : vector<1x16xf32> to vector<16xf32>
        %swap3A_3125 = vector.shape_cast %add3A_3115 : vector<16xf32> to vector<1x16xf32>
        tpu.vector_store %swap3A_3120[%swap3A_3121, %swap3A_3122], %swap3A_3125 {strides = array<i32>} : memref<64x16xf32, #tpu.memory_space<vmem>>, vector<1x16xf32>,
        %get3A_3126 = arith.constant 56 : i32
        %get3A_3127 = arith.constant 0 : i32
        %get3A_3128 = arith.constant 0 : i32
        %get3A_3129 = tpu.memref_slice %run_scoped3A[%rem3A_191, %get3A_3127, %get3A_3128] : memref<2x64x16xf32, #tpu.memory_space<vmem>> -> memref<1x64x16xf32, #tpu.memory_space<vmem>>
        %get3A_3130 = tpu.memref_squeeze %get3A_3129 : memref<1x64x16xf32, #tpu.memory_space<vmem>> -> memref<64x16xf32, #tpu.memory_space<vmem>>
        %get3A_3131 = arith.index_cast %get3A_3126 : i32 to index
        %get3A_3132 = arith.constant 0 : index
        %get3A_3133 = tpu.vector_load %get3A_3130[%get3A_3131, %get3A_3132] {strides = array<i32>} : memref<64x16xf32, #tpu.memory_space<vmem>>, vector<1x16xf32>,
        %get3A_3134 = vector.shape_cast %get3A_3133 : vector<1x16xf32> to vector<16xf32>
        %get3A_3135 = arith.constant 57 : i32
        %get3A_3136 = arith.constant 0 : i32
        %get3A_3137 = arith.constant 0 : i32
        %get3A_3138 = tpu.memref_slice %run_scoped3A[%rem3A_191, %get3A_3136, %get3A_3137] : memref<2x64x16xf32, #tpu.memory_space<vmem>> -> memref<1x64x16xf32, #tpu.memory_space<vmem>>
        %get3A_3139 = tpu.memref_squeeze %get3A_3138 : memref<1x64x16xf32, #tpu.memory_space<vmem>> -> memref<64x16xf32, #tpu.memory_space<vmem>>
        %get3A_3140 = arith.index_cast %get3A_3135 : i32 to index
        %get3A_3141 = arith.constant 0 : index
        %get3A_3142 = tpu.vector_load %get3A_3139[%get3A_3140, %get3A_3141] {strides = array<i32>} : memref<64x16xf32, #tpu.memory_space<vmem>>, vector<1x16xf32>,
        %get3A_3143 = vector.shape_cast %get3A_3142 : vector<1x16xf32> to vector<16xf32>
        %get3A_3144 = arith.constant 58 : i32
        %get3A_3145 = arith.constant 0 : i32
        %get3A_3146 = arith.constant 0 : i32
        %get3A_3147 = tpu.memref_slice %run_scoped3A[%rem3A_191, %get3A_3145, %get3A_3146] : memref<2x64x16xf32, #tpu.memory_space<vmem>> -> memref<1x64x16xf32, #tpu.memory_space<vmem>>
        %get3A_3148 = tpu.memref_squeeze %get3A_3147 : memref<1x64x16xf32, #tpu.memory_space<vmem>> -> memref<64x16xf32, #tpu.memory_space<vmem>>
        %get3A_3149 = arith.index_cast %get3A_3144 : i32 to index
        %get3A_3150 = arith.constant 0 : index
        %get3A_3151 = tpu.vector_load %get3A_3148[%get3A_3149, %get3A_3150] {strides = array<i32>} : memref<64x16xf32, #tpu.memory_space<vmem>>, vector<1x16xf32>,
        %get3A_3152 = vector.shape_cast %get3A_3151 : vector<1x16xf32> to vector<16xf32>
        %get3A_3153 = arith.constant 59 : i32
        %get3A_3154 = arith.constant 0 : i32
        %get3A_3155 = arith.constant 0 : i32
        %get3A_3156 = tpu.memref_slice %run_scoped3A[%rem3A_191, %get3A_3154, %get3A_3155] : memref<2x64x16xf32, #tpu.memory_space<vmem>> -> memref<1x64x16xf32, #tpu.memory_space<vmem>>
        %get3A_3157 = tpu.memref_squeeze %get3A_3156 : memref<1x64x16xf32, #tpu.memory_space<vmem>> -> memref<64x16xf32, #tpu.memory_space<vmem>>
        %get3A_3158 = arith.index_cast %get3A_3153 : i32 to index
        %get3A_3159 = arith.constant 0 : index
        %get3A_3160 = tpu.vector_load %get3A_3157[%get3A_3158, %get3A_3159] {strides = array<i32>} : memref<64x16xf32, #tpu.memory_space<vmem>>, vector<1x16xf32>,
        %get3A_3161 = vector.shape_cast %get3A_3160 : vector<1x16xf32> to vector<16xf32>
        %get3A_3162 = arith.constant 60 : i32
        %get3A_3163 = arith.constant 0 : i32
        %get3A_3164 = arith.constant 0 : i32
        %get3A_3165 = tpu.memref_slice %run_scoped3A[%rem3A_191, %get3A_3163, %get3A_3164] : memref<2x64x16xf32, #tpu.memory_space<vmem>> -> memref<1x64x16xf32, #tpu.memory_space<vmem>>
        %get3A_3166 = tpu.memref_squeeze %get3A_3165 : memref<1x64x16xf32, #tpu.memory_space<vmem>> -> memref<64x16xf32, #tpu.memory_space<vmem>>
        %get3A_3167 = arith.index_cast %get3A_3162 : i32 to index
        %get3A_3168 = arith.constant 0 : index
        %get3A_3169 = tpu.vector_load %get3A_3166[%get3A_3167, %get3A_3168] {strides = array<i32>} : memref<64x16xf32, #tpu.memory_space<vmem>>, vector<1x16xf32>,
        %get3A_3170 = vector.shape_cast %get3A_3169 : vector<1x16xf32> to vector<16xf32>
        %get3A_3171 = arith.constant 61 : i32
        %get3A_3172 = arith.constant 0 : i32
        %get3A_3173 = arith.constant 0 : i32
        %get3A_3174 = tpu.memref_slice %run_scoped3A[%rem3A_191, %get3A_3172, %get3A_3173] : memref<2x64x16xf32, #tpu.memory_space<vmem>> -> memref<1x64x16xf32, #tpu.memory_space<vmem>>
        %get3A_3175 = tpu.memref_squeeze %get3A_3174 : memref<1x64x16xf32, #tpu.memory_space<vmem>> -> memref<64x16xf32, #tpu.memory_space<vmem>>
        %get3A_3176 = arith.index_cast %get3A_3171 : i32 to index
        %get3A_3177 = arith.constant 0 : index
        %get3A_3178 = tpu.vector_load %get3A_3175[%get3A_3176, %get3A_3177] {strides = array<i32>} : memref<64x16xf32, #tpu.memory_space<vmem>>, vector<1x16xf32>,
        %get3A_3179 = vector.shape_cast %get3A_3178 : vector<1x16xf32> to vector<16xf32>
        %get3A_3180 = arith.constant 62 : i32
        %get3A_3181 = arith.constant 0 : i32
        %get3A_3182 = arith.constant 0 : i32
        %get3A_3183 = tpu.memref_slice %run_scoped3A[%rem3A_191, %get3A_3181, %get3A_3182] : memref<2x64x16xf32, #tpu.memory_space<vmem>> -> memref<1x64x16xf32, #tpu.memory_space<vmem>>
        %get3A_3184 = tpu.memref_squeeze %get3A_3183 : memref<1x64x16xf32, #tpu.memory_space<vmem>> -> memref<64x16xf32, #tpu.memory_space<vmem>>
        %get3A_3185 = arith.index_cast %get3A_3180 : i32 to index
        %get3A_3186 = arith.constant 0 : index
        %get3A_3187 = tpu.vector_load %get3A_3184[%get3A_3185, %get3A_3186] {strides = array<i32>} : memref<64x16xf32, #tpu.memory_space<vmem>>, vector<1x16xf32>,
        %get3A_3188 = vector.shape_cast %get3A_3187 : vector<1x16xf32> to vector<16xf32>
        %get3A_3189 = arith.constant 63 : i32
        %get3A_3190 = arith.constant 0 : i32
        %get3A_3191 = arith.constant 0 : i32
        %get3A_3192 = tpu.memref_slice %run_scoped3A[%rem3A_191, %get3A_3190, %get3A_3191] : memref<2x64x16xf32, #tpu.memory_space<vmem>> -> memref<1x64x16xf32, #tpu.memory_space<vmem>>
        %get3A_3193 = tpu.memref_squeeze %get3A_3192 : memref<1x64x16xf32, #tpu.memory_space<vmem>> -> memref<64x16xf32, #tpu.memory_space<vmem>>
        %get3A_3194 = arith.index_cast %get3A_3189 : i32 to index
        %get3A_3195 = arith.constant 0 : index
        %get3A_3196 = tpu.vector_load %get3A_3193[%get3A_3194, %get3A_3195] {strides = array<i32>} : memref<64x16xf32, #tpu.memory_space<vmem>>, vector<1x16xf32>,
        %get3A_3197 = vector.shape_cast %get3A_3196 : vector<1x16xf32> to vector<16xf32>
        %max3A_3198 = arith.maximumf %get3A_3134, %get3A_3143 : vector<16xf32>
        %max3A_3199 = arith.maximumf %max3A_3198, %get3A_3152 : vector<16xf32>
        %max3A_3200 = arith.maximumf %max3A_3199, %get3A_3161 : vector<16xf32>
        %max3A_3201 = arith.maximumf %max3A_3200, %get3A_3170 : vector<16xf32>
        %max3A_3202 = arith.maximumf %max3A_3201, %get3A_3179 : vector<16xf32>
        %max3A_3203 = arith.maximumf %max3A_3202, %get3A_3188 : vector<16xf32>
        %max3A_3204 = arith.maximumf %max3A_3203, %get3A_3197 : vector<16xf32>
        %sub3A_3205 = arith.subf %get3A_3134, %max3A_3204 : vector<16xf32>
        %exp3A_3206 = math.exp %sub3A_3205 : vector<16xf32>
        %sub3A_3207 = arith.subf %get3A_3143, %max3A_3204 : vector<16xf32>
        %exp3A_3208 = math.exp %sub3A_3207 : vector<16xf32>
        %sub3A_3209 = arith.subf %get3A_3152, %max3A_3204 : vector<16xf32>
        %exp3A_3210 = math.exp %sub3A_3209 : vector<16xf32>
        %sub3A_3211 = arith.subf %get3A_3161, %max3A_3204 : vector<16xf32>
        %exp3A_3212 = math.exp %sub3A_3211 : vector<16xf32>
        %sub3A_3213 = arith.subf %get3A_3170, %max3A_3204 : vector<16xf32>
        %exp3A_3214 = math.exp %sub3A_3213 : vector<16xf32>
        %sub3A_3215 = arith.subf %get3A_3179, %max3A_3204 : vector<16xf32>
        %exp3A_3216 = math.exp %sub3A_3215 : vector<16xf32>
        %sub3A_3217 = arith.subf %get3A_3188, %max3A_3204 : vector<16xf32>
        %exp3A_3218 = math.exp %sub3A_3217 : vector<16xf32>
        %sub3A_3219 = arith.subf %get3A_3197, %max3A_3204 : vector<16xf32>
        %exp3A_3220 = math.exp %sub3A_3219 : vector<16xf32>
        %add3A_3221 = arith.addf %exp3A_3206, %exp3A_3208 : vector<16xf32>
        %add3A_3222 = arith.addf %add3A_3221, %exp3A_3210 : vector<16xf32>
        %add3A_3223 = arith.addf %add3A_3222, %exp3A_3212 : vector<16xf32>
        %add3A_3224 = arith.addf %add3A_3223, %exp3A_3214 : vector<16xf32>
        %add3A_3225 = arith.addf %add3A_3224, %exp3A_3216 : vector<16xf32>
        %add3A_3226 = arith.addf %add3A_3225, %exp3A_3218 : vector<16xf32>
        %add3A_3227 = arith.addf %add3A_3226, %exp3A_3220 : vector<16xf32>
        %div3A_3228 = arith.constant 1.000000e+00 : f32
        %div3A_3229 = vector.broadcast %div3A_3228 : f32 to vector<16xf32>
        %div3A_3230 = arith.divf %div3A_3229, %add3A_3227 : vector<16xf32>
        %broadcast_in_dim3A_3231 = arith.constant 0 : i32
        %broadcast_in_dim3A_3232 = vector.broadcast %broadcast_in_dim3A_3231 : i32 to vector<16xi32>
        %gt3A_3233 = arith.cmpf ogt, %exp3A_3208, %exp3A_3206 : vector<16xf32>
        %select_n3A_3234 = arith.select %gt3A_3233, %exp3A_3208, %exp3A_3206 : vector<16xi1>, vector<16xf32>
        %jit3A_3235 = arith.constant 1 : i32
        %broadcast_in_dim3A_3236 = vector.broadcast %jit3A_3235 : i32 to vector<16xi32>
        %select_n3A_3237 = arith.select %gt3A_3233, %broadcast_in_dim3A_3236, %broadcast_in_dim3A_3232 : vector<16xi1>, vector<16xi32>
        %gt3A_3238 = arith.cmpf ogt, %exp3A_3210, %select_n3A_3234 : vector<16xf32>
        %select_n3A_3239 = arith.select %gt3A_3238, %exp3A_3210, %select_n3A_3234 : vector<16xi1>, vector<16xf32>
        %jit3A_3240 = arith.constant 2 : i32
        %broadcast_in_dim3A_3241 = vector.broadcast %jit3A_3240 : i32 to vector<16xi32>
        %select_n3A_3242 = arith.select %gt3A_3238, %broadcast_in_dim3A_3241, %select_n3A_3237 : vector<16xi1>, vector<16xi32>
        %gt3A_3243 = arith.cmpf ogt, %exp3A_3212, %select_n3A_3239 : vector<16xf32>
        %select_n3A_3244 = arith.select %gt3A_3243, %exp3A_3212, %select_n3A_3239 : vector<16xi1>, vector<16xf32>
        %jit3A_3245 = arith.constant 3 : i32
        %broadcast_in_dim3A_3246 = vector.broadcast %jit3A_3245 : i32 to vector<16xi32>
        %select_n3A_3247 = arith.select %gt3A_3243, %broadcast_in_dim3A_3246, %select_n3A_3242 : vector<16xi1>, vector<16xi32>
        %gt3A_3248 = arith.cmpf ogt, %exp3A_3214, %select_n3A_3244 : vector<16xf32>
        %select_n3A_3249 = arith.select %gt3A_3248, %exp3A_3214, %select_n3A_3244 : vector<16xi1>, vector<16xf32>
        %jit3A_3250 = arith.constant 4 : i32
        %broadcast_in_dim3A_3251 = vector.broadcast %jit3A_3250 : i32 to vector<16xi32>
        %select_n3A_3252 = arith.select %gt3A_3248, %broadcast_in_dim3A_3251, %select_n3A_3247 : vector<16xi1>, vector<16xi32>
        %gt3A_3253 = arith.cmpf ogt, %exp3A_3216, %select_n3A_3249 : vector<16xf32>
        %select_n3A_3254 = arith.select %gt3A_3253, %exp3A_3216, %select_n3A_3249 : vector<16xi1>, vector<16xf32>
        %jit3A_3255 = arith.constant 5 : i32
        %broadcast_in_dim3A_3256 = vector.broadcast %jit3A_3255 : i32 to vector<16xi32>
        %select_n3A_3257 = arith.select %gt3A_3253, %broadcast_in_dim3A_3256, %select_n3A_3252 : vector<16xi1>, vector<16xi32>
        %gt3A_3258 = arith.cmpf ogt, %exp3A_3218, %select_n3A_3254 : vector<16xf32>
        %select_n3A_3259 = arith.select %gt3A_3258, %exp3A_3218, %select_n3A_3254 : vector<16xi1>, vector<16xf32>
        %jit3A_3260 = arith.constant 6 : i32
        %broadcast_in_dim3A_3261 = vector.broadcast %jit3A_3260 : i32 to vector<16xi32>
        %select_n3A_3262 = arith.select %gt3A_3258, %broadcast_in_dim3A_3261, %select_n3A_3257 : vector<16xi1>, vector<16xi32>
        %gt3A_3263 = arith.cmpf ogt, %exp3A_3220, %select_n3A_3259 : vector<16xf32>
        %select_n3A_3264 = arith.select %gt3A_3263, %exp3A_3220, %select_n3A_3259 : vector<16xi1>, vector<16xf32>
        %jit3A_3265 = arith.constant 7 : i32
        %broadcast_in_dim3A_3266 = vector.broadcast %jit3A_3265 : i32 to vector<16xi32>
        %select_n3A_3267 = arith.select %gt3A_3263, %broadcast_in_dim3A_3266, %select_n3A_3262 : vector<16xi1>, vector<16xi32>
        %broadcast_in_dim3A_3268 = arith.constant -1.000000e+00 : f32
        %broadcast_in_dim3A_3269 = vector.broadcast %broadcast_in_dim3A_3268 : f32 to vector<16xf32>
        %broadcast_in_dim3A_3270 = arith.constant 0 : i32
        %broadcast_in_dim3A_3271 = vector.broadcast %broadcast_in_dim3A_3270 : i32 to vector<16xi32>
        %eq3A_3272 = arith.constant 0 : i32
        %eq3A_3273 = vector.broadcast %eq3A_3272 : i32 to vector<16xi32>
        %eq3A_3274 = arith.cmpi eq, %select_n3A_3267, %eq3A_3273 : vector<16xi32>
        %jit3A_3275 = arith.constant -1.000000e+00 : f32
        %broadcast_in_dim3A_3276 = vector.broadcast %jit3A_3275 : f32 to vector<16xf32>
        %select_n3A_3277 = arith.select %eq3A_3274, %broadcast_in_dim3A_3276, %exp3A_3206 : vector<16xi1>, vector<16xf32>
        %gt3A_3278 = arith.cmpf ogt, %select_n3A_3277, %broadcast_in_dim3A_3269 : vector<16xf32>
        %select_n3A_3279 = arith.select %gt3A_3278, %select_n3A_3277, %broadcast_in_dim3A_3269 : vector<16xi1>, vector<16xf32>
        %jit3A_3280 = arith.constant 0 : i32
        %broadcast_in_dim3A_3281 = vector.broadcast %jit3A_3280 : i32 to vector<16xi32>
        %select_n3A_3282 = arith.select %gt3A_3278, %broadcast_in_dim3A_3281, %broadcast_in_dim3A_3271 : vector<16xi1>, vector<16xi32>
        %eq3A_3283 = arith.constant 1 : i32
        %eq3A_3284 = vector.broadcast %eq3A_3283 : i32 to vector<16xi32>
        %eq3A_3285 = arith.cmpi eq, %select_n3A_3267, %eq3A_3284 : vector<16xi32>
        %jit3A_3286 = arith.constant -1.000000e+00 : f32
        %broadcast_in_dim3A_3287 = vector.broadcast %jit3A_3286 : f32 to vector<16xf32>
        %select_n3A_3288 = arith.select %eq3A_3285, %broadcast_in_dim3A_3287, %exp3A_3208 : vector<16xi1>, vector<16xf32>
        %gt3A_3289 = arith.cmpf ogt, %select_n3A_3288, %select_n3A_3279 : vector<16xf32>
        %select_n3A_3290 = arith.select %gt3A_3289, %select_n3A_3288, %select_n3A_3279 : vector<16xi1>, vector<16xf32>
        %jit3A_3291 = arith.constant 1 : i32
        %broadcast_in_dim3A_3292 = vector.broadcast %jit3A_3291 : i32 to vector<16xi32>
        %select_n3A_3293 = arith.select %gt3A_3289, %broadcast_in_dim3A_3292, %select_n3A_3282 : vector<16xi1>, vector<16xi32>
        %eq3A_3294 = arith.constant 2 : i32
        %eq3A_3295 = vector.broadcast %eq3A_3294 : i32 to vector<16xi32>
        %eq3A_3296 = arith.cmpi eq, %select_n3A_3267, %eq3A_3295 : vector<16xi32>
        %jit3A_3297 = arith.constant -1.000000e+00 : f32
        %broadcast_in_dim3A_3298 = vector.broadcast %jit3A_3297 : f32 to vector<16xf32>
        %select_n3A_3299 = arith.select %eq3A_3296, %broadcast_in_dim3A_3298, %exp3A_3210 : vector<16xi1>, vector<16xf32>
        %gt3A_3300 = arith.cmpf ogt, %select_n3A_3299, %select_n3A_3290 : vector<16xf32>
        %select_n3A_3301 = arith.select %gt3A_3300, %select_n3A_3299, %select_n3A_3290 : vector<16xi1>, vector<16xf32>
        %jit3A_3302 = arith.constant 2 : i32
        %broadcast_in_dim3A_3303 = vector.broadcast %jit3A_3302 : i32 to vector<16xi32>
        %select_n3A_3304 = arith.select %gt3A_3300, %broadcast_in_dim3A_3303, %select_n3A_3293 : vector<16xi1>, vector<16xi32>
        %eq3A_3305 = arith.constant 3 : i32
        %eq3A_3306 = vector.broadcast %eq3A_3305 : i32 to vector<16xi32>
        %eq3A_3307 = arith.cmpi eq, %select_n3A_3267, %eq3A_3306 : vector<16xi32>
        %jit3A_3308 = arith.constant -1.000000e+00 : f32
        %broadcast_in_dim3A_3309 = vector.broadcast %jit3A_3308 : f32 to vector<16xf32>
        %select_n3A_3310 = arith.select %eq3A_3307, %broadcast_in_dim3A_3309, %exp3A_3212 : vector<16xi1>, vector<16xf32>
        %gt3A_3311 = arith.cmpf ogt, %select_n3A_3310, %select_n3A_3301 : vector<16xf32>
        %select_n3A_3312 = arith.select %gt3A_3311, %select_n3A_3310, %select_n3A_3301 : vector<16xi1>, vector<16xf32>
        %jit3A_3313 = arith.constant 3 : i32
        %broadcast_in_dim3A_3314 = vector.broadcast %jit3A_3313 : i32 to vector<16xi32>
        %select_n3A_3315 = arith.select %gt3A_3311, %broadcast_in_dim3A_3314, %select_n3A_3304 : vector<16xi1>, vector<16xi32>
        %eq3A_3316 = arith.constant 4 : i32
        %eq3A_3317 = vector.broadcast %eq3A_3316 : i32 to vector<16xi32>
        %eq3A_3318 = arith.cmpi eq, %select_n3A_3267, %eq3A_3317 : vector<16xi32>
        %jit3A_3319 = arith.constant -1.000000e+00 : f32
        %broadcast_in_dim3A_3320 = vector.broadcast %jit3A_3319 : f32 to vector<16xf32>
        %select_n3A_3321 = arith.select %eq3A_3318, %broadcast_in_dim3A_3320, %exp3A_3214 : vector<16xi1>, vector<16xf32>
        %gt3A_3322 = arith.cmpf ogt, %select_n3A_3321, %select_n3A_3312 : vector<16xf32>
        %select_n3A_3323 = arith.select %gt3A_3322, %select_n3A_3321, %select_n3A_3312 : vector<16xi1>, vector<16xf32>
        %jit3A_3324 = arith.constant 4 : i32
        %broadcast_in_dim3A_3325 = vector.broadcast %jit3A_3324 : i32 to vector<16xi32>
        %select_n3A_3326 = arith.select %gt3A_3322, %broadcast_in_dim3A_3325, %select_n3A_3315 : vector<16xi1>, vector<16xi32>
        %eq3A_3327 = arith.constant 5 : i32
        %eq3A_3328 = vector.broadcast %eq3A_3327 : i32 to vector<16xi32>
        %eq3A_3329 = arith.cmpi eq, %select_n3A_3267, %eq3A_3328 : vector<16xi32>
        %jit3A_3330 = arith.constant -1.000000e+00 : f32
        %broadcast_in_dim3A_3331 = vector.broadcast %jit3A_3330 : f32 to vector<16xf32>
        %select_n3A_3332 = arith.select %eq3A_3329, %broadcast_in_dim3A_3331, %exp3A_3216 : vector<16xi1>, vector<16xf32>
        %gt3A_3333 = arith.cmpf ogt, %select_n3A_3332, %select_n3A_3323 : vector<16xf32>
        %select_n3A_3334 = arith.select %gt3A_3333, %select_n3A_3332, %select_n3A_3323 : vector<16xi1>, vector<16xf32>
        %jit3A_3335 = arith.constant 5 : i32
        %broadcast_in_dim3A_3336 = vector.broadcast %jit3A_3335 : i32 to vector<16xi32>
        %select_n3A_3337 = arith.select %gt3A_3333, %broadcast_in_dim3A_3336, %select_n3A_3326 : vector<16xi1>, vector<16xi32>
        %eq3A_3338 = arith.constant 6 : i32
        %eq3A_3339 = vector.broadcast %eq3A_3338 : i32 to vector<16xi32>
        %eq3A_3340 = arith.cmpi eq, %select_n3A_3267, %eq3A_3339 : vector<16xi32>
        %jit3A_3341 = arith.constant -1.000000e+00 : f32
        %broadcast_in_dim3A_3342 = vector.broadcast %jit3A_3341 : f32 to vector<16xf32>
        %select_n3A_3343 = arith.select %eq3A_3340, %broadcast_in_dim3A_3342, %exp3A_3218 : vector<16xi1>, vector<16xf32>
        %gt3A_3344 = arith.cmpf ogt, %select_n3A_3343, %select_n3A_3334 : vector<16xf32>
        %select_n3A_3345 = arith.select %gt3A_3344, %select_n3A_3343, %select_n3A_3334 : vector<16xi1>, vector<16xf32>
        %jit3A_3346 = arith.constant 6 : i32
        %broadcast_in_dim3A_3347 = vector.broadcast %jit3A_3346 : i32 to vector<16xi32>
        %select_n3A_3348 = arith.select %gt3A_3344, %broadcast_in_dim3A_3347, %select_n3A_3337 : vector<16xi1>, vector<16xi32>
        %eq3A_3349 = arith.constant 7 : i32
        %eq3A_3350 = vector.broadcast %eq3A_3349 : i32 to vector<16xi32>
        %eq3A_3351 = arith.cmpi eq, %select_n3A_3267, %eq3A_3350 : vector<16xi32>
        %jit3A_3352 = arith.constant -1.000000e+00 : f32
        %broadcast_in_dim3A_3353 = vector.broadcast %jit3A_3352 : f32 to vector<16xf32>
        %select_n3A_3354 = arith.select %eq3A_3351, %broadcast_in_dim3A_3353, %exp3A_3220 : vector<16xi1>, vector<16xf32>
        %gt3A_3355 = arith.cmpf ogt, %select_n3A_3354, %select_n3A_3345 : vector<16xf32>
        %select_n3A_3356 = arith.select %gt3A_3355, %select_n3A_3354, %select_n3A_3345 : vector<16xi1>, vector<16xf32>
        %jit3A_3357 = arith.constant 7 : i32
        %broadcast_in_dim3A_3358 = vector.broadcast %jit3A_3357 : i32 to vector<16xi32>
        %select_n3A_3359 = arith.select %gt3A_3355, %broadcast_in_dim3A_3358, %select_n3A_3348 : vector<16xi1>, vector<16xi32>
        %mul3A_3360 = arith.mulf %select_n3A_3264, %div3A_3230 : vector<16xf32>
        %mul3A_3361 = arith.mulf %select_n3A_3356, %div3A_3230 : vector<16xf32>
        %eq3A_3362 = arith.constant 0 : i32
        %eq3A_3363 = vector.broadcast %eq3A_3362 : i32 to vector<16xi32>
        %eq3A_3364 = arith.cmpi eq, %select_n3A_3267, %eq3A_3363 : vector<16xi32>
        %jit3A_3365 = arith.constant 0.000000e+00 : f32
        %broadcast_in_dim3A_3366 = vector.broadcast %jit3A_3365 : f32 to vector<16xf32>
        %select_n3A_3367 = arith.select %eq3A_3364, %mul3A_3360, %broadcast_in_dim3A_3366 : vector<16xi1>, vector<16xf32>
        %eq3A_3368 = arith.constant 0 : i32
        %eq3A_3369 = vector.broadcast %eq3A_3368 : i32 to vector<16xi32>
        %eq3A_3370 = arith.cmpi eq, %select_n3A_3359, %eq3A_3369 : vector<16xi32>
        %jit3A_3371 = arith.constant 0.000000e+00 : f32
        %broadcast_in_dim3A_3372 = vector.broadcast %jit3A_3371 : f32 to vector<16xf32>
        %select_n3A_3373 = arith.select %eq3A_3370, %mul3A_3361, %broadcast_in_dim3A_3372 : vector<16xi1>, vector<16xf32>
        %add3A_3374 = arith.addf %select_n3A_3367, %select_n3A_3373 : vector<16xf32>
        %swap3A_3375 = arith.constant 56 : i32
        %swap3A_3376 = arith.constant 0 : i32
        %swap3A_3377 = arith.constant 0 : i32
        %swap3A_3378 = tpu.memref_slice %run_scoped3A_8[%rem3A_193, %swap3A_3376, %swap3A_3377] : memref<2x64x16xf32, #tpu.memory_space<vmem>> -> memref<1x64x16xf32, #tpu.memory_space<vmem>>
        %swap3A_3379 = tpu.memref_squeeze %swap3A_3378 : memref<1x64x16xf32, #tpu.memory_space<vmem>> -> memref<64x16xf32, #tpu.memory_space<vmem>>
        %swap3A_3380 = arith.index_cast %swap3A_3375 : i32 to index
        %swap3A_3381 = arith.constant 0 : index
        %swap3A_3382 = tpu.vector_load %swap3A_3379[%swap3A_3380, %swap3A_3381] {strides = array<i32>} : memref<64x16xf32, #tpu.memory_space<vmem>>, vector<1x16xf32>,
        %swap3A_3383 = vector.shape_cast %swap3A_3382 : vector<1x16xf32> to vector<16xf32>
        %swap3A_3384 = vector.shape_cast %add3A_3374 : vector<16xf32> to vector<1x16xf32>
        tpu.vector_store %swap3A_3379[%swap3A_3380, %swap3A_3381], %swap3A_3384 {strides = array<i32>} : memref<64x16xf32, #tpu.memory_space<vmem>>, vector<1x16xf32>,
        %eq3A_3385 = arith.constant 1 : i32
        %eq3A_3386 = vector.broadcast %eq3A_3385 : i32 to vector<16xi32>
        %eq3A_3387 = arith.cmpi eq, %select_n3A_3267, %eq3A_3386 : vector<16xi32>
        %jit3A_3388 = arith.constant 0.000000e+00 : f32
        %broadcast_in_dim3A_3389 = vector.broadcast %jit3A_3388 : f32 to vector<16xf32>
        %select_n3A_3390 = arith.select %eq3A_3387, %mul3A_3360, %broadcast_in_dim3A_3389 : vector<16xi1>, vector<16xf32>
        %eq3A_3391 = arith.constant 1 : i32
        %eq3A_3392 = vector.broadcast %eq3A_3391 : i32 to vector<16xi32>
        %eq3A_3393 = arith.cmpi eq, %select_n3A_3359, %eq3A_3392 : vector<16xi32>
        %jit3A_3394 = arith.constant 0.000000e+00 : f32
        %broadcast_in_dim3A_3395 = vector.broadcast %jit3A_3394 : f32 to vector<16xf32>
        %select_n3A_3396 = arith.select %eq3A_3393, %mul3A_3361, %broadcast_in_dim3A_3395 : vector<16xi1>, vector<16xf32>
        %add3A_3397 = arith.addf %select_n3A_3390, %select_n3A_3396 : vector<16xf32>
        %swap3A_3398 = arith.constant 57 : i32
        %swap3A_3399 = arith.constant 0 : i32
        %swap3A_3400 = arith.constant 0 : i32
        %swap3A_3401 = tpu.memref_slice %run_scoped3A_8[%rem3A_193, %swap3A_3399, %swap3A_3400] : memref<2x64x16xf32, #tpu.memory_space<vmem>> -> memref<1x64x16xf32, #tpu.memory_space<vmem>>
        %swap3A_3402 = tpu.memref_squeeze %swap3A_3401 : memref<1x64x16xf32, #tpu.memory_space<vmem>> -> memref<64x16xf32, #tpu.memory_space<vmem>>
        %swap3A_3403 = arith.index_cast %swap3A_3398 : i32 to index
        %swap3A_3404 = arith.constant 0 : index
        %swap3A_3405 = tpu.vector_load %swap3A_3402[%swap3A_3403, %swap3A_3404] {strides = array<i32>} : memref<64x16xf32, #tpu.memory_space<vmem>>, vector<1x16xf32>,
        %swap3A_3406 = vector.shape_cast %swap3A_3405 : vector<1x16xf32> to vector<16xf32>
        %swap3A_3407 = vector.shape_cast %add3A_3397 : vector<16xf32> to vector<1x16xf32>
        tpu.vector_store %swap3A_3402[%swap3A_3403, %swap3A_3404], %swap3A_3407 {strides = array<i32>} : memref<64x16xf32, #tpu.memory_space<vmem>>, vector<1x16xf32>,
        %eq3A_3408 = arith.constant 2 : i32
        %eq3A_3409 = vector.broadcast %eq3A_3408 : i32 to vector<16xi32>
        %eq3A_3410 = arith.cmpi eq, %select_n3A_3267, %eq3A_3409 : vector<16xi32>
        %jit3A_3411 = arith.constant 0.000000e+00 : f32
        %broadcast_in_dim3A_3412 = vector.broadcast %jit3A_3411 : f32 to vector<16xf32>
        %select_n3A_3413 = arith.select %eq3A_3410, %mul3A_3360, %broadcast_in_dim3A_3412 : vector<16xi1>, vector<16xf32>
        %eq3A_3414 = arith.constant 2 : i32
        %eq3A_3415 = vector.broadcast %eq3A_3414 : i32 to vector<16xi32>
        %eq3A_3416 = arith.cmpi eq, %select_n3A_3359, %eq3A_3415 : vector<16xi32>
        %jit3A_3417 = arith.constant 0.000000e+00 : f32
        %broadcast_in_dim3A_3418 = vector.broadcast %jit3A_3417 : f32 to vector<16xf32>
        %select_n3A_3419 = arith.select %eq3A_3416, %mul3A_3361, %broadcast_in_dim3A_3418 : vector<16xi1>, vector<16xf32>
        %add3A_3420 = arith.addf %select_n3A_3413, %select_n3A_3419 : vector<16xf32>
        %swap3A_3421 = arith.constant 58 : i32
        %swap3A_3422 = arith.constant 0 : i32
        %swap3A_3423 = arith.constant 0 : i32
        %swap3A_3424 = tpu.memref_slice %run_scoped3A_8[%rem3A_193, %swap3A_3422, %swap3A_3423] : memref<2x64x16xf32, #tpu.memory_space<vmem>> -> memref<1x64x16xf32, #tpu.memory_space<vmem>>
        %swap3A_3425 = tpu.memref_squeeze %swap3A_3424 : memref<1x64x16xf32, #tpu.memory_space<vmem>> -> memref<64x16xf32, #tpu.memory_space<vmem>>
        %swap3A_3426 = arith.index_cast %swap3A_3421 : i32 to index
        %swap3A_3427 = arith.constant 0 : index
        %swap3A_3428 = tpu.vector_load %swap3A_3425[%swap3A_3426, %swap3A_3427] {strides = array<i32>} : memref<64x16xf32, #tpu.memory_space<vmem>>, vector<1x16xf32>,
        %swap3A_3429 = vector.shape_cast %swap3A_3428 : vector<1x16xf32> to vector<16xf32>
        %swap3A_3430 = vector.shape_cast %add3A_3420 : vector<16xf32> to vector<1x16xf32>
        tpu.vector_store %swap3A_3425[%swap3A_3426, %swap3A_3427], %swap3A_3430 {strides = array<i32>} : memref<64x16xf32, #tpu.memory_space<vmem>>, vector<1x16xf32>,
        %eq3A_3431 = arith.constant 3 : i32
        %eq3A_3432 = vector.broadcast %eq3A_3431 : i32 to vector<16xi32>
        %eq3A_3433 = arith.cmpi eq, %select_n3A_3267, %eq3A_3432 : vector<16xi32>
        %jit3A_3434 = arith.constant 0.000000e+00 : f32
        %broadcast_in_dim3A_3435 = vector.broadcast %jit3A_3434 : f32 to vector<16xf32>
        %select_n3A_3436 = arith.select %eq3A_3433, %mul3A_3360, %broadcast_in_dim3A_3435 : vector<16xi1>, vector<16xf32>
        %eq3A_3437 = arith.constant 3 : i32
        %eq3A_3438 = vector.broadcast %eq3A_3437 : i32 to vector<16xi32>
        %eq3A_3439 = arith.cmpi eq, %select_n3A_3359, %eq3A_3438 : vector<16xi32>
        %jit3A_3440 = arith.constant 0.000000e+00 : f32
        %broadcast_in_dim3A_3441 = vector.broadcast %jit3A_3440 : f32 to vector<16xf32>
        %select_n3A_3442 = arith.select %eq3A_3439, %mul3A_3361, %broadcast_in_dim3A_3441 : vector<16xi1>, vector<16xf32>
        %add3A_3443 = arith.addf %select_n3A_3436, %select_n3A_3442 : vector<16xf32>
        %swap3A_3444 = arith.constant 59 : i32
        %swap3A_3445 = arith.constant 0 : i32
        %swap3A_3446 = arith.constant 0 : i32
        %swap3A_3447 = tpu.memref_slice %run_scoped3A_8[%rem3A_193, %swap3A_3445, %swap3A_3446] : memref<2x64x16xf32, #tpu.memory_space<vmem>> -> memref<1x64x16xf32, #tpu.memory_space<vmem>>
        %swap3A_3448 = tpu.memref_squeeze %swap3A_3447 : memref<1x64x16xf32, #tpu.memory_space<vmem>> -> memref<64x16xf32, #tpu.memory_space<vmem>>
        %swap3A_3449 = arith.index_cast %swap3A_3444 : i32 to index
        %swap3A_3450 = arith.constant 0 : index
        %swap3A_3451 = tpu.vector_load %swap3A_3448[%swap3A_3449, %swap3A_3450] {strides = array<i32>} : memref<64x16xf32, #tpu.memory_space<vmem>>, vector<1x16xf32>,
        %swap3A_3452 = vector.shape_cast %swap3A_3451 : vector<1x16xf32> to vector<16xf32>
        %swap3A_3453 = vector.shape_cast %add3A_3443 : vector<16xf32> to vector<1x16xf32>
        tpu.vector_store %swap3A_3448[%swap3A_3449, %swap3A_3450], %swap3A_3453 {strides = array<i32>} : memref<64x16xf32, #tpu.memory_space<vmem>>, vector<1x16xf32>,
        %eq3A_3454 = arith.constant 4 : i32
        %eq3A_3455 = vector.broadcast %eq3A_3454 : i32 to vector<16xi32>
        %eq3A_3456 = arith.cmpi eq, %select_n3A_3267, %eq3A_3455 : vector<16xi32>
        %jit3A_3457 = arith.constant 0.000000e+00 : f32
        %broadcast_in_dim3A_3458 = vector.broadcast %jit3A_3457 : f32 to vector<16xf32>
        %select_n3A_3459 = arith.select %eq3A_3456, %mul3A_3360, %broadcast_in_dim3A_3458 : vector<16xi1>, vector<16xf32>
        %eq3A_3460 = arith.constant 4 : i32
        %eq3A_3461 = vector.broadcast %eq3A_3460 : i32 to vector<16xi32>
        %eq3A_3462 = arith.cmpi eq, %select_n3A_3359, %eq3A_3461 : vector<16xi32>
        %jit3A_3463 = arith.constant 0.000000e+00 : f32
        %broadcast_in_dim3A_3464 = vector.broadcast %jit3A_3463 : f32 to vector<16xf32>
        %select_n3A_3465 = arith.select %eq3A_3462, %mul3A_3361, %broadcast_in_dim3A_3464 : vector<16xi1>, vector<16xf32>
        %add3A_3466 = arith.addf %select_n3A_3459, %select_n3A_3465 : vector<16xf32>
        %swap3A_3467 = arith.constant 60 : i32
        %swap3A_3468 = arith.constant 0 : i32
        %swap3A_3469 = arith.constant 0 : i32
        %swap3A_3470 = tpu.memref_slice %run_scoped3A_8[%rem3A_193, %swap3A_3468, %swap3A_3469] : memref<2x64x16xf32, #tpu.memory_space<vmem>> -> memref<1x64x16xf32, #tpu.memory_space<vmem>>
        %swap3A_3471 = tpu.memref_squeeze %swap3A_3470 : memref<1x64x16xf32, #tpu.memory_space<vmem>> -> memref<64x16xf32, #tpu.memory_space<vmem>>
        %swap3A_3472 = arith.index_cast %swap3A_3467 : i32 to index
        %swap3A_3473 = arith.constant 0 : index
        %swap3A_3474 = tpu.vector_load %swap3A_3471[%swap3A_3472, %swap3A_3473] {strides = array<i32>} : memref<64x16xf32, #tpu.memory_space<vmem>>, vector<1x16xf32>,
        %swap3A_3475 = vector.shape_cast %swap3A_3474 : vector<1x16xf32> to vector<16xf32>
        %swap3A_3476 = vector.shape_cast %add3A_3466 : vector<16xf32> to vector<1x16xf32>
        tpu.vector_store %swap3A_3471[%swap3A_3472, %swap3A_3473], %swap3A_3476 {strides = array<i32>} : memref<64x16xf32, #tpu.memory_space<vmem>>, vector<1x16xf32>,
        %eq3A_3477 = arith.constant 5 : i32
        %eq3A_3478 = vector.broadcast %eq3A_3477 : i32 to vector<16xi32>
        %eq3A_3479 = arith.cmpi eq, %select_n3A_3267, %eq3A_3478 : vector<16xi32>
        %jit3A_3480 = arith.constant 0.000000e+00 : f32
        %broadcast_in_dim3A_3481 = vector.broadcast %jit3A_3480 : f32 to vector<16xf32>
        %select_n3A_3482 = arith.select %eq3A_3479, %mul3A_3360, %broadcast_in_dim3A_3481 : vector<16xi1>, vector<16xf32>
        %eq3A_3483 = arith.constant 5 : i32
        %eq3A_3484 = vector.broadcast %eq3A_3483 : i32 to vector<16xi32>
        %eq3A_3485 = arith.cmpi eq, %select_n3A_3359, %eq3A_3484 : vector<16xi32>
        %jit3A_3486 = arith.constant 0.000000e+00 : f32
        %broadcast_in_dim3A_3487 = vector.broadcast %jit3A_3486 : f32 to vector<16xf32>
        %select_n3A_3488 = arith.select %eq3A_3485, %mul3A_3361, %broadcast_in_dim3A_3487 : vector<16xi1>, vector<16xf32>
        %add3A_3489 = arith.addf %select_n3A_3482, %select_n3A_3488 : vector<16xf32>
        %swap3A_3490 = arith.constant 61 : i32
        %swap3A_3491 = arith.constant 0 : i32
        %swap3A_3492 = arith.constant 0 : i32
        %swap3A_3493 = tpu.memref_slice %run_scoped3A_8[%rem3A_193, %swap3A_3491, %swap3A_3492] : memref<2x64x16xf32, #tpu.memory_space<vmem>> -> memref<1x64x16xf32, #tpu.memory_space<vmem>>
        %swap3A_3494 = tpu.memref_squeeze %swap3A_3493 : memref<1x64x16xf32, #tpu.memory_space<vmem>> -> memref<64x16xf32, #tpu.memory_space<vmem>>
        %swap3A_3495 = arith.index_cast %swap3A_3490 : i32 to index
        %swap3A_3496 = arith.constant 0 : index
        %swap3A_3497 = tpu.vector_load %swap3A_3494[%swap3A_3495, %swap3A_3496] {strides = array<i32>} : memref<64x16xf32, #tpu.memory_space<vmem>>, vector<1x16xf32>,
        %swap3A_3498 = vector.shape_cast %swap3A_3497 : vector<1x16xf32> to vector<16xf32>
        %swap3A_3499 = vector.shape_cast %add3A_3489 : vector<16xf32> to vector<1x16xf32>
        tpu.vector_store %swap3A_3494[%swap3A_3495, %swap3A_3496], %swap3A_3499 {strides = array<i32>} : memref<64x16xf32, #tpu.memory_space<vmem>>, vector<1x16xf32>,
        %eq3A_3500 = arith.constant 6 : i32
        %eq3A_3501 = vector.broadcast %eq3A_3500 : i32 to vector<16xi32>
        %eq3A_3502 = arith.cmpi eq, %select_n3A_3267, %eq3A_3501 : vector<16xi32>
        %jit3A_3503 = arith.constant 0.000000e+00 : f32
        %broadcast_in_dim3A_3504 = vector.broadcast %jit3A_3503 : f32 to vector<16xf32>
        %select_n3A_3505 = arith.select %eq3A_3502, %mul3A_3360, %broadcast_in_dim3A_3504 : vector<16xi1>, vector<16xf32>
        %eq3A_3506 = arith.constant 6 : i32
        %eq3A_3507 = vector.broadcast %eq3A_3506 : i32 to vector<16xi32>
        %eq3A_3508 = arith.cmpi eq, %select_n3A_3359, %eq3A_3507 : vector<16xi32>
        %jit3A_3509 = arith.constant 0.000000e+00 : f32
        %broadcast_in_dim3A_3510 = vector.broadcast %jit3A_3509 : f32 to vector<16xf32>
        %select_n3A_3511 = arith.select %eq3A_3508, %mul3A_3361, %broadcast_in_dim3A_3510 : vector<16xi1>, vector<16xf32>
        %add3A_3512 = arith.addf %select_n3A_3505, %select_n3A_3511 : vector<16xf32>
        %swap3A_3513 = arith.constant 62 : i32
        %swap3A_3514 = arith.constant 0 : i32
        %swap3A_3515 = arith.constant 0 : i32
        %swap3A_3516 = tpu.memref_slice %run_scoped3A_8[%rem3A_193, %swap3A_3514, %swap3A_3515] : memref<2x64x16xf32, #tpu.memory_space<vmem>> -> memref<1x64x16xf32, #tpu.memory_space<vmem>>
        %swap3A_3517 = tpu.memref_squeeze %swap3A_3516 : memref<1x64x16xf32, #tpu.memory_space<vmem>> -> memref<64x16xf32, #tpu.memory_space<vmem>>
        %swap3A_3518 = arith.index_cast %swap3A_3513 : i32 to index
        %swap3A_3519 = arith.constant 0 : index
        %swap3A_3520 = tpu.vector_load %swap3A_3517[%swap3A_3518, %swap3A_3519] {strides = array<i32>} : memref<64x16xf32, #tpu.memory_space<vmem>>, vector<1x16xf32>,
        %swap3A_3521 = vector.shape_cast %swap3A_3520 : vector<1x16xf32> to vector<16xf32>
        %swap3A_3522 = vector.shape_cast %add3A_3512 : vector<16xf32> to vector<1x16xf32>
        tpu.vector_store %swap3A_3517[%swap3A_3518, %swap3A_3519], %swap3A_3522 {strides = array<i32>} : memref<64x16xf32, #tpu.memory_space<vmem>>, vector<1x16xf32>,
        %eq3A_3523 = arith.constant 7 : i32
        %eq3A_3524 = vector.broadcast %eq3A_3523 : i32 to vector<16xi32>
        %eq3A_3525 = arith.cmpi eq, %select_n3A_3267, %eq3A_3524 : vector<16xi32>
        %jit3A_3526 = arith.constant 0.000000e+00 : f32
        %broadcast_in_dim3A_3527 = vector.broadcast %jit3A_3526 : f32 to vector<16xf32>
        %select_n3A_3528 = arith.select %eq3A_3525, %mul3A_3360, %broadcast_in_dim3A_3527 : vector<16xi1>, vector<16xf32>
        %eq3A_3529 = arith.constant 7 : i32
        %eq3A_3530 = vector.broadcast %eq3A_3529 : i32 to vector<16xi32>
        %eq3A_3531 = arith.cmpi eq, %select_n3A_3359, %eq3A_3530 : vector<16xi32>
        %jit3A_3532 = arith.constant 0.000000e+00 : f32
        %broadcast_in_dim3A_3533 = vector.broadcast %jit3A_3532 : f32 to vector<16xf32>
        %select_n3A_3534 = arith.select %eq3A_3531, %mul3A_3361, %broadcast_in_dim3A_3533 : vector<16xi1>, vector<16xf32>
        %add3A_3535 = arith.addf %select_n3A_3528, %select_n3A_3534 : vector<16xf32>
        %swap3A_3536 = arith.constant 63 : i32
        %swap3A_3537 = arith.constant 0 : i32
        %swap3A_3538 = arith.constant 0 : i32
        %swap3A_3539 = tpu.memref_slice %run_scoped3A_8[%rem3A_193, %swap3A_3537, %swap3A_3538] : memref<2x64x16xf32, #tpu.memory_space<vmem>> -> memref<1x64x16xf32, #tpu.memory_space<vmem>>
        %swap3A_3540 = tpu.memref_squeeze %swap3A_3539 : memref<1x64x16xf32, #tpu.memory_space<vmem>> -> memref<64x16xf32, #tpu.memory_space<vmem>>
        %swap3A_3541 = arith.index_cast %swap3A_3536 : i32 to index
        %swap3A_3542 = arith.constant 0 : index
        %swap3A_3543 = tpu.vector_load %swap3A_3540[%swap3A_3541, %swap3A_3542] {strides = array<i32>} : memref<64x16xf32, #tpu.memory_space<vmem>>, vector<1x16xf32>,
        %swap3A_3544 = vector.shape_cast %swap3A_3543 : vector<1x16xf32> to vector<16xf32>
        %swap3A_3545 = vector.shape_cast %add3A_3535 : vector<16xf32> to vector<1x16xf32>
        tpu.vector_store %swap3A_3540[%swap3A_3541, %swap3A_3542], %swap3A_3545 {strides = array<i32>} : memref<64x16xf32, #tpu.memory_space<vmem>>, vector<1x16xf32>,
        "tpu.trace_stop"() : () -> ()
        %ne3A_3546 = arith.cmpi ne, %add3A_131, %add3A_149 : i32
        %or3A_3547 = arith.constant false
        %or3A_3548 = arith.ori %or3A_3547, %ne3A_3546 : i1
        %or3A_3549 = arith.ori %or3A_3548, %eq3A_130 : i1
        %convert_element_type3A_3550 = arith.extui %or3A_3549 : i1 to i32
        %cond3A_3551 = arith.constant 0 : i32
        %cond3A_3552 = arith.cmpi ne, %convert_element_type3A_3550, %cond3A_3551 : i32
        scf.if %cond3A_3552 {
        } else {
        }
        %and3A_3553 = arith.constant false
        %and3A_3554 = arith.andi %or3A_3549, %and3A_3553 : i1
        %ne3A_3555 = arith.cmpi ne, %add3A_131, %add3A_149 : i32
        %or3A_3556 = arith.constant false
        %or3A_3557 = arith.ori %or3A_3556, %ne3A_3555 : i1
        %or3A_3558 = arith.ori %or3A_3557, %eq3A_130 : i1
        %convert_element_type3A_3559 = arith.extui %or3A_3558 : i1 to i32
        %cond3A_3560 = arith.constant 0 : i32
        %cond3A_3561 = arith.cmpi ne, %convert_element_type3A_3559, %cond3A_3560 : i32
        scf.if %cond3A_3561 {
          "tpu.trace_start"() <{level = 10 : i32, message = "ep_copy_out"}> : () -> ()
          %rem3A_3607 = arith.constant 2 : i32
          %rem3A_3608 = arith.remui %scan3A_124, %rem3A_3607 : i32
          %mul3A_3609 = arith.constant 16 : i32
          %mul3A_3610 = arith.muli %mul3A_3609, %add3A_131 : i32
          %dma_start3A_3611 = arith.constant 0 : i32
          %dma_start3A_3612 = arith.constant 0 : i32
          %dma_start3A_3613 = tpu.memref_slice %run_scoped3A_8[%rem3A_3608, %dma_start3A_3611, %dma_start3A_3612] : memref<2x64x16xf32, #tpu.memory_space<vmem>> -> memref<1x64x16xf32, #tpu.memory_space<vmem>>
          %dma_start3A_3614 = tpu.memref_squeeze %dma_start3A_3613 : memref<1x64x16xf32, #tpu.memory_space<vmem>> -> memref<64x16xf32, #tpu.memory_space<vmem>>
          %dma_start3A_3615 = arith.constant 0 : i32
          %dma_start3A_3616 = tpu.memref_slice %arg3[%dma_start3A_3615, %mul3A_3610] : memref<64x2048xf32, #tpu.memory_space<hbm>> -> memref<64x16xf32, #tpu.memory_space<hbm>>
          %dma_start3A_3617 = tpu.memref_slice %run_scoped3A_9[%rem3A_3608] : memref<2x!tpu.dma_semaphore, #tpu.memory_space<semaphore_mem>> -> memref<1x!tpu.dma_semaphore, #tpu.memory_space<semaphore_mem>>
          %dma_start3A_3618 = tpu.memref_squeeze %dma_start3A_3617 : memref<1x!tpu.dma_semaphore, #tpu.memory_space<semaphore_mem>> -> memref<!tpu.dma_semaphore, #tpu.memory_space<semaphore_mem>>
          %dma_start3A_3619 = arith.constant 0 : i32
          %dma_start3A_3620 = tpu.memref_slice %arg3[%dma_start3A_3619, %mul3A_3610] : memref<64x2048xf32, #tpu.memory_space<hbm>> -> memref<64x16xf32, #tpu.memory_space<hbm>>
          %dma_start3A_3621 = arith.constant 0 : i32
          %dma_start3A_3622 = arith.constant 0 : i32
          %dma_start3A_3623 = tpu.memref_slice %run_scoped3A_8[%rem3A_3608, %dma_start3A_3621, %dma_start3A_3622] : memref<2x64x16xf32, #tpu.memory_space<vmem>> -> memref<1x64x16xf32, #tpu.memory_space<vmem>>
          %dma_start3A_3624 = tpu.memref_squeeze %dma_start3A_3623 : memref<1x64x16xf32, #tpu.memory_space<vmem>> -> memref<64x16xf32, #tpu.memory_space<vmem>>
          tpu.enqueue_dma source(%dma_start3A_3624 : memref<64x16xf32, #tpu.memory_space<vmem>>) target(%dma_start3A_3620 : memref<64x16xf32, #tpu.memory_space<hbm>>) target_semaphore(%dma_start3A_3618 : memref<!tpu.dma_semaphore, #tpu.memory_space<semaphore_mem>>)
          "tpu.trace_stop"() : () -> ()
        } else {
        }
        %and3A_3562 = arith.constant true
        %and3A_3563 = arith.andi %or3A_3558, %and3A_3562 : i1
        %add3A_3564 = arith.constant 1 : i32
        %add3A_3565 = arith.addi %scan3A_124, %add3A_3564 : i32
        %select_n3A_3566 = arith.select %and3A_3563, %add3A_3565, %scan3A_124 : i32
        %ne3A_3567 = arith.cmpi ne, %add3A_131, %add3A_140 : i32
        %or3A_3568 = arith.constant false
        %or3A_3569 = arith.ori %or3A_3568, %ne3A_3567 : i1
        %not3A_3570 = arith.constant true
        %not3A_3571 = arith.xori %eq3A_128, %not3A_3570 : i1
        %and3A_3572 = arith.andi %or3A_3569, %not3A_3571 : i1
        %convert_element_type3A_3573 = arith.extui %and3A_3572 : i1 to i32
        %cond3A_3574 = arith.constant 0 : i32
        %cond3A_3575 = arith.cmpi ne, %convert_element_type3A_3573, %cond3A_3574 : i32
        scf.if %cond3A_3575 {
        } else {
        }
        %and3A_3576 = arith.constant false
        %and3A_3577 = arith.andi %and3A_3572, %and3A_3576 : i1
        %ne3A_3578 = arith.cmpi ne, %add3A_131, %add3A_140 : i32
        %or3A_3579 = arith.constant false
        %or3A_3580 = arith.ori %or3A_3579, %ne3A_3578 : i1
        %not3A_3581 = arith.constant true
        %not3A_3582 = arith.xori %eq3A_128, %not3A_3581 : i1
        %and3A_3583 = arith.andi %or3A_3580, %not3A_3582 : i1
        %convert_element_type3A_3584 = arith.extui %and3A_3583 : i1 to i32
        %cond3A_3585 = arith.constant 0 : i32
        %cond3A_3586 = arith.cmpi ne, %convert_element_type3A_3584, %cond3A_3585 : i32
        scf.if %cond3A_3586 {
          "tpu.trace_start"() <{level = 10 : i32, message = "ep_wait_out"}> : () -> ()
          %rem3A_3607 = arith.constant 2 : i32
          %rem3A_3608 = arith.remui %scan3A_125, %rem3A_3607 : i32
          %mul3A_3609 = arith.constant 16 : i32
          %mul3A_3610 = arith.muli %mul3A_3609, %add3A_140 : i32
          %dma_wait3A_3611 = arith.constant 0 : i32
          %dma_wait3A_3612 = arith.constant 0 : i32
          %dma_wait3A_3613 = tpu.memref_slice %run_scoped3A_8[%rem3A_3608, %dma_wait3A_3611, %dma_wait3A_3612] : memref<2x64x16xf32, #tpu.memory_space<vmem>> -> memref<1x64x16xf32, #tpu.memory_space<vmem>>
          %dma_wait3A_3614 = tpu.memref_squeeze %dma_wait3A_3613 : memref<1x64x16xf32, #tpu.memory_space<vmem>> -> memref<64x16xf32, #tpu.memory_space<vmem>>
          %dma_wait3A_3615 = arith.constant 0 : i32
          %dma_wait3A_3616 = tpu.memref_slice %arg3[%dma_wait3A_3615, %mul3A_3610] : memref<64x2048xf32, #tpu.memory_space<hbm>> -> memref<64x16xf32, #tpu.memory_space<hbm>>
          %dma_wait3A_3617 = tpu.memref_slice %run_scoped3A_9[%rem3A_3608] : memref<2x!tpu.dma_semaphore, #tpu.memory_space<semaphore_mem>> -> memref<1x!tpu.dma_semaphore, #tpu.memory_space<semaphore_mem>>
          %dma_wait3A_3618 = tpu.memref_squeeze %dma_wait3A_3617 : memref<1x!tpu.dma_semaphore, #tpu.memory_space<semaphore_mem>> -> memref<!tpu.dma_semaphore, #tpu.memory_space<semaphore_mem>>
          %dma_wait3A_3619 = arith.constant 0 : i32
          %dma_wait3A_3620 = tpu.memref_slice %arg3[%dma_wait3A_3619, %mul3A_3610] : memref<64x2048xf32, #tpu.memory_space<hbm>> -> memref<64x16xf32, #tpu.memory_space<hbm>>
          %dma_wait3A_3621 = arith.constant 0 : i32
          %dma_wait3A_3622 = arith.constant 0 : i32
          %dma_wait3A_3623 = tpu.memref_slice %run_scoped3A_8[%rem3A_3608, %dma_wait3A_3621, %dma_wait3A_3622] : memref<2x64x16xf32, #tpu.memory_space<vmem>> -> memref<1x64x16xf32, #tpu.memory_space<vmem>>
          %dma_wait3A_3624 = tpu.memref_squeeze %dma_wait3A_3623 : memref<1x64x16xf32, #tpu.memory_space<vmem>> -> memref<64x16xf32, #tpu.memory_space<vmem>>
          tpu.wait_dma2 semaphore(%dma_wait3A_3618 : memref<!tpu.dma_semaphore, #tpu.memory_space<semaphore_mem>>) src(%dma_wait3A_3624 : memref<64x16xf32, #tpu.memory_space<vmem>>) dst(%dma_wait3A_3620 : memref<64x16xf32, #tpu.memory_space<hbm>>)
          "tpu.trace_stop"() : () -> ()
        } else {
        }
        %and3A_3587 = arith.constant true
        %and3A_3588 = arith.andi %and3A_3583, %and3A_3587 : i1
        %add3A_3589 = arith.constant 1 : i32
        %add3A_3590 = arith.addi %scan3A_125, %add3A_3589 : i32
        %select_n3A_3591 = arith.select %and3A_3588, %add3A_3590, %scan3A_125 : i32
        %ne3A_3592 = arith.cmpi ne, %add3A_131, %add3A_149 : i32
        %or3A_3593 = arith.constant false
        %or3A_3594 = arith.ori %or3A_3593, %ne3A_3592 : i1
        %or3A_3595 = arith.ori %or3A_3594, %eq3A_130 : i1
        %add3A_3596 = arith.constant 1 : i32
        %add3A_3597 = arith.addi %scan3A_123, %add3A_3596 : i32
        %select_n3A_3598 = arith.select %or3A_3595, %add3A_3597, %scan3A_123 : i32
        %add3A_3599 = arith.constant 1 : i32
        %add3A_3600 = arith.addi %scan3A_126, %add3A_3599 : i32
        %select_n3A_3601 = arith.constant true
        %select_n3A_3602 = arith.select %select_n3A_3601, %add3A_3600, %scan3A_126 : i32
        %eq3A_3603 = arith.constant 4 : i32
        %eq3A_3604 = arith.cmpi eq, %select_n3A_3602, %eq3A_3603 : i32
        %select_n3A_3605 = arith.constant 0 : i32
        %select_n3A_3606 = arith.select %eq3A_3604, %select_n3A_3605, %select_n3A_3602 : i32
        scf.yield %select_n3A_167, %select_n3A_3598, %select_n3A_3566, %select_n3A_3591, %select_n3A_3606 : i32, i32, i32, i32, i32
      }
      %scan3A_68 = arith.constant 4 : i32
      %sub3A = arith.constant 1 : i32
      %sub3A_69 = arith.subi %scan3A_67#4, %sub3A : i32
      %select_n3A_70 = arith.constant true
      %select_n3A_71 = arith.select %select_n3A_70, %sub3A_69, %scan3A_67#4 : i32
      %eq3A_72 = arith.constant -1 : i32
      %eq3A_73 = arith.cmpi eq, %select_n3A_71, %eq3A_72 : i32
      %select_n3A_74 = arith.constant 3 : i32
      %select_n3A_75 = arith.select %eq3A_73, %select_n3A_74, %select_n3A_71 : i32
      %add3A_76 = arith.addi %select_n3A_75, %mul3A_6 : i32
      %sub3A_77 = arith.constant 1 : i32
      %sub3A_78 = arith.subi %select_n3A_75, %sub3A_77 : i32
      %select_n3A_79 = arith.constant true
      %select_n3A_80 = arith.select %select_n3A_79, %sub3A_78, %select_n3A_75 : i32
      %eq3A_81 = arith.constant -1 : i32
      %eq3A_82 = arith.cmpi eq, %select_n3A_80, %eq3A_81 : i32
      %select_n3A_83 = arith.constant 3 : i32
      %select_n3A_84 = arith.select %eq3A_82, %select_n3A_83, %select_n3A_80 : i32
      %add3A_85 = arith.addi %select_n3A_84, %mul3A_6 : i32
      %add3A_86 = arith.constant 1 : i32
      %add3A_87 = arith.addi %select_n3A_75, %add3A_86 : i32
      %select_n3A_88 = arith.constant true
      %select_n3A_89 = arith.select %select_n3A_88, %add3A_87, %select_n3A_75 : i32
      %eq3A_90 = arith.constant 4 : i32
      %eq3A_91 = arith.cmpi eq, %select_n3A_89, %eq3A_90 : i32
      %select_n3A_92 = arith.constant 0 : i32
      %select_n3A_93 = arith.select %eq3A_91, %select_n3A_92, %select_n3A_89 : i32
      %add3A_94 = arith.addi %select_n3A_93, %mul3A_6 : i32
      %add3A_95 = arith.constant 1 : i32
      %add3A_96 = arith.addi %select_n3A_93, %add3A_95 : i32
      %select_n3A_97 = arith.constant true
      %select_n3A_98 = arith.select %select_n3A_97, %add3A_96, %select_n3A_93 : i32
      %eq3A_99 = arith.constant 4 : i32
      %eq3A_100 = arith.cmpi eq, %select_n3A_98, %eq3A_99 : i32
      %select_n3A_101 = arith.constant 0 : i32
      %select_n3A_102 = arith.select %eq3A_100, %select_n3A_101, %select_n3A_98 : i32
      %add3A_103 = arith.addi %select_n3A_102, %mul3A_6 : i32
      "tpu.trace_start"() <{level = 10 : i32, message = "ep_finalize"}> : () -> ()
      %rem3A_104 = arith.constant 2 : i32
      %rem3A_105 = arith.remui %scan3A_67#3, %rem3A_104 : i32
      %mul3A_106 = arith.constant 16 : i32
      %mul3A_107 = arith.muli %mul3A_106, %add3A_76 : i32
      %dma_wait3A = arith.constant 0 : i32
      %dma_wait3A_108 = arith.constant 0 : i32
      %dma_wait3A_109 = tpu.memref_slice %run_scoped3A_8[%rem3A_105, %dma_wait3A, %dma_wait3A_108] : memref<2x64x16xf32, #tpu.memory_space<vmem>> -> memref<1x64x16xf32, #tpu.memory_space<vmem>>
      %dma_wait3A_110 = tpu.memref_squeeze %dma_wait3A_109 : memref<1x64x16xf32, #tpu.memory_space<vmem>> -> memref<64x16xf32, #tpu.memory_space<vmem>>
      %dma_wait3A_111 = arith.constant 0 : i32
      %dma_wait3A_112 = tpu.memref_slice %arg3[%dma_wait3A_111, %mul3A_107] : memref<64x2048xf32, #tpu.memory_space<hbm>> -> memref<64x16xf32, #tpu.memory_space<hbm>>
      %dma_wait3A_113 = tpu.memref_slice %run_scoped3A_9[%rem3A_105] : memref<2x!tpu.dma_semaphore, #tpu.memory_space<semaphore_mem>> -> memref<1x!tpu.dma_semaphore, #tpu.memory_space<semaphore_mem>>
      %dma_wait3A_114 = tpu.memref_squeeze %dma_wait3A_113 : memref<1x!tpu.dma_semaphore, #tpu.memory_space<semaphore_mem>> -> memref<!tpu.dma_semaphore, #tpu.memory_space<semaphore_mem>>
      %dma_wait3A_115 = arith.constant 0 : i32
      %dma_wait3A_116 = tpu.memref_slice %arg3[%dma_wait3A_115, %mul3A_107] : memref<64x2048xf32, #tpu.memory_space<hbm>> -> memref<64x16xf32, #tpu.memory_space<hbm>>
      %dma_wait3A_117 = arith.constant 0 : i32
      %dma_wait3A_118 = arith.constant 0 : i32
      %dma_wait3A_119 = tpu.memref_slice %run_scoped3A_8[%rem3A_105, %dma_wait3A_117, %dma_wait3A_118] : memref<2x64x16xf32, #tpu.memory_space<vmem>> -> memref<1x64x16xf32, #tpu.memory_space<vmem>>
      %dma_wait3A_120 = tpu.memref_squeeze %dma_wait3A_119 : memref<1x64x16xf32, #tpu.memory_space<vmem>> -> memref<64x16xf32, #tpu.memory_space<vmem>>
      tpu.wait_dma2 semaphore(%dma_wait3A_114 : memref<!tpu.dma_semaphore, #tpu.memory_space<semaphore_mem>>) src(%dma_wait3A_120 : memref<64x16xf32, #tpu.memory_space<vmem>>) dst(%dma_wait3A_116 : memref<64x16xf32, #tpu.memory_space<hbm>>)
      "tpu.trace_stop"() : () -> ()
      tpu.yield
    }) : () -> ()
    return
  }
}

module attributes {stable_mosaic.version = 14 : i64} {
  func.func @_head_router_block(%arg0: i32, %arg1: memref<1024x1024xf32, #tpu.memory_space<vmem>>, %arg2: memref<1024x1024xbf16, #tpu.memory_space<vmem>>, %arg3: memref<1x1024xf32, #tpu.memory_space<vmem>>, %arg4: memref<1024x64xbf16, #tpu.memory_space<vmem>>, %arg5: memref<1024x1024xbf16, #tpu.memory_space<vmem>>, %arg6: memref<64x1024xf32, #tpu.memory_space<vmem>>) attributes {dimension_semantics = [#tpu.dimension_semantics<parallel>], iteration_bounds = array<i64: 2>, scalar_prefetch = 0 : i64, scratch_operands = 0 : i64, tpu.core_type = #tpu.core_type<tc>, window_params = [{transform_indices = @transform_0, window_bounds = array<i64: 1024, 1024>}, {pipeline_mode = #tpu.pipeline_mode<synchronous>, transform_indices = @transform_1, window_bounds = array<i64: 1024, 1024>}, {pipeline_mode = #tpu.pipeline_mode<synchronous>, transform_indices = @transform_2, window_bounds = array<i64: 1, 1024>}, {pipeline_mode = #tpu.pipeline_mode<synchronous>, transform_indices = @transform_3, window_bounds = array<i64: 1024, 64>}, {transform_indices = @transform_4, window_bounds = array<i64: 1024, 1024>}, {transform_indices = @transform_5, window_bounds = array<i64: 64, 1024>}]} {
    %get3A = arith.constant 0 : index
    %get3A_0 = arith.constant 0 : index
    %get3A_1 = vector.load %arg1[%get3A, %get3A_0] : memref<1024x1024xf32, #tpu.memory_space<vmem>>, vector<1024x1024xf32>
    %convert_element_type3A = arith.truncf %get3A_1 : vector<1024x1024xf32> to vector<1024x1024xbf16>
    %get3A_2 = arith.constant 0 : index
    %get3A_3 = arith.constant 0 : index
    %get3A_4 = vector.load %arg2[%get3A_2, %get3A_3] : memref<1024x1024xbf16, #tpu.memory_space<vmem>>, vector<1024x1024xbf16>
    %dot_general3A = arith.constant dense<0.000000e+00> : vector<1024x1024xf32>
    %dot_general3A_5 = tpu.matmul %convert_element_type3A, %get3A_4, %dot_general3A {dimension_numbers = #tpu.dot_dimension_numbers<[1], [0], [0], [1], [0, 0, 1, 1], [], []>, transpose_lhs_hint = false} : vector<1024x1024xbf16>, vector<1024x1024xbf16>, vector<1024x1024xf32> -> vector<1024x1024xf32>
    %get3A_6 = arith.constant 0 : index
    %get3A_7 = arith.constant 0 : index
    %get3A_8 = vector.load %arg3[%get3A_6, %get3A_7] : memref<1x1024xf32, #tpu.memory_space<vmem>>, vector<1x1024xf32>
    %add3A = vector.broadcast %get3A_8 : vector<1x1024xf32> to vector<1024x1024xf32>
    %add3A_9 = arith.addf %dot_general3A_5, %add3A : vector<1024x1024xf32>
    %convert_element_type3A_10 = arith.truncf %add3A_9 : vector<1024x1024xf32> to vector<1024x1024xbf16>
    %swap3A = arith.constant 0 : index
    %swap3A_11 = arith.constant 0 : index
    %swap3A_12 = vector.load %arg5[%swap3A, %swap3A_11] : memref<1024x1024xbf16, #tpu.memory_space<vmem>>, vector<1024x1024xbf16>
    tpu.vector_store %arg5[%swap3A, %swap3A_11], %convert_element_type3A_10 {strides = array<i32>} : memref<1024x1024xbf16, #tpu.memory_space<vmem>>, vector<1024x1024xbf16>,
    %get3A_13 = arith.constant 0 : index
    %get3A_14 = arith.constant 0 : index
    %get3A_15 = vector.load %arg4[%get3A_13, %get3A_14] : memref<1024x64xbf16, #tpu.memory_space<vmem>>, vector<1024x64xbf16>
    %dot_general3A_16 = arith.constant dense<0.000000e+00> : vector<1024x64xf32>
    %dot_general3A_17 = tpu.matmul %convert_element_type3A_10, %get3A_15, %dot_general3A_16 {dimension_numbers = #tpu.dot_dimension_numbers<[1], [0], [0], [1], [0, 0, 1, 1], [], []>, transpose_lhs_hint = false} : vector<1024x1024xbf16>, vector<1024x64xbf16>, vector<1024x64xf32> -> vector<1024x64xf32>
    %transpose3A = tpu.transpose %dot_general3A_17, [1, 0] : vector<1024x64xf32> -> vector<64x1024xf32>
    %swap3A_18 = arith.constant 0 : index
    %swap3A_19 = arith.constant 0 : index
    %swap3A_20 = vector.load %arg6[%swap3A_18, %swap3A_19] : memref<64x1024xf32, #tpu.memory_space<vmem>>, vector<64x1024xf32>
    tpu.vector_store %arg6[%swap3A_18, %swap3A_19], %transpose3A {strides = array<i32>} : memref<64x1024xf32, #tpu.memory_space<vmem>>, vector<64x1024xf32>,
    return
  }
  func.func @transform_0(%arg0: i32) -> (i32, i32) {
    %c0_i32 = arith.constant 0 : i32
    %c0_i32_0 = arith.constant 0 : i32
    return %arg0, %c0_i32 : i32, i32
  }
  func.func @transform_1(%arg0: i32) -> (i32, i32) {
    %c0_i32 = arith.constant 0 : i32
    %c0_i32_0 = arith.constant 0 : i32
    %c0_i32_1 = arith.constant 0 : i32
    return %c0_i32, %c0_i32_0 : i32, i32
  }
  func.func @transform_2(%arg0: i32) -> (i32, i32) {
    %c0_i32 = arith.constant 0 : i32
    %c0_i32_0 = arith.constant 0 : i32
    %c0_i32_1 = arith.constant 0 : i32
    return %c0_i32, %c0_i32_0 : i32, i32
  }
  func.func @transform_3(%arg0: i32) -> (i32, i32) {
    %c0_i32 = arith.constant 0 : i32
    %c0_i32_0 = arith.constant 0 : i32
    %c0_i32_1 = arith.constant 0 : i32
    return %c0_i32, %c0_i32_0 : i32, i32
  }
  func.func @transform_4(%arg0: i32) -> (i32, i32) {
    %c0_i32 = arith.constant 0 : i32
    %c0_i32_0 = arith.constant 0 : i32
    return %arg0, %c0_i32 : i32, i32
  }
  func.func @transform_5(%arg0: i32) -> (i32, i32) {
    %c0_i32 = arith.constant 0 : i32
    %c0_i32_0 = arith.constant 0 : i32
    return %c0_i32, %arg0 : i32, i32
  }
}

module attributes {stable_mosaic.version = 14 : i64} {
  func.func @_expert_block(%arg0: i32, %arg1: memref<1024x1024xbf16, #tpu.memory_space<vmem>>, %arg2: memref<64x1024xf32, #tpu.memory_space<vmem>>, %arg3: memref<128x2048xbf16, #tpu.memory_space<vmem>>, %arg4: memref<2048x128xbf16, #tpu.memory_space<vmem>>, %arg5: memref<1024x1024xbf16, #tpu.memory_space<vmem>>, %arg6: memref<1x1024xf32, #tpu.memory_space<vmem>>, %arg7: memref<1024x1024xf32, #tpu.memory_space<vmem>>) attributes {dimension_semantics = [#tpu.dimension_semantics<parallel>], iteration_bounds = array<i64: 2>, scalar_prefetch = 0 : i64, scratch_operands = 0 : i64, tpu.core_type = #tpu.core_type<tc>, window_params = [{transform_indices = @transform_0, window_bounds = array<i64: 1024, 1024>}, {transform_indices = @transform_1, window_bounds = array<i64: 64, 1024>}, {pipeline_mode = #tpu.pipeline_mode<synchronous>, transform_indices = @transform_2, window_bounds = array<i64: 128, 2048>}, {pipeline_mode = #tpu.pipeline_mode<synchronous>, transform_indices = @transform_3, window_bounds = array<i64: 2048, 128>}, {pipeline_mode = #tpu.pipeline_mode<synchronous>, transform_indices = @transform_4, window_bounds = array<i64: 1024, 1024>}, {pipeline_mode = #tpu.pipeline_mode<synchronous>, transform_indices = @transform_5, window_bounds = array<i64: 1, 1024>}, {transform_indices = @transform_6, window_bounds = array<i64: 1024, 1024>}]} {
    %get3A = arith.constant 0 : index
    %get3A_0 = arith.constant 0 : index
    %get3A_1 = vector.load %arg1[%get3A, %get3A_0] : memref<1024x1024xbf16, #tpu.memory_space<vmem>>, vector<1024x1024xbf16>
    %get3A_2 = arith.constant 0 : index
    %get3A_3 = arith.constant 0 : index
    %get3A_4 = vector.load %arg2[%get3A_2, %get3A_3] : memref<64x1024xf32, #tpu.memory_space<vmem>>, vector<64x1024xf32>
    %transpose3A = tpu.transpose %get3A_4, [1, 0] : vector<64x1024xf32> -> vector<1024x64xf32>
    %convert_element_type3A = arith.truncf %transpose3A : vector<1024x64xf32> to vector<1024x64xbf16>
    %slice3A = vector.extract_strided_slice %get3A_1 {offsets = [0, 0], sizes = [1024, 128], strides = [1, 1]} : vector<1024x1024xbf16> to vector<1024x128xbf16>
    %get3A_5 = arith.constant 0 : index
    %get3A_6 = arith.constant 0 : index
    %get3A_7 = vector.load %arg3[%get3A_5, %get3A_6] : memref<128x2048xbf16, #tpu.memory_space<vmem>>, vector<128x2048xbf16>
    %dot_general3A = arith.constant dense<0.000000e+00> : vector<1024x2048xf32>
    %dot_general3A_8 = tpu.matmul %slice3A, %get3A_7, %dot_general3A {dimension_numbers = #tpu.dot_dimension_numbers<[1], [0], [0], [1], [0, 0, 1, 1], [], []>, transpose_lhs_hint = false} : vector<1024x128xbf16>, vector<128x2048xbf16>, vector<1024x2048xf32> -> vector<1024x2048xf32>
    %convert_element_type3A_9 = arith.truncf %dot_general3A_8 : vector<1024x2048xf32> to vector<1024x2048xbf16>
    %slice3A_10 = vector.extract_strided_slice %convert_element_type3A_9 {offsets = [0, 0], sizes = [1024, 256], strides = [1, 1]} : vector<1024x2048xbf16> to vector<1024x256xbf16>
    %max3A = arith.constant 0.000000e+00 : bf16
    %max3A_11 = vector.broadcast %max3A : bf16 to vector<1024x256xbf16>
    %max3A_12 = arith.maximumf %slice3A_10, %max3A_11 : vector<1024x256xbf16>
    %square3A = arith.mulf %max3A_12, %max3A_12 : vector<1024x256xbf16>
    %slice3A_13 = vector.extract_strided_slice %convert_element_type3A {offsets = [0, 0], sizes = [1024, 1], strides = [1, 1]} : vector<1024x64xbf16> to vector<1024x1xbf16>
    %mul3A = vector.broadcast %slice3A_13 : vector<1024x1xbf16> to vector<1024x256xbf16>
    %mul3A_14 = arith.mulf %square3A, %mul3A : vector<1024x256xbf16>
    %slice3A_15 = vector.extract_strided_slice %convert_element_type3A_9 {offsets = [0, 256], sizes = [1024, 256], strides = [1, 1]} : vector<1024x2048xbf16> to vector<1024x256xbf16>
    %max3A_16 = arith.constant 0.000000e+00 : bf16
    %max3A_17 = vector.broadcast %max3A_16 : bf16 to vector<1024x256xbf16>
    %max3A_18 = arith.maximumf %slice3A_15, %max3A_17 : vector<1024x256xbf16>
    %square3A_19 = arith.mulf %max3A_18, %max3A_18 : vector<1024x256xbf16>
    %slice3A_20 = vector.extract_strided_slice %convert_element_type3A {offsets = [0, 1], sizes = [1024, 1], strides = [1, 1]} : vector<1024x64xbf16> to vector<1024x1xbf16>
    %mul3A_21 = vector.broadcast %slice3A_20 : vector<1024x1xbf16> to vector<1024x256xbf16>
    %mul3A_22 = arith.mulf %square3A_19, %mul3A_21 : vector<1024x256xbf16>
    %slice3A_23 = vector.extract_strided_slice %convert_element_type3A_9 {offsets = [0, 512], sizes = [1024, 256], strides = [1, 1]} : vector<1024x2048xbf16> to vector<1024x256xbf16>
    %max3A_24 = arith.constant 0.000000e+00 : bf16
    %max3A_25 = vector.broadcast %max3A_24 : bf16 to vector<1024x256xbf16>
    %max3A_26 = arith.maximumf %slice3A_23, %max3A_25 : vector<1024x256xbf16>
    %square3A_27 = arith.mulf %max3A_26, %max3A_26 : vector<1024x256xbf16>
    %slice3A_28 = vector.extract_strided_slice %convert_element_type3A {offsets = [0, 2], sizes = [1024, 1], strides = [1, 1]} : vector<1024x64xbf16> to vector<1024x1xbf16>
    %mul3A_29 = vector.broadcast %slice3A_28 : vector<1024x1xbf16> to vector<1024x256xbf16>
    %mul3A_30 = arith.mulf %square3A_27, %mul3A_29 : vector<1024x256xbf16>
    %slice3A_31 = vector.extract_strided_slice %convert_element_type3A_9 {offsets = [0, 768], sizes = [1024, 256], strides = [1, 1]} : vector<1024x2048xbf16> to vector<1024x256xbf16>
    %max3A_32 = arith.constant 0.000000e+00 : bf16
    %max3A_33 = vector.broadcast %max3A_32 : bf16 to vector<1024x256xbf16>
    %max3A_34 = arith.maximumf %slice3A_31, %max3A_33 : vector<1024x256xbf16>
    %square3A_35 = arith.mulf %max3A_34, %max3A_34 : vector<1024x256xbf16>
    %slice3A_36 = vector.extract_strided_slice %convert_element_type3A {offsets = [0, 3], sizes = [1024, 1], strides = [1, 1]} : vector<1024x64xbf16> to vector<1024x1xbf16>
    %mul3A_37 = vector.broadcast %slice3A_36 : vector<1024x1xbf16> to vector<1024x256xbf16>
    %mul3A_38 = arith.mulf %square3A_35, %mul3A_37 : vector<1024x256xbf16>
    %slice3A_39 = vector.extract_strided_slice %convert_element_type3A_9 {offsets = [0, 1024], sizes = [1024, 256], strides = [1, 1]} : vector<1024x2048xbf16> to vector<1024x256xbf16>
    %max3A_40 = arith.constant 0.000000e+00 : bf16
    %max3A_41 = vector.broadcast %max3A_40 : bf16 to vector<1024x256xbf16>
    %max3A_42 = arith.maximumf %slice3A_39, %max3A_41 : vector<1024x256xbf16>
    %square3A_43 = arith.mulf %max3A_42, %max3A_42 : vector<1024x256xbf16>
    %slice3A_44 = vector.extract_strided_slice %convert_element_type3A {offsets = [0, 4], sizes = [1024, 1], strides = [1, 1]} : vector<1024x64xbf16> to vector<1024x1xbf16>
    %mul3A_45 = vector.broadcast %slice3A_44 : vector<1024x1xbf16> to vector<1024x256xbf16>
    %mul3A_46 = arith.mulf %square3A_43, %mul3A_45 : vector<1024x256xbf16>
    %slice3A_47 = vector.extract_strided_slice %convert_element_type3A_9 {offsets = [0, 1280], sizes = [1024, 256], strides = [1, 1]} : vector<1024x2048xbf16> to vector<1024x256xbf16>
    %max3A_48 = arith.constant 0.000000e+00 : bf16
    %max3A_49 = vector.broadcast %max3A_48 : bf16 to vector<1024x256xbf16>
    %max3A_50 = arith.maximumf %slice3A_47, %max3A_49 : vector<1024x256xbf16>
    %square3A_51 = arith.mulf %max3A_50, %max3A_50 : vector<1024x256xbf16>
    %slice3A_52 = vector.extract_strided_slice %convert_element_type3A {offsets = [0, 5], sizes = [1024, 1], strides = [1, 1]} : vector<1024x64xbf16> to vector<1024x1xbf16>
    %mul3A_53 = vector.broadcast %slice3A_52 : vector<1024x1xbf16> to vector<1024x256xbf16>
    %mul3A_54 = arith.mulf %square3A_51, %mul3A_53 : vector<1024x256xbf16>
    %slice3A_55 = vector.extract_strided_slice %convert_element_type3A_9 {offsets = [0, 1536], sizes = [1024, 256], strides = [1, 1]} : vector<1024x2048xbf16> to vector<1024x256xbf16>
    %max3A_56 = arith.constant 0.000000e+00 : bf16
    %max3A_57 = vector.broadcast %max3A_56 : bf16 to vector<1024x256xbf16>
    %max3A_58 = arith.maximumf %slice3A_55, %max3A_57 : vector<1024x256xbf16>
    %square3A_59 = arith.mulf %max3A_58, %max3A_58 : vector<1024x256xbf16>
    %slice3A_60 = vector.extract_strided_slice %convert_element_type3A {offsets = [0, 6], sizes = [1024, 1], strides = [1, 1]} : vector<1024x64xbf16> to vector<1024x1xbf16>
    %mul3A_61 = vector.broadcast %slice3A_60 : vector<1024x1xbf16> to vector<1024x256xbf16>
    %mul3A_62 = arith.mulf %square3A_59, %mul3A_61 : vector<1024x256xbf16>
    %slice3A_63 = vector.extract_strided_slice %convert_element_type3A_9 {offsets = [0, 1792], sizes = [1024, 256], strides = [1, 1]} : vector<1024x2048xbf16> to vector<1024x256xbf16>
    %max3A_64 = arith.constant 0.000000e+00 : bf16
    %max3A_65 = vector.broadcast %max3A_64 : bf16 to vector<1024x256xbf16>
    %max3A_66 = arith.maximumf %slice3A_63, %max3A_65 : vector<1024x256xbf16>
    %square3A_67 = arith.mulf %max3A_66, %max3A_66 : vector<1024x256xbf16>
    %slice3A_68 = vector.extract_strided_slice %convert_element_type3A {offsets = [0, 7], sizes = [1024, 1], strides = [1, 1]} : vector<1024x64xbf16> to vector<1024x1xbf16>
    %mul3A_69 = vector.broadcast %slice3A_68 : vector<1024x1xbf16> to vector<1024x256xbf16>
    %mul3A_70 = arith.mulf %square3A_67, %mul3A_69 : vector<1024x256xbf16>
    %concatenate3A = tpu.concatenate %mul3A_14, %mul3A_22, %mul3A_30, %mul3A_38, %mul3A_46, %mul3A_54, %mul3A_62, %mul3A_70 in 1 : vector<1024x256xbf16>, vector<1024x256xbf16>, vector<1024x256xbf16>, vector<1024x256xbf16>, vector<1024x256xbf16>, vector<1024x256xbf16>, vector<1024x256xbf16>, vector<1024x256xbf16> -> vector<1024x2048xbf16>
    %get3A_71 = arith.constant 0 : index
    %get3A_72 = arith.constant 0 : index
    %get3A_73 = vector.load %arg4[%get3A_71, %get3A_72] : memref<2048x128xbf16, #tpu.memory_space<vmem>>, vector<2048x128xbf16>
    %dot_general3A_74 = arith.constant dense<0.000000e+00> : vector<1024x128xf32>
    %dot_general3A_75 = tpu.matmul %concatenate3A, %get3A_73, %dot_general3A_74 {dimension_numbers = #tpu.dot_dimension_numbers<[1], [0], [0], [1], [0, 0, 1, 1], [], []>, transpose_lhs_hint = false} : vector<1024x2048xbf16>, vector<2048x128xbf16>, vector<1024x128xf32> -> vector<1024x128xf32>
    %convert_element_type3A_76 = arith.truncf %dot_general3A_75 : vector<1024x128xf32> to vector<1024x128xbf16>
    %slice3A_77 = vector.extract_strided_slice %get3A_1 {offsets = [0, 128], sizes = [1024, 128], strides = [1, 1]} : vector<1024x1024xbf16> to vector<1024x128xbf16>
    %get3A_78 = arith.constant 0 : index
    %get3A_79 = arith.constant 0 : index
    %get3A_80 = vector.load %arg3[%get3A_78, %get3A_79] : memref<128x2048xbf16, #tpu.memory_space<vmem>>, vector<128x2048xbf16>
    %dot_general3A_81 = arith.constant dense<0.000000e+00> : vector<1024x2048xf32>
    %dot_general3A_82 = tpu.matmul %slice3A_77, %get3A_80, %dot_general3A_81 {dimension_numbers = #tpu.dot_dimension_numbers<[1], [0], [0], [1], [0, 0, 1, 1], [], []>, transpose_lhs_hint = false} : vector<1024x128xbf16>, vector<128x2048xbf16>, vector<1024x2048xf32> -> vector<1024x2048xf32>
    %convert_element_type3A_83 = arith.truncf %dot_general3A_82 : vector<1024x2048xf32> to vector<1024x2048xbf16>
    %slice3A_84 = vector.extract_strided_slice %convert_element_type3A_83 {offsets = [0, 0], sizes = [1024, 256], strides = [1, 1]} : vector<1024x2048xbf16> to vector<1024x256xbf16>
    %max3A_85 = arith.constant 0.000000e+00 : bf16
    %max3A_86 = vector.broadcast %max3A_85 : bf16 to vector<1024x256xbf16>
    %max3A_87 = arith.maximumf %slice3A_84, %max3A_86 : vector<1024x256xbf16>
    %square3A_88 = arith.mulf %max3A_87, %max3A_87 : vector<1024x256xbf16>
    %slice3A_89 = vector.extract_strided_slice %convert_element_type3A {offsets = [0, 8], sizes = [1024, 1], strides = [1, 1]} : vector<1024x64xbf16> to vector<1024x1xbf16>
    %mul3A_90 = vector.broadcast %slice3A_89 : vector<1024x1xbf16> to vector<1024x256xbf16>
    %mul3A_91 = arith.mulf %square3A_88, %mul3A_90 : vector<1024x256xbf16>
    %slice3A_92 = vector.extract_strided_slice %convert_element_type3A_83 {offsets = [0, 256], sizes = [1024, 256], strides = [1, 1]} : vector<1024x2048xbf16> to vector<1024x256xbf16>
    %max3A_93 = arith.constant 0.000000e+00 : bf16
    %max3A_94 = vector.broadcast %max3A_93 : bf16 to vector<1024x256xbf16>
    %max3A_95 = arith.maximumf %slice3A_92, %max3A_94 : vector<1024x256xbf16>
    %square3A_96 = arith.mulf %max3A_95, %max3A_95 : vector<1024x256xbf16>
    %slice3A_97 = vector.extract_strided_slice %convert_element_type3A {offsets = [0, 9], sizes = [1024, 1], strides = [1, 1]} : vector<1024x64xbf16> to vector<1024x1xbf16>
    %mul3A_98 = vector.broadcast %slice3A_97 : vector<1024x1xbf16> to vector<1024x256xbf16>
    %mul3A_99 = arith.mulf %square3A_96, %mul3A_98 : vector<1024x256xbf16>
    %slice3A_100 = vector.extract_strided_slice %convert_element_type3A_83 {offsets = [0, 512], sizes = [1024, 256], strides = [1, 1]} : vector<1024x2048xbf16> to vector<1024x256xbf16>
    %max3A_101 = arith.constant 0.000000e+00 : bf16
    %max3A_102 = vector.broadcast %max3A_101 : bf16 to vector<1024x256xbf16>
    %max3A_103 = arith.maximumf %slice3A_100, %max3A_102 : vector<1024x256xbf16>
    %square3A_104 = arith.mulf %max3A_103, %max3A_103 : vector<1024x256xbf16>
    %slice3A_105 = vector.extract_strided_slice %convert_element_type3A {offsets = [0, 10], sizes = [1024, 1], strides = [1, 1]} : vector<1024x64xbf16> to vector<1024x1xbf16>
    %mul3A_106 = vector.broadcast %slice3A_105 : vector<1024x1xbf16> to vector<1024x256xbf16>
    %mul3A_107 = arith.mulf %square3A_104, %mul3A_106 : vector<1024x256xbf16>
    %slice3A_108 = vector.extract_strided_slice %convert_element_type3A_83 {offsets = [0, 768], sizes = [1024, 256], strides = [1, 1]} : vector<1024x2048xbf16> to vector<1024x256xbf16>
    %max3A_109 = arith.constant 0.000000e+00 : bf16
    %max3A_110 = vector.broadcast %max3A_109 : bf16 to vector<1024x256xbf16>
    %max3A_111 = arith.maximumf %slice3A_108, %max3A_110 : vector<1024x256xbf16>
    %square3A_112 = arith.mulf %max3A_111, %max3A_111 : vector<1024x256xbf16>
    %slice3A_113 = vector.extract_strided_slice %convert_element_type3A {offsets = [0, 11], sizes = [1024, 1], strides = [1, 1]} : vector<1024x64xbf16> to vector<1024x1xbf16>
    %mul3A_114 = vector.broadcast %slice3A_113 : vector<1024x1xbf16> to vector<1024x256xbf16>
    %mul3A_115 = arith.mulf %square3A_112, %mul3A_114 : vector<1024x256xbf16>
    %slice3A_116 = vector.extract_strided_slice %convert_element_type3A_83 {offsets = [0, 1024], sizes = [1024, 256], strides = [1, 1]} : vector<1024x2048xbf16> to vector<1024x256xbf16>
    %max3A_117 = arith.constant 0.000000e+00 : bf16
    %max3A_118 = vector.broadcast %max3A_117 : bf16 to vector<1024x256xbf16>
    %max3A_119 = arith.maximumf %slice3A_116, %max3A_118 : vector<1024x256xbf16>
    %square3A_120 = arith.mulf %max3A_119, %max3A_119 : vector<1024x256xbf16>
    %slice3A_121 = vector.extract_strided_slice %convert_element_type3A {offsets = [0, 12], sizes = [1024, 1], strides = [1, 1]} : vector<1024x64xbf16> to vector<1024x1xbf16>
    %mul3A_122 = vector.broadcast %slice3A_121 : vector<1024x1xbf16> to vector<1024x256xbf16>
    %mul3A_123 = arith.mulf %square3A_120, %mul3A_122 : vector<1024x256xbf16>
    %slice3A_124 = vector.extract_strided_slice %convert_element_type3A_83 {offsets = [0, 1280], sizes = [1024, 256], strides = [1, 1]} : vector<1024x2048xbf16> to vector<1024x256xbf16>
    %max3A_125 = arith.constant 0.000000e+00 : bf16
    %max3A_126 = vector.broadcast %max3A_125 : bf16 to vector<1024x256xbf16>
    %max3A_127 = arith.maximumf %slice3A_124, %max3A_126 : vector<1024x256xbf16>
    %square3A_128 = arith.mulf %max3A_127, %max3A_127 : vector<1024x256xbf16>
    %slice3A_129 = vector.extract_strided_slice %convert_element_type3A {offsets = [0, 13], sizes = [1024, 1], strides = [1, 1]} : vector<1024x64xbf16> to vector<1024x1xbf16>
    %mul3A_130 = vector.broadcast %slice3A_129 : vector<1024x1xbf16> to vector<1024x256xbf16>
    %mul3A_131 = arith.mulf %square3A_128, %mul3A_130 : vector<1024x256xbf16>
    %slice3A_132 = vector.extract_strided_slice %convert_element_type3A_83 {offsets = [0, 1536], sizes = [1024, 256], strides = [1, 1]} : vector<1024x2048xbf16> to vector<1024x256xbf16>
    %max3A_133 = arith.constant 0.000000e+00 : bf16
    %max3A_134 = vector.broadcast %max3A_133 : bf16 to vector<1024x256xbf16>
    %max3A_135 = arith.maximumf %slice3A_132, %max3A_134 : vector<1024x256xbf16>
    %square3A_136 = arith.mulf %max3A_135, %max3A_135 : vector<1024x256xbf16>
    %slice3A_137 = vector.extract_strided_slice %convert_element_type3A {offsets = [0, 14], sizes = [1024, 1], strides = [1, 1]} : vector<1024x64xbf16> to vector<1024x1xbf16>
    %mul3A_138 = vector.broadcast %slice3A_137 : vector<1024x1xbf16> to vector<1024x256xbf16>
    %mul3A_139 = arith.mulf %square3A_136, %mul3A_138 : vector<1024x256xbf16>
    %slice3A_140 = vector.extract_strided_slice %convert_element_type3A_83 {offsets = [0, 1792], sizes = [1024, 256], strides = [1, 1]} : vector<1024x2048xbf16> to vector<1024x256xbf16>
    %max3A_141 = arith.constant 0.000000e+00 : bf16
    %max3A_142 = vector.broadcast %max3A_141 : bf16 to vector<1024x256xbf16>
    %max3A_143 = arith.maximumf %slice3A_140, %max3A_142 : vector<1024x256xbf16>
    %square3A_144 = arith.mulf %max3A_143, %max3A_143 : vector<1024x256xbf16>
    %slice3A_145 = vector.extract_strided_slice %convert_element_type3A {offsets = [0, 15], sizes = [1024, 1], strides = [1, 1]} : vector<1024x64xbf16> to vector<1024x1xbf16>
    %mul3A_146 = vector.broadcast %slice3A_145 : vector<1024x1xbf16> to vector<1024x256xbf16>
    %mul3A_147 = arith.mulf %square3A_144, %mul3A_146 : vector<1024x256xbf16>
    %concatenate3A_148 = tpu.concatenate %mul3A_91, %mul3A_99, %mul3A_107, %mul3A_115, %mul3A_123, %mul3A_131, %mul3A_139, %mul3A_147 in 1 : vector<1024x256xbf16>, vector<1024x256xbf16>, vector<1024x256xbf16>, vector<1024x256xbf16>, vector<1024x256xbf16>, vector<1024x256xbf16>, vector<1024x256xbf16>, vector<1024x256xbf16> -> vector<1024x2048xbf16>
    %get3A_149 = arith.constant 0 : index
    %get3A_150 = arith.constant 0 : index
    %get3A_151 = vector.load %arg4[%get3A_149, %get3A_150] : memref<2048x128xbf16, #tpu.memory_space<vmem>>, vector<2048x128xbf16>
    %dot_general3A_152 = arith.constant dense<0.000000e+00> : vector<1024x128xf32>
    %dot_general3A_153 = tpu.matmul %concatenate3A_148, %get3A_151, %dot_general3A_152 {dimension_numbers = #tpu.dot_dimension_numbers<[1], [0], [0], [1], [0, 0, 1, 1], [], []>, transpose_lhs_hint = false} : vector<1024x2048xbf16>, vector<2048x128xbf16>, vector<1024x128xf32> -> vector<1024x128xf32>
    %convert_element_type3A_154 = arith.truncf %dot_general3A_153 : vector<1024x128xf32> to vector<1024x128xbf16>
    %slice3A_155 = vector.extract_strided_slice %get3A_1 {offsets = [0, 256], sizes = [1024, 128], strides = [1, 1]} : vector<1024x1024xbf16> to vector<1024x128xbf16>
    %get3A_156 = arith.constant 0 : index
    %get3A_157 = arith.constant 0 : index
    %get3A_158 = vector.load %arg3[%get3A_156, %get3A_157] : memref<128x2048xbf16, #tpu.memory_space<vmem>>, vector<128x2048xbf16>
    %dot_general3A_159 = arith.constant dense<0.000000e+00> : vector<1024x2048xf32>
    %dot_general3A_160 = tpu.matmul %slice3A_155, %get3A_158, %dot_general3A_159 {dimension_numbers = #tpu.dot_dimension_numbers<[1], [0], [0], [1], [0, 0, 1, 1], [], []>, transpose_lhs_hint = false} : vector<1024x128xbf16>, vector<128x2048xbf16>, vector<1024x2048xf32> -> vector<1024x2048xf32>
    %convert_element_type3A_161 = arith.truncf %dot_general3A_160 : vector<1024x2048xf32> to vector<1024x2048xbf16>
    %slice3A_162 = vector.extract_strided_slice %convert_element_type3A_161 {offsets = [0, 0], sizes = [1024, 256], strides = [1, 1]} : vector<1024x2048xbf16> to vector<1024x256xbf16>
    %max3A_163 = arith.constant 0.000000e+00 : bf16
    %max3A_164 = vector.broadcast %max3A_163 : bf16 to vector<1024x256xbf16>
    %max3A_165 = arith.maximumf %slice3A_162, %max3A_164 : vector<1024x256xbf16>
    %square3A_166 = arith.mulf %max3A_165, %max3A_165 : vector<1024x256xbf16>
    %slice3A_167 = vector.extract_strided_slice %convert_element_type3A {offsets = [0, 16], sizes = [1024, 1], strides = [1, 1]} : vector<1024x64xbf16> to vector<1024x1xbf16>
    %mul3A_168 = vector.broadcast %slice3A_167 : vector<1024x1xbf16> to vector<1024x256xbf16>
    %mul3A_169 = arith.mulf %square3A_166, %mul3A_168 : vector<1024x256xbf16>
    %slice3A_170 = vector.extract_strided_slice %convert_element_type3A_161 {offsets = [0, 256], sizes = [1024, 256], strides = [1, 1]} : vector<1024x2048xbf16> to vector<1024x256xbf16>
    %max3A_171 = arith.constant 0.000000e+00 : bf16
    %max3A_172 = vector.broadcast %max3A_171 : bf16 to vector<1024x256xbf16>
    %max3A_173 = arith.maximumf %slice3A_170, %max3A_172 : vector<1024x256xbf16>
    %square3A_174 = arith.mulf %max3A_173, %max3A_173 : vector<1024x256xbf16>
    %slice3A_175 = vector.extract_strided_slice %convert_element_type3A {offsets = [0, 17], sizes = [1024, 1], strides = [1, 1]} : vector<1024x64xbf16> to vector<1024x1xbf16>
    %mul3A_176 = vector.broadcast %slice3A_175 : vector<1024x1xbf16> to vector<1024x256xbf16>
    %mul3A_177 = arith.mulf %square3A_174, %mul3A_176 : vector<1024x256xbf16>
    %slice3A_178 = vector.extract_strided_slice %convert_element_type3A_161 {offsets = [0, 512], sizes = [1024, 256], strides = [1, 1]} : vector<1024x2048xbf16> to vector<1024x256xbf16>
    %max3A_179 = arith.constant 0.000000e+00 : bf16
    %max3A_180 = vector.broadcast %max3A_179 : bf16 to vector<1024x256xbf16>
    %max3A_181 = arith.maximumf %slice3A_178, %max3A_180 : vector<1024x256xbf16>
    %square3A_182 = arith.mulf %max3A_181, %max3A_181 : vector<1024x256xbf16>
    %slice3A_183 = vector.extract_strided_slice %convert_element_type3A {offsets = [0, 18], sizes = [1024, 1], strides = [1, 1]} : vector<1024x64xbf16> to vector<1024x1xbf16>
    %mul3A_184 = vector.broadcast %slice3A_183 : vector<1024x1xbf16> to vector<1024x256xbf16>
    %mul3A_185 = arith.mulf %square3A_182, %mul3A_184 : vector<1024x256xbf16>
    %slice3A_186 = vector.extract_strided_slice %convert_element_type3A_161 {offsets = [0, 768], sizes = [1024, 256], strides = [1, 1]} : vector<1024x2048xbf16> to vector<1024x256xbf16>
    %max3A_187 = arith.constant 0.000000e+00 : bf16
    %max3A_188 = vector.broadcast %max3A_187 : bf16 to vector<1024x256xbf16>
    %max3A_189 = arith.maximumf %slice3A_186, %max3A_188 : vector<1024x256xbf16>
    %square3A_190 = arith.mulf %max3A_189, %max3A_189 : vector<1024x256xbf16>
    %slice3A_191 = vector.extract_strided_slice %convert_element_type3A {offsets = [0, 19], sizes = [1024, 1], strides = [1, 1]} : vector<1024x64xbf16> to vector<1024x1xbf16>
    %mul3A_192 = vector.broadcast %slice3A_191 : vector<1024x1xbf16> to vector<1024x256xbf16>
    %mul3A_193 = arith.mulf %square3A_190, %mul3A_192 : vector<1024x256xbf16>
    %slice3A_194 = vector.extract_strided_slice %convert_element_type3A_161 {offsets = [0, 1024], sizes = [1024, 256], strides = [1, 1]} : vector<1024x2048xbf16> to vector<1024x256xbf16>
    %max3A_195 = arith.constant 0.000000e+00 : bf16
    %max3A_196 = vector.broadcast %max3A_195 : bf16 to vector<1024x256xbf16>
    %max3A_197 = arith.maximumf %slice3A_194, %max3A_196 : vector<1024x256xbf16>
    %square3A_198 = arith.mulf %max3A_197, %max3A_197 : vector<1024x256xbf16>
    %slice3A_199 = vector.extract_strided_slice %convert_element_type3A {offsets = [0, 20], sizes = [1024, 1], strides = [1, 1]} : vector<1024x64xbf16> to vector<1024x1xbf16>
    %mul3A_200 = vector.broadcast %slice3A_199 : vector<1024x1xbf16> to vector<1024x256xbf16>
    %mul3A_201 = arith.mulf %square3A_198, %mul3A_200 : vector<1024x256xbf16>
    %slice3A_202 = vector.extract_strided_slice %convert_element_type3A_161 {offsets = [0, 1280], sizes = [1024, 256], strides = [1, 1]} : vector<1024x2048xbf16> to vector<1024x256xbf16>
    %max3A_203 = arith.constant 0.000000e+00 : bf16
    %max3A_204 = vector.broadcast %max3A_203 : bf16 to vector<1024x256xbf16>
    %max3A_205 = arith.maximumf %slice3A_202, %max3A_204 : vector<1024x256xbf16>
    %square3A_206 = arith.mulf %max3A_205, %max3A_205 : vector<1024x256xbf16>
    %slice3A_207 = vector.extract_strided_slice %convert_element_type3A {offsets = [0, 21], sizes = [1024, 1], strides = [1, 1]} : vector<1024x64xbf16> to vector<1024x1xbf16>
    %mul3A_208 = vector.broadcast %slice3A_207 : vector<1024x1xbf16> to vector<1024x256xbf16>
    %mul3A_209 = arith.mulf %square3A_206, %mul3A_208 : vector<1024x256xbf16>
    %slice3A_210 = vector.extract_strided_slice %convert_element_type3A_161 {offsets = [0, 1536], sizes = [1024, 256], strides = [1, 1]} : vector<1024x2048xbf16> to vector<1024x256xbf16>
    %max3A_211 = arith.constant 0.000000e+00 : bf16
    %max3A_212 = vector.broadcast %max3A_211 : bf16 to vector<1024x256xbf16>
    %max3A_213 = arith.maximumf %slice3A_210, %max3A_212 : vector<1024x256xbf16>
    %square3A_214 = arith.mulf %max3A_213, %max3A_213 : vector<1024x256xbf16>
    %slice3A_215 = vector.extract_strided_slice %convert_element_type3A {offsets = [0, 22], sizes = [1024, 1], strides = [1, 1]} : vector<1024x64xbf16> to vector<1024x1xbf16>
    %mul3A_216 = vector.broadcast %slice3A_215 : vector<1024x1xbf16> to vector<1024x256xbf16>
    %mul3A_217 = arith.mulf %square3A_214, %mul3A_216 : vector<1024x256xbf16>
    %slice3A_218 = vector.extract_strided_slice %convert_element_type3A_161 {offsets = [0, 1792], sizes = [1024, 256], strides = [1, 1]} : vector<1024x2048xbf16> to vector<1024x256xbf16>
    %max3A_219 = arith.constant 0.000000e+00 : bf16
    %max3A_220 = vector.broadcast %max3A_219 : bf16 to vector<1024x256xbf16>
    %max3A_221 = arith.maximumf %slice3A_218, %max3A_220 : vector<1024x256xbf16>
    %square3A_222 = arith.mulf %max3A_221, %max3A_221 : vector<1024x256xbf16>
    %slice3A_223 = vector.extract_strided_slice %convert_element_type3A {offsets = [0, 23], sizes = [1024, 1], strides = [1, 1]} : vector<1024x64xbf16> to vector<1024x1xbf16>
    %mul3A_224 = vector.broadcast %slice3A_223 : vector<1024x1xbf16> to vector<1024x256xbf16>
    %mul3A_225 = arith.mulf %square3A_222, %mul3A_224 : vector<1024x256xbf16>
    %concatenate3A_226 = tpu.concatenate %mul3A_169, %mul3A_177, %mul3A_185, %mul3A_193, %mul3A_201, %mul3A_209, %mul3A_217, %mul3A_225 in 1 : vector<1024x256xbf16>, vector<1024x256xbf16>, vector<1024x256xbf16>, vector<1024x256xbf16>, vector<1024x256xbf16>, vector<1024x256xbf16>, vector<1024x256xbf16>, vector<1024x256xbf16> -> vector<1024x2048xbf16>
    %get3A_227 = arith.constant 0 : index
    %get3A_228 = arith.constant 0 : index
    %get3A_229 = vector.load %arg4[%get3A_227, %get3A_228] : memref<2048x128xbf16, #tpu.memory_space<vmem>>, vector<2048x128xbf16>
    %dot_general3A_230 = arith.constant dense<0.000000e+00> : vector<1024x128xf32>
    %dot_general3A_231 = tpu.matmul %concatenate3A_226, %get3A_229, %dot_general3A_230 {dimension_numbers = #tpu.dot_dimension_numbers<[1], [0], [0], [1], [0, 0, 1, 1], [], []>, transpose_lhs_hint = false} : vector<1024x2048xbf16>, vector<2048x128xbf16>, vector<1024x128xf32> -> vector<1024x128xf32>
    %convert_element_type3A_232 = arith.truncf %dot_general3A_231 : vector<1024x128xf32> to vector<1024x128xbf16>
    %slice3A_233 = vector.extract_strided_slice %get3A_1 {offsets = [0, 384], sizes = [1024, 128], strides = [1, 1]} : vector<1024x1024xbf16> to vector<1024x128xbf16>
    %get3A_234 = arith.constant 0 : index
    %get3A_235 = arith.constant 0 : index
    %get3A_236 = vector.load %arg3[%get3A_234, %get3A_235] : memref<128x2048xbf16, #tpu.memory_space<vmem>>, vector<128x2048xbf16>
    %dot_general3A_237 = arith.constant dense<0.000000e+00> : vector<1024x2048xf32>
    %dot_general3A_238 = tpu.matmul %slice3A_233, %get3A_236, %dot_general3A_237 {dimension_numbers = #tpu.dot_dimension_numbers<[1], [0], [0], [1], [0, 0, 1, 1], [], []>, transpose_lhs_hint = false} : vector<1024x128xbf16>, vector<128x2048xbf16>, vector<1024x2048xf32> -> vector<1024x2048xf32>
    %convert_element_type3A_239 = arith.truncf %dot_general3A_238 : vector<1024x2048xf32> to vector<1024x2048xbf16>
    %slice3A_240 = vector.extract_strided_slice %convert_element_type3A_239 {offsets = [0, 0], sizes = [1024, 256], strides = [1, 1]} : vector<1024x2048xbf16> to vector<1024x256xbf16>
    %max3A_241 = arith.constant 0.000000e+00 : bf16
    %max3A_242 = vector.broadcast %max3A_241 : bf16 to vector<1024x256xbf16>
    %max3A_243 = arith.maximumf %slice3A_240, %max3A_242 : vector<1024x256xbf16>
    %square3A_244 = arith.mulf %max3A_243, %max3A_243 : vector<1024x256xbf16>
    %slice3A_245 = vector.extract_strided_slice %convert_element_type3A {offsets = [0, 24], sizes = [1024, 1], strides = [1, 1]} : vector<1024x64xbf16> to vector<1024x1xbf16>
    %mul3A_246 = vector.broadcast %slice3A_245 : vector<1024x1xbf16> to vector<1024x256xbf16>
    %mul3A_247 = arith.mulf %square3A_244, %mul3A_246 : vector<1024x256xbf16>
    %slice3A_248 = vector.extract_strided_slice %convert_element_type3A_239 {offsets = [0, 256], sizes = [1024, 256], strides = [1, 1]} : vector<1024x2048xbf16> to vector<1024x256xbf16>
    %max3A_249 = arith.constant 0.000000e+00 : bf16
    %max3A_250 = vector.broadcast %max3A_249 : bf16 to vector<1024x256xbf16>
    %max3A_251 = arith.maximumf %slice3A_248, %max3A_250 : vector<1024x256xbf16>
    %square3A_252 = arith.mulf %max3A_251, %max3A_251 : vector<1024x256xbf16>
    %slice3A_253 = vector.extract_strided_slice %convert_element_type3A {offsets = [0, 25], sizes = [1024, 1], strides = [1, 1]} : vector<1024x64xbf16> to vector<1024x1xbf16>
    %mul3A_254 = vector.broadcast %slice3A_253 : vector<1024x1xbf16> to vector<1024x256xbf16>
    %mul3A_255 = arith.mulf %square3A_252, %mul3A_254 : vector<1024x256xbf16>
    %slice3A_256 = vector.extract_strided_slice %convert_element_type3A_239 {offsets = [0, 512], sizes = [1024, 256], strides = [1, 1]} : vector<1024x2048xbf16> to vector<1024x256xbf16>
    %max3A_257 = arith.constant 0.000000e+00 : bf16
    %max3A_258 = vector.broadcast %max3A_257 : bf16 to vector<1024x256xbf16>
    %max3A_259 = arith.maximumf %slice3A_256, %max3A_258 : vector<1024x256xbf16>
    %square3A_260 = arith.mulf %max3A_259, %max3A_259 : vector<1024x256xbf16>
    %slice3A_261 = vector.extract_strided_slice %convert_element_type3A {offsets = [0, 26], sizes = [1024, 1], strides = [1, 1]} : vector<1024x64xbf16> to vector<1024x1xbf16>
    %mul3A_262 = vector.broadcast %slice3A_261 : vector<1024x1xbf16> to vector<1024x256xbf16>
    %mul3A_263 = arith.mulf %square3A_260, %mul3A_262 : vector<1024x256xbf16>
    %slice3A_264 = vector.extract_strided_slice %convert_element_type3A_239 {offsets = [0, 768], sizes = [1024, 256], strides = [1, 1]} : vector<1024x2048xbf16> to vector<1024x256xbf16>
    %max3A_265 = arith.constant 0.000000e+00 : bf16
    %max3A_266 = vector.broadcast %max3A_265 : bf16 to vector<1024x256xbf16>
    %max3A_267 = arith.maximumf %slice3A_264, %max3A_266 : vector<1024x256xbf16>
    %square3A_268 = arith.mulf %max3A_267, %max3A_267 : vector<1024x256xbf16>
    %slice3A_269 = vector.extract_strided_slice %convert_element_type3A {offsets = [0, 27], sizes = [1024, 1], strides = [1, 1]} : vector<1024x64xbf16> to vector<1024x1xbf16>
    %mul3A_270 = vector.broadcast %slice3A_269 : vector<1024x1xbf16> to vector<1024x256xbf16>
    %mul3A_271 = arith.mulf %square3A_268, %mul3A_270 : vector<1024x256xbf16>
    %slice3A_272 = vector.extract_strided_slice %convert_element_type3A_239 {offsets = [0, 1024], sizes = [1024, 256], strides = [1, 1]} : vector<1024x2048xbf16> to vector<1024x256xbf16>
    %max3A_273 = arith.constant 0.000000e+00 : bf16
    %max3A_274 = vector.broadcast %max3A_273 : bf16 to vector<1024x256xbf16>
    %max3A_275 = arith.maximumf %slice3A_272, %max3A_274 : vector<1024x256xbf16>
    %square3A_276 = arith.mulf %max3A_275, %max3A_275 : vector<1024x256xbf16>
    %slice3A_277 = vector.extract_strided_slice %convert_element_type3A {offsets = [0, 28], sizes = [1024, 1], strides = [1, 1]} : vector<1024x64xbf16> to vector<1024x1xbf16>
    %mul3A_278 = vector.broadcast %slice3A_277 : vector<1024x1xbf16> to vector<1024x256xbf16>
    %mul3A_279 = arith.mulf %square3A_276, %mul3A_278 : vector<1024x256xbf16>
    %slice3A_280 = vector.extract_strided_slice %convert_element_type3A_239 {offsets = [0, 1280], sizes = [1024, 256], strides = [1, 1]} : vector<1024x2048xbf16> to vector<1024x256xbf16>
    %max3A_281 = arith.constant 0.000000e+00 : bf16
    %max3A_282 = vector.broadcast %max3A_281 : bf16 to vector<1024x256xbf16>
    %max3A_283 = arith.maximumf %slice3A_280, %max3A_282 : vector<1024x256xbf16>
    %square3A_284 = arith.mulf %max3A_283, %max3A_283 : vector<1024x256xbf16>
    %slice3A_285 = vector.extract_strided_slice %convert_element_type3A {offsets = [0, 29], sizes = [1024, 1], strides = [1, 1]} : vector<1024x64xbf16> to vector<1024x1xbf16>
    %mul3A_286 = vector.broadcast %slice3A_285 : vector<1024x1xbf16> to vector<1024x256xbf16>
    %mul3A_287 = arith.mulf %square3A_284, %mul3A_286 : vector<1024x256xbf16>
    %slice3A_288 = vector.extract_strided_slice %convert_element_type3A_239 {offsets = [0, 1536], sizes = [1024, 256], strides = [1, 1]} : vector<1024x2048xbf16> to vector<1024x256xbf16>
    %max3A_289 = arith.constant 0.000000e+00 : bf16
    %max3A_290 = vector.broadcast %max3A_289 : bf16 to vector<1024x256xbf16>
    %max3A_291 = arith.maximumf %slice3A_288, %max3A_290 : vector<1024x256xbf16>
    %square3A_292 = arith.mulf %max3A_291, %max3A_291 : vector<1024x256xbf16>
    %slice3A_293 = vector.extract_strided_slice %convert_element_type3A {offsets = [0, 30], sizes = [1024, 1], strides = [1, 1]} : vector<1024x64xbf16> to vector<1024x1xbf16>
    %mul3A_294 = vector.broadcast %slice3A_293 : vector<1024x1xbf16> to vector<1024x256xbf16>
    %mul3A_295 = arith.mulf %square3A_292, %mul3A_294 : vector<1024x256xbf16>
    %slice3A_296 = vector.extract_strided_slice %convert_element_type3A_239 {offsets = [0, 1792], sizes = [1024, 256], strides = [1, 1]} : vector<1024x2048xbf16> to vector<1024x256xbf16>
    %max3A_297 = arith.constant 0.000000e+00 : bf16
    %max3A_298 = vector.broadcast %max3A_297 : bf16 to vector<1024x256xbf16>
    %max3A_299 = arith.maximumf %slice3A_296, %max3A_298 : vector<1024x256xbf16>
    %square3A_300 = arith.mulf %max3A_299, %max3A_299 : vector<1024x256xbf16>
    %slice3A_301 = vector.extract_strided_slice %convert_element_type3A {offsets = [0, 31], sizes = [1024, 1], strides = [1, 1]} : vector<1024x64xbf16> to vector<1024x1xbf16>
    %mul3A_302 = vector.broadcast %slice3A_301 : vector<1024x1xbf16> to vector<1024x256xbf16>
    %mul3A_303 = arith.mulf %square3A_300, %mul3A_302 : vector<1024x256xbf16>
    %concatenate3A_304 = tpu.concatenate %mul3A_247, %mul3A_255, %mul3A_263, %mul3A_271, %mul3A_279, %mul3A_287, %mul3A_295, %mul3A_303 in 1 : vector<1024x256xbf16>, vector<1024x256xbf16>, vector<1024x256xbf16>, vector<1024x256xbf16>, vector<1024x256xbf16>, vector<1024x256xbf16>, vector<1024x256xbf16>, vector<1024x256xbf16> -> vector<1024x2048xbf16>
    %get3A_305 = arith.constant 0 : index
    %get3A_306 = arith.constant 0 : index
    %get3A_307 = vector.load %arg4[%get3A_305, %get3A_306] : memref<2048x128xbf16, #tpu.memory_space<vmem>>, vector<2048x128xbf16>
    %dot_general3A_308 = arith.constant dense<0.000000e+00> : vector<1024x128xf32>
    %dot_general3A_309 = tpu.matmul %concatenate3A_304, %get3A_307, %dot_general3A_308 {dimension_numbers = #tpu.dot_dimension_numbers<[1], [0], [0], [1], [0, 0, 1, 1], [], []>, transpose_lhs_hint = false} : vector<1024x2048xbf16>, vector<2048x128xbf16>, vector<1024x128xf32> -> vector<1024x128xf32>
    %convert_element_type3A_310 = arith.truncf %dot_general3A_309 : vector<1024x128xf32> to vector<1024x128xbf16>
    %slice3A_311 = vector.extract_strided_slice %get3A_1 {offsets = [0, 512], sizes = [1024, 128], strides = [1, 1]} : vector<1024x1024xbf16> to vector<1024x128xbf16>
    %get3A_312 = arith.constant 0 : index
    %get3A_313 = arith.constant 0 : index
    %get3A_314 = vector.load %arg3[%get3A_312, %get3A_313] : memref<128x2048xbf16, #tpu.memory_space<vmem>>, vector<128x2048xbf16>
    %dot_general3A_315 = arith.constant dense<0.000000e+00> : vector<1024x2048xf32>
    %dot_general3A_316 = tpu.matmul %slice3A_311, %get3A_314, %dot_general3A_315 {dimension_numbers = #tpu.dot_dimension_numbers<[1], [0], [0], [1], [0, 0, 1, 1], [], []>, transpose_lhs_hint = false} : vector<1024x128xbf16>, vector<128x2048xbf16>, vector<1024x2048xf32> -> vector<1024x2048xf32>
    %convert_element_type3A_317 = arith.truncf %dot_general3A_316 : vector<1024x2048xf32> to vector<1024x2048xbf16>
    %slice3A_318 = vector.extract_strided_slice %convert_element_type3A_317 {offsets = [0, 0], sizes = [1024, 256], strides = [1, 1]} : vector<1024x2048xbf16> to vector<1024x256xbf16>
    %max3A_319 = arith.constant 0.000000e+00 : bf16
    %max3A_320 = vector.broadcast %max3A_319 : bf16 to vector<1024x256xbf16>
    %max3A_321 = arith.maximumf %slice3A_318, %max3A_320 : vector<1024x256xbf16>
    %square3A_322 = arith.mulf %max3A_321, %max3A_321 : vector<1024x256xbf16>
    %slice3A_323 = vector.extract_strided_slice %convert_element_type3A {offsets = [0, 32], sizes = [1024, 1], strides = [1, 1]} : vector<1024x64xbf16> to vector<1024x1xbf16>
    %mul3A_324 = vector.broadcast %slice3A_323 : vector<1024x1xbf16> to vector<1024x256xbf16>
    %mul3A_325 = arith.mulf %square3A_322, %mul3A_324 : vector<1024x256xbf16>
    %slice3A_326 = vector.extract_strided_slice %convert_element_type3A_317 {offsets = [0, 256], sizes = [1024, 256], strides = [1, 1]} : vector<1024x2048xbf16> to vector<1024x256xbf16>
    %max3A_327 = arith.constant 0.000000e+00 : bf16
    %max3A_328 = vector.broadcast %max3A_327 : bf16 to vector<1024x256xbf16>
    %max3A_329 = arith.maximumf %slice3A_326, %max3A_328 : vector<1024x256xbf16>
    %square3A_330 = arith.mulf %max3A_329, %max3A_329 : vector<1024x256xbf16>
    %slice3A_331 = vector.extract_strided_slice %convert_element_type3A {offsets = [0, 33], sizes = [1024, 1], strides = [1, 1]} : vector<1024x64xbf16> to vector<1024x1xbf16>
    %mul3A_332 = vector.broadcast %slice3A_331 : vector<1024x1xbf16> to vector<1024x256xbf16>
    %mul3A_333 = arith.mulf %square3A_330, %mul3A_332 : vector<1024x256xbf16>
    %slice3A_334 = vector.extract_strided_slice %convert_element_type3A_317 {offsets = [0, 512], sizes = [1024, 256], strides = [1, 1]} : vector<1024x2048xbf16> to vector<1024x256xbf16>
    %max3A_335 = arith.constant 0.000000e+00 : bf16
    %max3A_336 = vector.broadcast %max3A_335 : bf16 to vector<1024x256xbf16>
    %max3A_337 = arith.maximumf %slice3A_334, %max3A_336 : vector<1024x256xbf16>
    %square3A_338 = arith.mulf %max3A_337, %max3A_337 : vector<1024x256xbf16>
    %slice3A_339 = vector.extract_strided_slice %convert_element_type3A {offsets = [0, 34], sizes = [1024, 1], strides = [1, 1]} : vector<1024x64xbf16> to vector<1024x1xbf16>
    %mul3A_340 = vector.broadcast %slice3A_339 : vector<1024x1xbf16> to vector<1024x256xbf16>
    %mul3A_341 = arith.mulf %square3A_338, %mul3A_340 : vector<1024x256xbf16>
    %slice3A_342 = vector.extract_strided_slice %convert_element_type3A_317 {offsets = [0, 768], sizes = [1024, 256], strides = [1, 1]} : vector<1024x2048xbf16> to vector<1024x256xbf16>
    %max3A_343 = arith.constant 0.000000e+00 : bf16
    %max3A_344 = vector.broadcast %max3A_343 : bf16 to vector<1024x256xbf16>
    %max3A_345 = arith.maximumf %slice3A_342, %max3A_344 : vector<1024x256xbf16>
    %square3A_346 = arith.mulf %max3A_345, %max3A_345 : vector<1024x256xbf16>
    %slice3A_347 = vector.extract_strided_slice %convert_element_type3A {offsets = [0, 35], sizes = [1024, 1], strides = [1, 1]} : vector<1024x64xbf16> to vector<1024x1xbf16>
    %mul3A_348 = vector.broadcast %slice3A_347 : vector<1024x1xbf16> to vector<1024x256xbf16>
    %mul3A_349 = arith.mulf %square3A_346, %mul3A_348 : vector<1024x256xbf16>
    %slice3A_350 = vector.extract_strided_slice %convert_element_type3A_317 {offsets = [0, 1024], sizes = [1024, 256], strides = [1, 1]} : vector<1024x2048xbf16> to vector<1024x256xbf16>
    %max3A_351 = arith.constant 0.000000e+00 : bf16
    %max3A_352 = vector.broadcast %max3A_351 : bf16 to vector<1024x256xbf16>
    %max3A_353 = arith.maximumf %slice3A_350, %max3A_352 : vector<1024x256xbf16>
    %square3A_354 = arith.mulf %max3A_353, %max3A_353 : vector<1024x256xbf16>
    %slice3A_355 = vector.extract_strided_slice %convert_element_type3A {offsets = [0, 36], sizes = [1024, 1], strides = [1, 1]} : vector<1024x64xbf16> to vector<1024x1xbf16>
    %mul3A_356 = vector.broadcast %slice3A_355 : vector<1024x1xbf16> to vector<1024x256xbf16>
    %mul3A_357 = arith.mulf %square3A_354, %mul3A_356 : vector<1024x256xbf16>
    %slice3A_358 = vector.extract_strided_slice %convert_element_type3A_317 {offsets = [0, 1280], sizes = [1024, 256], strides = [1, 1]} : vector<1024x2048xbf16> to vector<1024x256xbf16>
    %max3A_359 = arith.constant 0.000000e+00 : bf16
    %max3A_360 = vector.broadcast %max3A_359 : bf16 to vector<1024x256xbf16>
    %max3A_361 = arith.maximumf %slice3A_358, %max3A_360 : vector<1024x256xbf16>
    %square3A_362 = arith.mulf %max3A_361, %max3A_361 : vector<1024x256xbf16>
    %slice3A_363 = vector.extract_strided_slice %convert_element_type3A {offsets = [0, 37], sizes = [1024, 1], strides = [1, 1]} : vector<1024x64xbf16> to vector<1024x1xbf16>
    %mul3A_364 = vector.broadcast %slice3A_363 : vector<1024x1xbf16> to vector<1024x256xbf16>
    %mul3A_365 = arith.mulf %square3A_362, %mul3A_364 : vector<1024x256xbf16>
    %slice3A_366 = vector.extract_strided_slice %convert_element_type3A_317 {offsets = [0, 1536], sizes = [1024, 256], strides = [1, 1]} : vector<1024x2048xbf16> to vector<1024x256xbf16>
    %max3A_367 = arith.constant 0.000000e+00 : bf16
    %max3A_368 = vector.broadcast %max3A_367 : bf16 to vector<1024x256xbf16>
    %max3A_369 = arith.maximumf %slice3A_366, %max3A_368 : vector<1024x256xbf16>
    %square3A_370 = arith.mulf %max3A_369, %max3A_369 : vector<1024x256xbf16>
    %slice3A_371 = vector.extract_strided_slice %convert_element_type3A {offsets = [0, 38], sizes = [1024, 1], strides = [1, 1]} : vector<1024x64xbf16> to vector<1024x1xbf16>
    %mul3A_372 = vector.broadcast %slice3A_371 : vector<1024x1xbf16> to vector<1024x256xbf16>
    %mul3A_373 = arith.mulf %square3A_370, %mul3A_372 : vector<1024x256xbf16>
    %slice3A_374 = vector.extract_strided_slice %convert_element_type3A_317 {offsets = [0, 1792], sizes = [1024, 256], strides = [1, 1]} : vector<1024x2048xbf16> to vector<1024x256xbf16>
    %max3A_375 = arith.constant 0.000000e+00 : bf16
    %max3A_376 = vector.broadcast %max3A_375 : bf16 to vector<1024x256xbf16>
    %max3A_377 = arith.maximumf %slice3A_374, %max3A_376 : vector<1024x256xbf16>
    %square3A_378 = arith.mulf %max3A_377, %max3A_377 : vector<1024x256xbf16>
    %slice3A_379 = vector.extract_strided_slice %convert_element_type3A {offsets = [0, 39], sizes = [1024, 1], strides = [1, 1]} : vector<1024x64xbf16> to vector<1024x1xbf16>
    %mul3A_380 = vector.broadcast %slice3A_379 : vector<1024x1xbf16> to vector<1024x256xbf16>
    %mul3A_381 = arith.mulf %square3A_378, %mul3A_380 : vector<1024x256xbf16>
    %concatenate3A_382 = tpu.concatenate %mul3A_325, %mul3A_333, %mul3A_341, %mul3A_349, %mul3A_357, %mul3A_365, %mul3A_373, %mul3A_381 in 1 : vector<1024x256xbf16>, vector<1024x256xbf16>, vector<1024x256xbf16>, vector<1024x256xbf16>, vector<1024x256xbf16>, vector<1024x256xbf16>, vector<1024x256xbf16>, vector<1024x256xbf16> -> vector<1024x2048xbf16>
    %get3A_383 = arith.constant 0 : index
    %get3A_384 = arith.constant 0 : index
    %get3A_385 = vector.load %arg4[%get3A_383, %get3A_384] : memref<2048x128xbf16, #tpu.memory_space<vmem>>, vector<2048x128xbf16>
    %dot_general3A_386 = arith.constant dense<0.000000e+00> : vector<1024x128xf32>
    %dot_general3A_387 = tpu.matmul %concatenate3A_382, %get3A_385, %dot_general3A_386 {dimension_numbers = #tpu.dot_dimension_numbers<[1], [0], [0], [1], [0, 0, 1, 1], [], []>, transpose_lhs_hint = false} : vector<1024x2048xbf16>, vector<2048x128xbf16>, vector<1024x128xf32> -> vector<1024x128xf32>
    %convert_element_type3A_388 = arith.truncf %dot_general3A_387 : vector<1024x128xf32> to vector<1024x128xbf16>
    %slice3A_389 = vector.extract_strided_slice %get3A_1 {offsets = [0, 640], sizes = [1024, 128], strides = [1, 1]} : vector<1024x1024xbf16> to vector<1024x128xbf16>
    %get3A_390 = arith.constant 0 : index
    %get3A_391 = arith.constant 0 : index
    %get3A_392 = vector.load %arg3[%get3A_390, %get3A_391] : memref<128x2048xbf16, #tpu.memory_space<vmem>>, vector<128x2048xbf16>
    %dot_general3A_393 = arith.constant dense<0.000000e+00> : vector<1024x2048xf32>
    %dot_general3A_394 = tpu.matmul %slice3A_389, %get3A_392, %dot_general3A_393 {dimension_numbers = #tpu.dot_dimension_numbers<[1], [0], [0], [1], [0, 0, 1, 1], [], []>, transpose_lhs_hint = false} : vector<1024x128xbf16>, vector<128x2048xbf16>, vector<1024x2048xf32> -> vector<1024x2048xf32>
    %convert_element_type3A_395 = arith.truncf %dot_general3A_394 : vector<1024x2048xf32> to vector<1024x2048xbf16>
    %slice3A_396 = vector.extract_strided_slice %convert_element_type3A_395 {offsets = [0, 0], sizes = [1024, 256], strides = [1, 1]} : vector<1024x2048xbf16> to vector<1024x256xbf16>
    %max3A_397 = arith.constant 0.000000e+00 : bf16
    %max3A_398 = vector.broadcast %max3A_397 : bf16 to vector<1024x256xbf16>
    %max3A_399 = arith.maximumf %slice3A_396, %max3A_398 : vector<1024x256xbf16>
    %square3A_400 = arith.mulf %max3A_399, %max3A_399 : vector<1024x256xbf16>
    %slice3A_401 = vector.extract_strided_slice %convert_element_type3A {offsets = [0, 40], sizes = [1024, 1], strides = [1, 1]} : vector<1024x64xbf16> to vector<1024x1xbf16>
    %mul3A_402 = vector.broadcast %slice3A_401 : vector<1024x1xbf16> to vector<1024x256xbf16>
    %mul3A_403 = arith.mulf %square3A_400, %mul3A_402 : vector<1024x256xbf16>
    %slice3A_404 = vector.extract_strided_slice %convert_element_type3A_395 {offsets = [0, 256], sizes = [1024, 256], strides = [1, 1]} : vector<1024x2048xbf16> to vector<1024x256xbf16>
    %max3A_405 = arith.constant 0.000000e+00 : bf16
    %max3A_406 = vector.broadcast %max3A_405 : bf16 to vector<1024x256xbf16>
    %max3A_407 = arith.maximumf %slice3A_404, %max3A_406 : vector<1024x256xbf16>
    %square3A_408 = arith.mulf %max3A_407, %max3A_407 : vector<1024x256xbf16>
    %slice3A_409 = vector.extract_strided_slice %convert_element_type3A {offsets = [0, 41], sizes = [1024, 1], strides = [1, 1]} : vector<1024x64xbf16> to vector<1024x1xbf16>
    %mul3A_410 = vector.broadcast %slice3A_409 : vector<1024x1xbf16> to vector<1024x256xbf16>
    %mul3A_411 = arith.mulf %square3A_408, %mul3A_410 : vector<1024x256xbf16>
    %slice3A_412 = vector.extract_strided_slice %convert_element_type3A_395 {offsets = [0, 512], sizes = [1024, 256], strides = [1, 1]} : vector<1024x2048xbf16> to vector<1024x256xbf16>
    %max3A_413 = arith.constant 0.000000e+00 : bf16
    %max3A_414 = vector.broadcast %max3A_413 : bf16 to vector<1024x256xbf16>
    %max3A_415 = arith.maximumf %slice3A_412, %max3A_414 : vector<1024x256xbf16>
    %square3A_416 = arith.mulf %max3A_415, %max3A_415 : vector<1024x256xbf16>
    %slice3A_417 = vector.extract_strided_slice %convert_element_type3A {offsets = [0, 42], sizes = [1024, 1], strides = [1, 1]} : vector<1024x64xbf16> to vector<1024x1xbf16>
    %mul3A_418 = vector.broadcast %slice3A_417 : vector<1024x1xbf16> to vector<1024x256xbf16>
    %mul3A_419 = arith.mulf %square3A_416, %mul3A_418 : vector<1024x256xbf16>
    %slice3A_420 = vector.extract_strided_slice %convert_element_type3A_395 {offsets = [0, 768], sizes = [1024, 256], strides = [1, 1]} : vector<1024x2048xbf16> to vector<1024x256xbf16>
    %max3A_421 = arith.constant 0.000000e+00 : bf16
    %max3A_422 = vector.broadcast %max3A_421 : bf16 to vector<1024x256xbf16>
    %max3A_423 = arith.maximumf %slice3A_420, %max3A_422 : vector<1024x256xbf16>
    %square3A_424 = arith.mulf %max3A_423, %max3A_423 : vector<1024x256xbf16>
    %slice3A_425 = vector.extract_strided_slice %convert_element_type3A {offsets = [0, 43], sizes = [1024, 1], strides = [1, 1]} : vector<1024x64xbf16> to vector<1024x1xbf16>
    %mul3A_426 = vector.broadcast %slice3A_425 : vector<1024x1xbf16> to vector<1024x256xbf16>
    %mul3A_427 = arith.mulf %square3A_424, %mul3A_426 : vector<1024x256xbf16>
    %slice3A_428 = vector.extract_strided_slice %convert_element_type3A_395 {offsets = [0, 1024], sizes = [1024, 256], strides = [1, 1]} : vector<1024x2048xbf16> to vector<1024x256xbf16>
    %max3A_429 = arith.constant 0.000000e+00 : bf16
    %max3A_430 = vector.broadcast %max3A_429 : bf16 to vector<1024x256xbf16>
    %max3A_431 = arith.maximumf %slice3A_428, %max3A_430 : vector<1024x256xbf16>
    %square3A_432 = arith.mulf %max3A_431, %max3A_431 : vector<1024x256xbf16>
    %slice3A_433 = vector.extract_strided_slice %convert_element_type3A {offsets = [0, 44], sizes = [1024, 1], strides = [1, 1]} : vector<1024x64xbf16> to vector<1024x1xbf16>
    %mul3A_434 = vector.broadcast %slice3A_433 : vector<1024x1xbf16> to vector<1024x256xbf16>
    %mul3A_435 = arith.mulf %square3A_432, %mul3A_434 : vector<1024x256xbf16>
    %slice3A_436 = vector.extract_strided_slice %convert_element_type3A_395 {offsets = [0, 1280], sizes = [1024, 256], strides = [1, 1]} : vector<1024x2048xbf16> to vector<1024x256xbf16>
    %max3A_437 = arith.constant 0.000000e+00 : bf16
    %max3A_438 = vector.broadcast %max3A_437 : bf16 to vector<1024x256xbf16>
    %max3A_439 = arith.maximumf %slice3A_436, %max3A_438 : vector<1024x256xbf16>
    %square3A_440 = arith.mulf %max3A_439, %max3A_439 : vector<1024x256xbf16>
    %slice3A_441 = vector.extract_strided_slice %convert_element_type3A {offsets = [0, 45], sizes = [1024, 1], strides = [1, 1]} : vector<1024x64xbf16> to vector<1024x1xbf16>
    %mul3A_442 = vector.broadcast %slice3A_441 : vector<1024x1xbf16> to vector<1024x256xbf16>
    %mul3A_443 = arith.mulf %square3A_440, %mul3A_442 : vector<1024x256xbf16>
    %slice3A_444 = vector.extract_strided_slice %convert_element_type3A_395 {offsets = [0, 1536], sizes = [1024, 256], strides = [1, 1]} : vector<1024x2048xbf16> to vector<1024x256xbf16>
    %max3A_445 = arith.constant 0.000000e+00 : bf16
    %max3A_446 = vector.broadcast %max3A_445 : bf16 to vector<1024x256xbf16>
    %max3A_447 = arith.maximumf %slice3A_444, %max3A_446 : vector<1024x256xbf16>
    %square3A_448 = arith.mulf %max3A_447, %max3A_447 : vector<1024x256xbf16>
    %slice3A_449 = vector.extract_strided_slice %convert_element_type3A {offsets = [0, 46], sizes = [1024, 1], strides = [1, 1]} : vector<1024x64xbf16> to vector<1024x1xbf16>
    %mul3A_450 = vector.broadcast %slice3A_449 : vector<1024x1xbf16> to vector<1024x256xbf16>
    %mul3A_451 = arith.mulf %square3A_448, %mul3A_450 : vector<1024x256xbf16>
    %slice3A_452 = vector.extract_strided_slice %convert_element_type3A_395 {offsets = [0, 1792], sizes = [1024, 256], strides = [1, 1]} : vector<1024x2048xbf16> to vector<1024x256xbf16>
    %max3A_453 = arith.constant 0.000000e+00 : bf16
    %max3A_454 = vector.broadcast %max3A_453 : bf16 to vector<1024x256xbf16>
    %max3A_455 = arith.maximumf %slice3A_452, %max3A_454 : vector<1024x256xbf16>
    %square3A_456 = arith.mulf %max3A_455, %max3A_455 : vector<1024x256xbf16>
    %slice3A_457 = vector.extract_strided_slice %convert_element_type3A {offsets = [0, 47], sizes = [1024, 1], strides = [1, 1]} : vector<1024x64xbf16> to vector<1024x1xbf16>
    %mul3A_458 = vector.broadcast %slice3A_457 : vector<1024x1xbf16> to vector<1024x256xbf16>
    %mul3A_459 = arith.mulf %square3A_456, %mul3A_458 : vector<1024x256xbf16>
    %concatenate3A_460 = tpu.concatenate %mul3A_403, %mul3A_411, %mul3A_419, %mul3A_427, %mul3A_435, %mul3A_443, %mul3A_451, %mul3A_459 in 1 : vector<1024x256xbf16>, vector<1024x256xbf16>, vector<1024x256xbf16>, vector<1024x256xbf16>, vector<1024x256xbf16>, vector<1024x256xbf16>, vector<1024x256xbf16>, vector<1024x256xbf16> -> vector<1024x2048xbf16>
    %get3A_461 = arith.constant 0 : index
    %get3A_462 = arith.constant 0 : index
    %get3A_463 = vector.load %arg4[%get3A_461, %get3A_462] : memref<2048x128xbf16, #tpu.memory_space<vmem>>, vector<2048x128xbf16>
    %dot_general3A_464 = arith.constant dense<0.000000e+00> : vector<1024x128xf32>
    %dot_general3A_465 = tpu.matmul %concatenate3A_460, %get3A_463, %dot_general3A_464 {dimension_numbers = #tpu.dot_dimension_numbers<[1], [0], [0], [1], [0, 0, 1, 1], [], []>, transpose_lhs_hint = false} : vector<1024x2048xbf16>, vector<2048x128xbf16>, vector<1024x128xf32> -> vector<1024x128xf32>
    %convert_element_type3A_466 = arith.truncf %dot_general3A_465 : vector<1024x128xf32> to vector<1024x128xbf16>
    %slice3A_467 = vector.extract_strided_slice %get3A_1 {offsets = [0, 768], sizes = [1024, 128], strides = [1, 1]} : vector<1024x1024xbf16> to vector<1024x128xbf16>
    %get3A_468 = arith.constant 0 : index
    %get3A_469 = arith.constant 0 : index
    %get3A_470 = vector.load %arg3[%get3A_468, %get3A_469] : memref<128x2048xbf16, #tpu.memory_space<vmem>>, vector<128x2048xbf16>
    %dot_general3A_471 = arith.constant dense<0.000000e+00> : vector<1024x2048xf32>
    %dot_general3A_472 = tpu.matmul %slice3A_467, %get3A_470, %dot_general3A_471 {dimension_numbers = #tpu.dot_dimension_numbers<[1], [0], [0], [1], [0, 0, 1, 1], [], []>, transpose_lhs_hint = false} : vector<1024x128xbf16>, vector<128x2048xbf16>, vector<1024x2048xf32> -> vector<1024x2048xf32>
    %convert_element_type3A_473 = arith.truncf %dot_general3A_472 : vector<1024x2048xf32> to vector<1024x2048xbf16>
    %slice3A_474 = vector.extract_strided_slice %convert_element_type3A_473 {offsets = [0, 0], sizes = [1024, 256], strides = [1, 1]} : vector<1024x2048xbf16> to vector<1024x256xbf16>
    %max3A_475 = arith.constant 0.000000e+00 : bf16
    %max3A_476 = vector.broadcast %max3A_475 : bf16 to vector<1024x256xbf16>
    %max3A_477 = arith.maximumf %slice3A_474, %max3A_476 : vector<1024x256xbf16>
    %square3A_478 = arith.mulf %max3A_477, %max3A_477 : vector<1024x256xbf16>
    %slice3A_479 = vector.extract_strided_slice %convert_element_type3A {offsets = [0, 48], sizes = [1024, 1], strides = [1, 1]} : vector<1024x64xbf16> to vector<1024x1xbf16>
    %mul3A_480 = vector.broadcast %slice3A_479 : vector<1024x1xbf16> to vector<1024x256xbf16>
    %mul3A_481 = arith.mulf %square3A_478, %mul3A_480 : vector<1024x256xbf16>
    %slice3A_482 = vector.extract_strided_slice %convert_element_type3A_473 {offsets = [0, 256], sizes = [1024, 256], strides = [1, 1]} : vector<1024x2048xbf16> to vector<1024x256xbf16>
    %max3A_483 = arith.constant 0.000000e+00 : bf16
    %max3A_484 = vector.broadcast %max3A_483 : bf16 to vector<1024x256xbf16>
    %max3A_485 = arith.maximumf %slice3A_482, %max3A_484 : vector<1024x256xbf16>
    %square3A_486 = arith.mulf %max3A_485, %max3A_485 : vector<1024x256xbf16>
    %slice3A_487 = vector.extract_strided_slice %convert_element_type3A {offsets = [0, 49], sizes = [1024, 1], strides = [1, 1]} : vector<1024x64xbf16> to vector<1024x1xbf16>
    %mul3A_488 = vector.broadcast %slice3A_487 : vector<1024x1xbf16> to vector<1024x256xbf16>
    %mul3A_489 = arith.mulf %square3A_486, %mul3A_488 : vector<1024x256xbf16>
    %slice3A_490 = vector.extract_strided_slice %convert_element_type3A_473 {offsets = [0, 512], sizes = [1024, 256], strides = [1, 1]} : vector<1024x2048xbf16> to vector<1024x256xbf16>
    %max3A_491 = arith.constant 0.000000e+00 : bf16
    %max3A_492 = vector.broadcast %max3A_491 : bf16 to vector<1024x256xbf16>
    %max3A_493 = arith.maximumf %slice3A_490, %max3A_492 : vector<1024x256xbf16>
    %square3A_494 = arith.mulf %max3A_493, %max3A_493 : vector<1024x256xbf16>
    %slice3A_495 = vector.extract_strided_slice %convert_element_type3A {offsets = [0, 50], sizes = [1024, 1], strides = [1, 1]} : vector<1024x64xbf16> to vector<1024x1xbf16>
    %mul3A_496 = vector.broadcast %slice3A_495 : vector<1024x1xbf16> to vector<1024x256xbf16>
    %mul3A_497 = arith.mulf %square3A_494, %mul3A_496 : vector<1024x256xbf16>
    %slice3A_498 = vector.extract_strided_slice %convert_element_type3A_473 {offsets = [0, 768], sizes = [1024, 256], strides = [1, 1]} : vector<1024x2048xbf16> to vector<1024x256xbf16>
    %max3A_499 = arith.constant 0.000000e+00 : bf16
    %max3A_500 = vector.broadcast %max3A_499 : bf16 to vector<1024x256xbf16>
    %max3A_501 = arith.maximumf %slice3A_498, %max3A_500 : vector<1024x256xbf16>
    %square3A_502 = arith.mulf %max3A_501, %max3A_501 : vector<1024x256xbf16>
    %slice3A_503 = vector.extract_strided_slice %convert_element_type3A {offsets = [0, 51], sizes = [1024, 1], strides = [1, 1]} : vector<1024x64xbf16> to vector<1024x1xbf16>
    %mul3A_504 = vector.broadcast %slice3A_503 : vector<1024x1xbf16> to vector<1024x256xbf16>
    %mul3A_505 = arith.mulf %square3A_502, %mul3A_504 : vector<1024x256xbf16>
    %slice3A_506 = vector.extract_strided_slice %convert_element_type3A_473 {offsets = [0, 1024], sizes = [1024, 256], strides = [1, 1]} : vector<1024x2048xbf16> to vector<1024x256xbf16>
    %max3A_507 = arith.constant 0.000000e+00 : bf16
    %max3A_508 = vector.broadcast %max3A_507 : bf16 to vector<1024x256xbf16>
    %max3A_509 = arith.maximumf %slice3A_506, %max3A_508 : vector<1024x256xbf16>
    %square3A_510 = arith.mulf %max3A_509, %max3A_509 : vector<1024x256xbf16>
    %slice3A_511 = vector.extract_strided_slice %convert_element_type3A {offsets = [0, 52], sizes = [1024, 1], strides = [1, 1]} : vector<1024x64xbf16> to vector<1024x1xbf16>
    %mul3A_512 = vector.broadcast %slice3A_511 : vector<1024x1xbf16> to vector<1024x256xbf16>
    %mul3A_513 = arith.mulf %square3A_510, %mul3A_512 : vector<1024x256xbf16>
    %slice3A_514 = vector.extract_strided_slice %convert_element_type3A_473 {offsets = [0, 1280], sizes = [1024, 256], strides = [1, 1]} : vector<1024x2048xbf16> to vector<1024x256xbf16>
    %max3A_515 = arith.constant 0.000000e+00 : bf16
    %max3A_516 = vector.broadcast %max3A_515 : bf16 to vector<1024x256xbf16>
    %max3A_517 = arith.maximumf %slice3A_514, %max3A_516 : vector<1024x256xbf16>
    %square3A_518 = arith.mulf %max3A_517, %max3A_517 : vector<1024x256xbf16>
    %slice3A_519 = vector.extract_strided_slice %convert_element_type3A {offsets = [0, 53], sizes = [1024, 1], strides = [1, 1]} : vector<1024x64xbf16> to vector<1024x1xbf16>
    %mul3A_520 = vector.broadcast %slice3A_519 : vector<1024x1xbf16> to vector<1024x256xbf16>
    %mul3A_521 = arith.mulf %square3A_518, %mul3A_520 : vector<1024x256xbf16>
    %slice3A_522 = vector.extract_strided_slice %convert_element_type3A_473 {offsets = [0, 1536], sizes = [1024, 256], strides = [1, 1]} : vector<1024x2048xbf16> to vector<1024x256xbf16>
    %max3A_523 = arith.constant 0.000000e+00 : bf16
    %max3A_524 = vector.broadcast %max3A_523 : bf16 to vector<1024x256xbf16>
    %max3A_525 = arith.maximumf %slice3A_522, %max3A_524 : vector<1024x256xbf16>
    %square3A_526 = arith.mulf %max3A_525, %max3A_525 : vector<1024x256xbf16>
    %slice3A_527 = vector.extract_strided_slice %convert_element_type3A {offsets = [0, 54], sizes = [1024, 1], strides = [1, 1]} : vector<1024x64xbf16> to vector<1024x1xbf16>
    %mul3A_528 = vector.broadcast %slice3A_527 : vector<1024x1xbf16> to vector<1024x256xbf16>
    %mul3A_529 = arith.mulf %square3A_526, %mul3A_528 : vector<1024x256xbf16>
    %slice3A_530 = vector.extract_strided_slice %convert_element_type3A_473 {offsets = [0, 1792], sizes = [1024, 256], strides = [1, 1]} : vector<1024x2048xbf16> to vector<1024x256xbf16>
    %max3A_531 = arith.constant 0.000000e+00 : bf16
    %max3A_532 = vector.broadcast %max3A_531 : bf16 to vector<1024x256xbf16>
    %max3A_533 = arith.maximumf %slice3A_530, %max3A_532 : vector<1024x256xbf16>
    %square3A_534 = arith.mulf %max3A_533, %max3A_533 : vector<1024x256xbf16>
    %slice3A_535 = vector.extract_strided_slice %convert_element_type3A {offsets = [0, 55], sizes = [1024, 1], strides = [1, 1]} : vector<1024x64xbf16> to vector<1024x1xbf16>
    %mul3A_536 = vector.broadcast %slice3A_535 : vector<1024x1xbf16> to vector<1024x256xbf16>
    %mul3A_537 = arith.mulf %square3A_534, %mul3A_536 : vector<1024x256xbf16>
    %concatenate3A_538 = tpu.concatenate %mul3A_481, %mul3A_489, %mul3A_497, %mul3A_505, %mul3A_513, %mul3A_521, %mul3A_529, %mul3A_537 in 1 : vector<1024x256xbf16>, vector<1024x256xbf16>, vector<1024x256xbf16>, vector<1024x256xbf16>, vector<1024x256xbf16>, vector<1024x256xbf16>, vector<1024x256xbf16>, vector<1024x256xbf16> -> vector<1024x2048xbf16>
    %get3A_539 = arith.constant 0 : index
    %get3A_540 = arith.constant 0 : index
    %get3A_541 = vector.load %arg4[%get3A_539, %get3A_540] : memref<2048x128xbf16, #tpu.memory_space<vmem>>, vector<2048x128xbf16>
    %dot_general3A_542 = arith.constant dense<0.000000e+00> : vector<1024x128xf32>
    %dot_general3A_543 = tpu.matmul %concatenate3A_538, %get3A_541, %dot_general3A_542 {dimension_numbers = #tpu.dot_dimension_numbers<[1], [0], [0], [1], [0, 0, 1, 1], [], []>, transpose_lhs_hint = false} : vector<1024x2048xbf16>, vector<2048x128xbf16>, vector<1024x128xf32> -> vector<1024x128xf32>
    %convert_element_type3A_544 = arith.truncf %dot_general3A_543 : vector<1024x128xf32> to vector<1024x128xbf16>
    %slice3A_545 = vector.extract_strided_slice %get3A_1 {offsets = [0, 896], sizes = [1024, 128], strides = [1, 1]} : vector<1024x1024xbf16> to vector<1024x128xbf16>
    %get3A_546 = arith.constant 0 : index
    %get3A_547 = arith.constant 0 : index
    %get3A_548 = vector.load %arg3[%get3A_546, %get3A_547] : memref<128x2048xbf16, #tpu.memory_space<vmem>>, vector<128x2048xbf16>
    %dot_general3A_549 = arith.constant dense<0.000000e+00> : vector<1024x2048xf32>
    %dot_general3A_550 = tpu.matmul %slice3A_545, %get3A_548, %dot_general3A_549 {dimension_numbers = #tpu.dot_dimension_numbers<[1], [0], [0], [1], [0, 0, 1, 1], [], []>, transpose_lhs_hint = false} : vector<1024x128xbf16>, vector<128x2048xbf16>, vector<1024x2048xf32> -> vector<1024x2048xf32>
    %convert_element_type3A_551 = arith.truncf %dot_general3A_550 : vector<1024x2048xf32> to vector<1024x2048xbf16>
    %slice3A_552 = vector.extract_strided_slice %convert_element_type3A_551 {offsets = [0, 0], sizes = [1024, 256], strides = [1, 1]} : vector<1024x2048xbf16> to vector<1024x256xbf16>
    %max3A_553 = arith.constant 0.000000e+00 : bf16
    %max3A_554 = vector.broadcast %max3A_553 : bf16 to vector<1024x256xbf16>
    %max3A_555 = arith.maximumf %slice3A_552, %max3A_554 : vector<1024x256xbf16>
    %square3A_556 = arith.mulf %max3A_555, %max3A_555 : vector<1024x256xbf16>
    %slice3A_557 = vector.extract_strided_slice %convert_element_type3A {offsets = [0, 56], sizes = [1024, 1], strides = [1, 1]} : vector<1024x64xbf16> to vector<1024x1xbf16>
    %mul3A_558 = vector.broadcast %slice3A_557 : vector<1024x1xbf16> to vector<1024x256xbf16>
    %mul3A_559 = arith.mulf %square3A_556, %mul3A_558 : vector<1024x256xbf16>
    %slice3A_560 = vector.extract_strided_slice %convert_element_type3A_551 {offsets = [0, 256], sizes = [1024, 256], strides = [1, 1]} : vector<1024x2048xbf16> to vector<1024x256xbf16>
    %max3A_561 = arith.constant 0.000000e+00 : bf16
    %max3A_562 = vector.broadcast %max3A_561 : bf16 to vector<1024x256xbf16>
    %max3A_563 = arith.maximumf %slice3A_560, %max3A_562 : vector<1024x256xbf16>
    %square3A_564 = arith.mulf %max3A_563, %max3A_563 : vector<1024x256xbf16>
    %slice3A_565 = vector.extract_strided_slice %convert_element_type3A {offsets = [0, 57], sizes = [1024, 1], strides = [1, 1]} : vector<1024x64xbf16> to vector<1024x1xbf16>
    %mul3A_566 = vector.broadcast %slice3A_565 : vector<1024x1xbf16> to vector<1024x256xbf16>
    %mul3A_567 = arith.mulf %square3A_564, %mul3A_566 : vector<1024x256xbf16>
    %slice3A_568 = vector.extract_strided_slice %convert_element_type3A_551 {offsets = [0, 512], sizes = [1024, 256], strides = [1, 1]} : vector<1024x2048xbf16> to vector<1024x256xbf16>
    %max3A_569 = arith.constant 0.000000e+00 : bf16
    %max3A_570 = vector.broadcast %max3A_569 : bf16 to vector<1024x256xbf16>
    %max3A_571 = arith.maximumf %slice3A_568, %max3A_570 : vector<1024x256xbf16>
    %square3A_572 = arith.mulf %max3A_571, %max3A_571 : vector<1024x256xbf16>
    %slice3A_573 = vector.extract_strided_slice %convert_element_type3A {offsets = [0, 58], sizes = [1024, 1], strides = [1, 1]} : vector<1024x64xbf16> to vector<1024x1xbf16>
    %mul3A_574 = vector.broadcast %slice3A_573 : vector<1024x1xbf16> to vector<1024x256xbf16>
    %mul3A_575 = arith.mulf %square3A_572, %mul3A_574 : vector<1024x256xbf16>
    %slice3A_576 = vector.extract_strided_slice %convert_element_type3A_551 {offsets = [0, 768], sizes = [1024, 256], strides = [1, 1]} : vector<1024x2048xbf16> to vector<1024x256xbf16>
    %max3A_577 = arith.constant 0.000000e+00 : bf16
    %max3A_578 = vector.broadcast %max3A_577 : bf16 to vector<1024x256xbf16>
    %max3A_579 = arith.maximumf %slice3A_576, %max3A_578 : vector<1024x256xbf16>
    %square3A_580 = arith.mulf %max3A_579, %max3A_579 : vector<1024x256xbf16>
    %slice3A_581 = vector.extract_strided_slice %convert_element_type3A {offsets = [0, 59], sizes = [1024, 1], strides = [1, 1]} : vector<1024x64xbf16> to vector<1024x1xbf16>
    %mul3A_582 = vector.broadcast %slice3A_581 : vector<1024x1xbf16> to vector<1024x256xbf16>
    %mul3A_583 = arith.mulf %square3A_580, %mul3A_582 : vector<1024x256xbf16>
    %slice3A_584 = vector.extract_strided_slice %convert_element_type3A_551 {offsets = [0, 1024], sizes = [1024, 256], strides = [1, 1]} : vector<1024x2048xbf16> to vector<1024x256xbf16>
    %max3A_585 = arith.constant 0.000000e+00 : bf16
    %max3A_586 = vector.broadcast %max3A_585 : bf16 to vector<1024x256xbf16>
    %max3A_587 = arith.maximumf %slice3A_584, %max3A_586 : vector<1024x256xbf16>
    %square3A_588 = arith.mulf %max3A_587, %max3A_587 : vector<1024x256xbf16>
    %slice3A_589 = vector.extract_strided_slice %convert_element_type3A {offsets = [0, 60], sizes = [1024, 1], strides = [1, 1]} : vector<1024x64xbf16> to vector<1024x1xbf16>
    %mul3A_590 = vector.broadcast %slice3A_589 : vector<1024x1xbf16> to vector<1024x256xbf16>
    %mul3A_591 = arith.mulf %square3A_588, %mul3A_590 : vector<1024x256xbf16>
    %slice3A_592 = vector.extract_strided_slice %convert_element_type3A_551 {offsets = [0, 1280], sizes = [1024, 256], strides = [1, 1]} : vector<1024x2048xbf16> to vector<1024x256xbf16>
    %max3A_593 = arith.constant 0.000000e+00 : bf16
    %max3A_594 = vector.broadcast %max3A_593 : bf16 to vector<1024x256xbf16>
    %max3A_595 = arith.maximumf %slice3A_592, %max3A_594 : vector<1024x256xbf16>
    %square3A_596 = arith.mulf %max3A_595, %max3A_595 : vector<1024x256xbf16>
    %slice3A_597 = vector.extract_strided_slice %convert_element_type3A {offsets = [0, 61], sizes = [1024, 1], strides = [1, 1]} : vector<1024x64xbf16> to vector<1024x1xbf16>
    %mul3A_598 = vector.broadcast %slice3A_597 : vector<1024x1xbf16> to vector<1024x256xbf16>
    %mul3A_599 = arith.mulf %square3A_596, %mul3A_598 : vector<1024x256xbf16>
    %slice3A_600 = vector.extract_strided_slice %convert_element_type3A_551 {offsets = [0, 1536], sizes = [1024, 256], strides = [1, 1]} : vector<1024x2048xbf16> to vector<1024x256xbf16>
    %max3A_601 = arith.constant 0.000000e+00 : bf16
    %max3A_602 = vector.broadcast %max3A_601 : bf16 to vector<1024x256xbf16>
    %max3A_603 = arith.maximumf %slice3A_600, %max3A_602 : vector<1024x256xbf16>
    %square3A_604 = arith.mulf %max3A_603, %max3A_603 : vector<1024x256xbf16>
    %slice3A_605 = vector.extract_strided_slice %convert_element_type3A {offsets = [0, 62], sizes = [1024, 1], strides = [1, 1]} : vector<1024x64xbf16> to vector<1024x1xbf16>
    %mul3A_606 = vector.broadcast %slice3A_605 : vector<1024x1xbf16> to vector<1024x256xbf16>
    %mul3A_607 = arith.mulf %square3A_604, %mul3A_606 : vector<1024x256xbf16>
    %slice3A_608 = vector.extract_strided_slice %convert_element_type3A_551 {offsets = [0, 1792], sizes = [1024, 256], strides = [1, 1]} : vector<1024x2048xbf16> to vector<1024x256xbf16>
    %max3A_609 = arith.constant 0.000000e+00 : bf16
    %max3A_610 = vector.broadcast %max3A_609 : bf16 to vector<1024x256xbf16>
    %max3A_611 = arith.maximumf %slice3A_608, %max3A_610 : vector<1024x256xbf16>
    %square3A_612 = arith.mulf %max3A_611, %max3A_611 : vector<1024x256xbf16>
    %slice3A_613 = vector.extract_strided_slice %convert_element_type3A {offsets = [0, 63], sizes = [1024, 1], strides = [1, 1]} : vector<1024x64xbf16> to vector<1024x1xbf16>
    %mul3A_614 = vector.broadcast %slice3A_613 : vector<1024x1xbf16> to vector<1024x256xbf16>
    %mul3A_615 = arith.mulf %square3A_612, %mul3A_614 : vector<1024x256xbf16>
    %concatenate3A_616 = tpu.concatenate %mul3A_559, %mul3A_567, %mul3A_575, %mul3A_583, %mul3A_591, %mul3A_599, %mul3A_607, %mul3A_615 in 1 : vector<1024x256xbf16>, vector<1024x256xbf16>, vector<1024x256xbf16>, vector<1024x256xbf16>, vector<1024x256xbf16>, vector<1024x256xbf16>, vector<1024x256xbf16>, vector<1024x256xbf16> -> vector<1024x2048xbf16>
    %get3A_617 = arith.constant 0 : index
    %get3A_618 = arith.constant 0 : index
    %get3A_619 = vector.load %arg4[%get3A_617, %get3A_618] : memref<2048x128xbf16, #tpu.memory_space<vmem>>, vector<2048x128xbf16>
    %dot_general3A_620 = arith.constant dense<0.000000e+00> : vector<1024x128xf32>
    %dot_general3A_621 = tpu.matmul %concatenate3A_616, %get3A_619, %dot_general3A_620 {dimension_numbers = #tpu.dot_dimension_numbers<[1], [0], [0], [1], [0, 0, 1, 1], [], []>, transpose_lhs_hint = false} : vector<1024x2048xbf16>, vector<2048x128xbf16>, vector<1024x128xf32> -> vector<1024x128xf32>
    %convert_element_type3A_622 = arith.truncf %dot_general3A_621 : vector<1024x128xf32> to vector<1024x128xbf16>
    %concatenate3A_623 = tpu.concatenate %convert_element_type3A_76, %convert_element_type3A_154, %convert_element_type3A_232, %convert_element_type3A_310, %convert_element_type3A_388, %convert_element_type3A_466, %convert_element_type3A_544, %convert_element_type3A_622 in 1 : vector<1024x128xbf16>, vector<1024x128xbf16>, vector<1024x128xbf16>, vector<1024x128xbf16>, vector<1024x128xbf16>, vector<1024x128xbf16>, vector<1024x128xbf16>, vector<1024x128xbf16> -> vector<1024x1024xbf16>
    %get3A_624 = arith.constant 0 : index
    %get3A_625 = arith.constant 0 : index
    %get3A_626 = vector.load %arg5[%get3A_624, %get3A_625] : memref<1024x1024xbf16, #tpu.memory_space<vmem>>, vector<1024x1024xbf16>
    %dot_general3A_627 = arith.constant dense<0.000000e+00> : vector<1024x1024xf32>
    %dot_general3A_628 = tpu.matmul %concatenate3A_623, %get3A_626, %dot_general3A_627 {dimension_numbers = #tpu.dot_dimension_numbers<[1], [0], [0], [1], [0, 0, 1, 1], [], []>, transpose_lhs_hint = false} : vector<1024x1024xbf16>, vector<1024x1024xbf16>, vector<1024x1024xf32> -> vector<1024x1024xf32>
    %get3A_629 = arith.constant 0 : index
    %get3A_630 = arith.constant 0 : index
    %get3A_631 = vector.load %arg6[%get3A_629, %get3A_630] : memref<1x1024xf32, #tpu.memory_space<vmem>>, vector<1x1024xf32>
    %add3A = vector.broadcast %get3A_631 : vector<1x1024xf32> to vector<1024x1024xf32>
    %add3A_632 = arith.addf %dot_general3A_628, %add3A : vector<1024x1024xf32>
    %swap3A = arith.constant 0 : index
    %swap3A_633 = arith.constant 0 : index
    %swap3A_634 = vector.load %arg7[%swap3A, %swap3A_633] : memref<1024x1024xf32, #tpu.memory_space<vmem>>, vector<1024x1024xf32>
    tpu.vector_store %arg7[%swap3A, %swap3A_633], %add3A_632 {strides = array<i32>} : memref<1024x1024xf32, #tpu.memory_space<vmem>>, vector<1024x1024xf32>,
    return
  }
  func.func @transform_0(%arg0: i32) -> (i32, i32) {
    %c0_i32 = arith.constant 0 : i32
    %c0_i32_0 = arith.constant 0 : i32
    return %arg0, %c0_i32 : i32, i32
  }
  func.func @transform_1(%arg0: i32) -> (i32, i32) {
    %c0_i32 = arith.constant 0 : i32
    %c0_i32_0 = arith.constant 0 : i32
    return %c0_i32, %arg0 : i32, i32
  }
  func.func @transform_2(%arg0: i32) -> (i32, i32) {
    %c0_i32 = arith.constant 0 : i32
    %c0_i32_0 = arith.constant 0 : i32
    %c0_i32_1 = arith.constant 0 : i32
    return %c0_i32, %c0_i32_0 : i32, i32
  }
  func.func @transform_3(%arg0: i32) -> (i32, i32) {
    %c0_i32 = arith.constant 0 : i32
    %c0_i32_0 = arith.constant 0 : i32
    %c0_i32_1 = arith.constant 0 : i32
    return %c0_i32, %c0_i32_0 : i32, i32
  }
  func.func @transform_4(%arg0: i32) -> (i32, i32) {
    %c0_i32 = arith.constant 0 : i32
    %c0_i32_0 = arith.constant 0 : i32
    %c0_i32_1 = arith.constant 0 : i32
    return %c0_i32, %c0_i32_0 : i32, i32
  }
  func.func @transform_5(%arg0: i32) -> (i32, i32) {
    %c0_i32 = arith.constant 0 : i32
    %c0_i32_0 = arith.constant 0 : i32
    %c0_i32_1 = arith.constant 0 : i32
    return %c0_i32, %c0_i32_0 : i32, i32
  }
  func.func @transform_6(%arg0: i32) -> (i32, i32) {
    %c0_i32 = arith.constant 0 : i32
    %c0_i32_0 = arith.constant 0 : i32
    return %arg0, %c0_i32 : i32, i32
  }
}

</mosaic_0001>

<sc_bundles>
// kernel: kernel.5.cloned.1.call-start
scs
__scs_entry_jumppad:
0x0: {  	(pc) =	sbr.rel $0x88, $3  }
0x1: {  	(tag) =	ssettag $0x0;
	lr =	simm.s32 $0x1  }
0x2: {  	[smem:$0x3F99] =	sst lr;
	_ =	strace $0xD0000000  }
0x3: {  	_ = 	snop  }
0x4: {  	_ = 	snop  }
0x5: {  	_ = 	snop  }
0x6: {  	_ = 	snop  }
0x7: {  	_ = 	snop  }
__scs_overlays_trampoline_lowered:
0x8: {  	[smem:$0x3FA8] =	sst s0  }
0x9: {  	[smem:$0x3FA9] =	sst s1  }
0xa: {  	[smem:$0x3FAA] =	sst s2  }
0xb: {  	[smem:$0x3FAB] =	sst s3  }
0xc: {  	[smem:$0x3FAC] =	sst s4  }
0xd: {  	[smem:$0x3FAD] =	sst s5  }
0xe: {  	[smem:$0x3FAE] =	sst s6  }
0xf: {  	[smem:$0x3FAF] =	sst s7  }
0x10: {  	[smem:$0x3FB0] =	sst s8  }
0x11: {  	[smem:$0x3FB1] =	sst s9;
	s0 =	simm.s32 @!p0 $0x0  }
0x12: {  	s1 =	sld [smem:$0x3F97];
	s0 =	simm.s32 @p0 $0x1  }
0x13: {  	[smem:$0x3FB2] =	sst s0;
	s0 =	simm.s32 @!p1 $0x0  }
0x14: {  	s2 =	sld [smem:$0x3F96];
	s0 =	simm.s32 @p1 $0x1  }
0x15: {  	[smem:$0x3FB3] =	sst s0;
	s0 =	simm.s32 @!p2 $0x0  }
0x16: {  	s3 =	sld [smem:$0x3FDB];
	s0 =	simm.s32 @p2 $0x1  }
0x17: {  	s4 =	simm.s32 $0x1BF5;
	[smem:$0x3FB5] =	sst s0  }
0x18: {  	s0 =	sld [smem:$0x3F98];
	_ =	swait.ge [sflag:s4], $0x0  }
0x19: {  	s7 =	sld [smem:$0x3F99]  }
0x1a: {  	s8 =	sadd.s32 $0xFFFFE003, lr  }
0x1b: {  	s9 =	sadd.s32 $0xFFFFFEF7, lr;
	s5 =	simm.s32 $0xFFFFFFFF;
	p2 =	slt.u32 s8, $0xFFFFF086  }
0x1c: {  	p1 =	slt.u32 s9, $0xF7A;
	s5 =	simm.s32 @!p2 $0x0  }
0x1d: {  	s5 =	simm.s32 @p1 $0x1;
	p0 =	seq.s32 s7, s2  }
0x1e: {  	s7 =	smul.u32 @!p0 $0xF7A, s2;
	p2 =	seq.s32 @!p0 s5, $0x0  }
0x1f: {  	s9 =	smul.u32 $0xF7A, s1;
	s8 =	simm.s32 @!p0 $0x1BF5;
	p2 =	por !p2, p0  }
0x20: {  	[sflag:s8] =	ssyncset.s32 @!p0 $0xFFFFF086;
	s6 =	sadd.s32 @!p0 s3, s7;
	s7 =	simm.s32 @!p0 $0x108  }
0x21: {  	s3 =	sadd.s32 s3, s9;
	s6 =	sadd.s32 @!p0 $0x88, s6;
	s7 =	simm.s32 @p2 $0x1082  }
0x22: {  	[simem:s7], [sflag:s8] =	dma.local @!p0 [hbm:s6], $0xF7A  }
0x23: {  	s9 =	sor.u32 $0xD0000000, s2;
	s6 =	simm.s32 $0x108;
	_ =	swait.ge @!p0 [sflag:s8], $0x0  }
0x24: {  	s3 =	sadd.s32 $0x88, s3;
	s6 =	simm.s32 @!p1 $0x1082;
	[sflag:s4] =	ssyncset.s32 $0xFFFFF086  }
0x25: {  	[simem:s6], [sflag:s4] =	dma.local [hbm:s3], $0xF7A  }
0x26: {  	[smem:$0x3F99] =	sst s1;
	(tag) =	ssettag s2;
	_ =	strace s9  }
0x27: {  	s1 =	sld [smem:$0x3FA9]  }
0x28: {  	s2 =	sld [smem:$0x3FAA]  }
0x29: {  	s4 =	sld [smem:$0x3FAC]  }
0x2a: {  	p0 =	seq.s32 s5, $0x0;
	s5 =	sld [smem:$0x3FAD]  }
0x2b: {  	s6 =	sld [smem:$0x3FAE]  }
0x2c: {  	s7 =	sld [smem:$0x3FAF]  }
0x2d: {  	s3 =	simm.s32 $0x108;
	s8 =	sld [smem:$0x3FB0]  }
0x2e: {  	s3 =	simm.s32 @!p0 $0x1082;
	s9 =	sld [smem:$0x3FB1]  }
0x2f: {  	lr =	sadd.s32 s0, s3;
	s0 =	sld [smem:$0x3FA8]  }
0x30: {  	s3 =	sld [smem:$0x3FAB]  }
0x31: {  	[smem:$0x3FB4] =	sst s10  }
0x32: {  	s10 =	sld [smem:$0x3FB2];
	_ =	sdelay $0x3  }
0x33: {  	p0 =	seq.s32 s10, $0x1;
	s10 =	sld [smem:$0x3FB4];
	_ =	sdelay $0x3  }
0x34: {  	[smem:$0x3FB4] =	sst s10  }
0x35: {  	s10 =	sld [smem:$0x3FB3];
	_ =	sdelay $0x3  }
0x36: {  	p1 =	seq.s32 s10, $0x1;
	s10 =	sld [smem:$0x3FB4];
	_ =	sdelay $0x3  }
0x37: {  	[smem:$0x3FB4] =	sst s10  }
0x38: {  	s10 =	sld [smem:$0x3FB5]  }
0x39: {  	_ = 	snop;
	(pc) =	sbr.ind lr, $3  }
0x3a: {  	_ = 	snop  }
0x3b: {  	_ = 	snop  }
0x3c: {  	p2 =	seq.s32 s10, $0x1;
	s10 =	sld [smem:$0x3FB4]  }
0x3d: {  	_ =	shalt  }
0x3e: {  	_ =	shalt  }
0x3f: {  	_ =	shalt  }
0x40: {  	_ =	shalt  }
0x41: {  	_ =	shalt  }
0x42: {  	_ =	shalt  }
0x43: {  	_ =	shalt  }
0x44: {  	_ =	shalt  }
0x45: {  	_ =	shalt  }
0x46: {  	_ =	shalt  }
0x47: {  	_ =	shalt  }
0x48: {  	_ =	shalt  }
0x49: {  	_ =	shalt  }
0x4a: {  	_ =	shalt  }
0x4b: {  	_ =	shalt  }
0x4c: {  	_ =	shalt  }
0x4d: {  	_ =	shalt  }
0x4e: {  	_ =	shalt  }
0x4f: {  	_ =	shalt  }
0x50: {  	_ =	shalt  }
0x51: {  	_ =	shalt  }
0x52: {  	_ =	shalt  }
0x53: {  	_ =	shalt  }
0x54: {  	_ =	shalt  }
0x55: {  	_ =	shalt  }
0x56: {  	_ =	shalt  }
0x57: {  	_ =	shalt  }
0x58: {  	_ =	shalt  }
0x59: {  	_ =	shalt  }
0x5a: {  	_ =	shalt  }
0x5b: {  	_ =	shalt  }
0x5c: {  	_ =	shalt  }
0x5d: {  	_ =	shalt  }
0x5e: {  	_ =	shalt  }
0x5f: {  	_ =	shalt  }
0x60: {  	_ =	shalt  }
0x61: {  	_ =	shalt  }
0x62: {  	_ =	shalt  }
0x63: {  	_ =	shalt  }
0x64: {  	_ =	shalt  }
0x65: {  	_ =	shalt  }
0x66: {  	_ =	shalt  }
0x67: {  	_ =	shalt  }
0x68: {  	_ =	shalt  }
0x69: {  	_ =	shalt  }
0x6a: {  	_ =	shalt  }
0x6b: {  	_ =	shalt  }
0x6c: {  	_ =	shalt  }
0x6d: {  	_ =	shalt  }
0x6e: {  	_ =	shalt  }
0x6f: {  	_ =	shalt  }
0x70: {  	_ =	shalt  }
0x71: {  	_ =	shalt  }
0x72: {  	_ =	shalt  }
0x73: {  	_ =	shalt  }
0x74: {  	_ =	shalt  }
0x75: {  	_ =	shalt  }
0x76: {  	_ =	shalt  }
0x77: {  	_ =	shalt  }
0x78: {  	_ =	shalt  }
0x79: {  	_ =	shalt  }
0x7a: {  	_ =	shalt  }
0x7b: {  	_ =	shalt  }
0x7c: {  	_ =	shalt  }
0x7d: {  	_ =	shalt  }
0x7e: {  	_ =	shalt  }
0x7f: {  	_ =	shalt  }
0x80: {  	_ =	shalt  }
0x81: {  	_ =	shalt  }
0x82: {  	_ =	shalt  }
0x83: {  	_ =	shalt  }
0x84: {  	_ =	shalt  }
0x85: {  	_ =	shalt  }
0x86: {  	_ =	shalt  }
0x87: {  	_ =	shalt  }
.Lfunc_end0:
.L_simem_size_0:
called_computation_lowered:
.L_overlay_start_0:
0x88: {  	s2 =	sld [smem:$0x3FD9]  }
0x89: {  	s3 =	sld [smem:$0x3FFE];
	_ =	sdelay $0x1  }
0x8a: {  	s1 =	srdreg.scid  }
0x8b: {  	s0 =	sand.u32 $0x1, s1  }
0x8c: {  	s17 =	sshll.u32 s0, $0xA;
	s2 =	sadd.s32 s3, s2  }
0x8d: {  	s2 =	sadd.s32 s2, s17  }
0x8e: {  	[smem:$0x3FC0] =	sst s2  }
0x8f: {  	_ = 	snop  }
0x90: {  	s2 =	sld [smem:$0x3FD0];
	(tm) =	ssettm $0x1  }
0x91: {  	s18 =	sld [smem:$0x3FFB];
	_ =	sdelay $0x3  }
0x92: {  	_ =	strace s18  }
0x93: {  	s3 =	sld [smem:$0x3FFC];
	_ =	sdelay $0x3  }
0x94: {  	_ =	strace s3  }
0x95: {  	s3 =	sld [smem:$0x3FFD];
	_ =	sdelay $0x3  }
0x96: {  	_ =	strace s3  }
0x97: {  	_ =	strace $0x8FFFFFFF  }
0x98: {  	s19 =	sld [smem:$0x3FDB];
	_ =	sdelay $0x1  }
0x99: {  	s4 =	simm.s32 $_scs_section_size  }
0x9a: {  	s5 =	simm.s32 $_size__tile_overlayer_lowered;
	s6 =	simm.s32 $_tile_overlayer_lowered  }
0x9b: {  	s22 =	simm.s32 $0x1BFF;
	s21 =	sshll.u32 s6, $0x1;
	s3 =	sadd.s32 s4, s19  }
0x9c: {  	s7 =	simm.s32 $0x0;
	s20 =	sshll.u32 s5, $0x1;
	s5 =	sadd.s32 s21, s3  }
0x9d: {  	[timem:s7], [sflag:s22] =	dma.local [hbm:s5], s20  }
0x9e: {  	_ =	swait.ge [sflag:s22], s20  }
0x9f: {  	s4 =	ssub.s32 $0x0, s20;
	[sflag:s22] =	ssyncset.done $0x0  }
0xa0: {  	[sflag:s22] =	ssyncadd.s32 s4;
	_ =	sdelay $0x1  }
0xa1: {  	s23 =	simm.s32 $0x1B8B  }
0xa2: {  	_ =	swait.ge [sflag:s23], $0x1  }
0xa3: {  	[sflag:s23] =	ssyncset.done $0x0  }
0xa4: {  	s25 =	simm.s32 $0x1B8E;
	s24 =	sld [smem:$0x3FFE];
	[sflag:s23] =	ssyncadd.s32 $0xFFFFFFFF  }
0xa5: {  	s26 =	simm.s32 $execute0_lowered;
	[smem:$0x3FD2] =	sst s25  }
0xa6: {  	s5 =	sshll.u32 s26, $0x1;
	_ =	strace $0x80000046;
	[dreg:$0x1] =	wrdreg $0xFFFFFFFF  }
0xa7: {  	s28 =	simm.s32 $_size_execute0_lowered;
	s3 =	sadd.s32 s3, s5;
	[dreg:$0x0] =	wrdreg $0x0  }
0xa8: {  	s5 =	sshll.u32 s28, $0x1;
	[dreg:$0x2] =	wrdreg s3  }
0xa9: {  	[dreg:$0x3] =	wrdreg s5  }
0xaa: {  	[dreg:$0x4] =	wrdreg $0xC0  }
0xab: {  	_ =	task [dreg:s7], $0x5FFFF  }
0xac: {  	[dreg:$0x1] =	wrdreg $0xFFFFFFFF  }
0xad: {  	[dreg:$0x0] =	wrdreg $0x60  }
0xae: {  	[dreg:$0x2] =	wrdreg s2  }
0xaf: {  	[dreg:$0x3] =	wrdreg s24  }
0xb0: {  	[dreg:$0x4] =	wrdreg $0x9  }
0xb1: {  	_ =	task.clear_ibuf [dreg:s7], $0x5FFFF;
	_ =	strace $0x90000046  }
0xb2: {  	s29 =	simm.s32 $0x9;
	_ =	strace $0x8000004F  }
0xb3: {  	_ =	swait.ge [sflag:s29], $0x1  }
0xb4: {  	[sflag:s29] =	ssyncadd.s32 $0xFFFFFFFF  }
0xb5: {  	_ =	strace $0x9000004F  }
0xb6: {  	_ =	sfence  }
0xb7: {  	s30 =	sld [smem:$0x0];
	_ =	sdelay $0x2  }
0xb8: {  	s31 =	sshll.u32 s1, $0xD;
	s1 =	sshrl.u32 s1, $0x2  }
0xb9: {  	s3 =	sand.u32 $0x4000, s31;
	s1 =	sadd.s32 s1, s30  }
0xba: {  	s0 =	sor.u32 s3, s0;
	s1 =	sshll.u32 s1, $0x11  }
0xbb: {  	s0 =	sor.u32 s1, s0  }
0xbc: {  	s0 =	sadd.s32 $0x8F2B, s0  }
0xbd: {  	[sflag:s0] =	ssyncadd.remote.s32 $0x1  }
0xbe: {  	_ =	sfence.sel $0xFFFF  }
0xbf: {  	[dreg:$0x0] =	wrdreg $0xFFFFFFFF;
	(pc) =	sbr.abs _section_cstart, $3  }
0xc0: {  	[dreg:$0x1] =	wrdreg $0xFFFFFFFF  }
0xc1: {  	_ =	task.clear_ibuf [dreg:s7], $0x2FFFF;
	_ =	strace $0x9FFFFFFF  }
0xc2: {  	(tm) =	ssettm $0x7FFFFFFF  }
0xc3: {  	_ =	shalt  }
tec
execute0_lowered:
.L_overlay_start_1:
0x0: {  	(tag) =	ssettag $0x1  }
0x1: {  	s1 =	rddreg [dreg:$0x0]  }
0x2: {  	s3 =	rddreg [dreg:$0x1]  }
0x3: {  	s0 =	rddreg [dreg:$0x2]  }
0x4: {  	s2 =	simm.s32 $0x0;
	s4 =	srdreg.scid;
	s8 =	simm.s32 $0x800  }
0x5: {  	s9 =	simm.s32 $0x4;
	s10 =	simm.s32 $0x0;
	[smem:$0x7FF] =	sst s2  }
0x6: {  	s5 =	sadd.s32 $0x1200, s3;
	s4 =	sand.u32 $0x1, s4;
	s3 =	stileid.u32  }
0x7: {  	_ =	strace $0x80000047;
	s6 =	ssub.s32 $0x2, s4;
	s4 =	sshll.u32 s4, $0x4  }
0x8: {  	[dreg:$0x3] =	wrdreg s5;
	s30 =	sshrl.u32 s6, $0x1;
	s7 =	sor.u32 s3, s4  }
0x9: {  	s6 =	ssub.s32 s6, s30;
	s4 =	sshll.u32 s7, $0x2;
	s31 =	sshll.u32 s7, $0x3  }
0xa: {  	v0 =	vimm.s32 $0x0;
	s7 =	simm.s32 $0x10;
	s5 =	sadd.s32 s1, s31;
	s6 =	smax.u32 s6, $0x1  }
.LBB2_1:
0xb: {  	_ =	strace $0x80000048;
	s11 =	simm.s32 $0x4  }
0xc: {  	s12 =	simm.s32 $0x0;
	s13 =	simm.s32 $0x0;
	s14 =	simm.s32 $0x0  }
0xd: {  	[tilespmem:s2], [sflag:$0x1] =	stream.strided.gather [hbm4b:s5+s7], $0x400, s8, s7, $0x200038;
	[tilespmem:$0x1000] =	vst v63  }
0xe: {  	s15 =	simm.s32 $0x0;
	s16 =	simm.s32 $0x1;
	_ =	strace $0x90000048  }
.LBB2_2:
0xf: {  	s17 =	smov.u32 s12;
	s12 =	sadd.s32 $0x1, s12  }
0x10: {  	p0 =	seq.s32 s12, $0x4  }
0x11: {  	s12 =	simm.s32 @p0 $0x0  }
0x12: {  	p6 =	sne.s32 s11, $0x1;
	p1 =	sne.s32 s17, s12  }
0x13: {  	p0 =	por !p6, !p1  }
0x14: {  	p0 =	por !p0, !p0  }
0x15: {  	s18 =	sadd.s32 @p0 s4, s12  }
0x16: {  	_ =	strace @p0 $0x80000049;
	s19 =	sand.u32 @p0 $0x1, s16;
	s18 =	sshll.u32 @p0 s18, $0x1  }
0x17: {  	s21 =	simm.s32 @p0 $0x10;
	s22 =	simm.s32 @p0 $0x800;
	s18 =	sand.u32 @p0 $0x1FFFFFFE, s18  }
0x18: {  	s20 =	sshll.u32 @p0 s19, $0xA;
	s19 =	sadd.s32 @p0 $0x1, s19;
	s18 =	sadd.s32 @p0 s1, s18  }
0x19: {  	[tilespmem:s20], [sflag:s19] =	stream.strided.gather @p0 [hbm4b:s18+s21], $0x400, s22, s21, $0x200038;
	[tilespmem:$0x1000] =	vst v63  }
0x1a: {  	s28 =	sand.u32 $0x1, s15;
	_ =	strace @p0 $0x90000049  }
0x1b: {  	s18 =	sadd.s32 $0x1, s28;
	_ =	strace $0x8000004A  }
0x1c: {  	_ =	swait.ge [sflag:s18], $0x400  }
0x1d: {  	[sflag:s18] =	ssyncset.done $0x0  }
0x1e: {  	[sflag:s18] =	ssyncadd.s32 $0xFFFFFC00  }
0x1f: {  	s29 =	sshll.u32 s15, $0xA;
	_ =	strace $0x9000004A  }
0x20: {  	s30 =	sand.u32 $0x400, s29;
	_ =	strace $0x8000004B  }
0x21: {  	v1 =	vld [tilespmem:s30+$0x0]  }
0x22: {  	v2 =	vld [tilespmem:s30+$0x10]  }
0x23: {  	v3 =	vld [tilespmem:s30+$0x20]  }
0x24: {  	v4 =	vld [tilespmem:s30+$0x30]  }
0x25: {  	v5 =	vld [tilespmem:s30+$0x40]  }
0x26: {  	v6 =	vld [tilespmem:s30+$0x50]  }
0x27: {  	v7 =	vld [tilespmem:s30+$0x60];
	v8 =	vmax.f32 v1, v2  }
0x28: {  	v9 =	vld [tilespmem:s30+$0x70];
	v8 =	vmax.f32 v8, v3  }
0x29: {  	v8 =	vmax.f32 v8, v4  }
0x2a: {  	v8 =	vmax.f32 v8, v5  }
0x2b: {  	v8 =	vmax.f32 v8, v6  }
0x2c: {  	v8 =	vmax.f32 v8, v7  }
0x2d: {  	v8 =	vmax.f32 v8, v9  }
0x2e: {  	v1 =	vsub.f32 v1, v8  }
0x2f: {  	v2 =	vsub.f32 v2, v8  }
0x30: {  	v1 =	vmul.f32 $1.442695020e+00, v1  }
0x31: {  	v3 =	vsub.f32 v3, v8;
	v2 =	vmul.f32 $1.442695020e+00, v2  }
0x32: {  	(erf) = vpow2.f32 v1  }
0x33: {  	v1 =	vmul.f32 $1.442695020e+00, v3;
	(erf) = vpow2.f32 v2;
	v2 =	vsub.f32 v4, v8;
	_ =	sdelay $0x1  }
0x34: {  	(erf) = vpow2.f32 v1;
	v1 =	vmul.f32 $1.442695020e+00, v2;
	v2 =	vsub.f32 v5, v8;
	_ =	sdelay $0x1  }
0x35: {  	(erf) = vpow2.f32 v1;
	v1 =	vmul.f32 $1.442695020e+00, v2;
	v2 =	vsub.f32 v6, v8;
	_ =	sdelay $0x1  }
0x36: {  	(erf) = vpow2.f32 v1;
	v1 =	vmul.f32 $1.442695020e+00, v2;
	v2 =	vsub.f32 v7, v8;
	_ =	sdelay $0x1  }
0x37: {  	v3 =	vpop (erf);
	(erf) = vpow2.f32 v1;
	v1 =	vmul.f32 $1.442695020e+00, v2;
	v2 =	vsub.f32 v9, v8;
	_ =	sdelay $0x1  }
0x38: {  	v54 =	vpop (erf);
	(erf) = vpow2.f32 v1;
	v1 =	vmul.f32 $1.442695020e+00, v2  }
0x39: {  	vm0 =	vgt.f32 v54, v3  }
0x3a: {  	v55 =	vsel vm0, v54, v3;
	v2 =	vpop (erf)  }
0x3b: {  	(erf) = vpow2.f32 v1;
	vm1 =	vgt.f32 v2, v55  }
0x3c: {  	v1 =	vpop (erf);
	v5 =	vsel vm1, v2, v55  }
0x3d: {  	vm2 =	vgt.f32 v1, v5  }
0x3e: {  	v56 =	vpop (erf);
	v5 =	vsel vm2, v1, v5  }
0x3f: {  	vm3 =	vgt.f32 v56, v5  }
0x40: {  	v57 =	vpop (erf);
	v5 =	vsel vm3, v56, v5  }
0x41: {  	v58 =	vsel vm0, $0x1, v0;
	vm11 =	vgt.f32 v57, v5  }
0x42: {  	v10 =	vadd.f32 v54, v3;
	v8 =	vsel vm1, $0x2, v58;
	v59 =	vpop (erf);
	v5 =	vsel vm11, v57, v5  }
0x43: {  	v8 =	vsel vm2, $0x3, v8;
	vm1 =	vgt.f32 v59, v5  }
0x44: {  	v10 =	vadd.f32 v10, v2;
	v8 =	vsel vm3, $0x4, v8;
	v11 =	vpop (erf);
	v5 =	vsel vm1, v59, v5  }
0x45: {  	v8 =	vsel vm11, $0x5, v8;
	vm12 =	vgt.f32 v11, v5  }
0x46: {  	v10 =	vadd.f32 v10, v1;
	v8 =	vsel vm1, $0x6, v8;
	vm0 =	vmneg vm12  }
0x47: {  	v8 =	vnsel vm0, $0x7, v8  }
0x48: {  	v10 =	vadd.f32 v10, v56;
	vm3 =	veq.s32 v8, $0x0  }
0x49: {  	v3 =	vsel vm3, $0xBF800000, v3  }
0x4a: {  	v10 =	vadd.f32 v10, v57;
	vm4 =	veq.s32 v8, $0x1;
	vm13 =	vgt.f32 v3, $-1.000000000e+00  }
0x4b: {  	v4 =	vsel vm4, $0xBF800000, v54;
	v3 =	vnsel vm13, $0xBF800000, v3  }
0x4c: {  	v10 =	vadd.f32 v10, v59;
	vm7 =	veq.s32 v8, $0x2;
	vm8 =	vgt.f32 v4, v3  }
0x4d: {  	v2 =	vsel vm7, $0xBF800000, v2;
	v3 =	vsel vm8, v4, v3  }
0x4e: {  	v60 =	vadd.f32 v10, v11;
	vm5 =	veq.s32 v8, $0x3;
	vm9 =	vgt.f32 v2, v3  }
0x4f: {  	v1 =	vsel vm5, $0xBF800000, v1;
	v2 =	vsel vm9, v2, v3  }
0x50: {  	(erf) = vrcp.f32 v60;
	vm6 =	veq.s32 v8, $0x4;
	vm10 =	vgt.f32 v1, v2  }
0x51: {  	v1 =	vsel vm10, v1, v2;
	v2 =	vsel vm6, $0xBF800000, v56  }
0x52: {  	vm2 =	veq.s32 v8, $0x5;
	vm11 =	vgt.f32 v2, v1  }
0x53: {  	v1 =	vsel vm11, v2, v1;
	v2 =	vsel vm2, $0xBF800000, v57  }
0x54: {  	vm1 =	vmand vm1, vm0;
	v3 =	vsel vm8, $0x1, v0;
	vm12 =	vgt.f32 v2, v1  }
0x55: {  	v3 =	vsel vm9, $0x2, v3;
	v1 =	vsel vm12, v2, v1;
	v2 =	vsel vm1, $0xBF800000, v59  }
0x56: {  	v3 =	vsel vm10, $0x3, v3;
	vm9 =	vgt.f32 v2, v1  }
0x57: {  	v3 =	vsel vm11, $0x4, v3;
	v1 =	vsel vm9, v2, v1;
	v2 =	vnsel vm0, $0xBF800000, v11  }
0x58: {  	v3 =	vsel vm12, $0x5, v3;
	vm14 =	vgt.f32 v2, v1  }
0x59: {  	v5 =	vsel vm0, v5, v11;
	v4 =	vpop (erf);
	v3 =	vsel vm9, $0x6, v3;
	vm8 =	vmneg vm14  }
0x5a: {  	v1 =	vsel vm8, v1, v2;
	v2 =	vnsel vm8, $0x7, v3;
	v3 =	vmul.f32 v5, v4  }
0x5b: {  	v1 =	vmul.f32 v1, v4;
	vm15 =	veq.s32 v2, $0x0;
	vm11 =	veq.s32 v2, $0x1  }
0x5c: {  	vm12 =	veq.s32 v2, $0x2;
	vm13 =	veq.s32 v2, $0x3;
	vm14 =	veq.s32 v2, $0x4  }
0x5d: {  	v61 =	vnsel vm3, $0x0, v3;
	v63 =	vnsel vm4, $0x0, v3;
	v13 =	vnsel vm7, $0x0, v3  }
0x5e: {  	v16 =	vnsel vm5, $0x0, v3;
	v18 =	vnsel vm6, $0x0, v3;
	v62 =	vnsel vm15, $0x0, v1  }
0x5f: {  	s18 =	sand.u32 $0x1, s14;
	vm6 =	vmand vm9, vm8;
	v12 =	vnsel vm11, $0x0, v1;
	v4 =	vadd.f32 v62, v61  }
0x60: {  	s31 =	sshll.u32 s18, $0xA;
	v22 =	vnsel vm1, $0x0, v3;
	v14 =	vnsel vm12, $0x0, v1;
	v5 =	vadd.f32 v12, v63  }
0x61: {  	v19 =	vnsel vm14, $0x0, v1;
	vm15 =	veq.s32 v2, $0x5;
	v15 =	vadd.f32 v14, v13;
	[tilespmem:s31+$0x800] =	vst v4  }
0x62: {  	v2 =	vnsel vm2, $0x0, v3;
	v20 =	vadd.f32 v19, v18;
	v21 =	vnsel vm15, $0x0, v1;
	[tilespmem:s31+$0x810] =	vst v5  }
0x63: {  	v17 =	vnsel vm13, $0x0, v1;
	v23 =	vnsel vm6, $0x0, v1;
	v2 =	vadd.f32 v21, v2;
	[tilespmem:s31+$0x820] =	vst v15  }
0x64: {  	v3 =	vsel vm0, $0x0, v3;
	v1 =	vsel vm8, $0x0, v1;
	v4 =	vadd.f32 v17, v16;
	[tilespmem:s31+$0x840] =	vst v20  }
0x65: {  	v1 =	vadd.f32 v1, v3;
	[tilespmem:s31+$0x850] =	vst v2  }
0x66: {  	[tilespmem:s31+$0x830] =	vst v4;
	v4 =	vadd.f32 v23, v22  }
0x67: {  	[tilespmem:s31+$0x870] =	vst v1  }
0x68: {  	[tilespmem:s31+$0x860] =	vst v4  }
0x69: {  	v1 =	vld [tilespmem:s30+$0x80]  }
0x6a: {  	v2 =	vld [tilespmem:s30+$0x90]  }
0x6b: {  	v3 =	vld [tilespmem:s30+$0xA0]  }
0x6c: {  	v4 =	vld [tilespmem:s30+$0xB0]  }
0x6d: {  	v5 =	vld [tilespmem:s30+$0xC0]  }
0x6e: {  	v24 =	vld [tilespmem:s30+$0xD0]  }
0x6f: {  	v25 =	vld [tilespmem:s30+$0xE0];
	v26 =	vmax.f32 v1, v2  }
0x70: {  	v27 =	vld [tilespmem:s30+$0xF0];
	v8 =	vmax.f32 v26, v3  }
0x71: {  	v8 =	vmax.f32 v8, v4  }
0x72: {  	v8 =	vmax.f32 v8, v5  }
0x73: {  	v8 =	vmax.f32 v8, v24  }
0x74: {  	v8 =	vmax.f32 v8, v25  }
0x75: {  	v8 =	vmax.f32 v8, v27  }
0x76: {  	v1 =	vsub.f32 v1, v8  }
0x77: {  	v2 =	vsub.f32 v2, v8  }
0x78: {  	v1 =	vmul.f32 $1.442695020e+00, v1  }
0x79: {  	v3 =	vsub.f32 v3, v8;
	v2 =	vmul.f32 $1.442695020e+00, v2  }
0x7a: {  	(erf) = vpow2.f32 v1  }
0x7b: {  	v1 =	vmul.f32 $1.442695020e+00, v3;
	(erf) = vpow2.f32 v2;
	v2 =	vsub.f32 v4, v8;
	_ =	sdelay $0x1  }
0x7c: {  	(erf) = vpow2.f32 v1;
	v1 =	vmul.f32 $1.442695020e+00, v2;
	v2 =	vsub.f32 v5, v8;
	_ =	sdelay $0x1  }
0x7d: {  	(erf) = vpow2.f32 v1;
	v1 =	vmul.f32 $1.442695020e+00, v2;
	v2 =	vsub.f32 v24, v8;
	_ =	sdelay $0x1  }
0x7e: {  	(erf) = vpow2.f32 v1;
	v1 =	vmul.f32 $1.442695020e+00, v2;
	v2 =	vsub.f32 v25, v8;
	_ =	sdelay $0x1  }
0x7f: {  	v3 =	vpop (erf);
	(erf) = vpow2.f32 v1;
	v1 =	vmul.f32 $1.442695020e+00, v2;
	v2 =	vsub.f32 v27, v8;
	_ =	sdelay $0x1  }
0x80: {  	v28 =	vpop (erf);
	(erf) = vpow2.f32 v1;
	v1 =	vmul.f32 $1.442695020e+00, v2  }
0x81: {  	vm7 =	vgt.f32 v28, v3  }
0x82: {  	v29 =	vsel vm7, v28, v3;
	v2 =	vpop (erf)  }
0x83: {  	(erf) = vpow2.f32 v1;
	vm8 =	vgt.f32 v2, v29  }
0x84: {  	v1 =	vpop (erf);
	v5 =	vsel vm8, v2, v29  }
0x85: {  	vm9 =	vgt.f32 v1, v5  }
0x86: {  	v30 =	vpop (erf);
	v5 =	vsel vm9, v1, v5  }
0x87: {  	vm10 =	vgt.f32 v30, v5  }
0x88: {  	v31 =	vpop (erf);
	v5 =	vsel vm10, v30, v5  }
0x89: {  	v32 =	vsel vm7, $0x1, v0;
	vm11 =	vgt.f32 v31, v5  }
0x8a: {  	v34 =	vadd.f32 v28, v3;
	v8 =	vsel vm8, $0x2, v32;
	v33 =	vpop (erf);
	v5 =	vsel vm11, v31, v5  }
0x8b: {  	v8 =	vsel vm9, $0x3, v8;
	vm2 =	vgt.f32 v33, v5  }
0x8c: {  	v10 =	vadd.f32 v34, v2;
	v8 =	vsel vm10, $0x4, v8;
	v35 =	vpop (erf);
	v5 =	vsel vm2, v33, v5  }
0x8d: {  	v8 =	vsel vm11, $0x5, v8;
	vm12 =	vgt.f32 v35, v5  }
0x8e: {  	v10 =	vadd.f32 v10, v1;
	v8 =	vsel vm2, $0x6, v8;
	vm0 =	vmneg vm12  }
0x8f: {  	v8 =	vnsel vm0, $0x7, v8  }
0x90: {  	v10 =	vadd.f32 v10, v30;
	vm1 =	veq.s32 v8, $0x0  }
0x91: {  	v3 =	vsel vm1, $0xBF800000, v3  }
0x92: {  	v10 =	vadd.f32 v10, v31;
	vm3 =	veq.s32 v8, $0x1;
	vm13 =	vgt.f32 v3, $-1.000000000e+00  }
0x93: {  	v4 =	vsel vm3, $0xBF800000, v28;
	v3 =	vnsel vm13, $0xBF800000, v3  }
0x94: {  	v10 =	vadd.f32 v10, v33;
	vm5 =	veq.s32 v8, $0x2;
	vm8 =	vgt.f32 v4, v3  }
0x95: {  	v2 =	vsel vm5, $0xBF800000, v2;
	v3 =	vsel vm8, v4, v3  }
0x96: {  	v36 =	vadd.f32 v10, v35;
	vm6 =	veq.s32 v8, $0x3;
	vm9 =	vgt.f32 v2, v3  }
0x97: {  	v1 =	vsel vm6, $0xBF800000, v1;
	v2 =	vsel vm9, v2, v3  }
0x98: {  	(erf) = vrcp.f32 v36;
	vm7 =	veq.s32 v8, $0x4;
	vm10 =	vgt.f32 v1, v2  }
0x99: {  	v1 =	vsel vm10, v1, v2;
	v2 =	vsel vm7, $0xBF800000, v30  }
0x9a: {  	vm4 =	veq.s32 v8, $0x5;
	vm11 =	vgt.f32 v2, v1  }
0x9b: {  	v1 =	vsel vm11, v2, v1;
	v2 =	vsel vm4, $0xBF800000, v31  }
0x9c: {  	vm2 =	vmand vm2, vm0;
	v3 =	vsel vm8, $0x1, v0;
	vm12 =	vgt.f32 v2, v1  }
0x9d: {  	v3 =	vsel vm9, $0x2, v3;
	v1 =	vsel vm12, v2, v1;
	v2 =	vsel vm2, $0xBF800000, v33  }
0x9e: {  	v3 =	vsel vm10, $0x3, v3;
	vm9 =	vgt.f32 v2, v1  }
0x9f: {  	v3 =	vsel vm11, $0x4, v3;
	v1 =	vsel vm9, v2, v1;
	v2 =	vnsel vm0, $0xBF800000, v35  }
0xa0: {  	v3 =	vsel vm12, $0x5, v3;
	vm14 =	vgt.f32 v2, v1  }
0xa1: {  	v5 =	vsel vm0, v5, v35;
	v4 =	vpop (erf);
	v3 =	vsel vm9, $0x6, v3;
	vm8 =	vmneg vm14  }
0xa2: {  	v1 =	vsel vm8, v1, v2;
	v2 =	vnsel vm8, $0x7, v3;
	v3 =	vmul.f32 v5, v4  }
0xa3: {  	v1 =	vmul.f32 v1, v4;
	vm15 =	veq.s32 v2, $0x0;
	vm12 =	veq.s32 v2, $0x1  }
0xa4: {  	vm13 =	veq.s32 v2, $0x2;
	vm14 =	veq.s32 v2, $0x3;
	v37 =	vnsel vm1, $0x0, v3  }
0xa5: {  	v39 =	vnsel vm3, $0x0, v3;
	v41 =	vnsel vm5, $0x0, v3;
	v44 =	vnsel vm6, $0x0, v3  }
0xa6: {  	v46 =	vnsel vm7, $0x0, v3;
	vm5 =	veq.s32 v2, $0x5;
	v38 =	vnsel vm15, $0x0, v1  }
0xa7: {  	vm6 =	vmand vm9, vm8;
	v40 =	vnsel vm12, $0x0, v1;
	v4 =	vadd.f32 v38, v37  }
0xa8: {  	v42 =	vnsel vm13, $0x0, v1;
	vm15 =	veq.s32 v2, $0x4;
	v5 =	vadd.f32 v40, v39  }
0xa9: {  	v2 =	vnsel vm4, $0x0, v3;
	v49 =	vnsel vm5, $0x0, v1;
	v43 =	vadd.f32 v42, v41;
	[tilespmem:s31+$0x880] =	vst v4  }
0xaa: {  	v50 =	vnsel vm2, $0x0, v3;
	v47 =	vnsel vm15, $0x0, v1;
	v2 =	vadd.f32 v49, v2;
	[tilespmem:s31+$0x890] =	vst v5  }
0xab: {  	v45 =	vnsel vm14, $0x0, v1;
	v51 =	vnsel vm6, $0x0, v1;
	v48 =	vadd.f32 v47, v46;
	[tilespmem:s31+$0x8A0] =	vst v43  }
0xac: {  	v3 =	vsel vm0, $0x0, v3;
	v1 =	vsel vm8, $0x0, v1;
	v4 =	vadd.f32 v45, v44;
	[tilespmem:s31+$0x8D0] =	vst v2  }
0xad: {  	v1 =	vadd.f32 v1, v3;
	[tilespmem:s31+$0x8C0] =	vst v48  }
0xae: {  	[tilespmem:s31+$0x8B0] =	vst v4;
	v4 =	vadd.f32 v51, v50  }
0xaf: {  	[tilespmem:s31+$0x8F0] =	vst v1  }
0xb0: {  	[tilespmem:s31+$0x8E0] =	vst v4  }
0xb1: {  	v1 =	vld [tilespmem:s30+$0x100]  }
0xb2: {  	v2 =	vld [tilespmem:s30+$0x110]  }
0xb3: {  	v3 =	vld [tilespmem:s30+$0x120]  }
0xb4: {  	v4 =	vld [tilespmem:s30+$0x130]  }
0xb5: {  	v5 =	vld [tilespmem:s30+$0x140]  }
0xb6: {  	v52 =	vld [tilespmem:s30+$0x150]  }
0xb7: {  	v53 =	vld [tilespmem:s30+$0x160];
	v54 =	vmax.f32 v1, v2  }
0xb8: {  	v55 =	vld [tilespmem:s30+$0x170];
	v8 =	vmax.f32 v54, v3  }
0xb9: {  	v8 =	vmax.f32 v8, v4  }
0xba: {  	v8 =	vmax.f32 v8, v5  }
0xbb: {  	v8 =	vmax.f32 v8, v52  }
0xbc: {  	v8 =	vmax.f32 v8, v53  }
0xbd: {  	v8 =	vmax.f32 v8, v55  }
0xbe: {  	v1 =	vsub.f32 v1, v8  }
0xbf: {  	v2 =	vsub.f32 v2, v8  }
0xc0: {  	v1 =	vmul.f32 $1.442695020e+00, v1  }
0xc1: {  	v3 =	vsub.f32 v3, v8;
	v2 =	vmul.f32 $1.442695020e+00, v2  }
0xc2: {  	(erf) = vpow2.f32 v1  }
0xc3: {  	v1 =	vmul.f32 $1.442695020e+00, v3;
	(erf) = vpow2.f32 v2;
	v2 =	vsub.f32 v4, v8;
	_ =	sdelay $0x1  }
0xc4: {  	(erf) = vpow2.f32 v1;
	v1 =	vmul.f32 $1.442695020e+00, v2;
	v2 =	vsub.f32 v5, v8;
	_ =	sdelay $0x1  }
0xc5: {  	(erf) = vpow2.f32 v1;
	v1 =	vmul.f32 $1.442695020e+00, v2;
	v2 =	vsub.f32 v52, v8;
	_ =	sdelay $0x1  }
0xc6: {  	(erf) = vpow2.f32 v1;
	v1 =	vmul.f32 $1.442695020e+00, v2;
	v2 =	vsub.f32 v53, v8;
	_ =	sdelay $0x1  }
0xc7: {  	v3 =	vpop (erf);
	(erf) = vpow2.f32 v1;
	v1 =	vmul.f32 $1.442695020e+00, v2;
	v2 =	vsub.f32 v55, v8;
	_ =	sdelay $0x1  }
0xc8: {  	v56 =	vpop (erf);
	(erf) = vpow2.f32 v1;
	v1 =	vmul.f32 $1.442695020e+00, v2  }
0xc9: {  	vm7 =	vgt.f32 v56, v3  }
0xca: {  	v57 =	vsel vm7, v56, v3;
	v2 =	vpop (erf)  }
0xcb: {  	(erf) = vpow2.f32 v1;
	vm8 =	vgt.f32 v2, v57  }
0xcc: {  	v1 =	vpop (erf);
	v5 =	vsel vm8, v2, v57  }
0xcd: {  	vm9 =	vgt.f32 v1, v5  }
0xce: {  	v58 =	vpop (erf);
	v5 =	vsel vm9, v1, v5  }
0xcf: {  	vm10 =	vgt.f32 v58, v5  }
0xd0: {  	v59 =	vpop (erf);
	v5 =	vsel vm10, v58, v5  }
0xd1: {  	v60 =	vsel vm7, $0x1, v0;
	vm11 =	vgt.f32 v59, v5  }
0xd2: {  	v62 =	vadd.f32 v56, v3;
	v8 =	vsel vm8, $0x2, v60;
	v61 =	vpop (erf);
	v5 =	vsel vm11, v59, v5  }
0xd3: {  	v8 =	vsel vm9, $0x3, v8;
	vm2 =	vgt.f32 v61, v5  }
0xd4: {  	v10 =	vadd.f32 v62, v2;
	v8 =	vsel vm10, $0x4, v8;
	v63 =	vpop (erf);
	v5 =	vsel vm2, v61, v5  }
0xd5: {  	v8 =	vsel vm11, $0x5, v8;
	vm12 =	vgt.f32 v63, v5  }
0xd6: {  	v10 =	vadd.f32 v10, v1;
	v8 =	vsel vm2, $0x6, v8;
	vm0 =	vmneg vm12  }
0xd7: {  	v8 =	vnsel vm0, $0x7, v8  }
0xd8: {  	v10 =	vadd.f32 v10, v58;
	vm1 =	veq.s32 v8, $0x0  }
0xd9: {  	v3 =	vsel vm1, $0xBF800000, v3  }
0xda: {  	v10 =	vadd.f32 v10, v59;
	vm3 =	veq.s32 v8, $0x1;
	vm13 =	vgt.f32 v3, $-1.000000000e+00  }
0xdb: {  	v4 =	vsel vm3, $0xBF800000, v56;
	v3 =	vnsel vm13, $0xBF800000, v3  }
0xdc: {  	v10 =	vadd.f32 v10, v61;
	vm5 =	veq.s32 v8, $0x2;
	vm8 =	vgt.f32 v4, v3  }
0xdd: {  	v2 =	vsel vm5, $0xBF800000, v2;
	v3 =	vsel vm8, v4, v3  }
0xde: {  	v12 =	vadd.f32 v10, v63;
	vm6 =	veq.s32 v8, $0x3;
	vm9 =	vgt.f32 v2, v3  }
0xdf: {  	v1 =	vsel vm6, $0xBF800000, v1;
	v2 =	vsel vm9, v2, v3  }
0xe0: {  	(erf) = vrcp.f32 v12;
	vm7 =	veq.s32 v8, $0x4;
	vm10 =	vgt.f32 v1, v2  }
0xe1: {  	v1 =	vsel vm10, v1, v2;
	v2 =	vsel vm7, $0xBF800000, v58  }
0xe2: {  	vm4 =	veq.s32 v8, $0x5;
	vm11 =	vgt.f32 v2, v1  }
0xe3: {  	v1 =	vsel vm11, v2, v1;
	v2 =	vsel vm4, $0xBF800000, v59  }
0xe4: {  	vm2 =	vmand vm2, vm0;
	v3 =	vsel vm8, $0x1, v0;
	vm12 =	vgt.f32 v2, v1  }
0xe5: {  	v3 =	vsel vm9, $0x2, v3;
	v1 =	vsel vm12, v2, v1;
	v2 =	vsel vm2, $0xBF800000, v61  }
0xe6: {  	v3 =	vsel vm10, $0x3, v3;
	vm9 =	vgt.f32 v2, v1  }
0xe7: {  	v3 =	vsel vm11, $0x4, v3;
	v1 =	vsel vm9, v2, v1;
	v2 =	vnsel vm0, $0xBF800000, v63  }
0xe8: {  	v3 =	vsel vm12, $0x5, v3;
	vm14 =	vgt.f32 v2, v1  }
0xe9: {  	v5 =	vsel vm0, v5, v63;
	v4 =	vpop (erf);
	v3 =	vsel vm9, $0x6, v3;
	vm8 =	vmneg vm14  }
0xea: {  	v1 =	vsel vm8, v1, v2;
	v2 =	vnsel vm8, $0x7, v3;
	v3 =	vmul.f32 v5, v4  }
0xeb: {  	v1 =	vmul.f32 v1, v4;
	vm15 =	veq.s32 v2, $0x0;
	vm12 =	veq.s32 v2, $0x1  }
0xec: {  	vm13 =	veq.s32 v2, $0x2;
	vm14 =	veq.s32 v2, $0x3;
	v13 =	vnsel vm1, $0x0, v3  }
0xed: {  	v15 =	vnsel vm3, $0x0, v3;
	v17 =	vnsel vm5, $0x0, v3;
	v20 =	vnsel vm6, $0x0, v3  }
0xee: {  	v22 =	vnsel vm7, $0x0, v3;
	vm5 =	veq.s32 v2, $0x5;
	v14 =	vnsel vm15, $0x0, v1  }
0xef: {  	vm6 =	vmand vm9, vm8;
	v16 =	vnsel vm12, $0x0, v1;
	v4 =	vadd.f32 v14, v13  }
0xf0: {  	v18 =	vnsel vm13, $0x0, v1;
	vm15 =	veq.s32 v2, $0x4;
	v5 =	vadd.f32 v16, v15  }
0xf1: {  	v2 =	vnsel vm4, $0x0, v3;
	v25 =	vnsel vm5, $0x0, v1;
	v19 =	vadd.f32 v18, v17;
	[tilespmem:s31+$0x900] =	vst v4  }
0xf2: {  	v26 =	vnsel vm2, $0x0, v3;
	v23 =	vnsel vm15, $0x0, v1;
	v2 =	vadd.f32 v25, v2;
	[tilespmem:s31+$0x910] =	vst v5  }
0xf3: {  	v21 =	vnsel vm14, $0x0, v1;
	v27 =	vnsel vm6, $0x0, v1;
	v24 =	vadd.f32 v23, v22;
	[tilespmem:s31+$0x920] =	vst v19  }
0xf4: {  	v3 =	vsel vm0, $0x0, v3;
	v1 =	vsel vm8, $0x0, v1;
	v4 =	vadd.f32 v21, v20;
	[tilespmem:s31+$0x950] =	vst v2  }
0xf5: {  	v1 =	vadd.f32 v1, v3;
	[tilespmem:s31+$0x940] =	vst v24  }
0xf6: {  	[tilespmem:s31+$0x930] =	vst v4;
	v4 =	vadd.f32 v27, v26  }
0xf7: {  	[tilespmem:s31+$0x970] =	vst v1  }
0xf8: {  	[tilespmem:s31+$0x960] =	vst v4  }
0xf9: {  	v1 =	vld [tilespmem:s30+$0x180]  }
0xfa: {  	v2 =	vld [tilespmem:s30+$0x190]  }
0xfb: {  	v3 =	vld [tilespmem:s30+$0x1A0]  }
0xfc: {  	v4 =	vld [tilespmem:s30+$0x1B0]  }
0xfd: {  	v5 =	vld [tilespmem:s30+$0x1C0]  }
0xfe: {  	v28 =	vld [tilespmem:s30+$0x1D0]  }
0xff: {  	v29 =	vld [tilespmem:s30+$0x1E0];
	v30 =	vmax.f32 v1, v2  }
0x100: {  	v31 =	vld [tilespmem:s30+$0x1F0];
	v8 =	vmax.f32 v30, v3  }
0x101: {  	v8 =	vmax.f32 v8, v4  }
0x102: {  	v8 =	vmax.f32 v8, v5  }
0x103: {  	v8 =	vmax.f32 v8, v28  }
0x104: {  	v8 =	vmax.f32 v8, v29  }
0x105: {  	v8 =	vmax.f32 v8, v31  }
0x106: {  	v1 =	vsub.f32 v1, v8  }
0x107: {  	v2 =	vsub.f32 v2, v8  }
0x108: {  	v1 =	vmul.f32 $1.442695020e+00, v1  }
0x109: {  	v3 =	vsub.f32 v3, v8;
	v2 =	vmul.f32 $1.442695020e+00, v2  }
0x10a: {  	(erf) = vpow2.f32 v1  }
0x10b: {  	v1 =	vmul.f32 $1.442695020e+00, v3;
	(erf) = vpow2.f32 v2;
	v2 =	vsub.f32 v4, v8;
	_ =	sdelay $0x1  }
0x10c: {  	(erf) = vpow2.f32 v1;
	v1 =	vmul.f32 $1.442695020e+00, v2;
	v2 =	vsub.f32 v5, v8;
	_ =	sdelay $0x1  }
0x10d: {  	(erf) = vpow2.f32 v1;
	v1 =	vmul.f32 $1.442695020e+00, v2;
	v2 =	vsub.f32 v28, v8;
	_ =	sdelay $0x1  }
0x10e: {  	(erf) = vpow2.f32 v1;
	v1 =	vmul.f32 $1.442695020e+00, v2;
	v2 =	vsub.f32 v29, v8;
	_ =	sdelay $0x1  }
0x10f: {  	v3 =	vpop (erf);
	(erf) = vpow2.f32 v1;
	v1 =	vmul.f32 $1.442695020e+00, v2;
	v2 =	vsub.f32 v31, v8;
	_ =	sdelay $0x1  }
0x110: {  	v32 =	vpop (erf);
	(erf) = vpow2.f32 v1;
	v1 =	vmul.f32 $1.442695020e+00, v2  }
0x111: {  	vm7 =	vgt.f32 v32, v3  }
0x112: {  	v33 =	vsel vm7, v32, v3;
	v2 =	vpop (erf)  }
0x113: {  	(erf) = vpow2.f32 v1;
	vm8 =	vgt.f32 v2, v33  }
0x114: {  	v1 =	vpop (erf);
	v5 =	vsel vm8, v2, v33  }
0x115: {  	vm9 =	vgt.f32 v1, v5  }
0x116: {  	v34 =	vpop (erf);
	v5 =	vsel vm9, v1, v5  }
0x117: {  	vm10 =	vgt.f32 v34, v5  }
0x118: {  	v35 =	vpop (erf);
	v5 =	vsel vm10, v34, v5  }
0x119: {  	v36 =	vsel vm7, $0x1, v0;
	vm11 =	vgt.f32 v35, v5  }
0x11a: {  	v38 =	vadd.f32 v32, v3;
	v8 =	vsel vm8, $0x2, v36;
	v37 =	vpop (erf);
	v5 =	vsel vm11, v35, v5  }
0x11b: {  	v8 =	vsel vm9, $0x3, v8;
	vm2 =	vgt.f32 v37, v5  }
0x11c: {  	v10 =	vadd.f32 v38, v2;
	v8 =	vsel vm10, $0x4, v8;
	v39 =	vpop (erf);
	v5 =	vsel vm2, v37, v5  }
0x11d: {  	v8 =	vsel vm11, $0x5, v8;
	vm12 =	vgt.f32 v39, v5  }
0x11e: {  	v10 =	vadd.f32 v10, v1;
	v8 =	vsel vm2, $0x6, v8;
	vm0 =	vmneg vm12  }
0x11f: {  	v8 =	vnsel vm0, $0x7, v8  }
0x120: {  	v10 =	vadd.f32 v10, v34;
	vm1 =	veq.s32 v8, $0x0  }
0x121: {  	v3 =	vsel vm1, $0xBF800000, v3  }
0x122: {  	v10 =	vadd.f32 v10, v35;
	vm3 =	veq.s32 v8, $0x1;
	vm13 =	vgt.f32 v3, $-1.000000000e+00  }
0x123: {  	v4 =	vsel vm3, $0xBF800000, v32;
	v3 =	vnsel vm13, $0xBF800000, v3  }
0x124: {  	v10 =	vadd.f32 v10, v37;
	vm5 =	veq.s32 v8, $0x2;
	vm8 =	vgt.f32 v4, v3  }
0x125: {  	v2 =	vsel vm5, $0xBF800000, v2;
	v3 =	vsel vm8, v4, v3  }
0x126: {  	v40 =	vadd.f32 v10, v39;
	vm6 =	veq.s32 v8, $0x3;
	vm9 =	vgt.f32 v2, v3  }
0x127: {  	v1 =	vsel vm6, $0xBF800000, v1;
	v2 =	vsel vm9, v2, v3  }
0x128: {  	(erf) = vrcp.f32 v40;
	vm7 =	veq.s32 v8, $0x4;
	vm10 =	vgt.f32 v1, v2  }
0x129: {  	v1 =	vsel vm10, v1, v2;
	v2 =	vsel vm7, $0xBF800000, v34  }
0x12a: {  	vm4 =	veq.s32 v8, $0x5;
	vm11 =	vgt.f32 v2, v1  }
0x12b: {  	v1 =	vsel vm11, v2, v1;
	v2 =	vsel vm4, $0xBF800000, v35  }
0x12c: {  	vm2 =	vmand vm2, vm0;
	v3 =	vsel vm8, $0x1, v0;
	vm12 =	vgt.f32 v2, v1  }
0x12d: {  	v3 =	vsel vm9, $0x2, v3;
	v1 =	vsel vm12, v2, v1;
	v2 =	vsel vm2, $0xBF800000, v37  }
0x12e: {  	v3 =	vsel vm10, $0x3, v3;
	vm9 =	vgt.f32 v2, v1  }
0x12f: {  	v3 =	vsel vm11, $0x4, v3;
	v1 =	vsel vm9, v2, v1;
	v2 =	vnsel vm0, $0xBF800000, v39  }
0x130: {  	v3 =	vsel vm12, $0x5, v3;
	vm14 =	vgt.f32 v2, v1  }
0x131: {  	v5 =	vsel vm0, v5, v39;
	v4 =	vpop (erf);
	v3 =	vsel vm9, $0x6, v3;
	vm8 =	vmneg vm14  }
0x132: {  	v1 =	vsel vm8, v1, v2;
	v2 =	vnsel vm8, $0x7, v3;
	v3 =	vmul.f32 v5, v4  }
0x133: {  	v1 =	vmul.f32 v1, v4;
	vm15 =	veq.s32 v2, $0x0;
	vm12 =	veq.s32 v2, $0x1  }
0x134: {  	vm13 =	veq.s32 v2, $0x2;
	vm14 =	veq.s32 v2, $0x3;
	v41 =	vnsel vm1, $0x0, v3  }
0x135: {  	v43 =	vnsel vm3, $0x0, v3;
	v45 =	vnsel vm5, $0x0, v3;
	v48 =	vnsel vm6, $0x0, v3  }
0x136: {  	v50 =	vnsel vm7, $0x0, v3;
	vm5 =	veq.s32 v2, $0x5;
	v42 =	vnsel vm15, $0x0, v1  }
0x137: {  	vm6 =	vmand vm9, vm8;
	v44 =	vnsel vm12, $0x0, v1;
	v4 =	vadd.f32 v42, v41  }
0x138: {  	v46 =	vnsel vm13, $0x0, v1;
	vm15 =	veq.s32 v2, $0x4;
	v5 =	vadd.f32 v44, v43  }
0x139: {  	v2 =	vnsel vm4, $0x0, v3;
	v53 =	vnsel vm5, $0x0, v1;
	v47 =	vadd.f32 v46, v45;
	[tilespmem:s31+$0x980] =	vst v4  }
0x13a: {  	v54 =	vnsel vm2, $0x0, v3;
	v51 =	vnsel vm15, $0x0, v1;
	v2 =	vadd.f32 v53, v2;
	[tilespmem:s31+$0x990] =	vst v5  }
0x13b: {  	v49 =	vnsel vm14, $0x0, v1;
	v55 =	vnsel vm6, $0x0, v1;
	v52 =	vadd.f32 v51, v50;
	[tilespmem:s31+$0x9A0] =	vst v47  }
0x13c: {  	v3 =	vsel vm0, $0x0, v3;
	v1 =	vsel vm8, $0x0, v1;
	v4 =	vadd.f32 v49, v48;
	[tilespmem:s31+$0x9D0] =	vst v2  }
0x13d: {  	v1 =	vadd.f32 v1, v3;
	[tilespmem:s31+$0x9C0] =	vst v52  }
0x13e: {  	[tilespmem:s31+$0x9B0] =	vst v4;
	v4 =	vadd.f32 v55, v54  }
0x13f: {  	[tilespmem:s31+$0x9F0] =	vst v1  }
0x140: {  	[tilespmem:s31+$0x9E0] =	vst v4  }
0x141: {  	v1 =	vld [tilespmem:s30+$0x200]  }
0x142: {  	v2 =	vld [tilespmem:s30+$0x210]  }
0x143: {  	v3 =	vld [tilespmem:s30+$0x220]  }
0x144: {  	v4 =	vld [tilespmem:s30+$0x230]  }
0x145: {  	v5 =	vld [tilespmem:s30+$0x240]  }
0x146: {  	v56 =	vld [tilespmem:s30+$0x250]  }
0x147: {  	v57 =	vld [tilespmem:s30+$0x260];
	v58 =	vmax.f32 v1, v2  }
0x148: {  	v59 =	vld [tilespmem:s30+$0x270];
	v8 =	vmax.f32 v58, v3  }
0x149: {  	v8 =	vmax.f32 v8, v4  }
0x14a: {  	v8 =	vmax.f32 v8, v5  }
0x14b: {  	v8 =	vmax.f32 v8, v56  }
0x14c: {  	v8 =	vmax.f32 v8, v57  }
0x14d: {  	v8 =	vmax.f32 v8, v59  }
0x14e: {  	v1 =	vsub.f32 v1, v8  }
0x14f: {  	v2 =	vsub.f32 v2, v8  }
0x150: {  	v1 =	vmul.f32 $1.442695020e+00, v1  }
0x151: {  	v3 =	vsub.f32 v3, v8;
	v2 =	vmul.f32 $1.442695020e+00, v2  }
0x152: {  	(erf) = vpow2.f32 v1  }
0x153: {  	v1 =	vmul.f32 $1.442695020e+00, v3;
	(erf) = vpow2.f32 v2;
	v2 =	vsub.f32 v4, v8;
	_ =	sdelay $0x1  }
0x154: {  	(erf) = vpow2.f32 v1;
	v1 =	vmul.f32 $1.442695020e+00, v2;
	v2 =	vsub.f32 v5, v8;
	_ =	sdelay $0x1  }
0x155: {  	(erf) = vpow2.f32 v1;
	v1 =	vmul.f32 $1.442695020e+00, v2;
	v2 =	vsub.f32 v56, v8;
	_ =	sdelay $0x1  }
0x156: {  	(erf) = vpow2.f32 v1;
	v1 =	vmul.f32 $1.442695020e+00, v2;
	v2 =	vsub.f32 v57, v8;
	_ =	sdelay $0x1  }
0x157: {  	v3 =	vpop (erf);
	(erf) = vpow2.f32 v1;
	v1 =	vmul.f32 $1.442695020e+00, v2;
	v2 =	vsub.f32 v59, v8;
	_ =	sdelay $0x1  }
0x158: {  	v60 =	vpop (erf);
	(erf) = vpow2.f32 v1;
	v1 =	vmul.f32 $1.442695020e+00, v2  }
0x159: {  	vm7 =	vgt.f32 v60, v3  }
0x15a: {  	v61 =	vsel vm7, v60, v3;
	v2 =	vpop (erf)  }
0x15b: {  	(erf) = vpow2.f32 v1;
	vm8 =	vgt.f32 v2, v61  }
0x15c: {  	v1 =	vpop (erf);
	v5 =	vsel vm8, v2, v61  }
0x15d: {  	vm9 =	vgt.f32 v1, v5  }
0x15e: {  	v62 =	vpop (erf);
	v5 =	vsel vm9, v1, v5  }
0x15f: {  	vm10 =	vgt.f32 v62, v5  }
0x160: {  	v63 =	vpop (erf);
	v5 =	vsel vm10, v62, v5  }
0x161: {  	v12 =	vsel vm7, $0x1, v0;
	vm11 =	vgt.f32 v63, v5  }
0x162: {  	v14 =	vadd.f32 v60, v3;
	v8 =	vsel vm8, $0x2, v12;
	v13 =	vpop (erf);
	v5 =	vsel vm11, v63, v5  }
0x163: {  	v8 =	vsel vm9, $0x3, v8;
	vm2 =	vgt.f32 v13, v5  }
0x164: {  	v10 =	vadd.f32 v14, v2;
	v8 =	vsel vm10, $0x4, v8;
	v15 =	vpop (erf);
	v5 =	vsel vm2, v13, v5  }
0x165: {  	v8 =	vsel vm11, $0x5, v8;
	vm12 =	vgt.f32 v15, v5  }
0x166: {  	v10 =	vadd.f32 v10, v1;
	v8 =	vsel vm2, $0x6, v8;
	vm0 =	vmneg vm12  }
0x167: {  	v8 =	vnsel vm0, $0x7, v8  }
0x168: {  	v10 =	vadd.f32 v10, v62;
	vm1 =	veq.s32 v8, $0x0  }
0x169: {  	v3 =	vsel vm1, $0xBF800000, v3  }
0x16a: {  	v10 =	vadd.f32 v10, v63;
	vm3 =	veq.s32 v8, $0x1;
	vm13 =	vgt.f32 v3, $-1.000000000e+00  }
0x16b: {  	v4 =	vsel vm3, $0xBF800000, v60;
	v3 =	vnsel vm13, $0xBF800000, v3  }
0x16c: {  	v10 =	vadd.f32 v10, v13;
	vm5 =	veq.s32 v8, $0x2;
	vm8 =	vgt.f32 v4, v3  }
0x16d: {  	v2 =	vsel vm5, $0xBF800000, v2;
	v3 =	vsel vm8, v4, v3  }
0x16e: {  	v16 =	vadd.f32 v10, v15;
	vm6 =	veq.s32 v8, $0x3;
	vm9 =	vgt.f32 v2, v3  }
0x16f: {  	v1 =	vsel vm6, $0xBF800000, v1;
	v2 =	vsel vm9, v2, v3  }
0x170: {  	(erf) = vrcp.f32 v16;
	vm7 =	veq.s32 v8, $0x4;
	vm10 =	vgt.f32 v1, v2  }
0x171: {  	v1 =	vsel vm10, v1, v2;
	v2 =	vsel vm7, $0xBF800000, v62  }
0x172: {  	vm4 =	veq.s32 v8, $0x5;
	vm11 =	vgt.f32 v2, v1  }
0x173: {  	v1 =	vsel vm11, v2, v1;
	v2 =	vsel vm4, $0xBF800000, v63  }
0x174: {  	vm2 =	vmand vm2, vm0;
	v3 =	vsel vm8, $0x1, v0;
	vm12 =	vgt.f32 v2, v1  }
0x175: {  	v3 =	vsel vm9, $0x2, v3;
	v1 =	vsel vm12, v2, v1;
	v2 =	vsel vm2, $0xBF800000, v13  }
0x176: {  	v3 =	vsel vm10, $0x3, v3;
	vm9 =	vgt.f32 v2, v1  }
0x177: {  	v3 =	vsel vm11, $0x4, v3;
	v1 =	vsel vm9, v2, v1;
	v2 =	vnsel vm0, $0xBF800000, v15  }
0x178: {  	v3 =	vsel vm12, $0x5, v3;
	vm14 =	vgt.f32 v2, v1  }
0x179: {  	v5 =	vsel vm0, v5, v15;
	v4 =	vpop (erf);
	v3 =	vsel vm9, $0x6, v3;
	vm8 =	vmneg vm14  }
0x17a: {  	v1 =	vsel vm8, v1, v2;
	v2 =	vnsel vm8, $0x7, v3;
	v3 =	vmul.f32 v5, v4  }
0x17b: {  	v1 =	vmul.f32 v1, v4;
	vm15 =	veq.s32 v2, $0x0;
	vm12 =	veq.s32 v2, $0x1  }
0x17c: {  	vm13 =	veq.s32 v2, $0x2;
	vm14 =	veq.s32 v2, $0x3;
	v17 =	vnsel vm1, $0x0, v3  }
0x17d: {  	v19 =	vnsel vm3, $0x0, v3;
	v21 =	vnsel vm5, $0x0, v3;
	v24 =	vnsel vm6, $0x0, v3  }
0x17e: {  	v26 =	vnsel vm7, $0x0, v3;
	vm5 =	veq.s32 v2, $0x5;
	v18 =	vnsel vm15, $0x0, v1  }
0x17f: {  	vm6 =	vmand vm9, vm8;
	v20 =	vnsel vm12, $0x0, v1;
	v4 =	vadd.f32 v18, v17  }
0x180: {  	v22 =	vnsel vm13, $0x0, v1;
	vm15 =	veq.s32 v2, $0x4;
	v5 =	vadd.f32 v20, v19  }
0x181: {  	v2 =	vnsel vm4, $0x0, v3;
	v29 =	vnsel vm5, $0x0, v1;
	v23 =	vadd.f32 v22, v21;
	[tilespmem:s31+$0xA00] =	vst v4  }
0x182: {  	v30 =	vnsel vm2, $0x0, v3;
	v27 =	vnsel vm15, $0x0, v1;
	v2 =	vadd.f32 v29, v2;
	[tilespmem:s31+$0xA10] =	vst v5  }
0x183: {  	v25 =	vnsel vm14, $0x0, v1;
	v31 =	vnsel vm6, $0x0, v1;
	v28 =	vadd.f32 v27, v26;
	[tilespmem:s31+$0xA20] =	vst v23  }
0x184: {  	v3 =	vsel vm0, $0x0, v3;
	v1 =	vsel vm8, $0x0, v1;
	v4 =	vadd.f32 v25, v24;
	[tilespmem:s31+$0xA50] =	vst v2  }
0x185: {  	v1 =	vadd.f32 v1, v3;
	[tilespmem:s31+$0xA40] =	vst v28  }
0x186: {  	[tilespmem:s31+$0xA30] =	vst v4;
	v4 =	vadd.f32 v31, v30  }
0x187: {  	[tilespmem:s31+$0xA70] =	vst v1  }
0x188: {  	[tilespmem:s31+$0xA60] =	vst v4  }
0x189: {  	v1 =	vld [tilespmem:s30+$0x280]  }
0x18a: {  	v2 =	vld [tilespmem:s30+$0x290]  }
0x18b: {  	v3 =	vld [tilespmem:s30+$0x2A0]  }
0x18c: {  	v4 =	vld [tilespmem:s30+$0x2B0]  }
0x18d: {  	v5 =	vld [tilespmem:s30+$0x2C0]  }
0x18e: {  	v32 =	vld [tilespmem:s30+$0x2D0]  }
0x18f: {  	v33 =	vld [tilespmem:s30+$0x2E0];
	v34 =	vmax.f32 v1, v2  }
0x190: {  	v35 =	vld [tilespmem:s30+$0x2F0];
	v8 =	vmax.f32 v34, v3  }
0x191: {  	v8 =	vmax.f32 v8, v4  }
0x192: {  	v8 =	vmax.f32 v8, v5  }
0x193: {  	v8 =	vmax.f32 v8, v32  }
0x194: {  	v8 =	vmax.f32 v8, v33  }
0x195: {  	v8 =	vmax.f32 v8, v35  }
0x196: {  	v1 =	vsub.f32 v1, v8  }
0x197: {  	v2 =	vsub.f32 v2, v8  }
0x198: {  	v1 =	vmul.f32 $1.442695020e+00, v1  }
0x199: {  	v3 =	vsub.f32 v3, v8;
	v2 =	vmul.f32 $1.442695020e+00, v2  }
0x19a: {  	(erf) = vpow2.f32 v1  }
0x19b: {  	v1 =	vmul.f32 $1.442695020e+00, v3;
	(erf) = vpow2.f32 v2;
	v2 =	vsub.f32 v4, v8;
	_ =	sdelay $0x1  }
0x19c: {  	(erf) = vpow2.f32 v1;
	v1 =	vmul.f32 $1.442695020e+00, v2;
	v2 =	vsub.f32 v5, v8;
	_ =	sdelay $0x1  }
0x19d: {  	(erf) = vpow2.f32 v1;
	v1 =	vmul.f32 $1.442695020e+00, v2;
	v2 =	vsub.f32 v32, v8;
	_ =	sdelay $0x1  }
0x19e: {  	(erf) = vpow2.f32 v1;
	v1 =	vmul.f32 $1.442695020e+00, v2;
	v2 =	vsub.f32 v33, v8;
	_ =	sdelay $0x1  }
0x19f: {  	v3 =	vpop (erf);
	(erf) = vpow2.f32 v1;
	v1 =	vmul.f32 $1.442695020e+00, v2;
	v2 =	vsub.f32 v35, v8;
	_ =	sdelay $0x1  }
0x1a0: {  	v36 =	vpop (erf);
	(erf) = vpow2.f32 v1;
	v1 =	vmul.f32 $1.442695020e+00, v2  }
0x1a1: {  	vm7 =	vgt.f32 v36, v3  }
0x1a2: {  	v37 =	vsel vm7, v36, v3;
	v2 =	vpop (erf)  }
0x1a3: {  	(erf) = vpow2.f32 v1;
	vm8 =	vgt.f32 v2, v37  }
0x1a4: {  	v1 =	vpop (erf);
	v5 =	vsel vm8, v2, v37  }
0x1a5: {  	vm9 =	vgt.f32 v1, v5  }
0x1a6: {  	v38 =	vpop (erf);
	v5 =	vsel vm9, v1, v5  }
0x1a7: {  	vm10 =	vgt.f32 v38, v5  }
0x1a8: {  	v39 =	vpop (erf);
	v5 =	vsel vm10, v38, v5  }
0x1a9: {  	v40 =	vsel vm7, $0x1, v0;
	vm11 =	vgt.f32 v39, v5  }
0x1aa: {  	v42 =	vadd.f32 v36, v3;
	v8 =	vsel vm8, $0x2, v40;
	v41 =	vpop (erf);
	v5 =	vsel vm11, v39, v5  }
0x1ab: {  	v8 =	vsel vm9, $0x3, v8;
	vm2 =	vgt.f32 v41, v5  }
0x1ac: {  	v10 =	vadd.f32 v42, v2;
	v8 =	vsel vm10, $0x4, v8;
	v43 =	vpop (erf);
	v5 =	vsel vm2, v41, v5  }
0x1ad: {  	v8 =	vsel vm11, $0x5, v8;
	vm12 =	vgt.f32 v43, v5  }
0x1ae: {  	v10 =	vadd.f32 v10, v1;
	v8 =	vsel vm2, $0x6, v8;
	vm0 =	vmneg vm12  }
0x1af: {  	v8 =	vnsel vm0, $0x7, v8  }
0x1b0: {  	v10 =	vadd.f32 v10, v38;
	vm1 =	veq.s32 v8, $0x0  }
0x1b1: {  	v3 =	vsel vm1, $0xBF800000, v3  }
0x1b2: {  	v10 =	vadd.f32 v10, v39;
	vm3 =	veq.s32 v8, $0x1;
	vm13 =	vgt.f32 v3, $-1.000000000e+00  }
0x1b3: {  	v4 =	vsel vm3, $0xBF800000, v36;
	v3 =	vnsel vm13, $0xBF800000, v3  }
0x1b4: {  	v10 =	vadd.f32 v10, v41;
	vm5 =	veq.s32 v8, $0x2;
	vm8 =	vgt.f32 v4, v3  }
0x1b5: {  	v2 =	vsel vm5, $0xBF800000, v2;
	v3 =	vsel vm8, v4, v3  }
0x1b6: {  	v44 =	vadd.f32 v10, v43;
	vm6 =	veq.s32 v8, $0x3;
	vm9 =	vgt.f32 v2, v3  }
0x1b7: {  	v1 =	vsel vm6, $0xBF800000, v1;
	v2 =	vsel vm9, v2, v3  }
0x1b8: {  	(erf) = vrcp.f32 v44;
	vm7 =	veq.s32 v8, $0x4;
	vm10 =	vgt.f32 v1, v2  }
0x1b9: {  	v1 =	vsel vm10, v1, v2;
	v2 =	vsel vm7, $0xBF800000, v38  }
0x1ba: {  	vm4 =	veq.s32 v8, $0x5;
	vm11 =	vgt.f32 v2, v1  }
0x1bb: {  	v1 =	vsel vm11, v2, v1;
	v2 =	vsel vm4, $0xBF800000, v39  }
0x1bc: {  	vm2 =	vmand vm2, vm0;
	v3 =	vsel vm8, $0x1, v0;
	vm12 =	vgt.f32 v2, v1  }
0x1bd: {  	v3 =	vsel vm9, $0x2, v3;
	v1 =	vsel vm12, v2, v1;
	v2 =	vsel vm2, $0xBF800000, v41  }
0x1be: {  	v3 =	vsel vm10, $0x3, v3;
	vm9 =	vgt.f32 v2, v1  }
0x1bf: {  	v3 =	vsel vm11, $0x4, v3;
	v1 =	vsel vm9, v2, v1;
	v2 =	vnsel vm0, $0xBF800000, v43  }
0x1c0: {  	v3 =	vsel vm12, $0x5, v3;
	vm14 =	vgt.f32 v2, v1  }
0x1c1: {  	v5 =	vsel vm0, v5, v43;
	v4 =	vpop (erf);
	v3 =	vsel vm9, $0x6, v3;
	vm8 =	vmneg vm14  }
0x1c2: {  	v1 =	vsel vm8, v1, v2;
	v2 =	vnsel vm8, $0x7, v3;
	v3 =	vmul.f32 v5, v4  }
0x1c3: {  	v1 =	vmul.f32 v1, v4;
	vm15 =	veq.s32 v2, $0x0;
	vm12 =	veq.s32 v2, $0x1  }
0x1c4: {  	vm13 =	veq.s32 v2, $0x2;
	vm14 =	veq.s32 v2, $0x3;
	v45 =	vnsel vm1, $0x0, v3  }
0x1c5: {  	v47 =	vnsel vm3, $0x0, v3;
	v49 =	vnsel vm5, $0x0, v3;
	v52 =	vnsel vm6, $0x0, v3  }
0x1c6: {  	v54 =	vnsel vm7, $0x0, v3;
	vm5 =	veq.s32 v2, $0x5;
	v46 =	vnsel vm15, $0x0, v1  }
0x1c7: {  	vm6 =	vmand vm9, vm8;
	v48 =	vnsel vm12, $0x0, v1;
	v4 =	vadd.f32 v46, v45  }
0x1c8: {  	v50 =	vnsel vm13, $0x0, v1;
	vm15 =	veq.s32 v2, $0x4;
	v5 =	vadd.f32 v48, v47  }
0x1c9: {  	v2 =	vnsel vm4, $0x0, v3;
	v57 =	vnsel vm5, $0x0, v1;
	v51 =	vadd.f32 v50, v49;
	[tilespmem:s31+$0xA80] =	vst v4  }
0x1ca: {  	v58 =	vnsel vm2, $0x0, v3;
	v55 =	vnsel vm15, $0x0, v1;
	v2 =	vadd.f32 v57, v2;
	[tilespmem:s31+$0xA90] =	vst v5  }
0x1cb: {  	v53 =	vnsel vm14, $0x0, v1;
	v59 =	vnsel vm6, $0x0, v1;
	v56 =	vadd.f32 v55, v54;
	[tilespmem:s31+$0xAA0] =	vst v51  }
0x1cc: {  	v3 =	vsel vm0, $0x0, v3;
	v1 =	vsel vm8, $0x0, v1;
	v4 =	vadd.f32 v53, v52;
	[tilespmem:s31+$0xAD0] =	vst v2  }
0x1cd: {  	v1 =	vadd.f32 v1, v3;
	[tilespmem:s31+$0xAC0] =	vst v56  }
0x1ce: {  	[tilespmem:s31+$0xAB0] =	vst v4;
	v4 =	vadd.f32 v59, v58  }
0x1cf: {  	[tilespmem:s31+$0xAF0] =	vst v1  }
0x1d0: {  	[tilespmem:s31+$0xAE0] =	vst v4  }
0x1d1: {  	v1 =	vld [tilespmem:s30+$0x300]  }
0x1d2: {  	v2 =	vld [tilespmem:s30+$0x310]  }
0x1d3: {  	v3 =	vld [tilespmem:s30+$0x320]  }
0x1d4: {  	v4 =	vld [tilespmem:s30+$0x330]  }
0x1d5: {  	v5 =	vld [tilespmem:s30+$0x340]  }
0x1d6: {  	v60 =	vld [tilespmem:s30+$0x350]  }
0x1d7: {  	v61 =	vld [tilespmem:s30+$0x360];
	v62 =	vmax.f32 v1, v2  }
0x1d8: {  	v63 =	vld [tilespmem:s30+$0x370];
	v8 =	vmax.f32 v62, v3  }
0x1d9: {  	v8 =	vmax.f32 v8, v4  }
0x1da: {  	v8 =	vmax.f32 v8, v5  }
0x1db: {  	v8 =	vmax.f32 v8, v60  }
0x1dc: {  	v8 =	vmax.f32 v8, v61  }
0x1dd: {  	v8 =	vmax.f32 v8, v63  }
0x1de: {  	v1 =	vsub.f32 v1, v8  }
0x1df: {  	v2 =	vsub.f32 v2, v8  }
0x1e0: {  	v1 =	vmul.f32 $1.442695020e+00, v1  }
0x1e1: {  	v3 =	vsub.f32 v3, v8;
	v2 =	vmul.f32 $1.442695020e+00, v2  }
0x1e2: {  	(erf) = vpow2.f32 v1  }
0x1e3: {  	v1 =	vmul.f32 $1.442695020e+00, v3;
	(erf) = vpow2.f32 v2;
	v2 =	vsub.f32 v4, v8;
	_ =	sdelay $0x1  }
0x1e4: {  	(erf) = vpow2.f32 v1;
	v1 =	vmul.f32 $1.442695020e+00, v2;
	v2 =	vsub.f32 v5, v8;
	_ =	sdelay $0x1  }
0x1e5: {  	(erf) = vpow2.f32 v1;
	v1 =	vmul.f32 $1.442695020e+00, v2;
	v2 =	vsub.f32 v60, v8;
	_ =	sdelay $0x1  }
0x1e6: {  	(erf) = vpow2.f32 v1;
	v1 =	vmul.f32 $1.442695020e+00, v2;
	v2 =	vsub.f32 v61, v8;
	_ =	sdelay $0x1  }
0x1e7: {  	v3 =	vpop (erf);
	(erf) = vpow2.f32 v1;
	v1 =	vmul.f32 $1.442695020e+00, v2;
	v2 =	vsub.f32 v63, v8;
	_ =	sdelay $0x1  }
0x1e8: {  	v12 =	vpop (erf);
	(erf) = vpow2.f32 v1;
	v1 =	vmul.f32 $1.442695020e+00, v2  }
0x1e9: {  	vm7 =	vgt.f32 v12, v3  }
0x1ea: {  	v13 =	vsel vm7, v12, v3;
	v2 =	vpop (erf)  }
0x1eb: {  	(erf) = vpow2.f32 v1;
	vm8 =	vgt.f32 v2, v13  }
0x1ec: {  	v1 =	vpop (erf);
	v5 =	vsel vm8, v2, v13  }
0x1ed: {  	vm9 =	vgt.f32 v1, v5  }
0x1ee: {  	v14 =	vpop (erf);
	v5 =	vsel vm9, v1, v5  }
0x1ef: {  	vm10 =	vgt.f32 v14, v5  }
0x1f0: {  	v15 =	vpop (erf);
	v5 =	vsel vm10, v14, v5  }
0x1f1: {  	v16 =	vsel vm7, $0x1, v0;
	vm11 =	vgt.f32 v15, v5  }
0x1f2: {  	v18 =	vadd.f32 v12, v3;
	v8 =	vsel vm8, $0x2, v16;
	v17 =	vpop (erf);
	v5 =	vsel vm11, v15, v5  }
0x1f3: {  	v8 =	vsel vm9, $0x3, v8;
	vm2 =	vgt.f32 v17, v5  }
0x1f4: {  	v10 =	vadd.f32 v18, v2;
	v8 =	vsel vm10, $0x4, v8;
	v19 =	vpop (erf);
	v5 =	vsel vm2, v17, v5  }
0x1f5: {  	v8 =	vsel vm11, $0x5, v8;
	vm12 =	vgt.f32 v19, v5  }
0x1f6: {  	v10 =	vadd.f32 v10, v1;
	v8 =	vsel vm2, $0x6, v8;
	vm0 =	vmneg vm12  }
0x1f7: {  	v8 =	vnsel vm0, $0x7, v8  }
0x1f8: {  	v10 =	vadd.f32 v10, v14;
	vm1 =	veq.s32 v8, $0x0  }
0x1f9: {  	v3 =	vsel vm1, $0xBF800000, v3  }
0x1fa: {  	v10 =	vadd.f32 v10, v15;
	vm3 =	veq.s32 v8, $0x1;
	vm13 =	vgt.f32 v3, $-1.000000000e+00  }
0x1fb: {  	v4 =	vsel vm3, $0xBF800000, v12;
	v3 =	vnsel vm13, $0xBF800000, v3  }
0x1fc: {  	v10 =	vadd.f32 v10, v17;
	vm5 =	veq.s32 v8, $0x2;
	vm8 =	vgt.f32 v4, v3  }
0x1fd: {  	v2 =	vsel vm5, $0xBF800000, v2;
	v3 =	vsel vm8, v4, v3  }
0x1fe: {  	v20 =	vadd.f32 v10, v19;
	vm6 =	veq.s32 v8, $0x3;
	vm9 =	vgt.f32 v2, v3  }
0x1ff: {  	v1 =	vsel vm6, $0xBF800000, v1;
	v2 =	vsel vm9, v2, v3  }
0x200: {  	(erf) = vrcp.f32 v20;
	vm7 =	veq.s32 v8, $0x4;
	vm10 =	vgt.f32 v1, v2  }
0x201: {  	v1 =	vsel vm10, v1, v2;
	v2 =	vsel vm7, $0xBF800000, v14  }
0x202: {  	vm4 =	veq.s32 v8, $0x5;
	vm11 =	vgt.f32 v2, v1  }
0x203: {  	v1 =	vsel vm11, v2, v1;
	v2 =	vsel vm4, $0xBF800000, v15  }
0x204: {  	vm2 =	vmand vm2, vm0;
	v3 =	vsel vm8, $0x1, v0;
	vm12 =	vgt.f32 v2, v1  }
0x205: {  	v3 =	vsel vm9, $0x2, v3;
	v1 =	vsel vm12, v2, v1;
	v2 =	vsel vm2, $0xBF800000, v17  }
0x206: {  	v3 =	vsel vm10, $0x3, v3;
	vm9 =	vgt.f32 v2, v1  }
0x207: {  	v3 =	vsel vm11, $0x4, v3;
	v1 =	vsel vm9, v2, v1;
	v2 =	vnsel vm0, $0xBF800000, v19  }
0x208: {  	v3 =	vsel vm12, $0x5, v3;
	vm14 =	vgt.f32 v2, v1  }
0x209: {  	v5 =	vsel vm0, v5, v19;
	v4 =	vpop (erf);
	v3 =	vsel vm9, $0x6, v3;
	vm8 =	vmneg vm14  }
0x20a: {  	v1 =	vsel vm8, v1, v2;
	v2 =	vnsel vm8, $0x7, v3;
	v3 =	vmul.f32 v5, v4  }
0x20b: {  	v1 =	vmul.f32 v1, v4;
	vm15 =	veq.s32 v2, $0x0;
	vm12 =	veq.s32 v2, $0x1  }
0x20c: {  	vm13 =	veq.s32 v2, $0x2;
	vm14 =	veq.s32 v2, $0x3;
	v21 =	vnsel vm1, $0x0, v3  }
0x20d: {  	v23 =	vnsel vm3, $0x0, v3;
	v25 =	vnsel vm5, $0x0, v3;
	v28 =	vnsel vm6, $0x0, v3  }
0x20e: {  	v30 =	vnsel vm7, $0x0, v3;
	vm5 =	veq.s32 v2, $0x5;
	v22 =	vnsel vm15, $0x0, v1  }
0x20f: {  	vm6 =	vmand vm9, vm8;
	v24 =	vnsel vm12, $0x0, v1;
	v4 =	vadd.f32 v22, v21  }
0x210: {  	v26 =	vnsel vm13, $0x0, v1;
	vm15 =	veq.s32 v2, $0x4;
	v5 =	vadd.f32 v24, v23  }
0x211: {  	v2 =	vnsel vm4, $0x0, v3;
	v33 =	vnsel vm5, $0x0, v1;
	v27 =	vadd.f32 v26, v25;
	[tilespmem:s31+$0xB00] =	vst v4  }
0x212: {  	v34 =	vnsel vm2, $0x0, v3;
	v31 =	vnsel vm15, $0x0, v1;
	v2 =	vadd.f32 v33, v2;
	[tilespmem:s31+$0xB10] =	vst v5  }
0x213: {  	v29 =	vnsel vm14, $0x0, v1;
	v35 =	vnsel vm6, $0x0, v1;
	v32 =	vadd.f32 v31, v30;
	[tilespmem:s31+$0xB20] =	vst v27  }
0x214: {  	v3 =	vsel vm0, $0x0, v3;
	v1 =	vsel vm8, $0x0, v1;
	v4 =	vadd.f32 v29, v28;
	[tilespmem:s31+$0xB50] =	vst v2  }
0x215: {  	v1 =	vadd.f32 v1, v3;
	[tilespmem:s31+$0xB40] =	vst v32  }
0x216: {  	[tilespmem:s31+$0xB30] =	vst v4;
	v4 =	vadd.f32 v35, v34  }
0x217: {  	[tilespmem:s31+$0xB70] =	vst v1  }
0x218: {  	[tilespmem:s31+$0xB60] =	vst v4  }
0x219: {  	v1 =	vld [tilespmem:s30+$0x380]  }
0x21a: {  	v2 =	vld [tilespmem:s30+$0x390]  }
0x21b: {  	v3 =	vld [tilespmem:s30+$0x3A0]  }
0x21c: {  	v4 =	vld [tilespmem:s30+$0x3B0]  }
0x21d: {  	v5 =	vld [tilespmem:s30+$0x3C0]  }
0x21e: {  	v36 =	vld [tilespmem:s30+$0x3D0]  }
0x21f: {  	v37 =	vld [tilespmem:s30+$0x3E0];
	v38 =	vmax.f32 v1, v2  }
0x220: {  	v39 =	vld [tilespmem:s30+$0x3F0];
	v8 =	vmax.f32 v38, v3  }
0x221: {  	v8 =	vmax.f32 v8, v4  }
0x222: {  	v8 =	vmax.f32 v8, v5  }
0x223: {  	v8 =	vmax.f32 v8, v36  }
0x224: {  	v8 =	vmax.f32 v8, v37  }
0x225: {  	v8 =	vmax.f32 v8, v39  }
0x226: {  	v1 =	vsub.f32 v1, v8  }
0x227: {  	v2 =	vsub.f32 v2, v8  }
0x228: {  	v1 =	vmul.f32 $1.442695020e+00, v1  }
0x229: {  	v3 =	vsub.f32 v3, v8;
	v2 =	vmul.f32 $1.442695020e+00, v2  }
0x22a: {  	(erf) = vpow2.f32 v1  }
0x22b: {  	v1 =	vmul.f32 $1.442695020e+00, v3;
	(erf) = vpow2.f32 v2;
	v2 =	vsub.f32 v4, v8;
	_ =	sdelay $0x1  }
0x22c: {  	(erf) = vpow2.f32 v1;
	v1 =	vmul.f32 $1.442695020e+00, v2;
	v2 =	vsub.f32 v5, v8;
	_ =	sdelay $0x1  }
0x22d: {  	(erf) = vpow2.f32 v1;
	v1 =	vmul.f32 $1.442695020e+00, v2;
	v2 =	vsub.f32 v36, v8;
	_ =	sdelay $0x1  }
0x22e: {  	(erf) = vpow2.f32 v1;
	v1 =	vmul.f32 $1.442695020e+00, v2;
	v2 =	vsub.f32 v37, v8;
	_ =	sdelay $0x1  }
0x22f: {  	v3 =	vpop (erf);
	(erf) = vpow2.f32 v1;
	v1 =	vmul.f32 $1.442695020e+00, v2;
	v2 =	vsub.f32 v39, v8;
	_ =	sdelay $0x1  }
0x230: {  	v40 =	vpop (erf);
	(erf) = vpow2.f32 v1;
	v1 =	vmul.f32 $1.442695020e+00, v2  }
0x231: {  	vm7 =	vgt.f32 v40, v3  }
0x232: {  	v41 =	vsel vm7, v40, v3;
	v2 =	vpop (erf)  }
0x233: {  	(erf) = vpow2.f32 v1;
	vm8 =	vgt.f32 v2, v41  }
0x234: {  	v1 =	vpop (erf);
	v5 =	vsel vm8, v2, v41  }
0x235: {  	vm9 =	vgt.f32 v1, v5  }
0x236: {  	v42 =	vpop (erf);
	v5 =	vsel vm9, v1, v5  }
0x237: {  	vm10 =	vgt.f32 v42, v5  }
0x238: {  	v43 =	vpop (erf);
	v5 =	vsel vm10, v42, v5  }
0x239: {  	v44 =	vsel vm7, $0x1, v0;
	vm11 =	vgt.f32 v43, v5  }
0x23a: {  	v46 =	vadd.f32 v40, v3;
	v8 =	vsel vm8, $0x2, v44;
	v45 =	vpop (erf);
	v5 =	vsel vm11, v43, v5  }
0x23b: {  	v8 =	vsel vm9, $0x3, v8;
	vm2 =	vgt.f32 v45, v5  }
0x23c: {  	v10 =	vadd.f32 v46, v2;
	v8 =	vsel vm10, $0x4, v8;
	v47 =	vpop (erf);
	v5 =	vsel vm2, v45, v5  }
0x23d: {  	v8 =	vsel vm11, $0x5, v8;
	vm12 =	vgt.f32 v47, v5  }
0x23e: {  	v10 =	vadd.f32 v10, v1;
	v8 =	vsel vm2, $0x6, v8;
	vm0 =	vmneg vm12  }
0x23f: {  	v8 =	vnsel vm0, $0x7, v8  }
0x240: {  	v10 =	vadd.f32 v10, v42;
	vm1 =	veq.s32 v8, $0x0  }
0x241: {  	v3 =	vsel vm1, $0xBF800000, v3  }
0x242: {  	v10 =	vadd.f32 v10, v43;
	vm3 =	veq.s32 v8, $0x1;
	vm13 =	vgt.f32 v3, $-1.000000000e+00  }
0x243: {  	v4 =	vsel vm3, $0xBF800000, v40;
	v3 =	vnsel vm13, $0xBF800000, v3  }
0x244: {  	v10 =	vadd.f32 v10, v45;
	vm5 =	veq.s32 v8, $0x2;
	vm8 =	vgt.f32 v4, v3  }
0x245: {  	v2 =	vsel vm5, $0xBF800000, v2;
	v3 =	vsel vm8, v4, v3  }
0x246: {  	v48 =	vadd.f32 v10, v47;
	vm6 =	veq.s32 v8, $0x3;
	vm9 =	vgt.f32 v2, v3  }
0x247: {  	v1 =	vsel vm6, $0xBF800000, v1;
	v2 =	vsel vm9, v2, v3  }
0x248: {  	(erf) = vrcp.f32 v48;
	vm7 =	veq.s32 v8, $0x4;
	vm10 =	vgt.f32 v1, v2  }
0x249: {  	v1 =	vsel vm10, v1, v2;
	v2 =	vsel vm7, $0xBF800000, v42  }
0x24a: {  	vm4 =	veq.s32 v8, $0x5;
	vm11 =	vgt.f32 v2, v1  }
0x24b: {  	v1 =	vsel vm11, v2, v1;
	v2 =	vsel vm4, $0xBF800000, v43  }
0x24c: {  	vm2 =	vmand vm2, vm0;
	v3 =	vsel vm8, $0x1, v0;
	vm12 =	vgt.f32 v2, v1  }
0x24d: {  	v3 =	vsel vm9, $0x2, v3;
	v1 =	vsel vm12, v2, v1;
	v2 =	vsel vm2, $0xBF800000, v45  }
0x24e: {  	v3 =	vsel vm10, $0x3, v3;
	vm9 =	vgt.f32 v2, v1  }
0x24f: {  	v3 =	vsel vm11, $0x4, v3;
	v1 =	vsel vm9, v2, v1;
	v2 =	vnsel vm0, $0xBF800000, v47  }
0x250: {  	v3 =	vsel vm12, $0x5, v3;
	vm14 =	vgt.f32 v2, v1  }
0x251: {  	v5 =	vsel vm0, v5, v47;
	v4 =	vpop (erf);
	v3 =	vsel vm9, $0x6, v3;
	vm8 =	vmneg vm14  }
0x252: {  	v1 =	vsel vm8, v1, v2;
	v2 =	vnsel vm8, $0x7, v3;
	v3 =	vmul.f32 v5, v4  }
0x253: {  	v1 =	vmul.f32 v1, v4;
	vm15 =	veq.s32 v2, $0x0;
	vm10 =	veq.s32 v2, $0x1  }
0x254: {  	vm11 =	veq.s32 v2, $0x2;
	vm12 =	veq.s32 v2, $0x3;
	vm13 =	veq.s32 v2, $0x4  }
0x255: {  	vm14 =	veq.s32 v2, $0x5;
	v49 =	vnsel vm1, $0x0, v3;
	v51 =	vnsel vm3, $0x0, v3  }
0x256: {  	v53 =	vnsel vm5, $0x0, v3;
	v56 =	vnsel vm6, $0x0, v3;
	v50 =	vnsel vm15, $0x0, v1  }
0x257: {  	v58 =	vnsel vm7, $0x0, v3;
	v52 =	vnsel vm10, $0x0, v1;
	v4 =	vadd.f32 v50, v49  }
0x258: {  	v2 =	vnsel vm4, $0x0, v3;
	v54 =	vnsel vm11, $0x0, v1;
	v5 =	vadd.f32 v52, v51  }
0x259: {  	v62 =	vnsel vm2, $0x0, v3;
	v59 =	vnsel vm13, $0x0, v1;
	v55 =	vadd.f32 v54, v53;
	[tilespmem:s31+$0xB80] =	vst v4  }
0x25a: {  	v3 =	vsel vm0, $0x0, v3;
	v61 =	vnsel vm14, $0x0, v1;
	v60 =	vadd.f32 v59, v58;
	[tilespmem:s31+$0xB90] =	vst v5  }
0x25b: {  	v57 =	vnsel vm12, $0x0, v1;
	vm15 =	vmand vm9, vm8;
	v2 =	vadd.f32 v61, v2;
	[tilespmem:s31+$0xBA0] =	vst v55  }
0x25c: {  	v63 =	vnsel vm15, $0x0, v1;
	v1 =	vsel vm8, $0x0, v1;
	v4 =	vadd.f32 v57, v56;
	[tilespmem:s31+$0xBC0] =	vst v60  }
0x25d: {  	v1 =	vadd.f32 v1, v3;
	[tilespmem:s31+$0xBD0] =	vst v2  }
0x25e: {  	p2 =	seq.s32 s11, $0x1;
	[tilespmem:s31+$0xBB0] =	vst v4;
	v4 =	vadd.f32 v63, v62  }
0x25f: {  	s17 =	sadd.s32 s4, s17;
	p1 =	por p2, p1;
	[tilespmem:s31+$0xBF0] =	vst v1  }
0x260: {  	s17 =	sshll.u32 @p1 s17, $0x1;
	[tilespmem:s31+$0xBE0] =	vst v4  }
0x261: {  	s17 =	sand.u32 @p1 $0x1FFFFFFE, s17;
	s20 =	simm.s32 $0x1;
	_ =	strace $0x9000004B  }
0x262: {  	s22 =	simm.s32 @p1 $0x800;
	s20 =	simm.s32 @!p0 $0x0;
	_ =	strace @p1 $0x8000004C  }
0x263: {  	p0 =	seq.s32 s11, $0x4;
	s18 =	sadd.s32 @p1 $0x3, s18;
	s21 =	rddreg [dreg:$0x3]  }
0x264: {  	s19 =	sor.u32 $0x800, s31;
	s17 =	sadd.s32 @p1 s21, s17;
	s21 =	simm.s32 @p1 $0x10  }
0x265: {  	[hbm4b:s17+s21] =	stream.strided.scatter @p1 [tilespmem:s19], [sflag:s18], $0x400, s22, s21, $0x200038;
	[tilespmem:$0x1000] =	vst v63  }
0x266: {  	s17 =	simm.s32 $0x1;
	s19 =	simm.s32 $0x1;
	_ =	strace @p1 $0x9000004C  }
0x267: {  	s17 =	simm.s32 @!p1 $0x0;
	p1 =	sne.s32 s11, $0x4;
	s11 =	sadd.s32 $0xFFFFFFFF, s11  }
0x268: {  	s18 =	sand.u32 @!p0 $0x1, s13;
	s19 =	simm.s32 @!p1 $0x0;
	p1 =	sne.s32 s11, $0x0  }
.Ltmp0:
0x269: {  	s18 =	sadd.s32 @!p0 $0x3, s18;
	_ =	strace @!p0 $0x8000004D;
	(pc) =	sbr.rel @p1 .LBB2_2-.Ltmp0, $4  }
0x26a: {  	_ =	swait.ge @!p0 [sflag:s18], $0x400  }
0x26b: {  	[sflag:s18] =	ssyncset.done @!p0 $0x0  }
0x26c: {  	s16 =	sadd.s32 s20, s16;
	s14 =	sadd.s32 s17, s14;
	[sflag:s18] =	ssyncadd.s32 @!p0 $0xFFFFFC00  }
0x26d: {  	s15 =	sadd.s32 s17, s15;
	s13 =	sadd.s32 s19, s13;
	_ =	strace @!p0 $0x9000004D  }
0x26e: {  	s10 =	sadd.s32 $0x1, s10  }
0x26f: {  	p0 =	sne.s32 s10, s6  }
.Ltmp1:
0x270: {  	_ =	strace $0x8000004E;
	(pc) =	sbr.rel @p0 .LBB2_1-.Ltmp1, $4  }
0x271: {  	_ =	swait.ge [sflag:s9], $0x400  }
0x272: {  	[sflag:s9] =	ssyncset.done $0x0  }
0x273: {  	[sflag:s9] =	ssyncadd.s32 $0xFFFFFC00  }
0x274: {  	_ =	strace $0x9000004E  }
0x275: {  	_ =	sfence.sel $0x180000  }
0x276: {  	[bflag:$0x0] =	sbarrier.arrive $0xFFFF  }
0x277: {  	p0 =	sne.s32 s3, $0x0;
	_ =	strace $0x90000047  }
0x278: {  	s0 =	sadd.s32 @!p0 $0x100000, s0;
	[bflag:$0x2] =	sbarrier.arrive $0xFFFF  }
0x279: {  	[sflag:s0] =	ssyncadd.tile.s32 @!p0 $0x1;
	_ =	shalt  }
.Lfunc_end2:
_tile_overlayer_lowered:
.L_overlay_start_2:
0x27a: {  	(tag) =	ssettag $0x2  }
0x27b: {  	s0 =	rddreg [dreg:$0x0];
	s2 =	stileid.u32  }
0x27c: {  	s1 =	rddreg [dreg:$0x1];
	p0 =	sne.s32 s2, $0x0  }
0x27d: {  	s3 =	rddreg [dreg:$0x2];
	[bflag:$0x3] =	sbarrier.arrive $0xFFFF;
	s2 =	simm.s32 @!p0 $0x1C01  }
0x27e: {  	[timem:s3], [sflag:s2] =	dma.local @!p0 [hbm:s0], s1  }
0x27f: {  	s0 =	simm.s32 @!p0 $0x1  }
0x280: {  	_ =	swait.ge @!p0 [sflag:s0], s1  }
0x281: {  	s1 =	ssub.s32 @!p0 $0x0, s1;
	[sflag:s0] =	ssyncset.done @!p0 $0x0  }
0x282: {  	[sflag:s0] =	ssyncadd.s32 @!p0 s1  }
0x283: {  	[bflag:$0x3] =	sbarrier.arrive $0xFFFF  }
0x284: {  	_ =	shalt  }

</sc_bundles>
